<compile_context>
chip_gen: v7x
topology: tpu7x:2x2x1
jax: 0.10.2.dev20260603
libtpu: 0.0.44.dev20260713+nightly
codegen_flags: <defaults>
</compile_context>

<pallas_src>
import functools

import jax
import jax.numpy as jnp
from jax import lax
from jax.experimental import pallas as pl
from jax.experimental.pallas import tpu as pltpu
from jax.experimental.pallas import tpu_sc as plsc

_NUM_GRAPHS = 256
_HID = 128
_CHUNK = 128
_ACC_ROWS = 264
_DUMMY = 256
_CNT_LEN = 384


def _mask_tail_idx(idx_v, thresh):
    for k in range(_CHUNK // 16):
        vals = idx_v[pl.ds(k * 16, 16)]
        pos = lax.iota(jnp.int32, 16) + (k * 16)
        idx_v[pl.ds(k * 16, 16)] = jnp.where(pos < thresh, _DUMMY, vals)


def _process_array(n_rows, x_hbm, ids_hbm, acc_sh, cnt_sh, idx2_v, rows2_v,
                   ones_v, sems, wid, n_workers):
    n_chunks = (n_rows + _CHUNK - 1) // _CHUNK
    assert n_chunks >= 2 * n_workers
    tail_rem = n_rows - (n_chunks - 1) * _CHUNK
    tail_thresh = _CHUNK - tail_rem
    n_iters = (n_chunks - wid + n_workers - 1) // n_workers

    def rowbase(t):
        cid = wid + t * n_workers
        is_tail = cid == (n_chunks - 1)
        return jnp.where(is_tail, n_rows - _CHUNK, cid * _CHUNK), is_tail

    def start(t, b):
        rb, _ = rowbase(t)
        pltpu.async_copy(ids_hbm.at[pl.ds(rb, _CHUNK)], idx2_v.at[b],
                         sems.at[b])
        pltpu.async_copy(x_hbm.at[pl.ds(rb, _CHUNK)], rows2_v.at[b],
                         sems.at[b])

    def drain(b):
        pltpu.make_async_copy(ids_hbm.at[pl.ds(0, _CHUNK)], idx2_v.at[b],
                              sems.at[b]).wait()
        pltpu.make_async_copy(x_hbm.at[pl.ds(0, _CHUNK)], rows2_v.at[b],
                              sems.at[b]).wait()

    start(0, 0)
    start(1, 1)

    def pair_body(p, _):
        for b in range(2):
            t = 2 * p + b

            @pl.when(t < n_iters)
            def _():
                drain(b)
                _, is_tail = rowbase(t)
                if tail_thresh > 0:
                    @pl.when(is_tail)
                    def _():
                        _mask_tail_idx(idx2_v.at[b], tail_thresh)
                pltpu.sync_copy(rows2_v.at[b], acc_sh.at[idx2_v.at[b]],
                                add=True)
                pltpu.sync_copy(ones_v, cnt_sh.at[idx2_v.at[b]], add=True)

                @pl.when(t + 2 < n_iters)
                def _():
                    start(t + 2, b)
        return 0

    lax.fori_loop(0, (n_iters + 1) // 2, pair_body, 0)


def _segment_sums(x0, b0, x1, b1, zacc):
    info = plsc.get_sparse_core_info()
    nc, ns = info.num_cores, info.num_subcores
    nw = nc * ns
    mesh = plsc.VectorSubcoreMesh(core_axis_name="c", subcore_axis_name="s")
    n0 = x0.shape[0]
    n1 = x1.shape[0]
    rows_per_tile = _NUM_GRAPHS // ns

    @functools.partial(
        pl.kernel,
        out_type=[
            jax.ShapeDtypeStruct((nc, 2, _ACC_ROWS, _HID), jnp.float32),
            jax.ShapeDtypeStruct((nc * 2 * _CNT_LEN,), jnp.float32),
        ],
        mesh=mesh,
        scratch_types=[
            pltpu.VMEM((2, _CHUNK), jnp.int32),
            pltpu.VMEM((2, _CHUNK, _HID), jnp.float32),
            pltpu.VMEM((_CHUNK,), jnp.float32),
            pltpu.VMEM((_CNT_LEN,), jnp.float32),
            pltpu.VMEM_SHARED((2, _ACC_ROWS, _HID), jnp.float32),
            pltpu.VMEM_SHARED((_CNT_LEN,), jnp.float32),
            pltpu.VMEM_SHARED((_CNT_LEN,), jnp.float32),
            pltpu.SemaphoreType.DMA((2,)),
        ],
    )
    def seg_kernel(x0_hbm, b0_hbm, x1_hbm, b1_hbm, zacc_hbm,
                   acc_out, cnt_out, idx2_v, rows2_v, ones_v, cntz_v,
                   acc_sh, cnt0_sh, cnt1_sh, sems):
        c = lax.axis_index("c")
        s = lax.axis_index("s")
        wid = s * nc + c

        one = jnp.full((16,), 1.0, jnp.float32)
        for i in range(_CHUNK // 16):
            ones_v[pl.ds(i * 16, 16)] = one

        @pl.when(s == 0)
        def _():
            pltpu.sync_copy(zacc_hbm, acc_sh.at[0])
            pltpu.sync_copy(zacc_hbm, acc_sh.at[1])
            zero = jnp.zeros((16,), jnp.float32)
            for i in range(_CNT_LEN // 16):
                cntz_v[pl.ds(i * 16, 16)] = zero
            pltpu.sync_copy(cntz_v, cnt0_sh)
            pltpu.sync_copy(cntz_v, cnt1_sh)

        plsc.subcore_barrier()

        _process_array(n0, x0_hbm, b0_hbm, acc_sh.at[0], cnt0_sh,
                       idx2_v, rows2_v, ones_v, sems, wid, nw)
        _process_array(n1, x1_hbm, b1_hbm, acc_sh.at[1], cnt1_sh,
                       idx2_v, rows2_v, ones_v, sems, wid, nw)

        plsc.subcore_barrier()

        r0 = s * rows_per_tile
        for scale, cnt_sh in ((0, cnt0_sh), (1, cnt1_sh)):
            pltpu.sync_copy(acc_sh.at[scale, pl.ds(r0, rows_per_tile)],
                            acc_out.at[c, scale, pl.ds(r0, rows_per_tile)])

        @pl.when(s == 0)
        def _():
            pltpu.sync_copy(cnt0_sh,
                            cnt_out.at[pl.ds((c * 2 + 0) * _CNT_LEN,
                                             _CNT_LEN)])
            pltpu.sync_copy(cnt1_sh,
                            cnt_out.at[pl.ds((c * 2 + 1) * _CNT_LEN,
                                             _CNT_LEN)])

    return seg_kernel(x0, b0, x1, b1, zacc)


def _dense_body(acc_ref, cnt_ref, W1_ref, b1_ref, W2_ref, b2_ref, W3_ref,
                b3_ref, gamma_ref, beta_ref, out_ref):
    G = _NUM_GRAPHS
    s0 = acc_ref[0, 0, :G, :] + acc_ref[1, 0, :G, :]
    s1 = acc_ref[0, 1, :G, :] + acc_ref[1, 1, :G, :]
    c0 = jnp.reshape(cnt_ref[pl.ds(0 * _CNT_LEN, G)]
                     + cnt_ref[pl.ds(2 * _CNT_LEN, G)], (G, 1))
    c1 = jnp.reshape(cnt_ref[pl.ds(1 * _CNT_LEN, G)]
                     + cnt_ref[pl.ds(3 * _CNT_LEN, G)], (G, 1))
    g0 = s0 / jnp.maximum(c0, 1.0)
    g1 = s1 / jnp.maximum(c1, 1.0)

    h = jnp.dot(g0, W1_ref[:_HID, :], preferred_element_type=jnp.float32)
    h = h + jnp.dot(g1, W1_ref[_HID:, :], preferred_element_type=jnp.float32)
    h = jnp.maximum(h + b1_ref[...], 0.0)

    dv = W2_ref[:, 1:2] - W2_ref[:, 0:1]
    d = jnp.dot(h, dv, preferred_element_type=jnp.float32)
    d = d + (b2_ref[1:2] - b2_ref[0:1])
    w1 = 1.0 / (1.0 + jnp.exp(-d))
    w0 = 1.0 - w1

    ws = w0 * g0 + w1 * g1
    y = jnp.dot(ws, W3_ref[...], preferred_element_type=jnp.float32)
    y = jnp.maximum(y + b3_ref[...], 0.0)

    mean = jnp.mean(y, axis=-1, keepdims=True)
    var = jnp.mean((y - mean) ** 2, axis=-1, keepdims=True)
    out_ref[...] = ((y - mean) * lax.rsqrt(var + 1e-5) * gamma_ref[...]
                    + beta_ref[...])


def kernel(x0, batch0, x1, batch1, W1, b1, W2, b2, W3, b3, gamma, beta):
    zacc = jnp.zeros((_ACC_ROWS, _HID), jnp.float32)
    acc, cnt = _segment_sums(x0, batch0.astype(jnp.int32),
                             x1, batch1.astype(jnp.int32), zacc)
    return pl.pallas_call(
        _dense_body,
        out_shape=jax.ShapeDtypeStruct((_NUM_GRAPHS, _HID), jnp.float32),
    )(acc, cnt, W1, b1, W2, b2, W3, b3, gamma, beta)

# --- scband reference (transcript-rebuilt; emitter-appended) ---
"""Pipeline reference for scband-multi-scale-readout-48533130445230 (READ-ONLY COPY).

The authoritative reference and input builder live on the scoring server;
editing this copy changes nothing except your own understanding.
"""

import jax, jax.numpy as jnp
import numpy as np

NUM_GRAPHS = 256
HID = 128
NUM_SCALES = 2


def global_mean_pool(x, batch, num_segments):
    s = jax.ops.segment_sum(x, batch, num_segments=num_segments)
    cnt = jax.ops.segment_sum(jnp.ones((x.shape[0], 1), x.dtype), batch, num_segments=num_segments)
    return s / jnp.maximum(cnt, 1.0)


def setup_inputs(seed: int = 0) -> dict:
    key = jax.random.key(seed)
    ks = jax.random.split(key, 12)
    x0 = jax.random.normal(ks[0], (100000, HID), dtype=jnp.float32)
    batch0 = jnp.sort(jax.random.randint(ks[1], (100000,), 0, NUM_GRAPHS))
    x1 = jax.random.normal(ks[2], (50000, HID), dtype=jnp.float32)
    batch1 = jnp.sort(jax.random.randint(ks[3], (50000,), 0, NUM_GRAPHS))
    # scale_attention: Linear(hidden*num_scales -> hidden), ReLU, Linear(hidden -> num_scales), Softmax
    W1 = jax.random.normal(ks[4], (HID * NUM_SCALES, HID), dtype=jnp.float32) / np.sqrt(HID * NUM_SCALES)
    b1 = jnp.zeros((HID,), dtype=jnp.float32)
    W2 = jax.random.normal(ks[5], (HID, NUM_SCALES), dtype=jnp.float32) / np.sqrt(HID)
    b2 = jnp.zeros((NUM_SCALES,), dtype=jnp.float32)
    # output_proj: Linear(hidden -> hidden), ReLU, LayerNorm(hidden)
    W3 = jax.random.normal(ks[6], (HID, HID), dtype=jnp.float32) / np.sqrt(HID)
    b3 = jnp.zeros((HID,), dtype=jnp.float32)
    gamma = jnp.ones((HID,), dtype=jnp.float32)
    beta = jnp.zeros((HID,), dtype=jnp.float32)
    return {"x0": x0, "batch0": batch0, "x1": x1, "batch1": batch1,
            "W1": W1, "b1": b1, "W2": W2, "b2": b2, "W3": W3, "b3": b3,
            "gamma": gamma, "beta": beta}


def reference(x0, batch0, x1, batch1, W1, b1, W2, b2, W3, b3, gamma, beta):
    g0 = global_mean_pool(x0, batch0, NUM_GRAPHS)
    g1 = global_mean_pool(x1, batch1, NUM_GRAPHS)
    concat = jnp.concatenate([g0, g1], axis=-1)
    h = jax.nn.relu(concat @ W1 + b1)
    logits = h @ W2 + b2
    weights = jax.nn.softmax(logits, axis=-1)
    weighted_sum = weights[:, 0:1] * g0 + weights[:, 1:2] * g1
    y = jax.nn.relu(weighted_sum @ W3 + b3)
    mean = jnp.mean(y, axis=-1, keepdims=True)
    var = jnp.var(y, axis=-1, keepdims=True)
    out = (y - mean) / jnp.sqrt(var + 1e-5) * gamma + beta
    return out

if __name__ == "__main__":
    import jax
    _d = setup_inputs()
    print(jax.jit(kernel)(*tuple(_d.values())))

</pallas_src>

<mosaic_0001>
#map = affine_map<(d0, d1) -> (0, 0)>
#map1 = affine_map<(d0, d1) -> (0)>
#map2 = affine_map<(d0, d1) -> (0, 0, 0, 0)>
module attributes {stable_mosaic.version = 14 : i64} {
  func.func @seg_kernel(%arg0: i32, %arg1: i32, %arg2: memref<100000x128xf32, #tpu.memory_space<hbm>>, %arg3: memref<100000xi32, #tpu.memory_space<hbm>>, %arg4: memref<50000x128xf32, #tpu.memory_space<hbm>>, %arg5: memref<50000xi32, #tpu.memory_space<hbm>>, %arg6: memref<264x128xf32, #tpu.memory_space<hbm>>, %arg7: memref<2x2x264x128xf32, #tpu.memory_space<hbm>>, %arg8: memref<1536xf32, #tpu.memory_space<hbm>>, %arg9: memref<2x128xi32, #tpu.memory_space<vmem>>, %arg10: memref<2x128x128xf32, #tpu.memory_space<vmem>>, %arg11: memref<128xf32, #tpu.memory_space<vmem>>, %arg12: memref<384xf32, #tpu.memory_space<vmem>>, %arg13: memref<2x264x128xf32, #tpu.memory_space<vmem_shared>>, %arg14: memref<384xf32, #tpu.memory_space<vmem_shared>>, %arg15: memref<384xf32, #tpu.memory_space<vmem_shared>>, %arg16: memref<2x!tpu.dma_semaphore, #tpu.memory_space<semaphore_mem>>) attributes {dimension_semantics = [#tpu.dimension_semantics<core_parallel>, #tpu.dimension_semantics<subcore_parallel>], iteration_bounds = array<i64: 2, 16>, scalar_prefetch = 0 : i64, scratch_operands = 8 : i64, tpu.core_type = #tpu.core_type<sc_vector_subcore>, window_params = [{transform_indices = #map}, {transform_indices = #map1}, {transform_indices = #map}, {transform_indices = #map1}, {transform_indices = #map}, {transform_indices = #map2}, {transform_indices = #map1}]} {
    %mul3A = arith.constant 2 : i32
    %mul3A_0 = arith.muli %arg1, %mul3A : i32
    %add3A = arith.addi %mul3A_0, %arg0 : i32
    %broadcast_in_dim3A = arith.constant 1.000000e+00 : f32
    %broadcast_in_dim3A_1 = vector.broadcast %broadcast_in_dim3A : f32 to vector<16xf32>
    %swap3A = arith.constant 0 : index
    %swap3A_2 = tpu.vector_load %arg11[%swap3A] {strides = array<i32>} : memref<128xf32, #tpu.memory_space<vmem>>, vector<16xf32>,
    %swap3A_3 = vector.shape_cast %swap3A_2 : vector<16xf32> to vector<16xf32>
    %swap3A_4 = vector.shape_cast %broadcast_in_dim3A_1 : vector<16xf32> to vector<16xf32>
    tpu.vector_store %arg11[%swap3A], %swap3A_4 {strides = array<i32>} : memref<128xf32, #tpu.memory_space<vmem>>, vector<16xf32>,
    %swap3A_5 = arith.constant 16 : index
    %swap3A_6 = tpu.vector_load %arg11[%swap3A_5] {strides = array<i32>} : memref<128xf32, #tpu.memory_space<vmem>>, vector<16xf32>,
    %swap3A_7 = vector.shape_cast %swap3A_6 : vector<16xf32> to vector<16xf32>
    %swap3A_8 = vector.shape_cast %broadcast_in_dim3A_1 : vector<16xf32> to vector<16xf32>
    tpu.vector_store %arg11[%swap3A_5], %swap3A_8 {strides = array<i32>} : memref<128xf32, #tpu.memory_space<vmem>>, vector<16xf32>,
    %swap3A_9 = arith.constant 32 : index
    %swap3A_10 = tpu.vector_load %arg11[%swap3A_9] {strides = array<i32>} : memref<128xf32, #tpu.memory_space<vmem>>, vector<16xf32>,
    %swap3A_11 = vector.shape_cast %swap3A_10 : vector<16xf32> to vector<16xf32>
    %swap3A_12 = vector.shape_cast %broadcast_in_dim3A_1 : vector<16xf32> to vector<16xf32>
    tpu.vector_store %arg11[%swap3A_9], %swap3A_12 {strides = array<i32>} : memref<128xf32, #tpu.memory_space<vmem>>, vector<16xf32>,
    %swap3A_13 = arith.constant 48 : index
    %swap3A_14 = tpu.vector_load %arg11[%swap3A_13] {strides = array<i32>} : memref<128xf32, #tpu.memory_space<vmem>>, vector<16xf32>,
    %swap3A_15 = vector.shape_cast %swap3A_14 : vector<16xf32> to vector<16xf32>
    %swap3A_16 = vector.shape_cast %broadcast_in_dim3A_1 : vector<16xf32> to vector<16xf32>
    tpu.vector_store %arg11[%swap3A_13], %swap3A_16 {strides = array<i32>} : memref<128xf32, #tpu.memory_space<vmem>>, vector<16xf32>,
    %swap3A_17 = arith.constant 64 : index
    %swap3A_18 = tpu.vector_load %arg11[%swap3A_17] {strides = array<i32>} : memref<128xf32, #tpu.memory_space<vmem>>, vector<16xf32>,
    %swap3A_19 = vector.shape_cast %swap3A_18 : vector<16xf32> to vector<16xf32>
    %swap3A_20 = vector.shape_cast %broadcast_in_dim3A_1 : vector<16xf32> to vector<16xf32>
    tpu.vector_store %arg11[%swap3A_17], %swap3A_20 {strides = array<i32>} : memref<128xf32, #tpu.memory_space<vmem>>, vector<16xf32>,
    %swap3A_21 = arith.constant 80 : index
    %swap3A_22 = tpu.vector_load %arg11[%swap3A_21] {strides = array<i32>} : memref<128xf32, #tpu.memory_space<vmem>>, vector<16xf32>,
    %swap3A_23 = vector.shape_cast %swap3A_22 : vector<16xf32> to vector<16xf32>
    %swap3A_24 = vector.shape_cast %broadcast_in_dim3A_1 : vector<16xf32> to vector<16xf32>
    tpu.vector_store %arg11[%swap3A_21], %swap3A_24 {strides = array<i32>} : memref<128xf32, #tpu.memory_space<vmem>>, vector<16xf32>,
    %swap3A_25 = arith.constant 96 : index
    %swap3A_26 = tpu.vector_load %arg11[%swap3A_25] {strides = array<i32>} : memref<128xf32, #tpu.memory_space<vmem>>, vector<16xf32>,
    %swap3A_27 = vector.shape_cast %swap3A_26 : vector<16xf32> to vector<16xf32>
    %swap3A_28 = vector.shape_cast %broadcast_in_dim3A_1 : vector<16xf32> to vector<16xf32>
    tpu.vector_store %arg11[%swap3A_25], %swap3A_28 {strides = array<i32>} : memref<128xf32, #tpu.memory_space<vmem>>, vector<16xf32>,
    %swap3A_29 = arith.constant 112 : index
    %swap3A_30 = tpu.vector_load %arg11[%swap3A_29] {strides = array<i32>} : memref<128xf32, #tpu.memory_space<vmem>>, vector<16xf32>,
    %swap3A_31 = vector.shape_cast %swap3A_30 : vector<16xf32> to vector<16xf32>
    %swap3A_32 = vector.shape_cast %broadcast_in_dim3A_1 : vector<16xf32> to vector<16xf32>
    tpu.vector_store %arg11[%swap3A_29], %swap3A_32 {strides = array<i32>} : memref<128xf32, #tpu.memory_space<vmem>>, vector<16xf32>,
    %eq3A = arith.constant 0 : i32
    %eq3A_33 = arith.cmpi eq, %arg1, %eq3A : i32
    %convert_element_type3A = arith.extui %eq3A_33 : i1 to i32
    %cond3A = arith.constant 0 : i32
    %cond3A_34 = arith.cmpi ne, %convert_element_type3A, %cond3A : i32
    scf.if %cond3A_34 {
      %run_scoped3A_318 = arith.constant 0 : i32
      "tpu.region"() ({
        %run_scoped3A_418 = tpu.sem_alloc : memref<!tpu.dma_semaphore, #tpu.memory_space<semaphore_mem>>
        %dma_start3A_419 = arith.constant 0 : i32
        %dma_start3A_420 = arith.constant 0 : i32
        %dma_start3A_421 = tpu.memref_slice %arg13[%run_scoped3A_318, %dma_start3A_419, %dma_start3A_420] : memref<2x264x128xf32, #tpu.memory_space<vmem_shared>> -> memref<1x264x128xf32, #tpu.memory_space<vmem_shared>>
        %dma_start3A_422 = tpu.memref_squeeze %dma_start3A_421 : memref<1x264x128xf32, #tpu.memory_space<vmem_shared>> -> memref<264x128xf32, #tpu.memory_space<vmem_shared>>
        tpu.enqueue_dma source(%arg6 : memref<264x128xf32, #tpu.memory_space<hbm>>) target(%dma_start3A_422 : memref<264x128xf32, #tpu.memory_space<vmem_shared>>) target_semaphore(%run_scoped3A_418 : memref<!tpu.dma_semaphore, #tpu.memory_space<semaphore_mem>>)
        %dma_wait3A = arith.constant 0 : i32
        %dma_wait3A_423 = arith.constant 0 : i32
        %dma_wait3A_424 = tpu.memref_slice %arg13[%run_scoped3A_318, %dma_wait3A, %dma_wait3A_423] : memref<2x264x128xf32, #tpu.memory_space<vmem_shared>> -> memref<1x264x128xf32, #tpu.memory_space<vmem_shared>>
        %dma_wait3A_425 = tpu.memref_squeeze %dma_wait3A_424 : memref<1x264x128xf32, #tpu.memory_space<vmem_shared>> -> memref<264x128xf32, #tpu.memory_space<vmem_shared>>
        tpu.wait_dma2 semaphore(%run_scoped3A_418 : memref<!tpu.dma_semaphore, #tpu.memory_space<semaphore_mem>>) src(%arg6 : memref<264x128xf32, #tpu.memory_space<hbm>>) dst(%dma_wait3A_425 : memref<264x128xf32, #tpu.memory_space<vmem_shared>>)
        tpu.yield
      }) : () -> ()
      %run_scoped3A_319 = arith.constant 1 : i32
      "tpu.region"() ({
        %run_scoped3A_418 = tpu.sem_alloc : memref<!tpu.dma_semaphore, #tpu.memory_space<semaphore_mem>>
        %dma_start3A_419 = arith.constant 0 : i32
        %dma_start3A_420 = arith.constant 0 : i32
        %dma_start3A_421 = tpu.memref_slice %arg13[%run_scoped3A_319, %dma_start3A_419, %dma_start3A_420] : memref<2x264x128xf32, #tpu.memory_space<vmem_shared>> -> memref<1x264x128xf32, #tpu.memory_space<vmem_shared>>
        %dma_start3A_422 = tpu.memref_squeeze %dma_start3A_421 : memref<1x264x128xf32, #tpu.memory_space<vmem_shared>> -> memref<264x128xf32, #tpu.memory_space<vmem_shared>>
        tpu.enqueue_dma source(%arg6 : memref<264x128xf32, #tpu.memory_space<hbm>>) target(%dma_start3A_422 : memref<264x128xf32, #tpu.memory_space<vmem_shared>>) target_semaphore(%run_scoped3A_418 : memref<!tpu.dma_semaphore, #tpu.memory_space<semaphore_mem>>)
        %dma_wait3A = arith.constant 0 : i32
        %dma_wait3A_423 = arith.constant 0 : i32
        %dma_wait3A_424 = tpu.memref_slice %arg13[%run_scoped3A_319, %dma_wait3A, %dma_wait3A_423] : memref<2x264x128xf32, #tpu.memory_space<vmem_shared>> -> memref<1x264x128xf32, #tpu.memory_space<vmem_shared>>
        %dma_wait3A_425 = tpu.memref_squeeze %dma_wait3A_424 : memref<1x264x128xf32, #tpu.memory_space<vmem_shared>> -> memref<264x128xf32, #tpu.memory_space<vmem_shared>>
        tpu.wait_dma2 semaphore(%run_scoped3A_418 : memref<!tpu.dma_semaphore, #tpu.memory_space<semaphore_mem>>) src(%arg6 : memref<264x128xf32, #tpu.memory_space<hbm>>) dst(%dma_wait3A_425 : memref<264x128xf32, #tpu.memory_space<vmem_shared>>)
        tpu.yield
      }) : () -> ()
      %broadcast_in_dim3A_320 = arith.constant 0.000000e+00 : f32
      %broadcast_in_dim3A_321 = vector.broadcast %broadcast_in_dim3A_320 : f32 to vector<16xf32>
      %swap3A_322 = arith.constant 0 : index
      %swap3A_323 = tpu.vector_load %arg12[%swap3A_322] {strides = array<i32>} : memref<384xf32, #tpu.memory_space<vmem>>, vector<16xf32>,
      %swap3A_324 = vector.shape_cast %swap3A_323 : vector<16xf32> to vector<16xf32>
      %swap3A_325 = vector.shape_cast %broadcast_in_dim3A_321 : vector<16xf32> to vector<16xf32>
      tpu.vector_store %arg12[%swap3A_322], %swap3A_325 {strides = array<i32>} : memref<384xf32, #tpu.memory_space<vmem>>, vector<16xf32>,
      %swap3A_326 = arith.constant 16 : index
      %swap3A_327 = tpu.vector_load %arg12[%swap3A_326] {strides = array<i32>} : memref<384xf32, #tpu.memory_space<vmem>>, vector<16xf32>,
      %swap3A_328 = vector.shape_cast %swap3A_327 : vector<16xf32> to vector<16xf32>
      %swap3A_329 = vector.shape_cast %broadcast_in_dim3A_321 : vector<16xf32> to vector<16xf32>
      tpu.vector_store %arg12[%swap3A_326], %swap3A_329 {strides = array<i32>} : memref<384xf32, #tpu.memory_space<vmem>>, vector<16xf32>,
      %swap3A_330 = arith.constant 32 : index
      %swap3A_331 = tpu.vector_load %arg12[%swap3A_330] {strides = array<i32>} : memref<384xf32, #tpu.memory_space<vmem>>, vector<16xf32>,
      %swap3A_332 = vector.shape_cast %swap3A_331 : vector<16xf32> to vector<16xf32>
      %swap3A_333 = vector.shape_cast %broadcast_in_dim3A_321 : vector<16xf32> to vector<16xf32>
      tpu.vector_store %arg12[%swap3A_330], %swap3A_333 {strides = array<i32>} : memref<384xf32, #tpu.memory_space<vmem>>, vector<16xf32>,
      %swap3A_334 = arith.constant 48 : index
      %swap3A_335 = tpu.vector_load %arg12[%swap3A_334] {strides = array<i32>} : memref<384xf32, #tpu.memory_space<vmem>>, vector<16xf32>,
      %swap3A_336 = vector.shape_cast %swap3A_335 : vector<16xf32> to vector<16xf32>
      %swap3A_337 = vector.shape_cast %broadcast_in_dim3A_321 : vector<16xf32> to vector<16xf32>
      tpu.vector_store %arg12[%swap3A_334], %swap3A_337 {strides = array<i32>} : memref<384xf32, #tpu.memory_space<vmem>>, vector<16xf32>,
      %swap3A_338 = arith.constant 64 : index
      %swap3A_339 = tpu.vector_load %arg12[%swap3A_338] {strides = array<i32>} : memref<384xf32, #tpu.memory_space<vmem>>, vector<16xf32>,
      %swap3A_340 = vector.shape_cast %swap3A_339 : vector<16xf32> to vector<16xf32>
      %swap3A_341 = vector.shape_cast %broadcast_in_dim3A_321 : vector<16xf32> to vector<16xf32>
      tpu.vector_store %arg12[%swap3A_338], %swap3A_341 {strides = array<i32>} : memref<384xf32, #tpu.memory_space<vmem>>, vector<16xf32>,
      %swap3A_342 = arith.constant 80 : index
      %swap3A_343 = tpu.vector_load %arg12[%swap3A_342] {strides = array<i32>} : memref<384xf32, #tpu.memory_space<vmem>>, vector<16xf32>,
      %swap3A_344 = vector.shape_cast %swap3A_343 : vector<16xf32> to vector<16xf32>
      %swap3A_345 = vector.shape_cast %broadcast_in_dim3A_321 : vector<16xf32> to vector<16xf32>
      tpu.vector_store %arg12[%swap3A_342], %swap3A_345 {strides = array<i32>} : memref<384xf32, #tpu.memory_space<vmem>>, vector<16xf32>,
      %swap3A_346 = arith.constant 96 : index
      %swap3A_347 = tpu.vector_load %arg12[%swap3A_346] {strides = array<i32>} : memref<384xf32, #tpu.memory_space<vmem>>, vector<16xf32>,
      %swap3A_348 = vector.shape_cast %swap3A_347 : vector<16xf32> to vector<16xf32>
      %swap3A_349 = vector.shape_cast %broadcast_in_dim3A_321 : vector<16xf32> to vector<16xf32>
      tpu.vector_store %arg12[%swap3A_346], %swap3A_349 {strides = array<i32>} : memref<384xf32, #tpu.memory_space<vmem>>, vector<16xf32>,
      %swap3A_350 = arith.constant 112 : index
      %swap3A_351 = tpu.vector_load %arg12[%swap3A_350] {strides = array<i32>} : memref<384xf32, #tpu.memory_space<vmem>>, vector<16xf32>,
      %swap3A_352 = vector.shape_cast %swap3A_351 : vector<16xf32> to vector<16xf32>
      %swap3A_353 = vector.shape_cast %broadcast_in_dim3A_321 : vector<16xf32> to vector<16xf32>
      tpu.vector_store %arg12[%swap3A_350], %swap3A_353 {strides = array<i32>} : memref<384xf32, #tpu.memory_space<vmem>>, vector<16xf32>,
      %swap3A_354 = arith.constant 128 : index
      %swap3A_355 = tpu.vector_load %arg12[%swap3A_354] {strides = array<i32>} : memref<384xf32, #tpu.memory_space<vmem>>, vector<16xf32>,
      %swap3A_356 = vector.shape_cast %swap3A_355 : vector<16xf32> to vector<16xf32>
      %swap3A_357 = vector.shape_cast %broadcast_in_dim3A_321 : vector<16xf32> to vector<16xf32>
      tpu.vector_store %arg12[%swap3A_354], %swap3A_357 {strides = array<i32>} : memref<384xf32, #tpu.memory_space<vmem>>, vector<16xf32>,
      %swap3A_358 = arith.constant 144 : index
      %swap3A_359 = tpu.vector_load %arg12[%swap3A_358] {strides = array<i32>} : memref<384xf32, #tpu.memory_space<vmem>>, vector<16xf32>,
      %swap3A_360 = vector.shape_cast %swap3A_359 : vector<16xf32> to vector<16xf32>
      %swap3A_361 = vector.shape_cast %broadcast_in_dim3A_321 : vector<16xf32> to vector<16xf32>
      tpu.vector_store %arg12[%swap3A_358], %swap3A_361 {strides = array<i32>} : memref<384xf32, #tpu.memory_space<vmem>>, vector<16xf32>,
      %swap3A_362 = arith.constant 160 : index
      %swap3A_363 = tpu.vector_load %arg12[%swap3A_362] {strides = array<i32>} : memref<384xf32, #tpu.memory_space<vmem>>, vector<16xf32>,
      %swap3A_364 = vector.shape_cast %swap3A_363 : vector<16xf32> to vector<16xf32>
      %swap3A_365 = vector.shape_cast %broadcast_in_dim3A_321 : vector<16xf32> to vector<16xf32>
      tpu.vector_store %arg12[%swap3A_362], %swap3A_365 {strides = array<i32>} : memref<384xf32, #tpu.memory_space<vmem>>, vector<16xf32>,
      %swap3A_366 = arith.constant 176 : index
      %swap3A_367 = tpu.vector_load %arg12[%swap3A_366] {strides = array<i32>} : memref<384xf32, #tpu.memory_space<vmem>>, vector<16xf32>,
      %swap3A_368 = vector.shape_cast %swap3A_367 : vector<16xf32> to vector<16xf32>
      %swap3A_369 = vector.shape_cast %broadcast_in_dim3A_321 : vector<16xf32> to vector<16xf32>
      tpu.vector_store %arg12[%swap3A_366], %swap3A_369 {strides = array<i32>} : memref<384xf32, #tpu.memory_space<vmem>>, vector<16xf32>,
      %swap3A_370 = arith.constant 192 : index
      %swap3A_371 = tpu.vector_load %arg12[%swap3A_370] {strides = array<i32>} : memref<384xf32, #tpu.memory_space<vmem>>, vector<16xf32>,
      %swap3A_372 = vector.shape_cast %swap3A_371 : vector<16xf32> to vector<16xf32>
      %swap3A_373 = vector.shape_cast %broadcast_in_dim3A_321 : vector<16xf32> to vector<16xf32>
      tpu.vector_store %arg12[%swap3A_370], %swap3A_373 {strides = array<i32>} : memref<384xf32, #tpu.memory_space<vmem>>, vector<16xf32>,
      %swap3A_374 = arith.constant 208 : index
      %swap3A_375 = tpu.vector_load %arg12[%swap3A_374] {strides = array<i32>} : memref<384xf32, #tpu.memory_space<vmem>>, vector<16xf32>,
      %swap3A_376 = vector.shape_cast %swap3A_375 : vector<16xf32> to vector<16xf32>
      %swap3A_377 = vector.shape_cast %broadcast_in_dim3A_321 : vector<16xf32> to vector<16xf32>
      tpu.vector_store %arg12[%swap3A_374], %swap3A_377 {strides = array<i32>} : memref<384xf32, #tpu.memory_space<vmem>>, vector<16xf32>,
      %swap3A_378 = arith.constant 224 : index
      %swap3A_379 = tpu.vector_load %arg12[%swap3A_378] {strides = array<i32>} : memref<384xf32, #tpu.memory_space<vmem>>, vector<16xf32>,
      %swap3A_380 = vector.shape_cast %swap3A_379 : vector<16xf32> to vector<16xf32>
      %swap3A_381 = vector.shape_cast %broadcast_in_dim3A_321 : vector<16xf32> to vector<16xf32>
      tpu.vector_store %arg12[%swap3A_378], %swap3A_381 {strides = array<i32>} : memref<384xf32, #tpu.memory_space<vmem>>, vector<16xf32>,
      %swap3A_382 = arith.constant 240 : index
      %swap3A_383 = tpu.vector_load %arg12[%swap3A_382] {strides = array<i32>} : memref<384xf32, #tpu.memory_space<vmem>>, vector<16xf32>,
      %swap3A_384 = vector.shape_cast %swap3A_383 : vector<16xf32> to vector<16xf32>
      %swap3A_385 = vector.shape_cast %broadcast_in_dim3A_321 : vector<16xf32> to vector<16xf32>
      tpu.vector_store %arg12[%swap3A_382], %swap3A_385 {strides = array<i32>} : memref<384xf32, #tpu.memory_space<vmem>>, vector<16xf32>,
      %swap3A_386 = arith.constant 256 : index
      %swap3A_387 = tpu.vector_load %arg12[%swap3A_386] {strides = array<i32>} : memref<384xf32, #tpu.memory_space<vmem>>, vector<16xf32>,
      %swap3A_388 = vector.shape_cast %swap3A_387 : vector<16xf32> to vector<16xf32>
      %swap3A_389 = vector.shape_cast %broadcast_in_dim3A_321 : vector<16xf32> to vector<16xf32>
      tpu.vector_store %arg12[%swap3A_386], %swap3A_389 {strides = array<i32>} : memref<384xf32, #tpu.memory_space<vmem>>, vector<16xf32>,
      %swap3A_390 = arith.constant 272 : index
      %swap3A_391 = tpu.vector_load %arg12[%swap3A_390] {strides = array<i32>} : memref<384xf32, #tpu.memory_space<vmem>>, vector<16xf32>,
      %swap3A_392 = vector.shape_cast %swap3A_391 : vector<16xf32> to vector<16xf32>
      %swap3A_393 = vector.shape_cast %broadcast_in_dim3A_321 : vector<16xf32> to vector<16xf32>
      tpu.vector_store %arg12[%swap3A_390], %swap3A_393 {strides = array<i32>} : memref<384xf32, #tpu.memory_space<vmem>>, vector<16xf32>,
      %swap3A_394 = arith.constant 288 : index
      %swap3A_395 = tpu.vector_load %arg12[%swap3A_394] {strides = array<i32>} : memref<384xf32, #tpu.memory_space<vmem>>, vector<16xf32>,
      %swap3A_396 = vector.shape_cast %swap3A_395 : vector<16xf32> to vector<16xf32>
      %swap3A_397 = vector.shape_cast %broadcast_in_dim3A_321 : vector<16xf32> to vector<16xf32>
      tpu.vector_store %arg12[%swap3A_394], %swap3A_397 {strides = array<i32>} : memref<384xf32, #tpu.memory_space<vmem>>, vector<16xf32>,
      %swap3A_398 = arith.constant 304 : index
      %swap3A_399 = tpu.vector_load %arg12[%swap3A_398] {strides = array<i32>} : memref<384xf32, #tpu.memory_space<vmem>>, vector<16xf32>,
      %swap3A_400 = vector.shape_cast %swap3A_399 : vector<16xf32> to vector<16xf32>
      %swap3A_401 = vector.shape_cast %broadcast_in_dim3A_321 : vector<16xf32> to vector<16xf32>
      tpu.vector_store %arg12[%swap3A_398], %swap3A_401 {strides = array<i32>} : memref<384xf32, #tpu.memory_space<vmem>>, vector<16xf32>,
      %swap3A_402 = arith.constant 320 : index
      %swap3A_403 = tpu.vector_load %arg12[%swap3A_402] {strides = array<i32>} : memref<384xf32, #tpu.memory_space<vmem>>, vector<16xf32>,
      %swap3A_404 = vector.shape_cast %swap3A_403 : vector<16xf32> to vector<16xf32>
      %swap3A_405 = vector.shape_cast %broadcast_in_dim3A_321 : vector<16xf32> to vector<16xf32>
      tpu.vector_store %arg12[%swap3A_402], %swap3A_405 {strides = array<i32>} : memref<384xf32, #tpu.memory_space<vmem>>, vector<16xf32>,
      %swap3A_406 = arith.constant 336 : index
      %swap3A_407 = tpu.vector_load %arg12[%swap3A_406] {strides = array<i32>} : memref<384xf32, #tpu.memory_space<vmem>>, vector<16xf32>,
      %swap3A_408 = vector.shape_cast %swap3A_407 : vector<16xf32> to vector<16xf32>
      %swap3A_409 = vector.shape_cast %broadcast_in_dim3A_321 : vector<16xf32> to vector<16xf32>
      tpu.vector_store %arg12[%swap3A_406], %swap3A_409 {strides = array<i32>} : memref<384xf32, #tpu.memory_space<vmem>>, vector<16xf32>,
      %swap3A_410 = arith.constant 352 : index
      %swap3A_411 = tpu.vector_load %arg12[%swap3A_410] {strides = array<i32>} : memref<384xf32, #tpu.memory_space<vmem>>, vector<16xf32>,
      %swap3A_412 = vector.shape_cast %swap3A_411 : vector<16xf32> to vector<16xf32>
      %swap3A_413 = vector.shape_cast %broadcast_in_dim3A_321 : vector<16xf32> to vector<16xf32>
      tpu.vector_store %arg12[%swap3A_410], %swap3A_413 {strides = array<i32>} : memref<384xf32, #tpu.memory_space<vmem>>, vector<16xf32>,
      %swap3A_414 = arith.constant 368 : index
      %swap3A_415 = tpu.vector_load %arg12[%swap3A_414] {strides = array<i32>} : memref<384xf32, #tpu.memory_space<vmem>>, vector<16xf32>,
      %swap3A_416 = vector.shape_cast %swap3A_415 : vector<16xf32> to vector<16xf32>
      %swap3A_417 = vector.shape_cast %broadcast_in_dim3A_321 : vector<16xf32> to vector<16xf32>
      tpu.vector_store %arg12[%swap3A_414], %swap3A_417 {strides = array<i32>} : memref<384xf32, #tpu.memory_space<vmem>>, vector<16xf32>,
      "tpu.region"() ({
        %run_scoped3A_418 = tpu.sem_alloc : memref<!tpu.dma_semaphore, #tpu.memory_space<semaphore_mem>>
        tpu.enqueue_dma source(%arg12 : memref<384xf32, #tpu.memory_space<vmem>>) target(%arg14 : memref<384xf32, #tpu.memory_space<vmem_shared>>) target_semaphore(%run_scoped3A_418 : memref<!tpu.dma_semaphore, #tpu.memory_space<semaphore_mem>>)
        tpu.wait_dma2 semaphore(%run_scoped3A_418 : memref<!tpu.dma_semaphore, #tpu.memory_space<semaphore_mem>>) src(%arg12 : memref<384xf32, #tpu.memory_space<vmem>>) dst(%arg14 : memref<384xf32, #tpu.memory_space<vmem_shared>>)
        tpu.yield
      }) : () -> ()
      "tpu.region"() ({
        %run_scoped3A_418 = tpu.sem_alloc : memref<!tpu.dma_semaphore, #tpu.memory_space<semaphore_mem>>
        tpu.enqueue_dma source(%arg12 : memref<384xf32, #tpu.memory_space<vmem>>) target(%arg15 : memref<384xf32, #tpu.memory_space<vmem_shared>>) target_semaphore(%run_scoped3A_418 : memref<!tpu.dma_semaphore, #tpu.memory_space<semaphore_mem>>)
        tpu.wait_dma2 semaphore(%run_scoped3A_418 : memref<!tpu.dma_semaphore, #tpu.memory_space<semaphore_mem>>) src(%arg12 : memref<384xf32, #tpu.memory_space<vmem>>) dst(%arg15 : memref<384xf32, #tpu.memory_space<vmem_shared>>)
        tpu.yield
      }) : () -> ()
    } else {
    }
    %barrier3A = arith.constant 0 : index
    tpu.barrier barrier_id(%barrier3A)
    %sub3A = arith.constant 782 : i32
    %sub3A_35 = arith.subi %sub3A, %add3A : i32
    %add3A_36 = arith.constant 32 : i32
    %add3A_37 = arith.addi %sub3A_35, %add3A_36 : i32
    %sub3A_38 = arith.constant 1 : i32
    %sub3A_39 = arith.subi %add3A_37, %sub3A_38 : i32
    %jit3A = arith.constant 32 : i32
    %div3A = arith.divsi %sub3A_39, %jit3A : i32
    %sign3A = arith.constant 0 : i32
    %sign3A_40 = arith.cmpi sgt, %sub3A_39, %sign3A : i32
    %sign3A_41 = arith.extui %sign3A_40 : i1 to i32
    %sign3A_42 = arith.constant 0 : i32
    %sign3A_43 = arith.cmpi slt, %sub3A_39, %sign3A_42 : i32
    %sign3A_44 = arith.extui %sign3A_43 : i1 to i32
    %sign3A_45 = arith.subi %sign3A_41, %sign3A_44 : i32
    %sign3A_46 = arith.constant 0 : i32
    %sign3A_47 = arith.cmpi sgt, %jit3A, %sign3A_46 : i32
    %sign3A_48 = arith.extui %sign3A_47 : i1 to i32
    %sign3A_49 = arith.constant 0 : i32
    %sign3A_50 = arith.cmpi slt, %jit3A, %sign3A_49 : i32
    %sign3A_51 = arith.extui %sign3A_50 : i1 to i32
    %sign3A_52 = arith.subi %sign3A_48, %sign3A_51 : i32
    %ne3A = arith.cmpi ne, %sign3A_45, %sign3A_52 : i32
    %rem3A = arith.remsi %sub3A_39, %jit3A : i32
    %ne3A_53 = arith.constant 0 : i32
    %ne3A_54 = arith.cmpi ne, %rem3A, %ne3A_53 : i32
    %and3A = arith.andi %ne3A, %ne3A_54 : i1
    %sub3A_55 = arith.constant 1 : i32
    %sub3A_56 = arith.subi %div3A, %sub3A_55 : i32
    %select_n3A = arith.select %and3A, %sub3A_56, %div3A : i32
    %add3A_57 = arith.constant 0 : i32
    %add3A_58 = arith.addi %add3A, %add3A_57 : i32
    %eq3A_59 = arith.constant 781 : i32
    %eq3A_60 = arith.cmpi eq, %add3A_58, %eq3A_59 : i32
    %mul3A_61 = arith.constant 128 : i32
    %mul3A_62 = arith.muli %add3A_58, %mul3A_61 : i32
    %jit3A_63 = arith.constant 99872 : i32
    %select_n3A_64 = arith.select %eq3A_60, %jit3A_63, %mul3A_62 : i32
    %dma_start3A = arith.constant 0 : i32
    %dma_start3A_65 = arith.constant 0 : i32
    %dma_start3A_66 = arith.constant 0 : i32
    %dma_start3A_67 = tpu.memref_slice %arg9[%dma_start3A, %dma_start3A_66] : memref<2x128xi32, #tpu.memory_space<vmem>> -> memref<1x128xi32, #tpu.memory_space<vmem>>
    %dma_start3A_68 = tpu.memref_squeeze %dma_start3A_67 : memref<1x128xi32, #tpu.memory_space<vmem>> -> memref<128xi32, #tpu.memory_space<vmem>>
    %dma_start3A_69 = tpu.memref_slice %arg3[%select_n3A_64] : memref<100000xi32, #tpu.memory_space<hbm>> -> memref<128xi32, #tpu.memory_space<hbm>>
    %dma_start3A_70 = tpu.memref_slice %arg16[%dma_start3A_65] : memref<2x!tpu.dma_semaphore, #tpu.memory_space<semaphore_mem>> -> memref<1x!tpu.dma_semaphore, #tpu.memory_space<semaphore_mem>>
    %dma_start3A_71 = tpu.memref_squeeze %dma_start3A_70 : memref<1x!tpu.dma_semaphore, #tpu.memory_space<semaphore_mem>> -> memref<!tpu.dma_semaphore, #tpu.memory_space<semaphore_mem>>
    %dma_start3A_72 = arith.constant 0 : i32
    %dma_start3A_73 = tpu.memref_slice %arg9[%dma_start3A, %dma_start3A_72] : memref<2x128xi32, #tpu.memory_space<vmem>> -> memref<1x128xi32, #tpu.memory_space<vmem>>
    %dma_start3A_74 = tpu.memref_squeeze %dma_start3A_73 : memref<1x128xi32, #tpu.memory_space<vmem>> -> memref<128xi32, #tpu.memory_space<vmem>>
    %dma_start3A_75 = tpu.memref_slice %arg3[%select_n3A_64] : memref<100000xi32, #tpu.memory_space<hbm>> -> memref<128xi32, #tpu.memory_space<hbm>>
    tpu.enqueue_dma source(%dma_start3A_75 : memref<128xi32, #tpu.memory_space<hbm>>) target(%dma_start3A_74 : memref<128xi32, #tpu.memory_space<vmem>>) target_semaphore(%dma_start3A_71 : memref<!tpu.dma_semaphore, #tpu.memory_space<semaphore_mem>>)
    %dma_start3A_76 = arith.constant 0 : i32
    %dma_start3A_77 = arith.constant 0 : i32
    %dma_start3A_78 = arith.constant 0 : i32
    %dma_start3A_79 = arith.constant 0 : i32
    %dma_start3A_80 = tpu.memref_slice %arg10[%dma_start3A_76, %dma_start3A_78, %dma_start3A_79] : memref<2x128x128xf32, #tpu.memory_space<vmem>> -> memref<1x128x128xf32, #tpu.memory_space<vmem>>
    %dma_start3A_81 = tpu.memref_squeeze %dma_start3A_80 : memref<1x128x128xf32, #tpu.memory_space<vmem>> -> memref<128x128xf32, #tpu.memory_space<vmem>>
    %dma_start3A_82 = arith.constant 0 : i32
    %dma_start3A_83 = tpu.memref_slice %arg2[%select_n3A_64, %dma_start3A_82] : memref<100000x128xf32, #tpu.memory_space<hbm>> -> memref<128x128xf32, #tpu.memory_space<hbm>>
    %dma_start3A_84 = tpu.memref_slice %arg16[%dma_start3A_77] : memref<2x!tpu.dma_semaphore, #tpu.memory_space<semaphore_mem>> -> memref<1x!tpu.dma_semaphore, #tpu.memory_space<semaphore_mem>>
    %dma_start3A_85 = tpu.memref_squeeze %dma_start3A_84 : memref<1x!tpu.dma_semaphore, #tpu.memory_space<semaphore_mem>> -> memref<!tpu.dma_semaphore, #tpu.memory_space<semaphore_mem>>
    %dma_start3A_86 = arith.constant 0 : i32
    %dma_start3A_87 = arith.constant 0 : i32
    %dma_start3A_88 = tpu.memref_slice %arg10[%dma_start3A_76, %dma_start3A_86, %dma_start3A_87] : memref<2x128x128xf32, #tpu.memory_space<vmem>> -> memref<1x128x128xf32, #tpu.memory_space<vmem>>
    %dma_start3A_89 = tpu.memref_squeeze %dma_start3A_88 : memref<1x128x128xf32, #tpu.memory_space<vmem>> -> memref<128x128xf32, #tpu.memory_space<vmem>>
    %dma_start3A_90 = arith.constant 0 : i32
    %dma_start3A_91 = tpu.memref_slice %arg2[%select_n3A_64, %dma_start3A_90] : memref<100000x128xf32, #tpu.memory_space<hbm>> -> memref<128x128xf32, #tpu.memory_space<hbm>>
    tpu.enqueue_dma source(%dma_start3A_91 : memref<128x128xf32, #tpu.memory_space<hbm>>) target(%dma_start3A_89 : memref<128x128xf32, #tpu.memory_space<vmem>>) target_semaphore(%dma_start3A_85 : memref<!tpu.dma_semaphore, #tpu.memory_space<semaphore_mem>>)
    %add3A_92 = arith.constant 32 : i32
    %add3A_93 = arith.addi %add3A, %add3A_92 : i32
    %eq3A_94 = arith.constant 781 : i32
    %eq3A_95 = arith.cmpi eq, %add3A_93, %eq3A_94 : i32
    %mul3A_96 = arith.constant 128 : i32
    %mul3A_97 = arith.muli %add3A_93, %mul3A_96 : i32
    %jit3A_98 = arith.constant 99872 : i32
    %select_n3A_99 = arith.select %eq3A_95, %jit3A_98, %mul3A_97 : i32
    %dma_start3A_100 = arith.constant 1 : i32
    %dma_start3A_101 = arith.constant 1 : i32
    %dma_start3A_102 = arith.constant 0 : i32
    %dma_start3A_103 = tpu.memref_slice %arg9[%dma_start3A_100, %dma_start3A_102] : memref<2x128xi32, #tpu.memory_space<vmem>> -> memref<1x128xi32, #tpu.memory_space<vmem>>
    %dma_start3A_104 = tpu.memref_squeeze %dma_start3A_103 : memref<1x128xi32, #tpu.memory_space<vmem>> -> memref<128xi32, #tpu.memory_space<vmem>>
    %dma_start3A_105 = tpu.memref_slice %arg3[%select_n3A_99] : memref<100000xi32, #tpu.memory_space<hbm>> -> memref<128xi32, #tpu.memory_space<hbm>>
    %dma_start3A_106 = tpu.memref_slice %arg16[%dma_start3A_101] : memref<2x!tpu.dma_semaphore, #tpu.memory_space<semaphore_mem>> -> memref<1x!tpu.dma_semaphore, #tpu.memory_space<semaphore_mem>>
    %dma_start3A_107 = tpu.memref_squeeze %dma_start3A_106 : memref<1x!tpu.dma_semaphore, #tpu.memory_space<semaphore_mem>> -> memref<!tpu.dma_semaphore, #tpu.memory_space<semaphore_mem>>
    %dma_start3A_108 = arith.constant 0 : i32
    %dma_start3A_109 = tpu.memref_slice %arg9[%dma_start3A_100, %dma_start3A_108] : memref<2x128xi32, #tpu.memory_space<vmem>> -> memref<1x128xi32, #tpu.memory_space<vmem>>
    %dma_start3A_110 = tpu.memref_squeeze %dma_start3A_109 : memref<1x128xi32, #tpu.memory_space<vmem>> -> memref<128xi32, #tpu.memory_space<vmem>>
    %dma_start3A_111 = tpu.memref_slice %arg3[%select_n3A_99] : memref<100000xi32, #tpu.memory_space<hbm>> -> memref<128xi32, #tpu.memory_space<hbm>>
    tpu.enqueue_dma source(%dma_start3A_111 : memref<128xi32, #tpu.memory_space<hbm>>) target(%dma_start3A_110 : memref<128xi32, #tpu.memory_space<vmem>>) target_semaphore(%dma_start3A_107 : memref<!tpu.dma_semaphore, #tpu.memory_space<semaphore_mem>>)
    %dma_start3A_112 = arith.constant 1 : i32
    %dma_start3A_113 = arith.constant 1 : i32
    %dma_start3A_114 = arith.constant 0 : i32
    %dma_start3A_115 = arith.constant 0 : i32
    %dma_start3A_116 = tpu.memref_slice %arg10[%dma_start3A_112, %dma_start3A_114, %dma_start3A_115] : memref<2x128x128xf32, #tpu.memory_space<vmem>> -> memref<1x128x128xf32, #tpu.memory_space<vmem>>
    %dma_start3A_117 = tpu.memref_squeeze %dma_start3A_116 : memref<1x128x128xf32, #tpu.memory_space<vmem>> -> memref<128x128xf32, #tpu.memory_space<vmem>>
    %dma_start3A_118 = arith.constant 0 : i32
    %dma_start3A_119 = tpu.memref_slice %arg2[%select_n3A_99, %dma_start3A_118] : memref<100000x128xf32, #tpu.memory_space<hbm>> -> memref<128x128xf32, #tpu.memory_space<hbm>>
    %dma_start3A_120 = tpu.memref_slice %arg16[%dma_start3A_113] : memref<2x!tpu.dma_semaphore, #tpu.memory_space<semaphore_mem>> -> memref<1x!tpu.dma_semaphore, #tpu.memory_space<semaphore_mem>>
    %dma_start3A_121 = tpu.memref_squeeze %dma_start3A_120 : memref<1x!tpu.dma_semaphore, #tpu.memory_space<semaphore_mem>> -> memref<!tpu.dma_semaphore, #tpu.memory_space<semaphore_mem>>
    %dma_start3A_122 = arith.constant 0 : i32
    %dma_start3A_123 = arith.constant 0 : i32
    %dma_start3A_124 = tpu.memref_slice %arg10[%dma_start3A_112, %dma_start3A_122, %dma_start3A_123] : memref<2x128x128xf32, #tpu.memory_space<vmem>> -> memref<1x128x128xf32, #tpu.memory_space<vmem>>
    %dma_start3A_125 = tpu.memref_squeeze %dma_start3A_124 : memref<1x128x128xf32, #tpu.memory_space<vmem>> -> memref<128x128xf32, #tpu.memory_space<vmem>>
    %dma_start3A_126 = arith.constant 0 : i32
    %dma_start3A_127 = tpu.memref_slice %arg2[%select_n3A_99, %dma_start3A_126] : memref<100000x128xf32, #tpu.memory_space<hbm>> -> memref<128x128xf32, #tpu.memory_space<hbm>>
    tpu.enqueue_dma source(%dma_start3A_127 : memref<128x128xf32, #tpu.memory_space<hbm>>) target(%dma_start3A_125 : memref<128x128xf32, #tpu.memory_space<vmem>>) target_semaphore(%dma_start3A_121 : memref<!tpu.dma_semaphore, #tpu.memory_space<semaphore_mem>>)
    %add3A_128 = arith.constant 1 : i32
    %add3A_129 = arith.addi %select_n3A, %add3A_128 : i32
    %jit3A_130 = arith.constant 2 : i32
    %div3A_131 = arith.divsi %add3A_129, %jit3A_130 : i32
    %sign3A_132 = arith.constant 0 : i32
    %sign3A_133 = arith.cmpi sgt, %add3A_129, %sign3A_132 : i32
    %sign3A_134 = arith.extui %sign3A_133 : i1 to i32
    %sign3A_135 = arith.constant 0 : i32
    %sign3A_136 = arith.cmpi slt, %add3A_129, %sign3A_135 : i32
    %sign3A_137 = arith.extui %sign3A_136 : i1 to i32
    %sign3A_138 = arith.subi %sign3A_134, %sign3A_137 : i32
    %sign3A_139 = arith.constant 0 : i32
    %sign3A_140 = arith.cmpi sgt, %jit3A_130, %sign3A_139 : i32
    %sign3A_141 = arith.extui %sign3A_140 : i1 to i32
    %sign3A_142 = arith.constant 0 : i32
    %sign3A_143 = arith.cmpi slt, %jit3A_130, %sign3A_142 : i32
    %sign3A_144 = arith.extui %sign3A_143 : i1 to i32
    %sign3A_145 = arith.subi %sign3A_141, %sign3A_144 : i32
    %ne3A_146 = arith.cmpi ne, %sign3A_138, %sign3A_145 : i32
    %rem3A_147 = arith.remsi %add3A_129, %jit3A_130 : i32
    %ne3A_148 = arith.constant 0 : i32
    %ne3A_149 = arith.cmpi ne, %rem3A_147, %ne3A_148 : i32
    %and3A_150 = arith.andi %ne3A_146, %ne3A_149 : i1
    %sub3A_151 = arith.constant 1 : i32
    %sub3A_152 = arith.subi %div3A_131, %sub3A_151 : i32
    %select_n3A_153 = arith.select %and3A_150, %sub3A_152, %div3A_131 : i32
    %while3A = arith.constant 0 : i32
    %while3A_154 = arith.constant 0 : i32
    %while3A_155 = arith.constant 0 : i32
    %while3A_156 = arith.subi %select_n3A_153, %while3A_154 : i32
    %while3A_157 = arith.addi %while3A_154, %while3A_156 : i32
    %while3A_158 = arith.constant 1 : i32
    %while3A_159 = arith.divsi %while3A_156, %while3A_158 : i32
    %while3A_160 = arith.muli %while3A_159, %while3A_158 : i32
    %while3A_161 = arith.addi %while3A_154, %while3A_160 : i32
    %while3A_162 = arith.constant 1 : i32
    %while3A_163 = scf.for %while3A_318 = %while3A_154 to %while3A_161 step %while3A_162 iter_args(%while3A_319 = %while3A_155) -> (i32)  : i32 {
      %mul3A_320 = arith.constant 2 : i32
      %mul3A_321 = arith.muli %mul3A_320, %while3A_318 : i32
      %add3A_322 = arith.constant 0 : i32
      %add3A_323 = arith.addi %mul3A_321, %add3A_322 : i32
      %lt3A = arith.cmpi slt, %add3A_323, %select_n3A : i32
      %convert_element_type3A_324 = arith.extui %lt3A : i1 to i32
      %cond3A_325 = arith.constant 0 : i32
      %cond3A_326 = arith.cmpi ne, %convert_element_type3A_324, %cond3A_325 : i32
      scf.if %cond3A_326 {
        %dma_wait3A = arith.constant 0 : i32
        %dma_wait3A_336 = arith.constant 0 : i32
        %dma_wait3A_337 = arith.constant 0 : i32
        %dma_wait3A_338 = tpu.memref_slice %arg9[%dma_wait3A, %dma_wait3A_337] : memref<2x128xi32, #tpu.memory_space<vmem>> -> memref<1x128xi32, #tpu.memory_space<vmem>>
        %dma_wait3A_339 = tpu.memref_squeeze %dma_wait3A_338 : memref<1x128xi32, #tpu.memory_space<vmem>> -> memref<128xi32, #tpu.memory_space<vmem>>
        %dma_wait3A_340 = arith.constant 0 : i32
        %dma_wait3A_341 = tpu.memref_slice %arg3[%dma_wait3A_340] : memref<100000xi32, #tpu.memory_space<hbm>> -> memref<128xi32, #tpu.memory_space<hbm>>
        %dma_wait3A_342 = tpu.memref_slice %arg16[%dma_wait3A_336] : memref<2x!tpu.dma_semaphore, #tpu.memory_space<semaphore_mem>> -> memref<1x!tpu.dma_semaphore, #tpu.memory_space<semaphore_mem>>
        %dma_wait3A_343 = tpu.memref_squeeze %dma_wait3A_342 : memref<1x!tpu.dma_semaphore, #tpu.memory_space<semaphore_mem>> -> memref<!tpu.dma_semaphore, #tpu.memory_space<semaphore_mem>>
        %dma_wait3A_344 = arith.constant 0 : i32
        %dma_wait3A_345 = tpu.memref_slice %arg9[%dma_wait3A, %dma_wait3A_344] : memref<2x128xi32, #tpu.memory_space<vmem>> -> memref<1x128xi32, #tpu.memory_space<vmem>>
        %dma_wait3A_346 = tpu.memref_squeeze %dma_wait3A_345 : memref<1x128xi32, #tpu.memory_space<vmem>> -> memref<128xi32, #tpu.memory_space<vmem>>
        %dma_wait3A_347 = arith.constant 0 : i32
        %dma_wait3A_348 = tpu.memref_slice %arg3[%dma_wait3A_347] : memref<100000xi32, #tpu.memory_space<hbm>> -> memref<128xi32, #tpu.memory_space<hbm>>
        tpu.wait_dma2 semaphore(%dma_wait3A_343 : memref<!tpu.dma_semaphore, #tpu.memory_space<semaphore_mem>>) src(%dma_wait3A_348 : memref<128xi32, #tpu.memory_space<hbm>>) dst(%dma_wait3A_346 : memref<128xi32, #tpu.memory_space<vmem>>)
        %dma_wait3A_349 = arith.constant 0 : i32
        %dma_wait3A_350 = arith.constant 0 : i32
        %dma_wait3A_351 = arith.constant 0 : i32
        %dma_wait3A_352 = arith.constant 0 : i32
        %dma_wait3A_353 = tpu.memref_slice %arg10[%dma_wait3A_349, %dma_wait3A_351, %dma_wait3A_352] : memref<2x128x128xf32, #tpu.memory_space<vmem>> -> memref<1x128x128xf32, #tpu.memory_space<vmem>>
        %dma_wait3A_354 = tpu.memref_squeeze %dma_wait3A_353 : memref<1x128x128xf32, #tpu.memory_space<vmem>> -> memref<128x128xf32, #tpu.memory_space<vmem>>
        %dma_wait3A_355 = arith.constant 0 : i32
        %dma_wait3A_356 = arith.constant 0 : i32
        %dma_wait3A_357 = tpu.memref_slice %arg2[%dma_wait3A_355, %dma_wait3A_356] : memref<100000x128xf32, #tpu.memory_space<hbm>> -> memref<128x128xf32, #tpu.memory_space<hbm>>
        %dma_wait3A_358 = tpu.memref_slice %arg16[%dma_wait3A_350] : memref<2x!tpu.dma_semaphore, #tpu.memory_space<semaphore_mem>> -> memref<1x!tpu.dma_semaphore, #tpu.memory_space<semaphore_mem>>
        %dma_wait3A_359 = tpu.memref_squeeze %dma_wait3A_358 : memref<1x!tpu.dma_semaphore, #tpu.memory_space<semaphore_mem>> -> memref<!tpu.dma_semaphore, #tpu.memory_space<semaphore_mem>>
        %dma_wait3A_360 = arith.constant 0 : i32
        %dma_wait3A_361 = arith.constant 0 : i32
        %dma_wait3A_362 = tpu.memref_slice %arg10[%dma_wait3A_349, %dma_wait3A_360, %dma_wait3A_361] : memref<2x128x128xf32, #tpu.memory_space<vmem>> -> memref<1x128x128xf32, #tpu.memory_space<vmem>>
        %dma_wait3A_363 = tpu.memref_squeeze %dma_wait3A_362 : memref<1x128x128xf32, #tpu.memory_space<vmem>> -> memref<128x128xf32, #tpu.memory_space<vmem>>
        %dma_wait3A_364 = arith.constant 0 : i32
        %dma_wait3A_365 = arith.constant 0 : i32
        %dma_wait3A_366 = tpu.memref_slice %arg2[%dma_wait3A_364, %dma_wait3A_365] : memref<100000x128xf32, #tpu.memory_space<hbm>> -> memref<128x128xf32, #tpu.memory_space<hbm>>
        tpu.wait_dma2 semaphore(%dma_wait3A_359 : memref<!tpu.dma_semaphore, #tpu.memory_space<semaphore_mem>>) src(%dma_wait3A_366 : memref<128x128xf32, #tpu.memory_space<hbm>>) dst(%dma_wait3A_363 : memref<128x128xf32, #tpu.memory_space<vmem>>)
        %mul3A_367 = arith.constant 32 : i32
        %mul3A_368 = arith.muli %add3A_323, %mul3A_367 : i32
        %add3A_369 = arith.addi %add3A, %mul3A_368 : i32
        %eq3A_370 = arith.constant 781 : i32
        %eq3A_371 = arith.cmpi eq, %add3A_369, %eq3A_370 : i32
        %mul3A_372 = arith.constant 128 : i32
        %mul3A_373 = arith.muli %add3A_369, %mul3A_372 : i32
        %jit3A_374 = arith.constant 99872 : i32
        %select_n3A_375 = arith.select %eq3A_371, %jit3A_374, %mul3A_373 : i32
        %convert_element_type3A_376 = arith.extui %eq3A_371 : i1 to i32
        %cond3A_377 = arith.constant 0 : i32
        %cond3A_378 = arith.cmpi ne, %convert_element_type3A_376, %cond3A_377 : i32
        scf.if %cond3A_378 {
          %get3A = arith.constant 0 : i32
          %get3A_388 = arith.constant 0 : i32
          %get3A_389 = tpu.memref_slice %arg9[%get3A, %get3A_388] : memref<2x128xi32, #tpu.memory_space<vmem>> -> memref<1x128xi32, #tpu.memory_space<vmem>>
          %get3A_390 = tpu.memref_squeeze %get3A_389 : memref<1x128xi32, #tpu.memory_space<vmem>> -> memref<128xi32, #tpu.memory_space<vmem>>
          %get3A_391 = arith.constant 0 : index
          %get3A_392 = tpu.vector_load %get3A_390[%get3A_391] {strides = array<i32>} : memref<128xi32, #tpu.memory_space<vmem>>, vector<16xi32>,
          %get3A_393 = vector.shape_cast %get3A_392 : vector<16xi32> to vector<16xi32>
          %iota3A = tpu.iota {dimensions = array<i32: 0>} : vector<16xi32>
          %add3A_394 = arith.constant 0 : i32
          %add3A_395 = vector.broadcast %add3A_394 : i32 to vector<16xi32>
          %add3A_396 = arith.addi %iota3A, %add3A_395 : vector<16xi32>
          %lt3A_397 = arith.constant 96 : i32
          %lt3A_398 = vector.broadcast %lt3A_397 : i32 to vector<16xi32>
          %lt3A_399 = arith.cmpi slt, %add3A_396, %lt3A_398 : vector<16xi32>
          %jit3A_400 = arith.constant 256 : i32
          %broadcast_in_dim3A_401 = vector.broadcast %jit3A_400 : i32 to vector<16xi32>
          %select_n3A_402 = arith.select %lt3A_399, %broadcast_in_dim3A_401, %get3A_393 : vector<16xi1>, vector<16xi32>
          %swap3A_403 = arith.constant 0 : i32
          %swap3A_404 = arith.constant 0 : i32
          %swap3A_405 = tpu.memref_slice %arg9[%swap3A_403, %swap3A_404] : memref<2x128xi32, #tpu.memory_space<vmem>> -> memref<1x128xi32, #tpu.memory_space<vmem>>
          %swap3A_406 = tpu.memref_squeeze %swap3A_405 : memref<1x128xi32, #tpu.memory_space<vmem>> -> memref<128xi32, #tpu.memory_space<vmem>>
          %swap3A_407 = arith.constant 0 : index
          %swap3A_408 = tpu.vector_load %swap3A_406[%swap3A_407] {strides = array<i32>} : memref<128xi32, #tpu.memory_space<vmem>>, vector<16xi32>,
          %swap3A_409 = vector.shape_cast %swap3A_408 : vector<16xi32> to vector<16xi32>
          %swap3A_410 = vector.shape_cast %select_n3A_402 : vector<16xi32> to vector<16xi32>
          tpu.vector_store %swap3A_406[%swap3A_407], %swap3A_410 {strides = array<i32>} : memref<128xi32, #tpu.memory_space<vmem>>, vector<16xi32>,
          %get3A_411 = arith.constant 0 : i32
          %get3A_412 = arith.constant 0 : i32
          %get3A_413 = tpu.memref_slice %arg9[%get3A_411, %get3A_412] : memref<2x128xi32, #tpu.memory_space<vmem>> -> memref<1x128xi32, #tpu.memory_space<vmem>>
          %get3A_414 = tpu.memref_squeeze %get3A_413 : memref<1x128xi32, #tpu.memory_space<vmem>> -> memref<128xi32, #tpu.memory_space<vmem>>
          %get3A_415 = arith.constant 16 : index
          %get3A_416 = tpu.vector_load %get3A_414[%get3A_415] {strides = array<i32>} : memref<128xi32, #tpu.memory_space<vmem>>, vector<16xi32>,
          %get3A_417 = vector.shape_cast %get3A_416 : vector<16xi32> to vector<16xi32>
          %iota3A_418 = tpu.iota {dimensions = array<i32: 0>} : vector<16xi32>
          %add3A_419 = arith.constant 16 : i32
          %add3A_420 = vector.broadcast %add3A_419 : i32 to vector<16xi32>
          %add3A_421 = arith.addi %iota3A_418, %add3A_420 : vector<16xi32>
          %lt3A_422 = arith.constant 96 : i32
          %lt3A_423 = vector.broadcast %lt3A_422 : i32 to vector<16xi32>
          %lt3A_424 = arith.cmpi slt, %add3A_421, %lt3A_423 : vector<16xi32>
          %jit3A_425 = arith.constant 256 : i32
          %broadcast_in_dim3A_426 = vector.broadcast %jit3A_425 : i32 to vector<16xi32>
          %select_n3A_427 = arith.select %lt3A_424, %broadcast_in_dim3A_426, %get3A_417 : vector<16xi1>, vector<16xi32>
          %swap3A_428 = arith.constant 0 : i32
          %swap3A_429 = arith.constant 0 : i32
          %swap3A_430 = tpu.memref_slice %arg9[%swap3A_428, %swap3A_429] : memref<2x128xi32, #tpu.memory_space<vmem>> -> memref<1x128xi32, #tpu.memory_space<vmem>>
          %swap3A_431 = tpu.memref_squeeze %swap3A_430 : memref<1x128xi32, #tpu.memory_space<vmem>> -> memref<128xi32, #tpu.memory_space<vmem>>
          %swap3A_432 = arith.constant 16 : index
          %swap3A_433 = tpu.vector_load %swap3A_431[%swap3A_432] {strides = array<i32>} : memref<128xi32, #tpu.memory_space<vmem>>, vector<16xi32>,
          %swap3A_434 = vector.shape_cast %swap3A_433 : vector<16xi32> to vector<16xi32>
          %swap3A_435 = vector.shape_cast %select_n3A_427 : vector<16xi32> to vector<16xi32>
          tpu.vector_store %swap3A_431[%swap3A_432], %swap3A_435 {strides = array<i32>} : memref<128xi32, #tpu.memory_space<vmem>>, vector<16xi32>,
          %get3A_436 = arith.constant 0 : i32
          %get3A_437 = arith.constant 0 : i32
          %get3A_438 = tpu.memref_slice %arg9[%get3A_436, %get3A_437] : memref<2x128xi32, #tpu.memory_space<vmem>> -> memref<1x128xi32, #tpu.memory_space<vmem>>
          %get3A_439 = tpu.memref_squeeze %get3A_438 : memref<1x128xi32, #tpu.memory_space<vmem>> -> memref<128xi32, #tpu.memory_space<vmem>>
          %get3A_440 = arith.constant 32 : index
          %get3A_441 = tpu.vector_load %get3A_439[%get3A_440] {strides = array<i32>} : memref<128xi32, #tpu.memory_space<vmem>>, vector<16xi32>,
          %get3A_442 = vector.shape_cast %get3A_441 : vector<16xi32> to vector<16xi32>
          %iota3A_443 = tpu.iota {dimensions = array<i32: 0>} : vector<16xi32>
          %add3A_444 = arith.constant 32 : i32
          %add3A_445 = vector.broadcast %add3A_444 : i32 to vector<16xi32>
          %add3A_446 = arith.addi %iota3A_443, %add3A_445 : vector<16xi32>
          %lt3A_447 = arith.constant 96 : i32
          %lt3A_448 = vector.broadcast %lt3A_447 : i32 to vector<16xi32>
          %lt3A_449 = arith.cmpi slt, %add3A_446, %lt3A_448 : vector<16xi32>
          %jit3A_450 = arith.constant 256 : i32
          %broadcast_in_dim3A_451 = vector.broadcast %jit3A_450 : i32 to vector<16xi32>
          %select_n3A_452 = arith.select %lt3A_449, %broadcast_in_dim3A_451, %get3A_442 : vector<16xi1>, vector<16xi32>
          %swap3A_453 = arith.constant 0 : i32
          %swap3A_454 = arith.constant 0 : i32
          %swap3A_455 = tpu.memref_slice %arg9[%swap3A_453, %swap3A_454] : memref<2x128xi32, #tpu.memory_space<vmem>> -> memref<1x128xi32, #tpu.memory_space<vmem>>
          %swap3A_456 = tpu.memref_squeeze %swap3A_455 : memref<1x128xi32, #tpu.memory_space<vmem>> -> memref<128xi32, #tpu.memory_space<vmem>>
          %swap3A_457 = arith.constant 32 : index
          %swap3A_458 = tpu.vector_load %swap3A_456[%swap3A_457] {strides = array<i32>} : memref<128xi32, #tpu.memory_space<vmem>>, vector<16xi32>,
          %swap3A_459 = vector.shape_cast %swap3A_458 : vector<16xi32> to vector<16xi32>
          %swap3A_460 = vector.shape_cast %select_n3A_452 : vector<16xi32> to vector<16xi32>
          tpu.vector_store %swap3A_456[%swap3A_457], %swap3A_460 {strides = array<i32>} : memref<128xi32, #tpu.memory_space<vmem>>, vector<16xi32>,
          %get3A_461 = arith.constant 0 : i32
          %get3A_462 = arith.constant 0 : i32
          %get3A_463 = tpu.memref_slice %arg9[%get3A_461, %get3A_462] : memref<2x128xi32, #tpu.memory_space<vmem>> -> memref<1x128xi32, #tpu.memory_space<vmem>>
          %get3A_464 = tpu.memref_squeeze %get3A_463 : memref<1x128xi32, #tpu.memory_space<vmem>> -> memref<128xi32, #tpu.memory_space<vmem>>
          %get3A_465 = arith.constant 48 : index
          %get3A_466 = tpu.vector_load %get3A_464[%get3A_465] {strides = array<i32>} : memref<128xi32, #tpu.memory_space<vmem>>, vector<16xi32>,
          %get3A_467 = vector.shape_cast %get3A_466 : vector<16xi32> to vector<16xi32>
          %iota3A_468 = tpu.iota {dimensions = array<i32: 0>} : vector<16xi32>
          %add3A_469 = arith.constant 48 : i32
          %add3A_470 = vector.broadcast %add3A_469 : i32 to vector<16xi32>
          %add3A_471 = arith.addi %iota3A_468, %add3A_470 : vector<16xi32>
          %lt3A_472 = arith.constant 96 : i32
          %lt3A_473 = vector.broadcast %lt3A_472 : i32 to vector<16xi32>
          %lt3A_474 = arith.cmpi slt, %add3A_471, %lt3A_473 : vector<16xi32>
          %jit3A_475 = arith.constant 256 : i32
          %broadcast_in_dim3A_476 = vector.broadcast %jit3A_475 : i32 to vector<16xi32>
          %select_n3A_477 = arith.select %lt3A_474, %broadcast_in_dim3A_476, %get3A_467 : vector<16xi1>, vector<16xi32>
          %swap3A_478 = arith.constant 0 : i32
          %swap3A_479 = arith.constant 0 : i32
          %swap3A_480 = tpu.memref_slice %arg9[%swap3A_478, %swap3A_479] : memref<2x128xi32, #tpu.memory_space<vmem>> -> memref<1x128xi32, #tpu.memory_space<vmem>>
          %swap3A_481 = tpu.memref_squeeze %swap3A_480 : memref<1x128xi32, #tpu.memory_space<vmem>> -> memref<128xi32, #tpu.memory_space<vmem>>
          %swap3A_482 = arith.constant 48 : index
          %swap3A_483 = tpu.vector_load %swap3A_481[%swap3A_482] {strides = array<i32>} : memref<128xi32, #tpu.memory_space<vmem>>, vector<16xi32>,
          %swap3A_484 = vector.shape_cast %swap3A_483 : vector<16xi32> to vector<16xi32>
          %swap3A_485 = vector.shape_cast %select_n3A_477 : vector<16xi32> to vector<16xi32>
          tpu.vector_store %swap3A_481[%swap3A_482], %swap3A_485 {strides = array<i32>} : memref<128xi32, #tpu.memory_space<vmem>>, vector<16xi32>,
          %get3A_486 = arith.constant 0 : i32
          %get3A_487 = arith.constant 0 : i32
          %get3A_488 = tpu.memref_slice %arg9[%get3A_486, %get3A_487] : memref<2x128xi32, #tpu.memory_space<vmem>> -> memref<1x128xi32, #tpu.memory_space<vmem>>
          %get3A_489 = tpu.memref_squeeze %get3A_488 : memref<1x128xi32, #tpu.memory_space<vmem>> -> memref<128xi32, #tpu.memory_space<vmem>>
          %get3A_490 = arith.constant 64 : index
          %get3A_491 = tpu.vector_load %get3A_489[%get3A_490] {strides = array<i32>} : memref<128xi32, #tpu.memory_space<vmem>>, vector<16xi32>,
          %get3A_492 = vector.shape_cast %get3A_491 : vector<16xi32> to vector<16xi32>
          %iota3A_493 = tpu.iota {dimensions = array<i32: 0>} : vector<16xi32>
          %add3A_494 = arith.constant 64 : i32
          %add3A_495 = vector.broadcast %add3A_494 : i32 to vector<16xi32>
          %add3A_496 = arith.addi %iota3A_493, %add3A_495 : vector<16xi32>
          %lt3A_497 = arith.constant 96 : i32
          %lt3A_498 = vector.broadcast %lt3A_497 : i32 to vector<16xi32>
          %lt3A_499 = arith.cmpi slt, %add3A_496, %lt3A_498 : vector<16xi32>
          %jit3A_500 = arith.constant 256 : i32
          %broadcast_in_dim3A_501 = vector.broadcast %jit3A_500 : i32 to vector<16xi32>
          %select_n3A_502 = arith.select %lt3A_499, %broadcast_in_dim3A_501, %get3A_492 : vector<16xi1>, vector<16xi32>
          %swap3A_503 = arith.constant 0 : i32
          %swap3A_504 = arith.constant 0 : i32
          %swap3A_505 = tpu.memref_slice %arg9[%swap3A_503, %swap3A_504] : memref<2x128xi32, #tpu.memory_space<vmem>> -> memref<1x128xi32, #tpu.memory_space<vmem>>
          %swap3A_506 = tpu.memref_squeeze %swap3A_505 : memref<1x128xi32, #tpu.memory_space<vmem>> -> memref<128xi32, #tpu.memory_space<vmem>>
          %swap3A_507 = arith.constant 64 : index
          %swap3A_508 = tpu.vector_load %swap3A_506[%swap3A_507] {strides = array<i32>} : memref<128xi32, #tpu.memory_space<vmem>>, vector<16xi32>,
          %swap3A_509 = vector.shape_cast %swap3A_508 : vector<16xi32> to vector<16xi32>
          %swap3A_510 = vector.shape_cast %select_n3A_502 : vector<16xi32> to vector<16xi32>
          tpu.vector_store %swap3A_506[%swap3A_507], %swap3A_510 {strides = array<i32>} : memref<128xi32, #tpu.memory_space<vmem>>, vector<16xi32>,
          %get3A_511 = arith.constant 0 : i32
          %get3A_512 = arith.constant 0 : i32
          %get3A_513 = tpu.memref_slice %arg9[%get3A_511, %get3A_512] : memref<2x128xi32, #tpu.memory_space<vmem>> -> memref<1x128xi32, #tpu.memory_space<vmem>>
          %get3A_514 = tpu.memref_squeeze %get3A_513 : memref<1x128xi32, #tpu.memory_space<vmem>> -> memref<128xi32, #tpu.memory_space<vmem>>
          %get3A_515 = arith.constant 80 : index
          %get3A_516 = tpu.vector_load %get3A_514[%get3A_515] {strides = array<i32>} : memref<128xi32, #tpu.memory_space<vmem>>, vector<16xi32>,
          %get3A_517 = vector.shape_cast %get3A_516 : vector<16xi32> to vector<16xi32>
          %iota3A_518 = tpu.iota {dimensions = array<i32: 0>} : vector<16xi32>
          %add3A_519 = arith.constant 80 : i32
          %add3A_520 = vector.broadcast %add3A_519 : i32 to vector<16xi32>
          %add3A_521 = arith.addi %iota3A_518, %add3A_520 : vector<16xi32>
          %lt3A_522 = arith.constant 96 : i32
          %lt3A_523 = vector.broadcast %lt3A_522 : i32 to vector<16xi32>
          %lt3A_524 = arith.cmpi slt, %add3A_521, %lt3A_523 : vector<16xi32>
          %jit3A_525 = arith.constant 256 : i32
          %broadcast_in_dim3A_526 = vector.broadcast %jit3A_525 : i32 to vector<16xi32>
          %select_n3A_527 = arith.select %lt3A_524, %broadcast_in_dim3A_526, %get3A_517 : vector<16xi1>, vector<16xi32>
          %swap3A_528 = arith.constant 0 : i32
          %swap3A_529 = arith.constant 0 : i32
          %swap3A_530 = tpu.memref_slice %arg9[%swap3A_528, %swap3A_529] : memref<2x128xi32, #tpu.memory_space<vmem>> -> memref<1x128xi32, #tpu.memory_space<vmem>>
          %swap3A_531 = tpu.memref_squeeze %swap3A_530 : memref<1x128xi32, #tpu.memory_space<vmem>> -> memref<128xi32, #tpu.memory_space<vmem>>
          %swap3A_532 = arith.constant 80 : index
          %swap3A_533 = tpu.vector_load %swap3A_531[%swap3A_532] {strides = array<i32>} : memref<128xi32, #tpu.memory_space<vmem>>, vector<16xi32>,
          %swap3A_534 = vector.shape_cast %swap3A_533 : vector<16xi32> to vector<16xi32>
          %swap3A_535 = vector.shape_cast %select_n3A_527 : vector<16xi32> to vector<16xi32>
          tpu.vector_store %swap3A_531[%swap3A_532], %swap3A_535 {strides = array<i32>} : memref<128xi32, #tpu.memory_space<vmem>>, vector<16xi32>,
          %get3A_536 = arith.constant 0 : i32
          %get3A_537 = arith.constant 0 : i32
          %get3A_538 = tpu.memref_slice %arg9[%get3A_536, %get3A_537] : memref<2x128xi32, #tpu.memory_space<vmem>> -> memref<1x128xi32, #tpu.memory_space<vmem>>
          %get3A_539 = tpu.memref_squeeze %get3A_538 : memref<1x128xi32, #tpu.memory_space<vmem>> -> memref<128xi32, #tpu.memory_space<vmem>>
          %get3A_540 = arith.constant 96 : index
          %get3A_541 = tpu.vector_load %get3A_539[%get3A_540] {strides = array<i32>} : memref<128xi32, #tpu.memory_space<vmem>>, vector<16xi32>,
          %get3A_542 = vector.shape_cast %get3A_541 : vector<16xi32> to vector<16xi32>
          %iota3A_543 = tpu.iota {dimensions = array<i32: 0>} : vector<16xi32>
          %add3A_544 = arith.constant 96 : i32
          %add3A_545 = vector.broadcast %add3A_544 : i32 to vector<16xi32>
          %add3A_546 = arith.addi %iota3A_543, %add3A_545 : vector<16xi32>
          %lt3A_547 = arith.constant 96 : i32
          %lt3A_548 = vector.broadcast %lt3A_547 : i32 to vector<16xi32>
          %lt3A_549 = arith.cmpi slt, %add3A_546, %lt3A_548 : vector<16xi32>
          %jit3A_550 = arith.constant 256 : i32
          %broadcast_in_dim3A_551 = vector.broadcast %jit3A_550 : i32 to vector<16xi32>
          %select_n3A_552 = arith.select %lt3A_549, %broadcast_in_dim3A_551, %get3A_542 : vector<16xi1>, vector<16xi32>
          %swap3A_553 = arith.constant 0 : i32
          %swap3A_554 = arith.constant 0 : i32
          %swap3A_555 = tpu.memref_slice %arg9[%swap3A_553, %swap3A_554] : memref<2x128xi32, #tpu.memory_space<vmem>> -> memref<1x128xi32, #tpu.memory_space<vmem>>
          %swap3A_556 = tpu.memref_squeeze %swap3A_555 : memref<1x128xi32, #tpu.memory_space<vmem>> -> memref<128xi32, #tpu.memory_space<vmem>>
          %swap3A_557 = arith.constant 96 : index
          %swap3A_558 = tpu.vector_load %swap3A_556[%swap3A_557] {strides = array<i32>} : memref<128xi32, #tpu.memory_space<vmem>>, vector<16xi32>,
          %swap3A_559 = vector.shape_cast %swap3A_558 : vector<16xi32> to vector<16xi32>
          %swap3A_560 = vector.shape_cast %select_n3A_552 : vector<16xi32> to vector<16xi32>
          tpu.vector_store %swap3A_556[%swap3A_557], %swap3A_560 {strides = array<i32>} : memref<128xi32, #tpu.memory_space<vmem>>, vector<16xi32>,
          %get3A_561 = arith.constant 0 : i32
          %get3A_562 = arith.constant 0 : i32
          %get3A_563 = tpu.memref_slice %arg9[%get3A_561, %get3A_562] : memref<2x128xi32, #tpu.memory_space<vmem>> -> memref<1x128xi32, #tpu.memory_space<vmem>>
          %get3A_564 = tpu.memref_squeeze %get3A_563 : memref<1x128xi32, #tpu.memory_space<vmem>> -> memref<128xi32, #tpu.memory_space<vmem>>
          %get3A_565 = arith.constant 112 : index
          %get3A_566 = tpu.vector_load %get3A_564[%get3A_565] {strides = array<i32>} : memref<128xi32, #tpu.memory_space<vmem>>, vector<16xi32>,
          %get3A_567 = vector.shape_cast %get3A_566 : vector<16xi32> to vector<16xi32>
          %iota3A_568 = tpu.iota {dimensions = array<i32: 0>} : vector<16xi32>
          %add3A_569 = arith.constant 112 : i32
          %add3A_570 = vector.broadcast %add3A_569 : i32 to vector<16xi32>
          %add3A_571 = arith.addi %iota3A_568, %add3A_570 : vector<16xi32>
          %lt3A_572 = arith.constant 96 : i32
          %lt3A_573 = vector.broadcast %lt3A_572 : i32 to vector<16xi32>
          %lt3A_574 = arith.cmpi slt, %add3A_571, %lt3A_573 : vector<16xi32>
          %jit3A_575 = arith.constant 256 : i32
          %broadcast_in_dim3A_576 = vector.broadcast %jit3A_575 : i32 to vector<16xi32>
          %select_n3A_577 = arith.select %lt3A_574, %broadcast_in_dim3A_576, %get3A_567 : vector<16xi1>, vector<16xi32>
          %swap3A_578 = arith.constant 0 : i32
          %swap3A_579 = arith.constant 0 : i32
          %swap3A_580 = tpu.memref_slice %arg9[%swap3A_578, %swap3A_579] : memref<2x128xi32, #tpu.memory_space<vmem>> -> memref<1x128xi32, #tpu.memory_space<vmem>>
          %swap3A_581 = tpu.memref_squeeze %swap3A_580 : memref<1x128xi32, #tpu.memory_space<vmem>> -> memref<128xi32, #tpu.memory_space<vmem>>
          %swap3A_582 = arith.constant 112 : index
          %swap3A_583 = tpu.vector_load %swap3A_581[%swap3A_582] {strides = array<i32>} : memref<128xi32, #tpu.memory_space<vmem>>, vector<16xi32>,
          %swap3A_584 = vector.shape_cast %swap3A_583 : vector<16xi32> to vector<16xi32>
          %swap3A_585 = vector.shape_cast %select_n3A_577 : vector<16xi32> to vector<16xi32>
          tpu.vector_store %swap3A_581[%swap3A_582], %swap3A_585 {strides = array<i32>} : memref<128xi32, #tpu.memory_space<vmem>>, vector<16xi32>,
        } else {
        }
        %run_scoped3A_379 = arith.constant 0 : i32
        %run_scoped3A_380 = arith.constant 0 : i32
        "tpu.region"() ({
          %run_scoped3A_388 = tpu.sem_alloc : memref<!tpu.dma_semaphore, #tpu.memory_space<semaphore_mem>>
          %dma_start3A_389 = arith.constant 0 : i32
          %dma_start3A_390 = arith.constant 0 : i32
          %dma_start3A_391 = tpu.memref_slice %arg10[%run_scoped3A_379, %dma_start3A_389, %dma_start3A_390] : memref<2x128x128xf32, #tpu.memory_space<vmem>> -> memref<1x128x128xf32, #tpu.memory_space<vmem>>
          %dma_start3A_392 = tpu.memref_squeeze %dma_start3A_391 : memref<1x128x128xf32, #tpu.memory_space<vmem>> -> memref<128x128xf32, #tpu.memory_space<vmem>>
          %dma_start3A_393 = arith.constant 0 : i32
          %dma_start3A_394 = tpu.memref_slice %arg9[%run_scoped3A_380, %dma_start3A_393] : memref<2x128xi32, #tpu.memory_space<vmem>> -> memref<1x128xi32, #tpu.memory_space<vmem>>
          %dma_start3A_395 = tpu.memref_squeeze %dma_start3A_394 : memref<1x128xi32, #tpu.memory_space<vmem>> -> memref<128xi32, #tpu.memory_space<vmem>>
          %dma_start3A_396 = arith.constant 0 : i32
          %dma_start3A_397 = arith.constant 0 : i32
          %dma_start3A_398 = tpu.memref_slice %arg13[%while3A, %dma_start3A_396, %dma_start3A_397] : memref<2x264x128xf32, #tpu.memory_space<vmem_shared>> -> memref<1x264x128xf32, #tpu.memory_space<vmem_shared>>
          %dma_start3A_399 = tpu.memref_squeeze %dma_start3A_398 : memref<1x264x128xf32, #tpu.memory_space<vmem_shared>> -> memref<264x128xf32, #tpu.memory_space<vmem_shared>>
          %dma_start3A_400 = arith.constant 0 : i32
          %dma_start3A_401 = arith.constant 0 : i32
          %dma_start3A_402 = tpu.memref_slice %dma_start3A_399[%dma_start3A_400, %dma_start3A_401] : memref<264x128xf32, #tpu.memory_space<vmem_shared>> -> memref<264x128xf32, #tpu.memory_space<vmem_shared>>
          tpu.enqueue_indirect_dma source(%dma_start3A_392 : memref<128x128xf32, #tpu.memory_space<vmem>>) target(%dma_start3A_402 : memref<264x128xf32, #tpu.memory_space<vmem_shared>>) offsets(%dma_start3A_395 : memref<128xi32, #tpu.memory_space<vmem>>) semaphore(%run_scoped3A_388 : memref<!tpu.dma_semaphore, #tpu.memory_space<semaphore_mem>>) {add = true}
          %dma_wait3A_403 = arith.constant 0 : i32
          %dma_wait3A_404 = arith.constant 0 : i32
          %dma_wait3A_405 = tpu.memref_slice %arg10[%run_scoped3A_379, %dma_wait3A_403, %dma_wait3A_404] : memref<2x128x128xf32, #tpu.memory_space<vmem>> -> memref<1x128x128xf32, #tpu.memory_space<vmem>>
          %dma_wait3A_406 = tpu.memref_squeeze %dma_wait3A_405 : memref<1x128x128xf32, #tpu.memory_space<vmem>> -> memref<128x128xf32, #tpu.memory_space<vmem>>
          %dma_wait3A_407 = arith.constant 0 : i32
          %dma_wait3A_408 = tpu.memref_slice %arg9[%run_scoped3A_380, %dma_wait3A_407] : memref<2x128xi32, #tpu.memory_space<vmem>> -> memref<1x128xi32, #tpu.memory_space<vmem>>
          %dma_wait3A_409 = tpu.memref_squeeze %dma_wait3A_408 : memref<1x128xi32, #tpu.memory_space<vmem>> -> memref<128xi32, #tpu.memory_space<vmem>>
          %dma_wait3A_410 = arith.constant 0 : i32
          %dma_wait3A_411 = arith.constant 0 : i32
          %dma_wait3A_412 = tpu.memref_slice %arg13[%while3A, %dma_wait3A_410, %dma_wait3A_411] : memref<2x264x128xf32, #tpu.memory_space<vmem_shared>> -> memref<1x264x128xf32, #tpu.memory_space<vmem_shared>>
          %dma_wait3A_413 = tpu.memref_squeeze %dma_wait3A_412 : memref<1x264x128xf32, #tpu.memory_space<vmem_shared>> -> memref<264x128xf32, #tpu.memory_space<vmem_shared>>
          %dma_wait3A_414 = arith.constant 0 : i32
          %dma_wait3A_415 = arith.constant 0 : i32
          %dma_wait3A_416 = tpu.memref_slice %dma_wait3A_413[%dma_wait3A_414, %dma_wait3A_415] : memref<264x128xf32, #tpu.memory_space<vmem_shared>> -> memref<264x128xf32, #tpu.memory_space<vmem_shared>>
          tpu.wait_indirect_dma semaphore(%run_scoped3A_388 : memref<!tpu.dma_semaphore, #tpu.memory_space<semaphore_mem>>) src(%dma_wait3A_406 : memref<128x128xf32, #tpu.memory_space<vmem>>) dst(%dma_wait3A_416 : memref<264x128xf32, #tpu.memory_space<vmem_shared>>)
          tpu.yield
        }) : () -> ()
        %run_scoped3A_381 = arith.constant 0 : i32
        "tpu.region"() ({
          %run_scoped3A_388 = tpu.sem_alloc : memref<!tpu.dma_semaphore, #tpu.memory_space<semaphore_mem>>
          %dma_start3A_389 = arith.constant 0 : i32
          %dma_start3A_390 = tpu.memref_slice %arg9[%run_scoped3A_381, %dma_start3A_389] : memref<2x128xi32, #tpu.memory_space<vmem>> -> memref<1x128xi32, #tpu.memory_space<vmem>>
          %dma_start3A_391 = tpu.memref_squeeze %dma_start3A_390 : memref<1x128xi32, #tpu.memory_space<vmem>> -> memref<128xi32, #tpu.memory_space<vmem>>
          %dma_start3A_392 = arith.constant 0 : i32
          %dma_start3A_393 = tpu.memref_slice %arg14[%dma_start3A_392] : memref<384xf32, #tpu.memory_space<vmem_shared>> -> memref<384xf32, #tpu.memory_space<vmem_shared>>
          tpu.enqueue_indirect_dma source(%arg11 : memref<128xf32, #tpu.memory_space<vmem>>) target(%dma_start3A_393 : memref<384xf32, #tpu.memory_space<vmem_shared>>) offsets(%dma_start3A_391 : memref<128xi32, #tpu.memory_space<vmem>>) semaphore(%run_scoped3A_388 : memref<!tpu.dma_semaphore, #tpu.memory_space<semaphore_mem>>) {add = true}
          %dma_wait3A_394 = arith.constant 0 : i32
          %dma_wait3A_395 = tpu.memref_slice %arg9[%run_scoped3A_381, %dma_wait3A_394] : memref<2x128xi32, #tpu.memory_space<vmem>> -> memref<1x128xi32, #tpu.memory_space<vmem>>
          %dma_wait3A_396 = tpu.memref_squeeze %dma_wait3A_395 : memref<1x128xi32, #tpu.memory_space<vmem>> -> memref<128xi32, #tpu.memory_space<vmem>>
          %dma_wait3A_397 = arith.constant 0 : i32
          %dma_wait3A_398 = tpu.memref_slice %arg14[%dma_wait3A_397] : memref<384xf32, #tpu.memory_space<vmem_shared>> -> memref<384xf32, #tpu.memory_space<vmem_shared>>
          tpu.wait_indirect_dma semaphore(%run_scoped3A_388 : memref<!tpu.dma_semaphore, #tpu.memory_space<semaphore_mem>>) src(%arg11 : memref<128xf32, #tpu.memory_space<vmem>>) dst(%dma_wait3A_398 : memref<384xf32, #tpu.memory_space<vmem_shared>>)
          tpu.yield
        }) : () -> ()
        %add3A_382 = arith.constant 2 : i32
        %add3A_383 = arith.addi %add3A_323, %add3A_382 : i32
        %lt3A_384 = arith.cmpi slt, %add3A_383, %select_n3A : i32
        %convert_element_type3A_385 = arith.extui %lt3A_384 : i1 to i32
        %cond3A_386 = arith.constant 0 : i32
        %cond3A_387 = arith.cmpi ne, %convert_element_type3A_385, %cond3A_386 : i32
        scf.if %cond3A_387 {
          %add3A_388 = arith.constant 2 : i32
          %add3A_389 = arith.addi %add3A_323, %add3A_388 : i32
          %mul3A_390 = arith.constant 32 : i32
          %mul3A_391 = arith.muli %add3A_389, %mul3A_390 : i32
          %add3A_392 = arith.addi %add3A, %mul3A_391 : i32
          %eq3A_393 = arith.constant 781 : i32
          %eq3A_394 = arith.cmpi eq, %add3A_392, %eq3A_393 : i32
          %mul3A_395 = arith.constant 128 : i32
          %mul3A_396 = arith.muli %add3A_392, %mul3A_395 : i32
          %jit3A_397 = arith.constant 99872 : i32
          %select_n3A_398 = arith.select %eq3A_394, %jit3A_397, %mul3A_396 : i32
          %dma_start3A_399 = arith.constant 0 : i32
          %dma_start3A_400 = arith.constant 0 : i32
          %dma_start3A_401 = arith.constant 0 : i32
          %dma_start3A_402 = tpu.memref_slice %arg9[%dma_start3A_399, %dma_start3A_401] : memref<2x128xi32, #tpu.memory_space<vmem>> -> memref<1x128xi32, #tpu.memory_space<vmem>>
          %dma_start3A_403 = tpu.memref_squeeze %dma_start3A_402 : memref<1x128xi32, #tpu.memory_space<vmem>> -> memref<128xi32, #tpu.memory_space<vmem>>
          %dma_start3A_404 = tpu.memref_slice %arg3[%select_n3A_398] : memref<100000xi32, #tpu.memory_space<hbm>> -> memref<128xi32, #tpu.memory_space<hbm>>
          %dma_start3A_405 = tpu.memref_slice %arg16[%dma_start3A_400] : memref<2x!tpu.dma_semaphore, #tpu.memory_space<semaphore_mem>> -> memref<1x!tpu.dma_semaphore, #tpu.memory_space<semaphore_mem>>
          %dma_start3A_406 = tpu.memref_squeeze %dma_start3A_405 : memref<1x!tpu.dma_semaphore, #tpu.memory_space<semaphore_mem>> -> memref<!tpu.dma_semaphore, #tpu.memory_space<semaphore_mem>>
          %dma_start3A_407 = arith.constant 0 : i32
          %dma_start3A_408 = tpu.memref_slice %arg9[%dma_start3A_399, %dma_start3A_407] : memref<2x128xi32, #tpu.memory_space<vmem>> -> memref<1x128xi32, #tpu.memory_space<vmem>>
          %dma_start3A_409 = tpu.memref_squeeze %dma_start3A_408 : memref<1x128xi32, #tpu.memory_space<vmem>> -> memref<128xi32, #tpu.memory_space<vmem>>
          %dma_start3A_410 = tpu.memref_slice %arg3[%select_n3A_398] : memref<100000xi32, #tpu.memory_space<hbm>> -> memref<128xi32, #tpu.memory_space<hbm>>
          tpu.enqueue_dma source(%dma_start3A_410 : memref<128xi32, #tpu.memory_space<hbm>>) target(%dma_start3A_409 : memref<128xi32, #tpu.memory_space<vmem>>) target_semaphore(%dma_start3A_406 : memref<!tpu.dma_semaphore, #tpu.memory_space<semaphore_mem>>)
          %dma_start3A_411 = arith.constant 0 : i32
          %dma_start3A_412 = arith.constant 0 : i32
          %dma_start3A_413 = arith.constant 0 : i32
          %dma_start3A_414 = arith.constant 0 : i32
          %dma_start3A_415 = tpu.memref_slice %arg10[%dma_start3A_411, %dma_start3A_413, %dma_start3A_414] : memref<2x128x128xf32, #tpu.memory_space<vmem>> -> memref<1x128x128xf32, #tpu.memory_space<vmem>>
          %dma_start3A_416 = tpu.memref_squeeze %dma_start3A_415 : memref<1x128x128xf32, #tpu.memory_space<vmem>> -> memref<128x128xf32, #tpu.memory_space<vmem>>
          %dma_start3A_417 = arith.constant 0 : i32
          %dma_start3A_418 = tpu.memref_slice %arg2[%select_n3A_398, %dma_start3A_417] : memref<100000x128xf32, #tpu.memory_space<hbm>> -> memref<128x128xf32, #tpu.memory_space<hbm>>
          %dma_start3A_419 = tpu.memref_slice %arg16[%dma_start3A_412] : memref<2x!tpu.dma_semaphore, #tpu.memory_space<semaphore_mem>> -> memref<1x!tpu.dma_semaphore, #tpu.memory_space<semaphore_mem>>
          %dma_start3A_420 = tpu.memref_squeeze %dma_start3A_419 : memref<1x!tpu.dma_semaphore, #tpu.memory_space<semaphore_mem>> -> memref<!tpu.dma_semaphore, #tpu.memory_space<semaphore_mem>>
          %dma_start3A_421 = arith.constant 0 : i32
          %dma_start3A_422 = arith.constant 0 : i32
          %dma_start3A_423 = tpu.memref_slice %arg10[%dma_start3A_411, %dma_start3A_421, %dma_start3A_422] : memref<2x128x128xf32, #tpu.memory_space<vmem>> -> memref<1x128x128xf32, #tpu.memory_space<vmem>>
          %dma_start3A_424 = tpu.memref_squeeze %dma_start3A_423 : memref<1x128x128xf32, #tpu.memory_space<vmem>> -> memref<128x128xf32, #tpu.memory_space<vmem>>
          %dma_start3A_425 = arith.constant 0 : i32
          %dma_start3A_426 = tpu.memref_slice %arg2[%select_n3A_398, %dma_start3A_425] : memref<100000x128xf32, #tpu.memory_space<hbm>> -> memref<128x128xf32, #tpu.memory_space<hbm>>
          tpu.enqueue_dma source(%dma_start3A_426 : memref<128x128xf32, #tpu.memory_space<hbm>>) target(%dma_start3A_424 : memref<128x128xf32, #tpu.memory_space<vmem>>) target_semaphore(%dma_start3A_420 : memref<!tpu.dma_semaphore, #tpu.memory_space<semaphore_mem>>)
        } else {
        }
      } else {
      }
      %mul3A_327 = arith.constant 2 : i32
      %mul3A_328 = arith.muli %mul3A_327, %while3A_318 : i32
      %add3A_329 = arith.constant 1 : i32
      %add3A_330 = arith.addi %mul3A_328, %add3A_329 : i32
      %lt3A_331 = arith.cmpi slt, %add3A_330, %select_n3A : i32
      %convert_element_type3A_332 = arith.extui %lt3A_331 : i1 to i32
      %cond3A_333 = arith.constant 0 : i32
      %cond3A_334 = arith.cmpi ne, %convert_element_type3A_332, %cond3A_333 : i32
      scf.if %cond3A_334 {
        %dma_wait3A = arith.constant 1 : i32
        %dma_wait3A_336 = arith.constant 1 : i32
        %dma_wait3A_337 = arith.constant 0 : i32
        %dma_wait3A_338 = tpu.memref_slice %arg9[%dma_wait3A, %dma_wait3A_337] : memref<2x128xi32, #tpu.memory_space<vmem>> -> memref<1x128xi32, #tpu.memory_space<vmem>>
        %dma_wait3A_339 = tpu.memref_squeeze %dma_wait3A_338 : memref<1x128xi32, #tpu.memory_space<vmem>> -> memref<128xi32, #tpu.memory_space<vmem>>
        %dma_wait3A_340 = arith.constant 0 : i32
        %dma_wait3A_341 = tpu.memref_slice %arg3[%dma_wait3A_340] : memref<100000xi32, #tpu.memory_space<hbm>> -> memref<128xi32, #tpu.memory_space<hbm>>
        %dma_wait3A_342 = tpu.memref_slice %arg16[%dma_wait3A_336] : memref<2x!tpu.dma_semaphore, #tpu.memory_space<semaphore_mem>> -> memref<1x!tpu.dma_semaphore, #tpu.memory_space<semaphore_mem>>
        %dma_wait3A_343 = tpu.memref_squeeze %dma_wait3A_342 : memref<1x!tpu.dma_semaphore, #tpu.memory_space<semaphore_mem>> -> memref<!tpu.dma_semaphore, #tpu.memory_space<semaphore_mem>>
        %dma_wait3A_344 = arith.constant 0 : i32
        %dma_wait3A_345 = tpu.memref_slice %arg9[%dma_wait3A, %dma_wait3A_344] : memref<2x128xi32, #tpu.memory_space<vmem>> -> memref<1x128xi32, #tpu.memory_space<vmem>>
        %dma_wait3A_346 = tpu.memref_squeeze %dma_wait3A_345 : memref<1x128xi32, #tpu.memory_space<vmem>> -> memref<128xi32, #tpu.memory_space<vmem>>
        %dma_wait3A_347 = arith.constant 0 : i32
        %dma_wait3A_348 = tpu.memref_slice %arg3[%dma_wait3A_347] : memref<100000xi32, #tpu.memory_space<hbm>> -> memref<128xi32, #tpu.memory_space<hbm>>
        tpu.wait_dma2 semaphore(%dma_wait3A_343 : memref<!tpu.dma_semaphore, #tpu.memory_space<semaphore_mem>>) src(%dma_wait3A_348 : memref<128xi32, #tpu.memory_space<hbm>>) dst(%dma_wait3A_346 : memref<128xi32, #tpu.memory_space<vmem>>)
        %dma_wait3A_349 = arith.constant 1 : i32
        %dma_wait3A_350 = arith.constant 1 : i32
        %dma_wait3A_351 = arith.constant 0 : i32
        %dma_wait3A_352 = arith.constant 0 : i32
        %dma_wait3A_353 = tpu.memref_slice %arg10[%dma_wait3A_349, %dma_wait3A_351, %dma_wait3A_352] : memref<2x128x128xf32, #tpu.memory_space<vmem>> -> memref<1x128x128xf32, #tpu.memory_space<vmem>>
        %dma_wait3A_354 = tpu.memref_squeeze %dma_wait3A_353 : memref<1x128x128xf32, #tpu.memory_space<vmem>> -> memref<128x128xf32, #tpu.memory_space<vmem>>
        %dma_wait3A_355 = arith.constant 0 : i32
        %dma_wait3A_356 = arith.constant 0 : i32
        %dma_wait3A_357 = tpu.memref_slice %arg2[%dma_wait3A_355, %dma_wait3A_356] : memref<100000x128xf32, #tpu.memory_space<hbm>> -> memref<128x128xf32, #tpu.memory_space<hbm>>
        %dma_wait3A_358 = tpu.memref_slice %arg16[%dma_wait3A_350] : memref<2x!tpu.dma_semaphore, #tpu.memory_space<semaphore_mem>> -> memref<1x!tpu.dma_semaphore, #tpu.memory_space<semaphore_mem>>
        %dma_wait3A_359 = tpu.memref_squeeze %dma_wait3A_358 : memref<1x!tpu.dma_semaphore, #tpu.memory_space<semaphore_mem>> -> memref<!tpu.dma_semaphore, #tpu.memory_space<semaphore_mem>>
        %dma_wait3A_360 = arith.constant 0 : i32
        %dma_wait3A_361 = arith.constant 0 : i32
        %dma_wait3A_362 = tpu.memref_slice %arg10[%dma_wait3A_349, %dma_wait3A_360, %dma_wait3A_361] : memref<2x128x128xf32, #tpu.memory_space<vmem>> -> memref<1x128x128xf32, #tpu.memory_space<vmem>>
        %dma_wait3A_363 = tpu.memref_squeeze %dma_wait3A_362 : memref<1x128x128xf32, #tpu.memory_space<vmem>> -> memref<128x128xf32, #tpu.memory_space<vmem>>
        %dma_wait3A_364 = arith.constant 0 : i32
        %dma_wait3A_365 = arith.constant 0 : i32
        %dma_wait3A_366 = tpu.memref_slice %arg2[%dma_wait3A_364, %dma_wait3A_365] : memref<100000x128xf32, #tpu.memory_space<hbm>> -> memref<128x128xf32, #tpu.memory_space<hbm>>
        tpu.wait_dma2 semaphore(%dma_wait3A_359 : memref<!tpu.dma_semaphore, #tpu.memory_space<semaphore_mem>>) src(%dma_wait3A_366 : memref<128x128xf32, #tpu.memory_space<hbm>>) dst(%dma_wait3A_363 : memref<128x128xf32, #tpu.memory_space<vmem>>)
        %mul3A_367 = arith.constant 32 : i32
        %mul3A_368 = arith.muli %add3A_330, %mul3A_367 : i32
        %add3A_369 = arith.addi %add3A, %mul3A_368 : i32
        %eq3A_370 = arith.constant 781 : i32
        %eq3A_371 = arith.cmpi eq, %add3A_369, %eq3A_370 : i32
        %mul3A_372 = arith.constant 128 : i32
        %mul3A_373 = arith.muli %add3A_369, %mul3A_372 : i32
        %jit3A_374 = arith.constant 99872 : i32
        %select_n3A_375 = arith.select %eq3A_371, %jit3A_374, %mul3A_373 : i32
        %convert_element_type3A_376 = arith.extui %eq3A_371 : i1 to i32
        %cond3A_377 = arith.constant 0 : i32
        %cond3A_378 = arith.cmpi ne, %convert_element_type3A_376, %cond3A_377 : i32
        scf.if %cond3A_378 {
          %get3A = arith.constant 1 : i32
          %get3A_388 = arith.constant 0 : i32
          %get3A_389 = tpu.memref_slice %arg9[%get3A, %get3A_388] : memref<2x128xi32, #tpu.memory_space<vmem>> -> memref<1x128xi32, #tpu.memory_space<vmem>>
          %get3A_390 = tpu.memref_squeeze %get3A_389 : memref<1x128xi32, #tpu.memory_space<vmem>> -> memref<128xi32, #tpu.memory_space<vmem>>
          %get3A_391 = arith.constant 0 : index
          %get3A_392 = tpu.vector_load %get3A_390[%get3A_391] {strides = array<i32>} : memref<128xi32, #tpu.memory_space<vmem>>, vector<16xi32>,
          %get3A_393 = vector.shape_cast %get3A_392 : vector<16xi32> to vector<16xi32>
          %iota3A = tpu.iota {dimensions = array<i32: 0>} : vector<16xi32>
          %add3A_394 = arith.constant 0 : i32
          %add3A_395 = vector.broadcast %add3A_394 : i32 to vector<16xi32>
          %add3A_396 = arith.addi %iota3A, %add3A_395 : vector<16xi32>
          %lt3A_397 = arith.constant 96 : i32
          %lt3A_398 = vector.broadcast %lt3A_397 : i32 to vector<16xi32>
          %lt3A_399 = arith.cmpi slt, %add3A_396, %lt3A_398 : vector<16xi32>
          %jit3A_400 = arith.constant 256 : i32
          %broadcast_in_dim3A_401 = vector.broadcast %jit3A_400 : i32 to vector<16xi32>
          %select_n3A_402 = arith.select %lt3A_399, %broadcast_in_dim3A_401, %get3A_393 : vector<16xi1>, vector<16xi32>
          %swap3A_403 = arith.constant 1 : i32
          %swap3A_404 = arith.constant 0 : i32
          %swap3A_405 = tpu.memref_slice %arg9[%swap3A_403, %swap3A_404] : memref<2x128xi32, #tpu.memory_space<vmem>> -> memref<1x128xi32, #tpu.memory_space<vmem>>
          %swap3A_406 = tpu.memref_squeeze %swap3A_405 : memref<1x128xi32, #tpu.memory_space<vmem>> -> memref<128xi32, #tpu.memory_space<vmem>>
          %swap3A_407 = arith.constant 0 : index
          %swap3A_408 = tpu.vector_load %swap3A_406[%swap3A_407] {strides = array<i32>} : memref<128xi32, #tpu.memory_space<vmem>>, vector<16xi32>,
          %swap3A_409 = vector.shape_cast %swap3A_408 : vector<16xi32> to vector<16xi32>
          %swap3A_410 = vector.shape_cast %select_n3A_402 : vector<16xi32> to vector<16xi32>
          tpu.vector_store %swap3A_406[%swap3A_407], %swap3A_410 {strides = array<i32>} : memref<128xi32, #tpu.memory_space<vmem>>, vector<16xi32>,
          %get3A_411 = arith.constant 1 : i32
          %get3A_412 = arith.constant 0 : i32
          %get3A_413 = tpu.memref_slice %arg9[%get3A_411, %get3A_412] : memref<2x128xi32, #tpu.memory_space<vmem>> -> memref<1x128xi32, #tpu.memory_space<vmem>>
          %get3A_414 = tpu.memref_squeeze %get3A_413 : memref<1x128xi32, #tpu.memory_space<vmem>> -> memref<128xi32, #tpu.memory_space<vmem>>
          %get3A_415 = arith.constant 16 : index
          %get3A_416 = tpu.vector_load %get3A_414[%get3A_415] {strides = array<i32>} : memref<128xi32, #tpu.memory_space<vmem>>, vector<16xi32>,
          %get3A_417 = vector.shape_cast %get3A_416 : vector<16xi32> to vector<16xi32>
          %iota3A_418 = tpu.iota {dimensions = array<i32: 0>} : vector<16xi32>
          %add3A_419 = arith.constant 16 : i32
          %add3A_420 = vector.broadcast %add3A_419 : i32 to vector<16xi32>
          %add3A_421 = arith.addi %iota3A_418, %add3A_420 : vector<16xi32>
          %lt3A_422 = arith.constant 96 : i32
          %lt3A_423 = vector.broadcast %lt3A_422 : i32 to vector<16xi32>
          %lt3A_424 = arith.cmpi slt, %add3A_421, %lt3A_423 : vector<16xi32>
          %jit3A_425 = arith.constant 256 : i32
          %broadcast_in_dim3A_426 = vector.broadcast %jit3A_425 : i32 to vector<16xi32>
          %select_n3A_427 = arith.select %lt3A_424, %broadcast_in_dim3A_426, %get3A_417 : vector<16xi1>, vector<16xi32>
          %swap3A_428 = arith.constant 1 : i32
          %swap3A_429 = arith.constant 0 : i32
          %swap3A_430 = tpu.memref_slice %arg9[%swap3A_428, %swap3A_429] : memref<2x128xi32, #tpu.memory_space<vmem>> -> memref<1x128xi32, #tpu.memory_space<vmem>>
          %swap3A_431 = tpu.memref_squeeze %swap3A_430 : memref<1x128xi32, #tpu.memory_space<vmem>> -> memref<128xi32, #tpu.memory_space<vmem>>
          %swap3A_432 = arith.constant 16 : index
          %swap3A_433 = tpu.vector_load %swap3A_431[%swap3A_432] {strides = array<i32>} : memref<128xi32, #tpu.memory_space<vmem>>, vector<16xi32>,
          %swap3A_434 = vector.shape_cast %swap3A_433 : vector<16xi32> to vector<16xi32>
          %swap3A_435 = vector.shape_cast %select_n3A_427 : vector<16xi32> to vector<16xi32>
          tpu.vector_store %swap3A_431[%swap3A_432], %swap3A_435 {strides = array<i32>} : memref<128xi32, #tpu.memory_space<vmem>>, vector<16xi32>,
          %get3A_436 = arith.constant 1 : i32
          %get3A_437 = arith.constant 0 : i32
          %get3A_438 = tpu.memref_slice %arg9[%get3A_436, %get3A_437] : memref<2x128xi32, #tpu.memory_space<vmem>> -> memref<1x128xi32, #tpu.memory_space<vmem>>
          %get3A_439 = tpu.memref_squeeze %get3A_438 : memref<1x128xi32, #tpu.memory_space<vmem>> -> memref<128xi32, #tpu.memory_space<vmem>>
          %get3A_440 = arith.constant 32 : index
          %get3A_441 = tpu.vector_load %get3A_439[%get3A_440] {strides = array<i32>} : memref<128xi32, #tpu.memory_space<vmem>>, vector<16xi32>,
          %get3A_442 = vector.shape_cast %get3A_441 : vector<16xi32> to vector<16xi32>
          %iota3A_443 = tpu.iota {dimensions = array<i32: 0>} : vector<16xi32>
          %add3A_444 = arith.constant 32 : i32
          %add3A_445 = vector.broadcast %add3A_444 : i32 to vector<16xi32>
          %add3A_446 = arith.addi %iota3A_443, %add3A_445 : vector<16xi32>
          %lt3A_447 = arith.constant 96 : i32
          %lt3A_448 = vector.broadcast %lt3A_447 : i32 to vector<16xi32>
          %lt3A_449 = arith.cmpi slt, %add3A_446, %lt3A_448 : vector<16xi32>
          %jit3A_450 = arith.constant 256 : i32
          %broadcast_in_dim3A_451 = vector.broadcast %jit3A_450 : i32 to vector<16xi32>
          %select_n3A_452 = arith.select %lt3A_449, %broadcast_in_dim3A_451, %get3A_442 : vector<16xi1>, vector<16xi32>
          %swap3A_453 = arith.constant 1 : i32
          %swap3A_454 = arith.constant 0 : i32
          %swap3A_455 = tpu.memref_slice %arg9[%swap3A_453, %swap3A_454] : memref<2x128xi32, #tpu.memory_space<vmem>> -> memref<1x128xi32, #tpu.memory_space<vmem>>
          %swap3A_456 = tpu.memref_squeeze %swap3A_455 : memref<1x128xi32, #tpu.memory_space<vmem>> -> memref<128xi32, #tpu.memory_space<vmem>>
          %swap3A_457 = arith.constant 32 : index
          %swap3A_458 = tpu.vector_load %swap3A_456[%swap3A_457] {strides = array<i32>} : memref<128xi32, #tpu.memory_space<vmem>>, vector<16xi32>,
          %swap3A_459 = vector.shape_cast %swap3A_458 : vector<16xi32> to vector<16xi32>
          %swap3A_460 = vector.shape_cast %select_n3A_452 : vector<16xi32> to vector<16xi32>
          tpu.vector_store %swap3A_456[%swap3A_457], %swap3A_460 {strides = array<i32>} : memref<128xi32, #tpu.memory_space<vmem>>, vector<16xi32>,
          %get3A_461 = arith.constant 1 : i32
          %get3A_462 = arith.constant 0 : i32
          %get3A_463 = tpu.memref_slice %arg9[%get3A_461, %get3A_462] : memref<2x128xi32, #tpu.memory_space<vmem>> -> memref<1x128xi32, #tpu.memory_space<vmem>>
          %get3A_464 = tpu.memref_squeeze %get3A_463 : memref<1x128xi32, #tpu.memory_space<vmem>> -> memref<128xi32, #tpu.memory_space<vmem>>
          %get3A_465 = arith.constant 48 : index
          %get3A_466 = tpu.vector_load %get3A_464[%get3A_465] {strides = array<i32>} : memref<128xi32, #tpu.memory_space<vmem>>, vector<16xi32>,
          %get3A_467 = vector.shape_cast %get3A_466 : vector<16xi32> to vector<16xi32>
          %iota3A_468 = tpu.iota {dimensions = array<i32: 0>} : vector<16xi32>
          %add3A_469 = arith.constant 48 : i32
          %add3A_470 = vector.broadcast %add3A_469 : i32 to vector<16xi32>
          %add3A_471 = arith.addi %iota3A_468, %add3A_470 : vector<16xi32>
          %lt3A_472 = arith.constant 96 : i32
          %lt3A_473 = vector.broadcast %lt3A_472 : i32 to vector<16xi32>
          %lt3A_474 = arith.cmpi slt, %add3A_471, %lt3A_473 : vector<16xi32>
          %jit3A_475 = arith.constant 256 : i32
          %broadcast_in_dim3A_476 = vector.broadcast %jit3A_475 : i32 to vector<16xi32>
          %select_n3A_477 = arith.select %lt3A_474, %broadcast_in_dim3A_476, %get3A_467 : vector<16xi1>, vector<16xi32>
          %swap3A_478 = arith.constant 1 : i32
          %swap3A_479 = arith.constant 0 : i32
          %swap3A_480 = tpu.memref_slice %arg9[%swap3A_478, %swap3A_479] : memref<2x128xi32, #tpu.memory_space<vmem>> -> memref<1x128xi32, #tpu.memory_space<vmem>>
          %swap3A_481 = tpu.memref_squeeze %swap3A_480 : memref<1x128xi32, #tpu.memory_space<vmem>> -> memref<128xi32, #tpu.memory_space<vmem>>
          %swap3A_482 = arith.constant 48 : index
          %swap3A_483 = tpu.vector_load %swap3A_481[%swap3A_482] {strides = array<i32>} : memref<128xi32, #tpu.memory_space<vmem>>, vector<16xi32>,
          %swap3A_484 = vector.shape_cast %swap3A_483 : vector<16xi32> to vector<16xi32>
          %swap3A_485 = vector.shape_cast %select_n3A_477 : vector<16xi32> to vector<16xi32>
          tpu.vector_store %swap3A_481[%swap3A_482], %swap3A_485 {strides = array<i32>} : memref<128xi32, #tpu.memory_space<vmem>>, vector<16xi32>,
          %get3A_486 = arith.constant 1 : i32
          %get3A_487 = arith.constant 0 : i32
          %get3A_488 = tpu.memref_slice %arg9[%get3A_486, %get3A_487] : memref<2x128xi32, #tpu.memory_space<vmem>> -> memref<1x128xi32, #tpu.memory_space<vmem>>
          %get3A_489 = tpu.memref_squeeze %get3A_488 : memref<1x128xi32, #tpu.memory_space<vmem>> -> memref<128xi32, #tpu.memory_space<vmem>>
          %get3A_490 = arith.constant 64 : index
          %get3A_491 = tpu.vector_load %get3A_489[%get3A_490] {strides = array<i32>} : memref<128xi32, #tpu.memory_space<vmem>>, vector<16xi32>,
          %get3A_492 = vector.shape_cast %get3A_491 : vector<16xi32> to vector<16xi32>
          %iota3A_493 = tpu.iota {dimensions = array<i32: 0>} : vector<16xi32>
          %add3A_494 = arith.constant 64 : i32
          %add3A_495 = vector.broadcast %add3A_494 : i32 to vector<16xi32>
          %add3A_496 = arith.addi %iota3A_493, %add3A_495 : vector<16xi32>
          %lt3A_497 = arith.constant 96 : i32
          %lt3A_498 = vector.broadcast %lt3A_497 : i32 to vector<16xi32>
          %lt3A_499 = arith.cmpi slt, %add3A_496, %lt3A_498 : vector<16xi32>
          %jit3A_500 = arith.constant 256 : i32
          %broadcast_in_dim3A_501 = vector.broadcast %jit3A_500 : i32 to vector<16xi32>
          %select_n3A_502 = arith.select %lt3A_499, %broadcast_in_dim3A_501, %get3A_492 : vector<16xi1>, vector<16xi32>
          %swap3A_503 = arith.constant 1 : i32
          %swap3A_504 = arith.constant 0 : i32
          %swap3A_505 = tpu.memref_slice %arg9[%swap3A_503, %swap3A_504] : memref<2x128xi32, #tpu.memory_space<vmem>> -> memref<1x128xi32, #tpu.memory_space<vmem>>
          %swap3A_506 = tpu.memref_squeeze %swap3A_505 : memref<1x128xi32, #tpu.memory_space<vmem>> -> memref<128xi32, #tpu.memory_space<vmem>>
          %swap3A_507 = arith.constant 64 : index
          %swap3A_508 = tpu.vector_load %swap3A_506[%swap3A_507] {strides = array<i32>} : memref<128xi32, #tpu.memory_space<vmem>>, vector<16xi32>,
          %swap3A_509 = vector.shape_cast %swap3A_508 : vector<16xi32> to vector<16xi32>
          %swap3A_510 = vector.shape_cast %select_n3A_502 : vector<16xi32> to vector<16xi32>
          tpu.vector_store %swap3A_506[%swap3A_507], %swap3A_510 {strides = array<i32>} : memref<128xi32, #tpu.memory_space<vmem>>, vector<16xi32>,
          %get3A_511 = arith.constant 1 : i32
          %get3A_512 = arith.constant 0 : i32
          %get3A_513 = tpu.memref_slice %arg9[%get3A_511, %get3A_512] : memref<2x128xi32, #tpu.memory_space<vmem>> -> memref<1x128xi32, #tpu.memory_space<vmem>>
          %get3A_514 = tpu.memref_squeeze %get3A_513 : memref<1x128xi32, #tpu.memory_space<vmem>> -> memref<128xi32, #tpu.memory_space<vmem>>
          %get3A_515 = arith.constant 80 : index
          %get3A_516 = tpu.vector_load %get3A_514[%get3A_515] {strides = array<i32>} : memref<128xi32, #tpu.memory_space<vmem>>, vector<16xi32>,
          %get3A_517 = vector.shape_cast %get3A_516 : vector<16xi32> to vector<16xi32>
          %iota3A_518 = tpu.iota {dimensions = array<i32: 0>} : vector<16xi32>
          %add3A_519 = arith.constant 80 : i32
          %add3A_520 = vector.broadcast %add3A_519 : i32 to vector<16xi32>
          %add3A_521 = arith.addi %iota3A_518, %add3A_520 : vector<16xi32>
          %lt3A_522 = arith.constant 96 : i32
          %lt3A_523 = vector.broadcast %lt3A_522 : i32 to vector<16xi32>
          %lt3A_524 = arith.cmpi slt, %add3A_521, %lt3A_523 : vector<16xi32>
          %jit3A_525 = arith.constant 256 : i32
          %broadcast_in_dim3A_526 = vector.broadcast %jit3A_525 : i32 to vector<16xi32>
          %select_n3A_527 = arith.select %lt3A_524, %broadcast_in_dim3A_526, %get3A_517 : vector<16xi1>, vector<16xi32>
          %swap3A_528 = arith.constant 1 : i32
          %swap3A_529 = arith.constant 0 : i32
          %swap3A_530 = tpu.memref_slice %arg9[%swap3A_528, %swap3A_529] : memref<2x128xi32, #tpu.memory_space<vmem>> -> memref<1x128xi32, #tpu.memory_space<vmem>>
          %swap3A_531 = tpu.memref_squeeze %swap3A_530 : memref<1x128xi32, #tpu.memory_space<vmem>> -> memref<128xi32, #tpu.memory_space<vmem>>
          %swap3A_532 = arith.constant 80 : index
          %swap3A_533 = tpu.vector_load %swap3A_531[%swap3A_532] {strides = array<i32>} : memref<128xi32, #tpu.memory_space<vmem>>, vector<16xi32>,
          %swap3A_534 = vector.shape_cast %swap3A_533 : vector<16xi32> to vector<16xi32>
          %swap3A_535 = vector.shape_cast %select_n3A_527 : vector<16xi32> to vector<16xi32>
          tpu.vector_store %swap3A_531[%swap3A_532], %swap3A_535 {strides = array<i32>} : memref<128xi32, #tpu.memory_space<vmem>>, vector<16xi32>,
          %get3A_536 = arith.constant 1 : i32
          %get3A_537 = arith.constant 0 : i32
          %get3A_538 = tpu.memref_slice %arg9[%get3A_536, %get3A_537] : memref<2x128xi32, #tpu.memory_space<vmem>> -> memref<1x128xi32, #tpu.memory_space<vmem>>
          %get3A_539 = tpu.memref_squeeze %get3A_538 : memref<1x128xi32, #tpu.memory_space<vmem>> -> memref<128xi32, #tpu.memory_space<vmem>>
          %get3A_540 = arith.constant 96 : index
          %get3A_541 = tpu.vector_load %get3A_539[%get3A_540] {strides = array<i32>} : memref<128xi32, #tpu.memory_space<vmem>>, vector<16xi32>,
          %get3A_542 = vector.shape_cast %get3A_541 : vector<16xi32> to vector<16xi32>
          %iota3A_543 = tpu.iota {dimensions = array<i32: 0>} : vector<16xi32>
          %add3A_544 = arith.constant 96 : i32
          %add3A_545 = vector.broadcast %add3A_544 : i32 to vector<16xi32>
          %add3A_546 = arith.addi %iota3A_543, %add3A_545 : vector<16xi32>
          %lt3A_547 = arith.constant 96 : i32
          %lt3A_548 = vector.broadcast %lt3A_547 : i32 to vector<16xi32>
          %lt3A_549 = arith.cmpi slt, %add3A_546, %lt3A_548 : vector<16xi32>
          %jit3A_550 = arith.constant 256 : i32
          %broadcast_in_dim3A_551 = vector.broadcast %jit3A_550 : i32 to vector<16xi32>
          %select_n3A_552 = arith.select %lt3A_549, %broadcast_in_dim3A_551, %get3A_542 : vector<16xi1>, vector<16xi32>
          %swap3A_553 = arith.constant 1 : i32
          %swap3A_554 = arith.constant 0 : i32
          %swap3A_555 = tpu.memref_slice %arg9[%swap3A_553, %swap3A_554] : memref<2x128xi32, #tpu.memory_space<vmem>> -> memref<1x128xi32, #tpu.memory_space<vmem>>
          %swap3A_556 = tpu.memref_squeeze %swap3A_555 : memref<1x128xi32, #tpu.memory_space<vmem>> -> memref<128xi32, #tpu.memory_space<vmem>>
          %swap3A_557 = arith.constant 96 : index
          %swap3A_558 = tpu.vector_load %swap3A_556[%swap3A_557] {strides = array<i32>} : memref<128xi32, #tpu.memory_space<vmem>>, vector<16xi32>,
          %swap3A_559 = vector.shape_cast %swap3A_558 : vector<16xi32> to vector<16xi32>
          %swap3A_560 = vector.shape_cast %select_n3A_552 : vector<16xi32> to vector<16xi32>
          tpu.vector_store %swap3A_556[%swap3A_557], %swap3A_560 {strides = array<i32>} : memref<128xi32, #tpu.memory_space<vmem>>, vector<16xi32>,
          %get3A_561 = arith.constant 1 : i32
          %get3A_562 = arith.constant 0 : i32
          %get3A_563 = tpu.memref_slice %arg9[%get3A_561, %get3A_562] : memref<2x128xi32, #tpu.memory_space<vmem>> -> memref<1x128xi32, #tpu.memory_space<vmem>>
          %get3A_564 = tpu.memref_squeeze %get3A_563 : memref<1x128xi32, #tpu.memory_space<vmem>> -> memref<128xi32, #tpu.memory_space<vmem>>
          %get3A_565 = arith.constant 112 : index
          %get3A_566 = tpu.vector_load %get3A_564[%get3A_565] {strides = array<i32>} : memref<128xi32, #tpu.memory_space<vmem>>, vector<16xi32>,
          %get3A_567 = vector.shape_cast %get3A_566 : vector<16xi32> to vector<16xi32>
          %iota3A_568 = tpu.iota {dimensions = array<i32: 0>} : vector<16xi32>
          %add3A_569 = arith.constant 112 : i32
          %add3A_570 = vector.broadcast %add3A_569 : i32 to vector<16xi32>
          %add3A_571 = arith.addi %iota3A_568, %add3A_570 : vector<16xi32>
          %lt3A_572 = arith.constant 96 : i32
          %lt3A_573 = vector.broadcast %lt3A_572 : i32 to vector<16xi32>
          %lt3A_574 = arith.cmpi slt, %add3A_571, %lt3A_573 : vector<16xi32>
          %jit3A_575 = arith.constant 256 : i32
          %broadcast_in_dim3A_576 = vector.broadcast %jit3A_575 : i32 to vector<16xi32>
          %select_n3A_577 = arith.select %lt3A_574, %broadcast_in_dim3A_576, %get3A_567 : vector<16xi1>, vector<16xi32>
          %swap3A_578 = arith.constant 1 : i32
          %swap3A_579 = arith.constant 0 : i32
          %swap3A_580 = tpu.memref_slice %arg9[%swap3A_578, %swap3A_579] : memref<2x128xi32, #tpu.memory_space<vmem>> -> memref<1x128xi32, #tpu.memory_space<vmem>>
          %swap3A_581 = tpu.memref_squeeze %swap3A_580 : memref<1x128xi32, #tpu.memory_space<vmem>> -> memref<128xi32, #tpu.memory_space<vmem>>
          %swap3A_582 = arith.constant 112 : index
          %swap3A_583 = tpu.vector_load %swap3A_581[%swap3A_582] {strides = array<i32>} : memref<128xi32, #tpu.memory_space<vmem>>, vector<16xi32>,
          %swap3A_584 = vector.shape_cast %swap3A_583 : vector<16xi32> to vector<16xi32>
          %swap3A_585 = vector.shape_cast %select_n3A_577 : vector<16xi32> to vector<16xi32>
          tpu.vector_store %swap3A_581[%swap3A_582], %swap3A_585 {strides = array<i32>} : memref<128xi32, #tpu.memory_space<vmem>>, vector<16xi32>,
        } else {
        }
        %run_scoped3A_379 = arith.constant 1 : i32
        %run_scoped3A_380 = arith.constant 1 : i32
        "tpu.region"() ({
          %run_scoped3A_388 = tpu.sem_alloc : memref<!tpu.dma_semaphore, #tpu.memory_space<semaphore_mem>>
          %dma_start3A_389 = arith.constant 0 : i32
          %dma_start3A_390 = arith.constant 0 : i32
          %dma_start3A_391 = tpu.memref_slice %arg10[%run_scoped3A_379, %dma_start3A_389, %dma_start3A_390] : memref<2x128x128xf32, #tpu.memory_space<vmem>> -> memref<1x128x128xf32, #tpu.memory_space<vmem>>
          %dma_start3A_392 = tpu.memref_squeeze %dma_start3A_391 : memref<1x128x128xf32, #tpu.memory_space<vmem>> -> memref<128x128xf32, #tpu.memory_space<vmem>>
          %dma_start3A_393 = arith.constant 0 : i32
          %dma_start3A_394 = tpu.memref_slice %arg9[%run_scoped3A_380, %dma_start3A_393] : memref<2x128xi32, #tpu.memory_space<vmem>> -> memref<1x128xi32, #tpu.memory_space<vmem>>
          %dma_start3A_395 = tpu.memref_squeeze %dma_start3A_394 : memref<1x128xi32, #tpu.memory_space<vmem>> -> memref<128xi32, #tpu.memory_space<vmem>>
          %dma_start3A_396 = arith.constant 0 : i32
          %dma_start3A_397 = arith.constant 0 : i32
          %dma_start3A_398 = tpu.memref_slice %arg13[%while3A, %dma_start3A_396, %dma_start3A_397] : memref<2x264x128xf32, #tpu.memory_space<vmem_shared>> -> memref<1x264x128xf32, #tpu.memory_space<vmem_shared>>
          %dma_start3A_399 = tpu.memref_squeeze %dma_start3A_398 : memref<1x264x128xf32, #tpu.memory_space<vmem_shared>> -> memref<264x128xf32, #tpu.memory_space<vmem_shared>>
          %dma_start3A_400 = arith.constant 0 : i32
          %dma_start3A_401 = arith.constant 0 : i32
          %dma_start3A_402 = tpu.memref_slice %dma_start3A_399[%dma_start3A_400, %dma_start3A_401] : memref<264x128xf32, #tpu.memory_space<vmem_shared>> -> memref<264x128xf32, #tpu.memory_space<vmem_shared>>
          tpu.enqueue_indirect_dma source(%dma_start3A_392 : memref<128x128xf32, #tpu.memory_space<vmem>>) target(%dma_start3A_402 : memref<264x128xf32, #tpu.memory_space<vmem_shared>>) offsets(%dma_start3A_395 : memref<128xi32, #tpu.memory_space<vmem>>) semaphore(%run_scoped3A_388 : memref<!tpu.dma_semaphore, #tpu.memory_space<semaphore_mem>>) {add = true}
          %dma_wait3A_403 = arith.constant 0 : i32
          %dma_wait3A_404 = arith.constant 0 : i32
          %dma_wait3A_405 = tpu.memref_slice %arg10[%run_scoped3A_379, %dma_wait3A_403, %dma_wait3A_404] : memref<2x128x128xf32, #tpu.memory_space<vmem>> -> memref<1x128x128xf32, #tpu.memory_space<vmem>>
          %dma_wait3A_406 = tpu.memref_squeeze %dma_wait3A_405 : memref<1x128x128xf32, #tpu.memory_space<vmem>> -> memref<128x128xf32, #tpu.memory_space<vmem>>
          %dma_wait3A_407 = arith.constant 0 : i32
          %dma_wait3A_408 = tpu.memref_slice %arg9[%run_scoped3A_380, %dma_wait3A_407] : memref<2x128xi32, #tpu.memory_space<vmem>> -> memref<1x128xi32, #tpu.memory_space<vmem>>
          %dma_wait3A_409 = tpu.memref_squeeze %dma_wait3A_408 : memref<1x128xi32, #tpu.memory_space<vmem>> -> memref<128xi32, #tpu.memory_space<vmem>>
          %dma_wait3A_410 = arith.constant 0 : i32
          %dma_wait3A_411 = arith.constant 0 : i32
          %dma_wait3A_412 = tpu.memref_slice %arg13[%while3A, %dma_wait3A_410, %dma_wait3A_411] : memref<2x264x128xf32, #tpu.memory_space<vmem_shared>> -> memref<1x264x128xf32, #tpu.memory_space<vmem_shared>>
          %dma_wait3A_413 = tpu.memref_squeeze %dma_wait3A_412 : memref<1x264x128xf32, #tpu.memory_space<vmem_shared>> -> memref<264x128xf32, #tpu.memory_space<vmem_shared>>
          %dma_wait3A_414 = arith.constant 0 : i32
          %dma_wait3A_415 = arith.constant 0 : i32
          %dma_wait3A_416 = tpu.memref_slice %dma_wait3A_413[%dma_wait3A_414, %dma_wait3A_415] : memref<264x128xf32, #tpu.memory_space<vmem_shared>> -> memref<264x128xf32, #tpu.memory_space<vmem_shared>>
          tpu.wait_indirect_dma semaphore(%run_scoped3A_388 : memref<!tpu.dma_semaphore, #tpu.memory_space<semaphore_mem>>) src(%dma_wait3A_406 : memref<128x128xf32, #tpu.memory_space<vmem>>) dst(%dma_wait3A_416 : memref<264x128xf32, #tpu.memory_space<vmem_shared>>)
          tpu.yield
        }) : () -> ()
        %run_scoped3A_381 = arith.constant 1 : i32
        "tpu.region"() ({
          %run_scoped3A_388 = tpu.sem_alloc : memref<!tpu.dma_semaphore, #tpu.memory_space<semaphore_mem>>
          %dma_start3A_389 = arith.constant 0 : i32
          %dma_start3A_390 = tpu.memref_slice %arg9[%run_scoped3A_381, %dma_start3A_389] : memref<2x128xi32, #tpu.memory_space<vmem>> -> memref<1x128xi32, #tpu.memory_space<vmem>>
          %dma_start3A_391 = tpu.memref_squeeze %dma_start3A_390 : memref<1x128xi32, #tpu.memory_space<vmem>> -> memref<128xi32, #tpu.memory_space<vmem>>
          %dma_start3A_392 = arith.constant 0 : i32
          %dma_start3A_393 = tpu.memref_slice %arg14[%dma_start3A_392] : memref<384xf32, #tpu.memory_space<vmem_shared>> -> memref<384xf32, #tpu.memory_space<vmem_shared>>
          tpu.enqueue_indirect_dma source(%arg11 : memref<128xf32, #tpu.memory_space<vmem>>) target(%dma_start3A_393 : memref<384xf32, #tpu.memory_space<vmem_shared>>) offsets(%dma_start3A_391 : memref<128xi32, #tpu.memory_space<vmem>>) semaphore(%run_scoped3A_388 : memref<!tpu.dma_semaphore, #tpu.memory_space<semaphore_mem>>) {add = true}
          %dma_wait3A_394 = arith.constant 0 : i32
          %dma_wait3A_395 = tpu.memref_slice %arg9[%run_scoped3A_381, %dma_wait3A_394] : memref<2x128xi32, #tpu.memory_space<vmem>> -> memref<1x128xi32, #tpu.memory_space<vmem>>
          %dma_wait3A_396 = tpu.memref_squeeze %dma_wait3A_395 : memref<1x128xi32, #tpu.memory_space<vmem>> -> memref<128xi32, #tpu.memory_space<vmem>>
          %dma_wait3A_397 = arith.constant 0 : i32
          %dma_wait3A_398 = tpu.memref_slice %arg14[%dma_wait3A_397] : memref<384xf32, #tpu.memory_space<vmem_shared>> -> memref<384xf32, #tpu.memory_space<vmem_shared>>
          tpu.wait_indirect_dma semaphore(%run_scoped3A_388 : memref<!tpu.dma_semaphore, #tpu.memory_space<semaphore_mem>>) src(%arg11 : memref<128xf32, #tpu.memory_space<vmem>>) dst(%dma_wait3A_398 : memref<384xf32, #tpu.memory_space<vmem_shared>>)
          tpu.yield
        }) : () -> ()
        %add3A_382 = arith.constant 2 : i32
        %add3A_383 = arith.addi %add3A_330, %add3A_382 : i32
        %lt3A_384 = arith.cmpi slt, %add3A_383, %select_n3A : i32
        %convert_element_type3A_385 = arith.extui %lt3A_384 : i1 to i32
        %cond3A_386 = arith.constant 0 : i32
        %cond3A_387 = arith.cmpi ne, %convert_element_type3A_385, %cond3A_386 : i32
        scf.if %cond3A_387 {
          %add3A_388 = arith.constant 2 : i32
          %add3A_389 = arith.addi %add3A_330, %add3A_388 : i32
          %mul3A_390 = arith.constant 32 : i32
          %mul3A_391 = arith.muli %add3A_389, %mul3A_390 : i32
          %add3A_392 = arith.addi %add3A, %mul3A_391 : i32
          %eq3A_393 = arith.constant 781 : i32
          %eq3A_394 = arith.cmpi eq, %add3A_392, %eq3A_393 : i32
          %mul3A_395 = arith.constant 128 : i32
          %mul3A_396 = arith.muli %add3A_392, %mul3A_395 : i32
          %jit3A_397 = arith.constant 99872 : i32
          %select_n3A_398 = arith.select %eq3A_394, %jit3A_397, %mul3A_396 : i32
          %dma_start3A_399 = arith.constant 1 : i32
          %dma_start3A_400 = arith.constant 1 : i32
          %dma_start3A_401 = arith.constant 0 : i32
          %dma_start3A_402 = tpu.memref_slice %arg9[%dma_start3A_399, %dma_start3A_401] : memref<2x128xi32, #tpu.memory_space<vmem>> -> memref<1x128xi32, #tpu.memory_space<vmem>>
          %dma_start3A_403 = tpu.memref_squeeze %dma_start3A_402 : memref<1x128xi32, #tpu.memory_space<vmem>> -> memref<128xi32, #tpu.memory_space<vmem>>
          %dma_start3A_404 = tpu.memref_slice %arg3[%select_n3A_398] : memref<100000xi32, #tpu.memory_space<hbm>> -> memref<128xi32, #tpu.memory_space<hbm>>
          %dma_start3A_405 = tpu.memref_slice %arg16[%dma_start3A_400] : memref<2x!tpu.dma_semaphore, #tpu.memory_space<semaphore_mem>> -> memref<1x!tpu.dma_semaphore, #tpu.memory_space<semaphore_mem>>
          %dma_start3A_406 = tpu.memref_squeeze %dma_start3A_405 : memref<1x!tpu.dma_semaphore, #tpu.memory_space<semaphore_mem>> -> memref<!tpu.dma_semaphore, #tpu.memory_space<semaphore_mem>>
          %dma_start3A_407 = arith.constant 0 : i32
          %dma_start3A_408 = tpu.memref_slice %arg9[%dma_start3A_399, %dma_start3A_407] : memref<2x128xi32, #tpu.memory_space<vmem>> -> memref<1x128xi32, #tpu.memory_space<vmem>>
          %dma_start3A_409 = tpu.memref_squeeze %dma_start3A_408 : memref<1x128xi32, #tpu.memory_space<vmem>> -> memref<128xi32, #tpu.memory_space<vmem>>
          %dma_start3A_410 = tpu.memref_slice %arg3[%select_n3A_398] : memref<100000xi32, #tpu.memory_space<hbm>> -> memref<128xi32, #tpu.memory_space<hbm>>
          tpu.enqueue_dma source(%dma_start3A_410 : memref<128xi32, #tpu.memory_space<hbm>>) target(%dma_start3A_409 : memref<128xi32, #tpu.memory_space<vmem>>) target_semaphore(%dma_start3A_406 : memref<!tpu.dma_semaphore, #tpu.memory_space<semaphore_mem>>)
          %dma_start3A_411 = arith.constant 1 : i32
          %dma_start3A_412 = arith.constant 1 : i32
          %dma_start3A_413 = arith.constant 0 : i32
          %dma_start3A_414 = arith.constant 0 : i32
          %dma_start3A_415 = tpu.memref_slice %arg10[%dma_start3A_411, %dma_start3A_413, %dma_start3A_414] : memref<2x128x128xf32, #tpu.memory_space<vmem>> -> memref<1x128x128xf32, #tpu.memory_space<vmem>>
          %dma_start3A_416 = tpu.memref_squeeze %dma_start3A_415 : memref<1x128x128xf32, #tpu.memory_space<vmem>> -> memref<128x128xf32, #tpu.memory_space<vmem>>
          %dma_start3A_417 = arith.constant 0 : i32
          %dma_start3A_418 = tpu.memref_slice %arg2[%select_n3A_398, %dma_start3A_417] : memref<100000x128xf32, #tpu.memory_space<hbm>> -> memref<128x128xf32, #tpu.memory_space<hbm>>
          %dma_start3A_419 = tpu.memref_slice %arg16[%dma_start3A_412] : memref<2x!tpu.dma_semaphore, #tpu.memory_space<semaphore_mem>> -> memref<1x!tpu.dma_semaphore, #tpu.memory_space<semaphore_mem>>
          %dma_start3A_420 = tpu.memref_squeeze %dma_start3A_419 : memref<1x!tpu.dma_semaphore, #tpu.memory_space<semaphore_mem>> -> memref<!tpu.dma_semaphore, #tpu.memory_space<semaphore_mem>>
          %dma_start3A_421 = arith.constant 0 : i32
          %dma_start3A_422 = arith.constant 0 : i32
          %dma_start3A_423 = tpu.memref_slice %arg10[%dma_start3A_411, %dma_start3A_421, %dma_start3A_422] : memref<2x128x128xf32, #tpu.memory_space<vmem>> -> memref<1x128x128xf32, #tpu.memory_space<vmem>>
          %dma_start3A_424 = tpu.memref_squeeze %dma_start3A_423 : memref<1x128x128xf32, #tpu.memory_space<vmem>> -> memref<128x128xf32, #tpu.memory_space<vmem>>
          %dma_start3A_425 = arith.constant 0 : i32
          %dma_start3A_426 = tpu.memref_slice %arg2[%select_n3A_398, %dma_start3A_425] : memref<100000x128xf32, #tpu.memory_space<hbm>> -> memref<128x128xf32, #tpu.memory_space<hbm>>
          tpu.enqueue_dma source(%dma_start3A_426 : memref<128x128xf32, #tpu.memory_space<hbm>>) target(%dma_start3A_424 : memref<128x128xf32, #tpu.memory_space<vmem>>) target_semaphore(%dma_start3A_420 : memref<!tpu.dma_semaphore, #tpu.memory_space<semaphore_mem>>)
        } else {
        }
      } else {
      }
      %while3A_335 = arith.constant 0 : i32
      scf.yield %while3A_335 : i32
    }
    %while3A_164 = arith.constant 1 : i32
    %while3A_165 = scf.for %while3A_318 = %while3A_161 to %while3A_157 step %while3A_164 iter_args(%while3A_319 = %while3A_163) -> (i32)  : i32 {
      %mul3A_320 = arith.constant 2 : i32
      %mul3A_321 = arith.muli %mul3A_320, %while3A_318 : i32
      %add3A_322 = arith.constant 0 : i32
      %add3A_323 = arith.addi %mul3A_321, %add3A_322 : i32
      %lt3A = arith.cmpi slt, %add3A_323, %select_n3A : i32
      %convert_element_type3A_324 = arith.extui %lt3A : i1 to i32
      %cond3A_325 = arith.constant 0 : i32
      %cond3A_326 = arith.cmpi ne, %convert_element_type3A_324, %cond3A_325 : i32
      scf.if %cond3A_326 {
        %dma_wait3A = arith.constant 0 : i32
        %dma_wait3A_336 = arith.constant 0 : i32
        %dma_wait3A_337 = arith.constant 0 : i32
        %dma_wait3A_338 = tpu.memref_slice %arg9[%dma_wait3A, %dma_wait3A_337] : memref<2x128xi32, #tpu.memory_space<vmem>> -> memref<1x128xi32, #tpu.memory_space<vmem>>
        %dma_wait3A_339 = tpu.memref_squeeze %dma_wait3A_338 : memref<1x128xi32, #tpu.memory_space<vmem>> -> memref<128xi32, #tpu.memory_space<vmem>>
        %dma_wait3A_340 = arith.constant 0 : i32
        %dma_wait3A_341 = tpu.memref_slice %arg3[%dma_wait3A_340] : memref<100000xi32, #tpu.memory_space<hbm>> -> memref<128xi32, #tpu.memory_space<hbm>>
        %dma_wait3A_342 = tpu.memref_slice %arg16[%dma_wait3A_336] : memref<2x!tpu.dma_semaphore, #tpu.memory_space<semaphore_mem>> -> memref<1x!tpu.dma_semaphore, #tpu.memory_space<semaphore_mem>>
        %dma_wait3A_343 = tpu.memref_squeeze %dma_wait3A_342 : memref<1x!tpu.dma_semaphore, #tpu.memory_space<semaphore_mem>> -> memref<!tpu.dma_semaphore, #tpu.memory_space<semaphore_mem>>
        %dma_wait3A_344 = arith.constant 0 : i32
        %dma_wait3A_345 = tpu.memref_slice %arg9[%dma_wait3A, %dma_wait3A_344] : memref<2x128xi32, #tpu.memory_space<vmem>> -> memref<1x128xi32, #tpu.memory_space<vmem>>
        %dma_wait3A_346 = tpu.memref_squeeze %dma_wait3A_345 : memref<1x128xi32, #tpu.memory_space<vmem>> -> memref<128xi32, #tpu.memory_space<vmem>>
        %dma_wait3A_347 = arith.constant 0 : i32
        %dma_wait3A_348 = tpu.memref_slice %arg3[%dma_wait3A_347] : memref<100000xi32, #tpu.memory_space<hbm>> -> memref<128xi32, #tpu.memory_space<hbm>>
        tpu.wait_dma2 semaphore(%dma_wait3A_343 : memref<!tpu.dma_semaphore, #tpu.memory_space<semaphore_mem>>) src(%dma_wait3A_348 : memref<128xi32, #tpu.memory_space<hbm>>) dst(%dma_wait3A_346 : memref<128xi32, #tpu.memory_space<vmem>>)
        %dma_wait3A_349 = arith.constant 0 : i32
        %dma_wait3A_350 = arith.constant 0 : i32
        %dma_wait3A_351 = arith.constant 0 : i32
        %dma_wait3A_352 = arith.constant 0 : i32
        %dma_wait3A_353 = tpu.memref_slice %arg10[%dma_wait3A_349, %dma_wait3A_351, %dma_wait3A_352] : memref<2x128x128xf32, #tpu.memory_space<vmem>> -> memref<1x128x128xf32, #tpu.memory_space<vmem>>
        %dma_wait3A_354 = tpu.memref_squeeze %dma_wait3A_353 : memref<1x128x128xf32, #tpu.memory_space<vmem>> -> memref<128x128xf32, #tpu.memory_space<vmem>>
        %dma_wait3A_355 = arith.constant 0 : i32
        %dma_wait3A_356 = arith.constant 0 : i32
        %dma_wait3A_357 = tpu.memref_slice %arg2[%dma_wait3A_355, %dma_wait3A_356] : memref<100000x128xf32, #tpu.memory_space<hbm>> -> memref<128x128xf32, #tpu.memory_space<hbm>>
        %dma_wait3A_358 = tpu.memref_slice %arg16[%dma_wait3A_350] : memref<2x!tpu.dma_semaphore, #tpu.memory_space<semaphore_mem>> -> memref<1x!tpu.dma_semaphore, #tpu.memory_space<semaphore_mem>>
        %dma_wait3A_359 = tpu.memref_squeeze %dma_wait3A_358 : memref<1x!tpu.dma_semaphore, #tpu.memory_space<semaphore_mem>> -> memref<!tpu.dma_semaphore, #tpu.memory_space<semaphore_mem>>
        %dma_wait3A_360 = arith.constant 0 : i32
        %dma_wait3A_361 = arith.constant 0 : i32
        %dma_wait3A_362 = tpu.memref_slice %arg10[%dma_wait3A_349, %dma_wait3A_360, %dma_wait3A_361] : memref<2x128x128xf32, #tpu.memory_space<vmem>> -> memref<1x128x128xf32, #tpu.memory_space<vmem>>
        %dma_wait3A_363 = tpu.memref_squeeze %dma_wait3A_362 : memref<1x128x128xf32, #tpu.memory_space<vmem>> -> memref<128x128xf32, #tpu.memory_space<vmem>>
        %dma_wait3A_364 = arith.constant 0 : i32
        %dma_wait3A_365 = arith.constant 0 : i32
        %dma_wait3A_366 = tpu.memref_slice %arg2[%dma_wait3A_364, %dma_wait3A_365] : memref<100000x128xf32, #tpu.memory_space<hbm>> -> memref<128x128xf32, #tpu.memory_space<hbm>>
        tpu.wait_dma2 semaphore(%dma_wait3A_359 : memref<!tpu.dma_semaphore, #tpu.memory_space<semaphore_mem>>) src(%dma_wait3A_366 : memref<128x128xf32, #tpu.memory_space<hbm>>) dst(%dma_wait3A_363 : memref<128x128xf32, #tpu.memory_space<vmem>>)
        %mul3A_367 = arith.constant 32 : i32
        %mul3A_368 = arith.muli %add3A_323, %mul3A_367 : i32
        %add3A_369 = arith.addi %add3A, %mul3A_368 : i32
        %eq3A_370 = arith.constant 781 : i32
        %eq3A_371 = arith.cmpi eq, %add3A_369, %eq3A_370 : i32
        %mul3A_372 = arith.constant 128 : i32
        %mul3A_373 = arith.muli %add3A_369, %mul3A_372 : i32
        %jit3A_374 = arith.constant 99872 : i32
        %select_n3A_375 = arith.select %eq3A_371, %jit3A_374, %mul3A_373 : i32
        %convert_element_type3A_376 = arith.extui %eq3A_371 : i1 to i32
        %cond3A_377 = arith.constant 0 : i32
        %cond3A_378 = arith.cmpi ne, %convert_element_type3A_376, %cond3A_377 : i32
        scf.if %cond3A_378 {
          %get3A = arith.constant 0 : i32
          %get3A_388 = arith.constant 0 : i32
          %get3A_389 = tpu.memref_slice %arg9[%get3A, %get3A_388] : memref<2x128xi32, #tpu.memory_space<vmem>> -> memref<1x128xi32, #tpu.memory_space<vmem>>
          %get3A_390 = tpu.memref_squeeze %get3A_389 : memref<1x128xi32, #tpu.memory_space<vmem>> -> memref<128xi32, #tpu.memory_space<vmem>>
          %get3A_391 = arith.constant 0 : index
          %get3A_392 = tpu.vector_load %get3A_390[%get3A_391] {strides = array<i32>} : memref<128xi32, #tpu.memory_space<vmem>>, vector<16xi32>,
          %get3A_393 = vector.shape_cast %get3A_392 : vector<16xi32> to vector<16xi32>
          %iota3A = tpu.iota {dimensions = array<i32: 0>} : vector<16xi32>
          %add3A_394 = arith.constant 0 : i32
          %add3A_395 = vector.broadcast %add3A_394 : i32 to vector<16xi32>
          %add3A_396 = arith.addi %iota3A, %add3A_395 : vector<16xi32>
          %lt3A_397 = arith.constant 96 : i32
          %lt3A_398 = vector.broadcast %lt3A_397 : i32 to vector<16xi32>
          %lt3A_399 = arith.cmpi slt, %add3A_396, %lt3A_398 : vector<16xi32>
          %jit3A_400 = arith.constant 256 : i32
          %broadcast_in_dim3A_401 = vector.broadcast %jit3A_400 : i32 to vector<16xi32>
          %select_n3A_402 = arith.select %lt3A_399, %broadcast_in_dim3A_401, %get3A_393 : vector<16xi1>, vector<16xi32>
          %swap3A_403 = arith.constant 0 : i32
          %swap3A_404 = arith.constant 0 : i32
          %swap3A_405 = tpu.memref_slice %arg9[%swap3A_403, %swap3A_404] : memref<2x128xi32, #tpu.memory_space<vmem>> -> memref<1x128xi32, #tpu.memory_space<vmem>>
          %swap3A_406 = tpu.memref_squeeze %swap3A_405 : memref<1x128xi32, #tpu.memory_space<vmem>> -> memref<128xi32, #tpu.memory_space<vmem>>
          %swap3A_407 = arith.constant 0 : index
          %swap3A_408 = tpu.vector_load %swap3A_406[%swap3A_407] {strides = array<i32>} : memref<128xi32, #tpu.memory_space<vmem>>, vector<16xi32>,
          %swap3A_409 = vector.shape_cast %swap3A_408 : vector<16xi32> to vector<16xi32>
          %swap3A_410 = vector.shape_cast %select_n3A_402 : vector<16xi32> to vector<16xi32>
          tpu.vector_store %swap3A_406[%swap3A_407], %swap3A_410 {strides = array<i32>} : memref<128xi32, #tpu.memory_space<vmem>>, vector<16xi32>,
          %get3A_411 = arith.constant 0 : i32
          %get3A_412 = arith.constant 0 : i32
          %get3A_413 = tpu.memref_slice %arg9[%get3A_411, %get3A_412] : memref<2x128xi32, #tpu.memory_space<vmem>> -> memref<1x128xi32, #tpu.memory_space<vmem>>
          %get3A_414 = tpu.memref_squeeze %get3A_413 : memref<1x128xi32, #tpu.memory_space<vmem>> -> memref<128xi32, #tpu.memory_space<vmem>>
          %get3A_415 = arith.constant 16 : index
          %get3A_416 = tpu.vector_load %get3A_414[%get3A_415] {strides = array<i32>} : memref<128xi32, #tpu.memory_space<vmem>>, vector<16xi32>,
          %get3A_417 = vector.shape_cast %get3A_416 : vector<16xi32> to vector<16xi32>
          %iota3A_418 = tpu.iota {dimensions = array<i32: 0>} : vector<16xi32>
          %add3A_419 = arith.constant 16 : i32
          %add3A_420 = vector.broadcast %add3A_419 : i32 to vector<16xi32>
          %add3A_421 = arith.addi %iota3A_418, %add3A_420 : vector<16xi32>
          %lt3A_422 = arith.constant 96 : i32
          %lt3A_423 = vector.broadcast %lt3A_422 : i32 to vector<16xi32>
          %lt3A_424 = arith.cmpi slt, %add3A_421, %lt3A_423 : vector<16xi32>
          %jit3A_425 = arith.constant 256 : i32
          %broadcast_in_dim3A_426 = vector.broadcast %jit3A_425 : i32 to vector<16xi32>
          %select_n3A_427 = arith.select %lt3A_424, %broadcast_in_dim3A_426, %get3A_417 : vector<16xi1>, vector<16xi32>
          %swap3A_428 = arith.constant 0 : i32
          %swap3A_429 = arith.constant 0 : i32
          %swap3A_430 = tpu.memref_slice %arg9[%swap3A_428, %swap3A_429] : memref<2x128xi32, #tpu.memory_space<vmem>> -> memref<1x128xi32, #tpu.memory_space<vmem>>
          %swap3A_431 = tpu.memref_squeeze %swap3A_430 : memref<1x128xi32, #tpu.memory_space<vmem>> -> memref<128xi32, #tpu.memory_space<vmem>>
          %swap3A_432 = arith.constant 16 : index
          %swap3A_433 = tpu.vector_load %swap3A_431[%swap3A_432] {strides = array<i32>} : memref<128xi32, #tpu.memory_space<vmem>>, vector<16xi32>,
          %swap3A_434 = vector.shape_cast %swap3A_433 : vector<16xi32> to vector<16xi32>
          %swap3A_435 = vector.shape_cast %select_n3A_427 : vector<16xi32> to vector<16xi32>
          tpu.vector_store %swap3A_431[%swap3A_432], %swap3A_435 {strides = array<i32>} : memref<128xi32, #tpu.memory_space<vmem>>, vector<16xi32>,
          %get3A_436 = arith.constant 0 : i32
          %get3A_437 = arith.constant 0 : i32
          %get3A_438 = tpu.memref_slice %arg9[%get3A_436, %get3A_437] : memref<2x128xi32, #tpu.memory_space<vmem>> -> memref<1x128xi32, #tpu.memory_space<vmem>>
          %get3A_439 = tpu.memref_squeeze %get3A_438 : memref<1x128xi32, #tpu.memory_space<vmem>> -> memref<128xi32, #tpu.memory_space<vmem>>
          %get3A_440 = arith.constant 32 : index
          %get3A_441 = tpu.vector_load %get3A_439[%get3A_440] {strides = array<i32>} : memref<128xi32, #tpu.memory_space<vmem>>, vector<16xi32>,
          %get3A_442 = vector.shape_cast %get3A_441 : vector<16xi32> to vector<16xi32>
          %iota3A_443 = tpu.iota {dimensions = array<i32: 0>} : vector<16xi32>
          %add3A_444 = arith.constant 32 : i32
          %add3A_445 = vector.broadcast %add3A_444 : i32 to vector<16xi32>
          %add3A_446 = arith.addi %iota3A_443, %add3A_445 : vector<16xi32>
          %lt3A_447 = arith.constant 96 : i32
          %lt3A_448 = vector.broadcast %lt3A_447 : i32 to vector<16xi32>
          %lt3A_449 = arith.cmpi slt, %add3A_446, %lt3A_448 : vector<16xi32>
          %jit3A_450 = arith.constant 256 : i32
          %broadcast_in_dim3A_451 = vector.broadcast %jit3A_450 : i32 to vector<16xi32>
          %select_n3A_452 = arith.select %lt3A_449, %broadcast_in_dim3A_451, %get3A_442 : vector<16xi1>, vector<16xi32>
          %swap3A_453 = arith.constant 0 : i32
          %swap3A_454 = arith.constant 0 : i32
          %swap3A_455 = tpu.memref_slice %arg9[%swap3A_453, %swap3A_454] : memref<2x128xi32, #tpu.memory_space<vmem>> -> memref<1x128xi32, #tpu.memory_space<vmem>>
          %swap3A_456 = tpu.memref_squeeze %swap3A_455 : memref<1x128xi32, #tpu.memory_space<vmem>> -> memref<128xi32, #tpu.memory_space<vmem>>
          %swap3A_457 = arith.constant 32 : index
          %swap3A_458 = tpu.vector_load %swap3A_456[%swap3A_457] {strides = array<i32>} : memref<128xi32, #tpu.memory_space<vmem>>, vector<16xi32>,
          %swap3A_459 = vector.shape_cast %swap3A_458 : vector<16xi32> to vector<16xi32>
          %swap3A_460 = vector.shape_cast %select_n3A_452 : vector<16xi32> to vector<16xi32>
          tpu.vector_store %swap3A_456[%swap3A_457], %swap3A_460 {strides = array<i32>} : memref<128xi32, #tpu.memory_space<vmem>>, vector<16xi32>,
          %get3A_461 = arith.constant 0 : i32
          %get3A_462 = arith.constant 0 : i32
          %get3A_463 = tpu.memref_slice %arg9[%get3A_461, %get3A_462] : memref<2x128xi32, #tpu.memory_space<vmem>> -> memref<1x128xi32, #tpu.memory_space<vmem>>
          %get3A_464 = tpu.memref_squeeze %get3A_463 : memref<1x128xi32, #tpu.memory_space<vmem>> -> memref<128xi32, #tpu.memory_space<vmem>>
          %get3A_465 = arith.constant 48 : index
          %get3A_466 = tpu.vector_load %get3A_464[%get3A_465] {strides = array<i32>} : memref<128xi32, #tpu.memory_space<vmem>>, vector<16xi32>,
          %get3A_467 = vector.shape_cast %get3A_466 : vector<16xi32> to vector<16xi32>
          %iota3A_468 = tpu.iota {dimensions = array<i32: 0>} : vector<16xi32>
          %add3A_469 = arith.constant 48 : i32
          %add3A_470 = vector.broadcast %add3A_469 : i32 to vector<16xi32>
          %add3A_471 = arith.addi %iota3A_468, %add3A_470 : vector<16xi32>
          %lt3A_472 = arith.constant 96 : i32
          %lt3A_473 = vector.broadcast %lt3A_472 : i32 to vector<16xi32>
          %lt3A_474 = arith.cmpi slt, %add3A_471, %lt3A_473 : vector<16xi32>
          %jit3A_475 = arith.constant 256 : i32
          %broadcast_in_dim3A_476 = vector.broadcast %jit3A_475 : i32 to vector<16xi32>
          %select_n3A_477 = arith.select %lt3A_474, %broadcast_in_dim3A_476, %get3A_467 : vector<16xi1>, vector<16xi32>
          %swap3A_478 = arith.constant 0 : i32
          %swap3A_479 = arith.constant 0 : i32
          %swap3A_480 = tpu.memref_slice %arg9[%swap3A_478, %swap3A_479] : memref<2x128xi32, #tpu.memory_space<vmem>> -> memref<1x128xi32, #tpu.memory_space<vmem>>
          %swap3A_481 = tpu.memref_squeeze %swap3A_480 : memref<1x128xi32, #tpu.memory_space<vmem>> -> memref<128xi32, #tpu.memory_space<vmem>>
          %swap3A_482 = arith.constant 48 : index
          %swap3A_483 = tpu.vector_load %swap3A_481[%swap3A_482] {strides = array<i32>} : memref<128xi32, #tpu.memory_space<vmem>>, vector<16xi32>,
          %swap3A_484 = vector.shape_cast %swap3A_483 : vector<16xi32> to vector<16xi32>
          %swap3A_485 = vector.shape_cast %select_n3A_477 : vector<16xi32> to vector<16xi32>
          tpu.vector_store %swap3A_481[%swap3A_482], %swap3A_485 {strides = array<i32>} : memref<128xi32, #tpu.memory_space<vmem>>, vector<16xi32>,
          %get3A_486 = arith.constant 0 : i32
          %get3A_487 = arith.constant 0 : i32
          %get3A_488 = tpu.memref_slice %arg9[%get3A_486, %get3A_487] : memref<2x128xi32, #tpu.memory_space<vmem>> -> memref<1x128xi32, #tpu.memory_space<vmem>>
          %get3A_489 = tpu.memref_squeeze %get3A_488 : memref<1x128xi32, #tpu.memory_space<vmem>> -> memref<128xi32, #tpu.memory_space<vmem>>
          %get3A_490 = arith.constant 64 : index
          %get3A_491 = tpu.vector_load %get3A_489[%get3A_490] {strides = array<i32>} : memref<128xi32, #tpu.memory_space<vmem>>, vector<16xi32>,
          %get3A_492 = vector.shape_cast %get3A_491 : vector<16xi32> to vector<16xi32>
          %iota3A_493 = tpu.iota {dimensions = array<i32: 0>} : vector<16xi32>
          %add3A_494 = arith.constant 64 : i32
          %add3A_495 = vector.broadcast %add3A_494 : i32 to vector<16xi32>
          %add3A_496 = arith.addi %iota3A_493, %add3A_495 : vector<16xi32>
          %lt3A_497 = arith.constant 96 : i32
          %lt3A_498 = vector.broadcast %lt3A_497 : i32 to vector<16xi32>
          %lt3A_499 = arith.cmpi slt, %add3A_496, %lt3A_498 : vector<16xi32>
          %jit3A_500 = arith.constant 256 : i32
          %broadcast_in_dim3A_501 = vector.broadcast %jit3A_500 : i32 to vector<16xi32>
          %select_n3A_502 = arith.select %lt3A_499, %broadcast_in_dim3A_501, %get3A_492 : vector<16xi1>, vector<16xi32>
          %swap3A_503 = arith.constant 0 : i32
          %swap3A_504 = arith.constant 0 : i32
          %swap3A_505 = tpu.memref_slice %arg9[%swap3A_503, %swap3A_504] : memref<2x128xi32, #tpu.memory_space<vmem>> -> memref<1x128xi32, #tpu.memory_space<vmem>>
          %swap3A_506 = tpu.memref_squeeze %swap3A_505 : memref<1x128xi32, #tpu.memory_space<vmem>> -> memref<128xi32, #tpu.memory_space<vmem>>
          %swap3A_507 = arith.constant 64 : index
          %swap3A_508 = tpu.vector_load %swap3A_506[%swap3A_507] {strides = array<i32>} : memref<128xi32, #tpu.memory_space<vmem>>, vector<16xi32>,
          %swap3A_509 = vector.shape_cast %swap3A_508 : vector<16xi32> to vector<16xi32>
          %swap3A_510 = vector.shape_cast %select_n3A_502 : vector<16xi32> to vector<16xi32>
          tpu.vector_store %swap3A_506[%swap3A_507], %swap3A_510 {strides = array<i32>} : memref<128xi32, #tpu.memory_space<vmem>>, vector<16xi32>,
          %get3A_511 = arith.constant 0 : i32
          %get3A_512 = arith.constant 0 : i32
          %get3A_513 = tpu.memref_slice %arg9[%get3A_511, %get3A_512] : memref<2x128xi32, #tpu.memory_space<vmem>> -> memref<1x128xi32, #tpu.memory_space<vmem>>
          %get3A_514 = tpu.memref_squeeze %get3A_513 : memref<1x128xi32, #tpu.memory_space<vmem>> -> memref<128xi32, #tpu.memory_space<vmem>>
          %get3A_515 = arith.constant 80 : index
          %get3A_516 = tpu.vector_load %get3A_514[%get3A_515] {strides = array<i32>} : memref<128xi32, #tpu.memory_space<vmem>>, vector<16xi32>,
          %get3A_517 = vector.shape_cast %get3A_516 : vector<16xi32> to vector<16xi32>
          %iota3A_518 = tpu.iota {dimensions = array<i32: 0>} : vector<16xi32>
          %add3A_519 = arith.constant 80 : i32
          %add3A_520 = vector.broadcast %add3A_519 : i32 to vector<16xi32>
          %add3A_521 = arith.addi %iota3A_518, %add3A_520 : vector<16xi32>
          %lt3A_522 = arith.constant 96 : i32
          %lt3A_523 = vector.broadcast %lt3A_522 : i32 to vector<16xi32>
          %lt3A_524 = arith.cmpi slt, %add3A_521, %lt3A_523 : vector<16xi32>
          %jit3A_525 = arith.constant 256 : i32
          %broadcast_in_dim3A_526 = vector.broadcast %jit3A_525 : i32 to vector<16xi32>
          %select_n3A_527 = arith.select %lt3A_524, %broadcast_in_dim3A_526, %get3A_517 : vector<16xi1>, vector<16xi32>
          %swap3A_528 = arith.constant 0 : i32
          %swap3A_529 = arith.constant 0 : i32
          %swap3A_530 = tpu.memref_slice %arg9[%swap3A_528, %swap3A_529] : memref<2x128xi32, #tpu.memory_space<vmem>> -> memref<1x128xi32, #tpu.memory_space<vmem>>
          %swap3A_531 = tpu.memref_squeeze %swap3A_530 : memref<1x128xi32, #tpu.memory_space<vmem>> -> memref<128xi32, #tpu.memory_space<vmem>>
          %swap3A_532 = arith.constant 80 : index
          %swap3A_533 = tpu.vector_load %swap3A_531[%swap3A_532] {strides = array<i32>} : memref<128xi32, #tpu.memory_space<vmem>>, vector<16xi32>,
          %swap3A_534 = vector.shape_cast %swap3A_533 : vector<16xi32> to vector<16xi32>
          %swap3A_535 = vector.shape_cast %select_n3A_527 : vector<16xi32> to vector<16xi32>
          tpu.vector_store %swap3A_531[%swap3A_532], %swap3A_535 {strides = array<i32>} : memref<128xi32, #tpu.memory_space<vmem>>, vector<16xi32>,
          %get3A_536 = arith.constant 0 : i32
          %get3A_537 = arith.constant 0 : i32
          %get3A_538 = tpu.memref_slice %arg9[%get3A_536, %get3A_537] : memref<2x128xi32, #tpu.memory_space<vmem>> -> memref<1x128xi32, #tpu.memory_space<vmem>>
          %get3A_539 = tpu.memref_squeeze %get3A_538 : memref<1x128xi32, #tpu.memory_space<vmem>> -> memref<128xi32, #tpu.memory_space<vmem>>
          %get3A_540 = arith.constant 96 : index
          %get3A_541 = tpu.vector_load %get3A_539[%get3A_540] {strides = array<i32>} : memref<128xi32, #tpu.memory_space<vmem>>, vector<16xi32>,
          %get3A_542 = vector.shape_cast %get3A_541 : vector<16xi32> to vector<16xi32>
          %iota3A_543 = tpu.iota {dimensions = array<i32: 0>} : vector<16xi32>
          %add3A_544 = arith.constant 96 : i32
          %add3A_545 = vector.broadcast %add3A_544 : i32 to vector<16xi32>
          %add3A_546 = arith.addi %iota3A_543, %add3A_545 : vector<16xi32>
          %lt3A_547 = arith.constant 96 : i32
          %lt3A_548 = vector.broadcast %lt3A_547 : i32 to vector<16xi32>
          %lt3A_549 = arith.cmpi slt, %add3A_546, %lt3A_548 : vector<16xi32>
          %jit3A_550 = arith.constant 256 : i32
          %broadcast_in_dim3A_551 = vector.broadcast %jit3A_550 : i32 to vector<16xi32>
          %select_n3A_552 = arith.select %lt3A_549, %broadcast_in_dim3A_551, %get3A_542 : vector<16xi1>, vector<16xi32>
          %swap3A_553 = arith.constant 0 : i32
          %swap3A_554 = arith.constant 0 : i32
          %swap3A_555 = tpu.memref_slice %arg9[%swap3A_553, %swap3A_554] : memref<2x128xi32, #tpu.memory_space<vmem>> -> memref<1x128xi32, #tpu.memory_space<vmem>>
          %swap3A_556 = tpu.memref_squeeze %swap3A_555 : memref<1x128xi32, #tpu.memory_space<vmem>> -> memref<128xi32, #tpu.memory_space<vmem>>
          %swap3A_557 = arith.constant 96 : index
          %swap3A_558 = tpu.vector_load %swap3A_556[%swap3A_557] {strides = array<i32>} : memref<128xi32, #tpu.memory_space<vmem>>, vector<16xi32>,
          %swap3A_559 = vector.shape_cast %swap3A_558 : vector<16xi32> to vector<16xi32>
          %swap3A_560 = vector.shape_cast %select_n3A_552 : vector<16xi32> to vector<16xi32>
          tpu.vector_store %swap3A_556[%swap3A_557], %swap3A_560 {strides = array<i32>} : memref<128xi32, #tpu.memory_space<vmem>>, vector<16xi32>,
          %get3A_561 = arith.constant 0 : i32
          %get3A_562 = arith.constant 0 : i32
          %get3A_563 = tpu.memref_slice %arg9[%get3A_561, %get3A_562] : memref<2x128xi32, #tpu.memory_space<vmem>> -> memref<1x128xi32, #tpu.memory_space<vmem>>
          %get3A_564 = tpu.memref_squeeze %get3A_563 : memref<1x128xi32, #tpu.memory_space<vmem>> -> memref<128xi32, #tpu.memory_space<vmem>>
          %get3A_565 = arith.constant 112 : index
          %get3A_566 = tpu.vector_load %get3A_564[%get3A_565] {strides = array<i32>} : memref<128xi32, #tpu.memory_space<vmem>>, vector<16xi32>,
          %get3A_567 = vector.shape_cast %get3A_566 : vector<16xi32> to vector<16xi32>
          %iota3A_568 = tpu.iota {dimensions = array<i32: 0>} : vector<16xi32>
          %add3A_569 = arith.constant 112 : i32
          %add3A_570 = vector.broadcast %add3A_569 : i32 to vector<16xi32>
          %add3A_571 = arith.addi %iota3A_568, %add3A_570 : vector<16xi32>
          %lt3A_572 = arith.constant 96 : i32
          %lt3A_573 = vector.broadcast %lt3A_572 : i32 to vector<16xi32>
          %lt3A_574 = arith.cmpi slt, %add3A_571, %lt3A_573 : vector<16xi32>
          %jit3A_575 = arith.constant 256 : i32
          %broadcast_in_dim3A_576 = vector.broadcast %jit3A_575 : i32 to vector<16xi32>
          %select_n3A_577 = arith.select %lt3A_574, %broadcast_in_dim3A_576, %get3A_567 : vector<16xi1>, vector<16xi32>
          %swap3A_578 = arith.constant 0 : i32
          %swap3A_579 = arith.constant 0 : i32
          %swap3A_580 = tpu.memref_slice %arg9[%swap3A_578, %swap3A_579] : memref<2x128xi32, #tpu.memory_space<vmem>> -> memref<1x128xi32, #tpu.memory_space<vmem>>
          %swap3A_581 = tpu.memref_squeeze %swap3A_580 : memref<1x128xi32, #tpu.memory_space<vmem>> -> memref<128xi32, #tpu.memory_space<vmem>>
          %swap3A_582 = arith.constant 112 : index
          %swap3A_583 = tpu.vector_load %swap3A_581[%swap3A_582] {strides = array<i32>} : memref<128xi32, #tpu.memory_space<vmem>>, vector<16xi32>,
          %swap3A_584 = vector.shape_cast %swap3A_583 : vector<16xi32> to vector<16xi32>
          %swap3A_585 = vector.shape_cast %select_n3A_577 : vector<16xi32> to vector<16xi32>
          tpu.vector_store %swap3A_581[%swap3A_582], %swap3A_585 {strides = array<i32>} : memref<128xi32, #tpu.memory_space<vmem>>, vector<16xi32>,
        } else {
        }
        %run_scoped3A_379 = arith.constant 0 : i32
        %run_scoped3A_380 = arith.constant 0 : i32
        "tpu.region"() ({
          %run_scoped3A_388 = tpu.sem_alloc : memref<!tpu.dma_semaphore, #tpu.memory_space<semaphore_mem>>
          %dma_start3A_389 = arith.constant 0 : i32
          %dma_start3A_390 = arith.constant 0 : i32
          %dma_start3A_391 = tpu.memref_slice %arg10[%run_scoped3A_379, %dma_start3A_389, %dma_start3A_390] : memref<2x128x128xf32, #tpu.memory_space<vmem>> -> memref<1x128x128xf32, #tpu.memory_space<vmem>>
          %dma_start3A_392 = tpu.memref_squeeze %dma_start3A_391 : memref<1x128x128xf32, #tpu.memory_space<vmem>> -> memref<128x128xf32, #tpu.memory_space<vmem>>
          %dma_start3A_393 = arith.constant 0 : i32
          %dma_start3A_394 = tpu.memref_slice %arg9[%run_scoped3A_380, %dma_start3A_393] : memref<2x128xi32, #tpu.memory_space<vmem>> -> memref<1x128xi32, #tpu.memory_space<vmem>>
          %dma_start3A_395 = tpu.memref_squeeze %dma_start3A_394 : memref<1x128xi32, #tpu.memory_space<vmem>> -> memref<128xi32, #tpu.memory_space<vmem>>
          %dma_start3A_396 = arith.constant 0 : i32
          %dma_start3A_397 = arith.constant 0 : i32
          %dma_start3A_398 = tpu.memref_slice %arg13[%while3A, %dma_start3A_396, %dma_start3A_397] : memref<2x264x128xf32, #tpu.memory_space<vmem_shared>> -> memref<1x264x128xf32, #tpu.memory_space<vmem_shared>>
          %dma_start3A_399 = tpu.memref_squeeze %dma_start3A_398 : memref<1x264x128xf32, #tpu.memory_space<vmem_shared>> -> memref<264x128xf32, #tpu.memory_space<vmem_shared>>
          %dma_start3A_400 = arith.constant 0 : i32
          %dma_start3A_401 = arith.constant 0 : i32
          %dma_start3A_402 = tpu.memref_slice %dma_start3A_399[%dma_start3A_400, %dma_start3A_401] : memref<264x128xf32, #tpu.memory_space<vmem_shared>> -> memref<264x128xf32, #tpu.memory_space<vmem_shared>>
          tpu.enqueue_indirect_dma source(%dma_start3A_392 : memref<128x128xf32, #tpu.memory_space<vmem>>) target(%dma_start3A_402 : memref<264x128xf32, #tpu.memory_space<vmem_shared>>) offsets(%dma_start3A_395 : memref<128xi32, #tpu.memory_space<vmem>>) semaphore(%run_scoped3A_388 : memref<!tpu.dma_semaphore, #tpu.memory_space<semaphore_mem>>) {add = true}
          %dma_wait3A_403 = arith.constant 0 : i32
          %dma_wait3A_404 = arith.constant 0 : i32
          %dma_wait3A_405 = tpu.memref_slice %arg10[%run_scoped3A_379, %dma_wait3A_403, %dma_wait3A_404] : memref<2x128x128xf32, #tpu.memory_space<vmem>> -> memref<1x128x128xf32, #tpu.memory_space<vmem>>
          %dma_wait3A_406 = tpu.memref_squeeze %dma_wait3A_405 : memref<1x128x128xf32, #tpu.memory_space<vmem>> -> memref<128x128xf32, #tpu.memory_space<vmem>>
          %dma_wait3A_407 = arith.constant 0 : i32
          %dma_wait3A_408 = tpu.memref_slice %arg9[%run_scoped3A_380, %dma_wait3A_407] : memref<2x128xi32, #tpu.memory_space<vmem>> -> memref<1x128xi32, #tpu.memory_space<vmem>>
          %dma_wait3A_409 = tpu.memref_squeeze %dma_wait3A_408 : memref<1x128xi32, #tpu.memory_space<vmem>> -> memref<128xi32, #tpu.memory_space<vmem>>
          %dma_wait3A_410 = arith.constant 0 : i32
          %dma_wait3A_411 = arith.constant 0 : i32
          %dma_wait3A_412 = tpu.memref_slice %arg13[%while3A, %dma_wait3A_410, %dma_wait3A_411] : memref<2x264x128xf32, #tpu.memory_space<vmem_shared>> -> memref<1x264x128xf32, #tpu.memory_space<vmem_shared>>
          %dma_wait3A_413 = tpu.memref_squeeze %dma_wait3A_412 : memref<1x264x128xf32, #tpu.memory_space<vmem_shared>> -> memref<264x128xf32, #tpu.memory_space<vmem_shared>>
          %dma_wait3A_414 = arith.constant 0 : i32
          %dma_wait3A_415 = arith.constant 0 : i32
          %dma_wait3A_416 = tpu.memref_slice %dma_wait3A_413[%dma_wait3A_414, %dma_wait3A_415] : memref<264x128xf32, #tpu.memory_space<vmem_shared>> -> memref<264x128xf32, #tpu.memory_space<vmem_shared>>
          tpu.wait_indirect_dma semaphore(%run_scoped3A_388 : memref<!tpu.dma_semaphore, #tpu.memory_space<semaphore_mem>>) src(%dma_wait3A_406 : memref<128x128xf32, #tpu.memory_space<vmem>>) dst(%dma_wait3A_416 : memref<264x128xf32, #tpu.memory_space<vmem_shared>>)
          tpu.yield
        }) : () -> ()
        %run_scoped3A_381 = arith.constant 0 : i32
        "tpu.region"() ({
          %run_scoped3A_388 = tpu.sem_alloc : memref<!tpu.dma_semaphore, #tpu.memory_space<semaphore_mem>>
          %dma_start3A_389 = arith.constant 0 : i32
          %dma_start3A_390 = tpu.memref_slice %arg9[%run_scoped3A_381, %dma_start3A_389] : memref<2x128xi32, #tpu.memory_space<vmem>> -> memref<1x128xi32, #tpu.memory_space<vmem>>
          %dma_start3A_391 = tpu.memref_squeeze %dma_start3A_390 : memref<1x128xi32, #tpu.memory_space<vmem>> -> memref<128xi32, #tpu.memory_space<vmem>>
          %dma_start3A_392 = arith.constant 0 : i32
          %dma_start3A_393 = tpu.memref_slice %arg14[%dma_start3A_392] : memref<384xf32, #tpu.memory_space<vmem_shared>> -> memref<384xf32, #tpu.memory_space<vmem_shared>>
          tpu.enqueue_indirect_dma source(%arg11 : memref<128xf32, #tpu.memory_space<vmem>>) target(%dma_start3A_393 : memref<384xf32, #tpu.memory_space<vmem_shared>>) offsets(%dma_start3A_391 : memref<128xi32, #tpu.memory_space<vmem>>) semaphore(%run_scoped3A_388 : memref<!tpu.dma_semaphore, #tpu.memory_space<semaphore_mem>>) {add = true}
          %dma_wait3A_394 = arith.constant 0 : i32
          %dma_wait3A_395 = tpu.memref_slice %arg9[%run_scoped3A_381, %dma_wait3A_394] : memref<2x128xi32, #tpu.memory_space<vmem>> -> memref<1x128xi32, #tpu.memory_space<vmem>>
          %dma_wait3A_396 = tpu.memref_squeeze %dma_wait3A_395 : memref<1x128xi32, #tpu.memory_space<vmem>> -> memref<128xi32, #tpu.memory_space<vmem>>
          %dma_wait3A_397 = arith.constant 0 : i32
          %dma_wait3A_398 = tpu.memref_slice %arg14[%dma_wait3A_397] : memref<384xf32, #tpu.memory_space<vmem_shared>> -> memref<384xf32, #tpu.memory_space<vmem_shared>>
          tpu.wait_indirect_dma semaphore(%run_scoped3A_388 : memref<!tpu.dma_semaphore, #tpu.memory_space<semaphore_mem>>) src(%arg11 : memref<128xf32, #tpu.memory_space<vmem>>) dst(%dma_wait3A_398 : memref<384xf32, #tpu.memory_space<vmem_shared>>)
          tpu.yield
        }) : () -> ()
        %add3A_382 = arith.constant 2 : i32
        %add3A_383 = arith.addi %add3A_323, %add3A_382 : i32
        %lt3A_384 = arith.cmpi slt, %add3A_383, %select_n3A : i32
        %convert_element_type3A_385 = arith.extui %lt3A_384 : i1 to i32
        %cond3A_386 = arith.constant 0 : i32
        %cond3A_387 = arith.cmpi ne, %convert_element_type3A_385, %cond3A_386 : i32
        scf.if %cond3A_387 {
          %add3A_388 = arith.constant 2 : i32
          %add3A_389 = arith.addi %add3A_323, %add3A_388 : i32
          %mul3A_390 = arith.constant 32 : i32
          %mul3A_391 = arith.muli %add3A_389, %mul3A_390 : i32
          %add3A_392 = arith.addi %add3A, %mul3A_391 : i32
          %eq3A_393 = arith.constant 781 : i32
          %eq3A_394 = arith.cmpi eq, %add3A_392, %eq3A_393 : i32
          %mul3A_395 = arith.constant 128 : i32
          %mul3A_396 = arith.muli %add3A_392, %mul3A_395 : i32
          %jit3A_397 = arith.constant 99872 : i32
          %select_n3A_398 = arith.select %eq3A_394, %jit3A_397, %mul3A_396 : i32
          %dma_start3A_399 = arith.constant 0 : i32
          %dma_start3A_400 = arith.constant 0 : i32
          %dma_start3A_401 = arith.constant 0 : i32
          %dma_start3A_402 = tpu.memref_slice %arg9[%dma_start3A_399, %dma_start3A_401] : memref<2x128xi32, #tpu.memory_space<vmem>> -> memref<1x128xi32, #tpu.memory_space<vmem>>
          %dma_start3A_403 = tpu.memref_squeeze %dma_start3A_402 : memref<1x128xi32, #tpu.memory_space<vmem>> -> memref<128xi32, #tpu.memory_space<vmem>>
          %dma_start3A_404 = tpu.memref_slice %arg3[%select_n3A_398] : memref<100000xi32, #tpu.memory_space<hbm>> -> memref<128xi32, #tpu.memory_space<hbm>>
          %dma_start3A_405 = tpu.memref_slice %arg16[%dma_start3A_400] : memref<2x!tpu.dma_semaphore, #tpu.memory_space<semaphore_mem>> -> memref<1x!tpu.dma_semaphore, #tpu.memory_space<semaphore_mem>>
          %dma_start3A_406 = tpu.memref_squeeze %dma_start3A_405 : memref<1x!tpu.dma_semaphore, #tpu.memory_space<semaphore_mem>> -> memref<!tpu.dma_semaphore, #tpu.memory_space<semaphore_mem>>
          %dma_start3A_407 = arith.constant 0 : i32
          %dma_start3A_408 = tpu.memref_slice %arg9[%dma_start3A_399, %dma_start3A_407] : memref<2x128xi32, #tpu.memory_space<vmem>> -> memref<1x128xi32, #tpu.memory_space<vmem>>
          %dma_start3A_409 = tpu.memref_squeeze %dma_start3A_408 : memref<1x128xi32, #tpu.memory_space<vmem>> -> memref<128xi32, #tpu.memory_space<vmem>>
          %dma_start3A_410 = tpu.memref_slice %arg3[%select_n3A_398] : memref<100000xi32, #tpu.memory_space<hbm>> -> memref<128xi32, #tpu.memory_space<hbm>>
          tpu.enqueue_dma source(%dma_start3A_410 : memref<128xi32, #tpu.memory_space<hbm>>) target(%dma_start3A_409 : memref<128xi32, #tpu.memory_space<vmem>>) target_semaphore(%dma_start3A_406 : memref<!tpu.dma_semaphore, #tpu.memory_space<semaphore_mem>>)
          %dma_start3A_411 = arith.constant 0 : i32
          %dma_start3A_412 = arith.constant 0 : i32
          %dma_start3A_413 = arith.constant 0 : i32
          %dma_start3A_414 = arith.constant 0 : i32
          %dma_start3A_415 = tpu.memref_slice %arg10[%dma_start3A_411, %dma_start3A_413, %dma_start3A_414] : memref<2x128x128xf32, #tpu.memory_space<vmem>> -> memref<1x128x128xf32, #tpu.memory_space<vmem>>
          %dma_start3A_416 = tpu.memref_squeeze %dma_start3A_415 : memref<1x128x128xf32, #tpu.memory_space<vmem>> -> memref<128x128xf32, #tpu.memory_space<vmem>>
          %dma_start3A_417 = arith.constant 0 : i32
          %dma_start3A_418 = tpu.memref_slice %arg2[%select_n3A_398, %dma_start3A_417] : memref<100000x128xf32, #tpu.memory_space<hbm>> -> memref<128x128xf32, #tpu.memory_space<hbm>>
          %dma_start3A_419 = tpu.memref_slice %arg16[%dma_start3A_412] : memref<2x!tpu.dma_semaphore, #tpu.memory_space<semaphore_mem>> -> memref<1x!tpu.dma_semaphore, #tpu.memory_space<semaphore_mem>>
          %dma_start3A_420 = tpu.memref_squeeze %dma_start3A_419 : memref<1x!tpu.dma_semaphore, #tpu.memory_space<semaphore_mem>> -> memref<!tpu.dma_semaphore, #tpu.memory_space<semaphore_mem>>
          %dma_start3A_421 = arith.constant 0 : i32
          %dma_start3A_422 = arith.constant 0 : i32
          %dma_start3A_423 = tpu.memref_slice %arg10[%dma_start3A_411, %dma_start3A_421, %dma_start3A_422] : memref<2x128x128xf32, #tpu.memory_space<vmem>> -> memref<1x128x128xf32, #tpu.memory_space<vmem>>
          %dma_start3A_424 = tpu.memref_squeeze %dma_start3A_423 : memref<1x128x128xf32, #tpu.memory_space<vmem>> -> memref<128x128xf32, #tpu.memory_space<vmem>>
          %dma_start3A_425 = arith.constant 0 : i32
          %dma_start3A_426 = tpu.memref_slice %arg2[%select_n3A_398, %dma_start3A_425] : memref<100000x128xf32, #tpu.memory_space<hbm>> -> memref<128x128xf32, #tpu.memory_space<hbm>>
          tpu.enqueue_dma source(%dma_start3A_426 : memref<128x128xf32, #tpu.memory_space<hbm>>) target(%dma_start3A_424 : memref<128x128xf32, #tpu.memory_space<vmem>>) target_semaphore(%dma_start3A_420 : memref<!tpu.dma_semaphore, #tpu.memory_space<semaphore_mem>>)
        } else {
        }
      } else {
      }
      %mul3A_327 = arith.constant 2 : i32
      %mul3A_328 = arith.muli %mul3A_327, %while3A_318 : i32
      %add3A_329 = arith.constant 1 : i32
      %add3A_330 = arith.addi %mul3A_328, %add3A_329 : i32
      %lt3A_331 = arith.cmpi slt, %add3A_330, %select_n3A : i32
      %convert_element_type3A_332 = arith.extui %lt3A_331 : i1 to i32
      %cond3A_333 = arith.constant 0 : i32
      %cond3A_334 = arith.cmpi ne, %convert_element_type3A_332, %cond3A_333 : i32
      scf.if %cond3A_334 {
        %dma_wait3A = arith.constant 1 : i32
        %dma_wait3A_336 = arith.constant 1 : i32
        %dma_wait3A_337 = arith.constant 0 : i32
        %dma_wait3A_338 = tpu.memref_slice %arg9[%dma_wait3A, %dma_wait3A_337] : memref<2x128xi32, #tpu.memory_space<vmem>> -> memref<1x128xi32, #tpu.memory_space<vmem>>
        %dma_wait3A_339 = tpu.memref_squeeze %dma_wait3A_338 : memref<1x128xi32, #tpu.memory_space<vmem>> -> memref<128xi32, #tpu.memory_space<vmem>>
        %dma_wait3A_340 = arith.constant 0 : i32
        %dma_wait3A_341 = tpu.memref_slice %arg3[%dma_wait3A_340] : memref<100000xi32, #tpu.memory_space<hbm>> -> memref<128xi32, #tpu.memory_space<hbm>>
        %dma_wait3A_342 = tpu.memref_slice %arg16[%dma_wait3A_336] : memref<2x!tpu.dma_semaphore, #tpu.memory_space<semaphore_mem>> -> memref<1x!tpu.dma_semaphore, #tpu.memory_space<semaphore_mem>>
        %dma_wait3A_343 = tpu.memref_squeeze %dma_wait3A_342 : memref<1x!tpu.dma_semaphore, #tpu.memory_space<semaphore_mem>> -> memref<!tpu.dma_semaphore, #tpu.memory_space<semaphore_mem>>
        %dma_wait3A_344 = arith.constant 0 : i32
        %dma_wait3A_345 = tpu.memref_slice %arg9[%dma_wait3A, %dma_wait3A_344] : memref<2x128xi32, #tpu.memory_space<vmem>> -> memref<1x128xi32, #tpu.memory_space<vmem>>
        %dma_wait3A_346 = tpu.memref_squeeze %dma_wait3A_345 : memref<1x128xi32, #tpu.memory_space<vmem>> -> memref<128xi32, #tpu.memory_space<vmem>>
        %dma_wait3A_347 = arith.constant 0 : i32
        %dma_wait3A_348 = tpu.memref_slice %arg3[%dma_wait3A_347] : memref<100000xi32, #tpu.memory_space<hbm>> -> memref<128xi32, #tpu.memory_space<hbm>>
        tpu.wait_dma2 semaphore(%dma_wait3A_343 : memref<!tpu.dma_semaphore, #tpu.memory_space<semaphore_mem>>) src(%dma_wait3A_348 : memref<128xi32, #tpu.memory_space<hbm>>) dst(%dma_wait3A_346 : memref<128xi32, #tpu.memory_space<vmem>>)
        %dma_wait3A_349 = arith.constant 1 : i32
        %dma_wait3A_350 = arith.constant 1 : i32
        %dma_wait3A_351 = arith.constant 0 : i32
        %dma_wait3A_352 = arith.constant 0 : i32
        %dma_wait3A_353 = tpu.memref_slice %arg10[%dma_wait3A_349, %dma_wait3A_351, %dma_wait3A_352] : memref<2x128x128xf32, #tpu.memory_space<vmem>> -> memref<1x128x128xf32, #tpu.memory_space<vmem>>
        %dma_wait3A_354 = tpu.memref_squeeze %dma_wait3A_353 : memref<1x128x128xf32, #tpu.memory_space<vmem>> -> memref<128x128xf32, #tpu.memory_space<vmem>>
        %dma_wait3A_355 = arith.constant 0 : i32
        %dma_wait3A_356 = arith.constant 0 : i32
        %dma_wait3A_357 = tpu.memref_slice %arg2[%dma_wait3A_355, %dma_wait3A_356] : memref<100000x128xf32, #tpu.memory_space<hbm>> -> memref<128x128xf32, #tpu.memory_space<hbm>>
        %dma_wait3A_358 = tpu.memref_slice %arg16[%dma_wait3A_350] : memref<2x!tpu.dma_semaphore, #tpu.memory_space<semaphore_mem>> -> memref<1x!tpu.dma_semaphore, #tpu.memory_space<semaphore_mem>>
        %dma_wait3A_359 = tpu.memref_squeeze %dma_wait3A_358 : memref<1x!tpu.dma_semaphore, #tpu.memory_space<semaphore_mem>> -> memref<!tpu.dma_semaphore, #tpu.memory_space<semaphore_mem>>
        %dma_wait3A_360 = arith.constant 0 : i32
        %dma_wait3A_361 = arith.constant 0 : i32
        %dma_wait3A_362 = tpu.memref_slice %arg10[%dma_wait3A_349, %dma_wait3A_360, %dma_wait3A_361] : memref<2x128x128xf32, #tpu.memory_space<vmem>> -> memref<1x128x128xf32, #tpu.memory_space<vmem>>
        %dma_wait3A_363 = tpu.memref_squeeze %dma_wait3A_362 : memref<1x128x128xf32, #tpu.memory_space<vmem>> -> memref<128x128xf32, #tpu.memory_space<vmem>>
        %dma_wait3A_364 = arith.constant 0 : i32
        %dma_wait3A_365 = arith.constant 0 : i32
        %dma_wait3A_366 = tpu.memref_slice %arg2[%dma_wait3A_364, %dma_wait3A_365] : memref<100000x128xf32, #tpu.memory_space<hbm>> -> memref<128x128xf32, #tpu.memory_space<hbm>>
        tpu.wait_dma2 semaphore(%dma_wait3A_359 : memref<!tpu.dma_semaphore, #tpu.memory_space<semaphore_mem>>) src(%dma_wait3A_366 : memref<128x128xf32, #tpu.memory_space<hbm>>) dst(%dma_wait3A_363 : memref<128x128xf32, #tpu.memory_space<vmem>>)
        %mul3A_367 = arith.constant 32 : i32
        %mul3A_368 = arith.muli %add3A_330, %mul3A_367 : i32
        %add3A_369 = arith.addi %add3A, %mul3A_368 : i32
        %eq3A_370 = arith.constant 781 : i32
        %eq3A_371 = arith.cmpi eq, %add3A_369, %eq3A_370 : i32
        %mul3A_372 = arith.constant 128 : i32
        %mul3A_373 = arith.muli %add3A_369, %mul3A_372 : i32
        %jit3A_374 = arith.constant 99872 : i32
        %select_n3A_375 = arith.select %eq3A_371, %jit3A_374, %mul3A_373 : i32
        %convert_element_type3A_376 = arith.extui %eq3A_371 : i1 to i32
        %cond3A_377 = arith.constant 0 : i32
        %cond3A_378 = arith.cmpi ne, %convert_element_type3A_376, %cond3A_377 : i32
        scf.if %cond3A_378 {
          %get3A = arith.constant 1 : i32
          %get3A_388 = arith.constant 0 : i32
          %get3A_389 = tpu.memref_slice %arg9[%get3A, %get3A_388] : memref<2x128xi32, #tpu.memory_space<vmem>> -> memref<1x128xi32, #tpu.memory_space<vmem>>
          %get3A_390 = tpu.memref_squeeze %get3A_389 : memref<1x128xi32, #tpu.memory_space<vmem>> -> memref<128xi32, #tpu.memory_space<vmem>>
          %get3A_391 = arith.constant 0 : index
          %get3A_392 = tpu.vector_load %get3A_390[%get3A_391] {strides = array<i32>} : memref<128xi32, #tpu.memory_space<vmem>>, vector<16xi32>,
          %get3A_393 = vector.shape_cast %get3A_392 : vector<16xi32> to vector<16xi32>
          %iota3A = tpu.iota {dimensions = array<i32: 0>} : vector<16xi32>
          %add3A_394 = arith.constant 0 : i32
          %add3A_395 = vector.broadcast %add3A_394 : i32 to vector<16xi32>
          %add3A_396 = arith.addi %iota3A, %add3A_395 : vector<16xi32>
          %lt3A_397 = arith.constant 96 : i32
          %lt3A_398 = vector.broadcast %lt3A_397 : i32 to vector<16xi32>
          %lt3A_399 = arith.cmpi slt, %add3A_396, %lt3A_398 : vector<16xi32>
          %jit3A_400 = arith.constant 256 : i32
          %broadcast_in_dim3A_401 = vector.broadcast %jit3A_400 : i32 to vector<16xi32>
          %select_n3A_402 = arith.select %lt3A_399, %broadcast_in_dim3A_401, %get3A_393 : vector<16xi1>, vector<16xi32>
          %swap3A_403 = arith.constant 1 : i32
          %swap3A_404 = arith.constant 0 : i32
          %swap3A_405 = tpu.memref_slice %arg9[%swap3A_403, %swap3A_404] : memref<2x128xi32, #tpu.memory_space<vmem>> -> memref<1x128xi32, #tpu.memory_space<vmem>>
          %swap3A_406 = tpu.memref_squeeze %swap3A_405 : memref<1x128xi32, #tpu.memory_space<vmem>> -> memref<128xi32, #tpu.memory_space<vmem>>
          %swap3A_407 = arith.constant 0 : index
          %swap3A_408 = tpu.vector_load %swap3A_406[%swap3A_407] {strides = array<i32>} : memref<128xi32, #tpu.memory_space<vmem>>, vector<16xi32>,
          %swap3A_409 = vector.shape_cast %swap3A_408 : vector<16xi32> to vector<16xi32>
          %swap3A_410 = vector.shape_cast %select_n3A_402 : vector<16xi32> to vector<16xi32>
          tpu.vector_store %swap3A_406[%swap3A_407], %swap3A_410 {strides = array<i32>} : memref<128xi32, #tpu.memory_space<vmem>>, vector<16xi32>,
          %get3A_411 = arith.constant 1 : i32
          %get3A_412 = arith.constant 0 : i32
          %get3A_413 = tpu.memref_slice %arg9[%get3A_411, %get3A_412] : memref<2x128xi32, #tpu.memory_space<vmem>> -> memref<1x128xi32, #tpu.memory_space<vmem>>
          %get3A_414 = tpu.memref_squeeze %get3A_413 : memref<1x128xi32, #tpu.memory_space<vmem>> -> memref<128xi32, #tpu.memory_space<vmem>>
          %get3A_415 = arith.constant 16 : index
          %get3A_416 = tpu.vector_load %get3A_414[%get3A_415] {strides = array<i32>} : memref<128xi32, #tpu.memory_space<vmem>>, vector<16xi32>,
          %get3A_417 = vector.shape_cast %get3A_416 : vector<16xi32> to vector<16xi32>
          %iota3A_418 = tpu.iota {dimensions = array<i32: 0>} : vector<16xi32>
          %add3A_419 = arith.constant 16 : i32
          %add3A_420 = vector.broadcast %add3A_419 : i32 to vector<16xi32>
          %add3A_421 = arith.addi %iota3A_418, %add3A_420 : vector<16xi32>
          %lt3A_422 = arith.constant 96 : i32
          %lt3A_423 = vector.broadcast %lt3A_422 : i32 to vector<16xi32>
          %lt3A_424 = arith.cmpi slt, %add3A_421, %lt3A_423 : vector<16xi32>
          %jit3A_425 = arith.constant 256 : i32
          %broadcast_in_dim3A_426 = vector.broadcast %jit3A_425 : i32 to vector<16xi32>
          %select_n3A_427 = arith.select %lt3A_424, %broadcast_in_dim3A_426, %get3A_417 : vector<16xi1>, vector<16xi32>
          %swap3A_428 = arith.constant 1 : i32
          %swap3A_429 = arith.constant 0 : i32
          %swap3A_430 = tpu.memref_slice %arg9[%swap3A_428, %swap3A_429] : memref<2x128xi32, #tpu.memory_space<vmem>> -> memref<1x128xi32, #tpu.memory_space<vmem>>
          %swap3A_431 = tpu.memref_squeeze %swap3A_430 : memref<1x128xi32, #tpu.memory_space<vmem>> -> memref<128xi32, #tpu.memory_space<vmem>>
          %swap3A_432 = arith.constant 16 : index
          %swap3A_433 = tpu.vector_load %swap3A_431[%swap3A_432] {strides = array<i32>} : memref<128xi32, #tpu.memory_space<vmem>>, vector<16xi32>,
          %swap3A_434 = vector.shape_cast %swap3A_433 : vector<16xi32> to vector<16xi32>
          %swap3A_435 = vector.shape_cast %select_n3A_427 : vector<16xi32> to vector<16xi32>
          tpu.vector_store %swap3A_431[%swap3A_432], %swap3A_435 {strides = array<i32>} : memref<128xi32, #tpu.memory_space<vmem>>, vector<16xi32>,
          %get3A_436 = arith.constant 1 : i32
          %get3A_437 = arith.constant 0 : i32
          %get3A_438 = tpu.memref_slice %arg9[%get3A_436, %get3A_437] : memref<2x128xi32, #tpu.memory_space<vmem>> -> memref<1x128xi32, #tpu.memory_space<vmem>>
          %get3A_439 = tpu.memref_squeeze %get3A_438 : memref<1x128xi32, #tpu.memory_space<vmem>> -> memref<128xi32, #tpu.memory_space<vmem>>
          %get3A_440 = arith.constant 32 : index
          %get3A_441 = tpu.vector_load %get3A_439[%get3A_440] {strides = array<i32>} : memref<128xi32, #tpu.memory_space<vmem>>, vector<16xi32>,
          %get3A_442 = vector.shape_cast %get3A_441 : vector<16xi32> to vector<16xi32>
          %iota3A_443 = tpu.iota {dimensions = array<i32: 0>} : vector<16xi32>
          %add3A_444 = arith.constant 32 : i32
          %add3A_445 = vector.broadcast %add3A_444 : i32 to vector<16xi32>
          %add3A_446 = arith.addi %iota3A_443, %add3A_445 : vector<16xi32>
          %lt3A_447 = arith.constant 96 : i32
          %lt3A_448 = vector.broadcast %lt3A_447 : i32 to vector<16xi32>
          %lt3A_449 = arith.cmpi slt, %add3A_446, %lt3A_448 : vector<16xi32>
          %jit3A_450 = arith.constant 256 : i32
          %broadcast_in_dim3A_451 = vector.broadcast %jit3A_450 : i32 to vector<16xi32>
          %select_n3A_452 = arith.select %lt3A_449, %broadcast_in_dim3A_451, %get3A_442 : vector<16xi1>, vector<16xi32>
          %swap3A_453 = arith.constant 1 : i32
          %swap3A_454 = arith.constant 0 : i32
          %swap3A_455 = tpu.memref_slice %arg9[%swap3A_453, %swap3A_454] : memref<2x128xi32, #tpu.memory_space<vmem>> -> memref<1x128xi32, #tpu.memory_space<vmem>>
          %swap3A_456 = tpu.memref_squeeze %swap3A_455 : memref<1x128xi32, #tpu.memory_space<vmem>> -> memref<128xi32, #tpu.memory_space<vmem>>
          %swap3A_457 = arith.constant 32 : index
          %swap3A_458 = tpu.vector_load %swap3A_456[%swap3A_457] {strides = array<i32>} : memref<128xi32, #tpu.memory_space<vmem>>, vector<16xi32>,
          %swap3A_459 = vector.shape_cast %swap3A_458 : vector<16xi32> to vector<16xi32>
          %swap3A_460 = vector.shape_cast %select_n3A_452 : vector<16xi32> to vector<16xi32>
          tpu.vector_store %swap3A_456[%swap3A_457], %swap3A_460 {strides = array<i32>} : memref<128xi32, #tpu.memory_space<vmem>>, vector<16xi32>,
          %get3A_461 = arith.constant 1 : i32
          %get3A_462 = arith.constant 0 : i32
          %get3A_463 = tpu.memref_slice %arg9[%get3A_461, %get3A_462] : memref<2x128xi32, #tpu.memory_space<vmem>> -> memref<1x128xi32, #tpu.memory_space<vmem>>
          %get3A_464 = tpu.memref_squeeze %get3A_463 : memref<1x128xi32, #tpu.memory_space<vmem>> -> memref<128xi32, #tpu.memory_space<vmem>>
          %get3A_465 = arith.constant 48 : index
          %get3A_466 = tpu.vector_load %get3A_464[%get3A_465] {strides = array<i32>} : memref<128xi32, #tpu.memory_space<vmem>>, vector<16xi32>,
          %get3A_467 = vector.shape_cast %get3A_466 : vector<16xi32> to vector<16xi32>
          %iota3A_468 = tpu.iota {dimensions = array<i32: 0>} : vector<16xi32>
          %add3A_469 = arith.constant 48 : i32
          %add3A_470 = vector.broadcast %add3A_469 : i32 to vector<16xi32>
          %add3A_471 = arith.addi %iota3A_468, %add3A_470 : vector<16xi32>
          %lt3A_472 = arith.constant 96 : i32
          %lt3A_473 = vector.broadcast %lt3A_472 : i32 to vector<16xi32>
          %lt3A_474 = arith.cmpi slt, %add3A_471, %lt3A_473 : vector<16xi32>
          %jit3A_475 = arith.constant 256 : i32
          %broadcast_in_dim3A_476 = vector.broadcast %jit3A_475 : i32 to vector<16xi32>
          %select_n3A_477 = arith.select %lt3A_474, %broadcast_in_dim3A_476, %get3A_467 : vector<16xi1>, vector<16xi32>
          %swap3A_478 = arith.constant 1 : i32
          %swap3A_479 = arith.constant 0 : i32
          %swap3A_480 = tpu.memref_slice %arg9[%swap3A_478, %swap3A_479] : memref<2x128xi32, #tpu.memory_space<vmem>> -> memref<1x128xi32, #tpu.memory_space<vmem>>
          %swap3A_481 = tpu.memref_squeeze %swap3A_480 : memref<1x128xi32, #tpu.memory_space<vmem>> -> memref<128xi32, #tpu.memory_space<vmem>>
          %swap3A_482 = arith.constant 48 : index
          %swap3A_483 = tpu.vector_load %swap3A_481[%swap3A_482] {strides = array<i32>} : memref<128xi32, #tpu.memory_space<vmem>>, vector<16xi32>,
          %swap3A_484 = vector.shape_cast %swap3A_483 : vector<16xi32> to vector<16xi32>
          %swap3A_485 = vector.shape_cast %select_n3A_477 : vector<16xi32> to vector<16xi32>
          tpu.vector_store %swap3A_481[%swap3A_482], %swap3A_485 {strides = array<i32>} : memref<128xi32, #tpu.memory_space<vmem>>, vector<16xi32>,
          %get3A_486 = arith.constant 1 : i32
          %get3A_487 = arith.constant 0 : i32
          %get3A_488 = tpu.memref_slice %arg9[%get3A_486, %get3A_487] : memref<2x128xi32, #tpu.memory_space<vmem>> -> memref<1x128xi32, #tpu.memory_space<vmem>>
          %get3A_489 = tpu.memref_squeeze %get3A_488 : memref<1x128xi32, #tpu.memory_space<vmem>> -> memref<128xi32, #tpu.memory_space<vmem>>
          %get3A_490 = arith.constant 64 : index
          %get3A_491 = tpu.vector_load %get3A_489[%get3A_490] {strides = array<i32>} : memref<128xi32, #tpu.memory_space<vmem>>, vector<16xi32>,
          %get3A_492 = vector.shape_cast %get3A_491 : vector<16xi32> to vector<16xi32>
          %iota3A_493 = tpu.iota {dimensions = array<i32: 0>} : vector<16xi32>
          %add3A_494 = arith.constant 64 : i32
          %add3A_495 = vector.broadcast %add3A_494 : i32 to vector<16xi32>
          %add3A_496 = arith.addi %iota3A_493, %add3A_495 : vector<16xi32>
          %lt3A_497 = arith.constant 96 : i32
          %lt3A_498 = vector.broadcast %lt3A_497 : i32 to vector<16xi32>
          %lt3A_499 = arith.cmpi slt, %add3A_496, %lt3A_498 : vector<16xi32>
          %jit3A_500 = arith.constant 256 : i32
          %broadcast_in_dim3A_501 = vector.broadcast %jit3A_500 : i32 to vector<16xi32>
          %select_n3A_502 = arith.select %lt3A_499, %broadcast_in_dim3A_501, %get3A_492 : vector<16xi1>, vector<16xi32>
          %swap3A_503 = arith.constant 1 : i32
          %swap3A_504 = arith.constant 0 : i32
          %swap3A_505 = tpu.memref_slice %arg9[%swap3A_503, %swap3A_504] : memref<2x128xi32, #tpu.memory_space<vmem>> -> memref<1x128xi32, #tpu.memory_space<vmem>>
          %swap3A_506 = tpu.memref_squeeze %swap3A_505 : memref<1x128xi32, #tpu.memory_space<vmem>> -> memref<128xi32, #tpu.memory_space<vmem>>
          %swap3A_507 = arith.constant 64 : index
          %swap3A_508 = tpu.vector_load %swap3A_506[%swap3A_507] {strides = array<i32>} : memref<128xi32, #tpu.memory_space<vmem>>, vector<16xi32>,
          %swap3A_509 = vector.shape_cast %swap3A_508 : vector<16xi32> to vector<16xi32>
          %swap3A_510 = vector.shape_cast %select_n3A_502 : vector<16xi32> to vector<16xi32>
          tpu.vector_store %swap3A_506[%swap3A_507], %swap3A_510 {strides = array<i32>} : memref<128xi32, #tpu.memory_space<vmem>>, vector<16xi32>,
          %get3A_511 = arith.constant 1 : i32
          %get3A_512 = arith.constant 0 : i32
          %get3A_513 = tpu.memref_slice %arg9[%get3A_511, %get3A_512] : memref<2x128xi32, #tpu.memory_space<vmem>> -> memref<1x128xi32, #tpu.memory_space<vmem>>
          %get3A_514 = tpu.memref_squeeze %get3A_513 : memref<1x128xi32, #tpu.memory_space<vmem>> -> memref<128xi32, #tpu.memory_space<vmem>>
          %get3A_515 = arith.constant 80 : index
          %get3A_516 = tpu.vector_load %get3A_514[%get3A_515] {strides = array<i32>} : memref<128xi32, #tpu.memory_space<vmem>>, vector<16xi32>,
          %get3A_517 = vector.shape_cast %get3A_516 : vector<16xi32> to vector<16xi32>
          %iota3A_518 = tpu.iota {dimensions = array<i32: 0>} : vector<16xi32>
          %add3A_519 = arith.constant 80 : i32
          %add3A_520 = vector.broadcast %add3A_519 : i32 to vector<16xi32>
          %add3A_521 = arith.addi %iota3A_518, %add3A_520 : vector<16xi32>
          %lt3A_522 = arith.constant 96 : i32
          %lt3A_523 = vector.broadcast %lt3A_522 : i32 to vector<16xi32>
          %lt3A_524 = arith.cmpi slt, %add3A_521, %lt3A_523 : vector<16xi32>
          %jit3A_525 = arith.constant 256 : i32
          %broadcast_in_dim3A_526 = vector.broadcast %jit3A_525 : i32 to vector<16xi32>
          %select_n3A_527 = arith.select %lt3A_524, %broadcast_in_dim3A_526, %get3A_517 : vector<16xi1>, vector<16xi32>
          %swap3A_528 = arith.constant 1 : i32
          %swap3A_529 = arith.constant 0 : i32
          %swap3A_530 = tpu.memref_slice %arg9[%swap3A_528, %swap3A_529] : memref<2x128xi32, #tpu.memory_space<vmem>> -> memref<1x128xi32, #tpu.memory_space<vmem>>
          %swap3A_531 = tpu.memref_squeeze %swap3A_530 : memref<1x128xi32, #tpu.memory_space<vmem>> -> memref<128xi32, #tpu.memory_space<vmem>>
          %swap3A_532 = arith.constant 80 : index
          %swap3A_533 = tpu.vector_load %swap3A_531[%swap3A_532] {strides = array<i32>} : memref<128xi32, #tpu.memory_space<vmem>>, vector<16xi32>,
          %swap3A_534 = vector.shape_cast %swap3A_533 : vector<16xi32> to vector<16xi32>
          %swap3A_535 = vector.shape_cast %select_n3A_527 : vector<16xi32> to vector<16xi32>
          tpu.vector_store %swap3A_531[%swap3A_532], %swap3A_535 {strides = array<i32>} : memref<128xi32, #tpu.memory_space<vmem>>, vector<16xi32>,
          %get3A_536 = arith.constant 1 : i32
          %get3A_537 = arith.constant 0 : i32
          %get3A_538 = tpu.memref_slice %arg9[%get3A_536, %get3A_537] : memref<2x128xi32, #tpu.memory_space<vmem>> -> memref<1x128xi32, #tpu.memory_space<vmem>>
          %get3A_539 = tpu.memref_squeeze %get3A_538 : memref<1x128xi32, #tpu.memory_space<vmem>> -> memref<128xi32, #tpu.memory_space<vmem>>
          %get3A_540 = arith.constant 96 : index
          %get3A_541 = tpu.vector_load %get3A_539[%get3A_540] {strides = array<i32>} : memref<128xi32, #tpu.memory_space<vmem>>, vector<16xi32>,
          %get3A_542 = vector.shape_cast %get3A_541 : vector<16xi32> to vector<16xi32>
          %iota3A_543 = tpu.iota {dimensions = array<i32: 0>} : vector<16xi32>
          %add3A_544 = arith.constant 96 : i32
          %add3A_545 = vector.broadcast %add3A_544 : i32 to vector<16xi32>
          %add3A_546 = arith.addi %iota3A_543, %add3A_545 : vector<16xi32>
          %lt3A_547 = arith.constant 96 : i32
          %lt3A_548 = vector.broadcast %lt3A_547 : i32 to vector<16xi32>
          %lt3A_549 = arith.cmpi slt, %add3A_546, %lt3A_548 : vector<16xi32>
          %jit3A_550 = arith.constant 256 : i32
          %broadcast_in_dim3A_551 = vector.broadcast %jit3A_550 : i32 to vector<16xi32>
          %select_n3A_552 = arith.select %lt3A_549, %broadcast_in_dim3A_551, %get3A_542 : vector<16xi1>, vector<16xi32>
          %swap3A_553 = arith.constant 1 : i32
          %swap3A_554 = arith.constant 0 : i32
          %swap3A_555 = tpu.memref_slice %arg9[%swap3A_553, %swap3A_554] : memref<2x128xi32, #tpu.memory_space<vmem>> -> memref<1x128xi32, #tpu.memory_space<vmem>>
          %swap3A_556 = tpu.memref_squeeze %swap3A_555 : memref<1x128xi32, #tpu.memory_space<vmem>> -> memref<128xi32, #tpu.memory_space<vmem>>
          %swap3A_557 = arith.constant 96 : index
          %swap3A_558 = tpu.vector_load %swap3A_556[%swap3A_557] {strides = array<i32>} : memref<128xi32, #tpu.memory_space<vmem>>, vector<16xi32>,
          %swap3A_559 = vector.shape_cast %swap3A_558 : vector<16xi32> to vector<16xi32>
          %swap3A_560 = vector.shape_cast %select_n3A_552 : vector<16xi32> to vector<16xi32>
          tpu.vector_store %swap3A_556[%swap3A_557], %swap3A_560 {strides = array<i32>} : memref<128xi32, #tpu.memory_space<vmem>>, vector<16xi32>,
          %get3A_561 = arith.constant 1 : i32
          %get3A_562 = arith.constant 0 : i32
          %get3A_563 = tpu.memref_slice %arg9[%get3A_561, %get3A_562] : memref<2x128xi32, #tpu.memory_space<vmem>> -> memref<1x128xi32, #tpu.memory_space<vmem>>
          %get3A_564 = tpu.memref_squeeze %get3A_563 : memref<1x128xi32, #tpu.memory_space<vmem>> -> memref<128xi32, #tpu.memory_space<vmem>>
          %get3A_565 = arith.constant 112 : index
          %get3A_566 = tpu.vector_load %get3A_564[%get3A_565] {strides = array<i32>} : memref<128xi32, #tpu.memory_space<vmem>>, vector<16xi32>,
          %get3A_567 = vector.shape_cast %get3A_566 : vector<16xi32> to vector<16xi32>
          %iota3A_568 = tpu.iota {dimensions = array<i32: 0>} : vector<16xi32>
          %add3A_569 = arith.constant 112 : i32
          %add3A_570 = vector.broadcast %add3A_569 : i32 to vector<16xi32>
          %add3A_571 = arith.addi %iota3A_568, %add3A_570 : vector<16xi32>
          %lt3A_572 = arith.constant 96 : i32
          %lt3A_573 = vector.broadcast %lt3A_572 : i32 to vector<16xi32>
          %lt3A_574 = arith.cmpi slt, %add3A_571, %lt3A_573 : vector<16xi32>
          %jit3A_575 = arith.constant 256 : i32
          %broadcast_in_dim3A_576 = vector.broadcast %jit3A_575 : i32 to vector<16xi32>
          %select_n3A_577 = arith.select %lt3A_574, %broadcast_in_dim3A_576, %get3A_567 : vector<16xi1>, vector<16xi32>
          %swap3A_578 = arith.constant 1 : i32
          %swap3A_579 = arith.constant 0 : i32
          %swap3A_580 = tpu.memref_slice %arg9[%swap3A_578, %swap3A_579] : memref<2x128xi32, #tpu.memory_space<vmem>> -> memref<1x128xi32, #tpu.memory_space<vmem>>
          %swap3A_581 = tpu.memref_squeeze %swap3A_580 : memref<1x128xi32, #tpu.memory_space<vmem>> -> memref<128xi32, #tpu.memory_space<vmem>>
          %swap3A_582 = arith.constant 112 : index
          %swap3A_583 = tpu.vector_load %swap3A_581[%swap3A_582] {strides = array<i32>} : memref<128xi32, #tpu.memory_space<vmem>>, vector<16xi32>,
          %swap3A_584 = vector.shape_cast %swap3A_583 : vector<16xi32> to vector<16xi32>
          %swap3A_585 = vector.shape_cast %select_n3A_577 : vector<16xi32> to vector<16xi32>
          tpu.vector_store %swap3A_581[%swap3A_582], %swap3A_585 {strides = array<i32>} : memref<128xi32, #tpu.memory_space<vmem>>, vector<16xi32>,
        } else {
        }
        %run_scoped3A_379 = arith.constant 1 : i32
        %run_scoped3A_380 = arith.constant 1 : i32
        "tpu.region"() ({
          %run_scoped3A_388 = tpu.sem_alloc : memref<!tpu.dma_semaphore, #tpu.memory_space<semaphore_mem>>
          %dma_start3A_389 = arith.constant 0 : i32
          %dma_start3A_390 = arith.constant 0 : i32
          %dma_start3A_391 = tpu.memref_slice %arg10[%run_scoped3A_379, %dma_start3A_389, %dma_start3A_390] : memref<2x128x128xf32, #tpu.memory_space<vmem>> -> memref<1x128x128xf32, #tpu.memory_space<vmem>>
          %dma_start3A_392 = tpu.memref_squeeze %dma_start3A_391 : memref<1x128x128xf32, #tpu.memory_space<vmem>> -> memref<128x128xf32, #tpu.memory_space<vmem>>
          %dma_start3A_393 = arith.constant 0 : i32
          %dma_start3A_394 = tpu.memref_slice %arg9[%run_scoped3A_380, %dma_start3A_393] : memref<2x128xi32, #tpu.memory_space<vmem>> -> memref<1x128xi32, #tpu.memory_space<vmem>>
          %dma_start3A_395 = tpu.memref_squeeze %dma_start3A_394 : memref<1x128xi32, #tpu.memory_space<vmem>> -> memref<128xi32, #tpu.memory_space<vmem>>
          %dma_start3A_396 = arith.constant 0 : i32
          %dma_start3A_397 = arith.constant 0 : i32
          %dma_start3A_398 = tpu.memref_slice %arg13[%while3A, %dma_start3A_396, %dma_start3A_397] : memref<2x264x128xf32, #tpu.memory_space<vmem_shared>> -> memref<1x264x128xf32, #tpu.memory_space<vmem_shared>>
          %dma_start3A_399 = tpu.memref_squeeze %dma_start3A_398 : memref<1x264x128xf32, #tpu.memory_space<vmem_shared>> -> memref<264x128xf32, #tpu.memory_space<vmem_shared>>
          %dma_start3A_400 = arith.constant 0 : i32
          %dma_start3A_401 = arith.constant 0 : i32
          %dma_start3A_402 = tpu.memref_slice %dma_start3A_399[%dma_start3A_400, %dma_start3A_401] : memref<264x128xf32, #tpu.memory_space<vmem_shared>> -> memref<264x128xf32, #tpu.memory_space<vmem_shared>>
          tpu.enqueue_indirect_dma source(%dma_start3A_392 : memref<128x128xf32, #tpu.memory_space<vmem>>) target(%dma_start3A_402 : memref<264x128xf32, #tpu.memory_space<vmem_shared>>) offsets(%dma_start3A_395 : memref<128xi32, #tpu.memory_space<vmem>>) semaphore(%run_scoped3A_388 : memref<!tpu.dma_semaphore, #tpu.memory_space<semaphore_mem>>) {add = true}
          %dma_wait3A_403 = arith.constant 0 : i32
          %dma_wait3A_404 = arith.constant 0 : i32
          %dma_wait3A_405 = tpu.memref_slice %arg10[%run_scoped3A_379, %dma_wait3A_403, %dma_wait3A_404] : memref<2x128x128xf32, #tpu.memory_space<vmem>> -> memref<1x128x128xf32, #tpu.memory_space<vmem>>
          %dma_wait3A_406 = tpu.memref_squeeze %dma_wait3A_405 : memref<1x128x128xf32, #tpu.memory_space<vmem>> -> memref<128x128xf32, #tpu.memory_space<vmem>>
          %dma_wait3A_407 = arith.constant 0 : i32
          %dma_wait3A_408 = tpu.memref_slice %arg9[%run_scoped3A_380, %dma_wait3A_407] : memref<2x128xi32, #tpu.memory_space<vmem>> -> memref<1x128xi32, #tpu.memory_space<vmem>>
          %dma_wait3A_409 = tpu.memref_squeeze %dma_wait3A_408 : memref<1x128xi32, #tpu.memory_space<vmem>> -> memref<128xi32, #tpu.memory_space<vmem>>
          %dma_wait3A_410 = arith.constant 0 : i32
          %dma_wait3A_411 = arith.constant 0 : i32
          %dma_wait3A_412 = tpu.memref_slice %arg13[%while3A, %dma_wait3A_410, %dma_wait3A_411] : memref<2x264x128xf32, #tpu.memory_space<vmem_shared>> -> memref<1x264x128xf32, #tpu.memory_space<vmem_shared>>
          %dma_wait3A_413 = tpu.memref_squeeze %dma_wait3A_412 : memref<1x264x128xf32, #tpu.memory_space<vmem_shared>> -> memref<264x128xf32, #tpu.memory_space<vmem_shared>>
          %dma_wait3A_414 = arith.constant 0 : i32
          %dma_wait3A_415 = arith.constant 0 : i32
          %dma_wait3A_416 = tpu.memref_slice %dma_wait3A_413[%dma_wait3A_414, %dma_wait3A_415] : memref<264x128xf32, #tpu.memory_space<vmem_shared>> -> memref<264x128xf32, #tpu.memory_space<vmem_shared>>
          tpu.wait_indirect_dma semaphore(%run_scoped3A_388 : memref<!tpu.dma_semaphore, #tpu.memory_space<semaphore_mem>>) src(%dma_wait3A_406 : memref<128x128xf32, #tpu.memory_space<vmem>>) dst(%dma_wait3A_416 : memref<264x128xf32, #tpu.memory_space<vmem_shared>>)
          tpu.yield
        }) : () -> ()
        %run_scoped3A_381 = arith.constant 1 : i32
        "tpu.region"() ({
          %run_scoped3A_388 = tpu.sem_alloc : memref<!tpu.dma_semaphore, #tpu.memory_space<semaphore_mem>>
          %dma_start3A_389 = arith.constant 0 : i32
          %dma_start3A_390 = tpu.memref_slice %arg9[%run_scoped3A_381, %dma_start3A_389] : memref<2x128xi32, #tpu.memory_space<vmem>> -> memref<1x128xi32, #tpu.memory_space<vmem>>
          %dma_start3A_391 = tpu.memref_squeeze %dma_start3A_390 : memref<1x128xi32, #tpu.memory_space<vmem>> -> memref<128xi32, #tpu.memory_space<vmem>>
          %dma_start3A_392 = arith.constant 0 : i32
          %dma_start3A_393 = tpu.memref_slice %arg14[%dma_start3A_392] : memref<384xf32, #tpu.memory_space<vmem_shared>> -> memref<384xf32, #tpu.memory_space<vmem_shared>>
          tpu.enqueue_indirect_dma source(%arg11 : memref<128xf32, #tpu.memory_space<vmem>>) target(%dma_start3A_393 : memref<384xf32, #tpu.memory_space<vmem_shared>>) offsets(%dma_start3A_391 : memref<128xi32, #tpu.memory_space<vmem>>) semaphore(%run_scoped3A_388 : memref<!tpu.dma_semaphore, #tpu.memory_space<semaphore_mem>>) {add = true}
          %dma_wait3A_394 = arith.constant 0 : i32
          %dma_wait3A_395 = tpu.memref_slice %arg9[%run_scoped3A_381, %dma_wait3A_394] : memref<2x128xi32, #tpu.memory_space<vmem>> -> memref<1x128xi32, #tpu.memory_space<vmem>>
          %dma_wait3A_396 = tpu.memref_squeeze %dma_wait3A_395 : memref<1x128xi32, #tpu.memory_space<vmem>> -> memref<128xi32, #tpu.memory_space<vmem>>
          %dma_wait3A_397 = arith.constant 0 : i32
          %dma_wait3A_398 = tpu.memref_slice %arg14[%dma_wait3A_397] : memref<384xf32, #tpu.memory_space<vmem_shared>> -> memref<384xf32, #tpu.memory_space<vmem_shared>>
          tpu.wait_indirect_dma semaphore(%run_scoped3A_388 : memref<!tpu.dma_semaphore, #tpu.memory_space<semaphore_mem>>) src(%arg11 : memref<128xf32, #tpu.memory_space<vmem>>) dst(%dma_wait3A_398 : memref<384xf32, #tpu.memory_space<vmem_shared>>)
          tpu.yield
        }) : () -> ()
        %add3A_382 = arith.constant 2 : i32
        %add3A_383 = arith.addi %add3A_330, %add3A_382 : i32
        %lt3A_384 = arith.cmpi slt, %add3A_383, %select_n3A : i32
        %convert_element_type3A_385 = arith.extui %lt3A_384 : i1 to i32
        %cond3A_386 = arith.constant 0 : i32
        %cond3A_387 = arith.cmpi ne, %convert_element_type3A_385, %cond3A_386 : i32
        scf.if %cond3A_387 {
          %add3A_388 = arith.constant 2 : i32
          %add3A_389 = arith.addi %add3A_330, %add3A_388 : i32
          %mul3A_390 = arith.constant 32 : i32
          %mul3A_391 = arith.muli %add3A_389, %mul3A_390 : i32
          %add3A_392 = arith.addi %add3A, %mul3A_391 : i32
          %eq3A_393 = arith.constant 781 : i32
          %eq3A_394 = arith.cmpi eq, %add3A_392, %eq3A_393 : i32
          %mul3A_395 = arith.constant 128 : i32
          %mul3A_396 = arith.muli %add3A_392, %mul3A_395 : i32
          %jit3A_397 = arith.constant 99872 : i32
          %select_n3A_398 = arith.select %eq3A_394, %jit3A_397, %mul3A_396 : i32
          %dma_start3A_399 = arith.constant 1 : i32
          %dma_start3A_400 = arith.constant 1 : i32
          %dma_start3A_401 = arith.constant 0 : i32
          %dma_start3A_402 = tpu.memref_slice %arg9[%dma_start3A_399, %dma_start3A_401] : memref<2x128xi32, #tpu.memory_space<vmem>> -> memref<1x128xi32, #tpu.memory_space<vmem>>
          %dma_start3A_403 = tpu.memref_squeeze %dma_start3A_402 : memref<1x128xi32, #tpu.memory_space<vmem>> -> memref<128xi32, #tpu.memory_space<vmem>>
          %dma_start3A_404 = tpu.memref_slice %arg3[%select_n3A_398] : memref<100000xi32, #tpu.memory_space<hbm>> -> memref<128xi32, #tpu.memory_space<hbm>>
          %dma_start3A_405 = tpu.memref_slice %arg16[%dma_start3A_400] : memref<2x!tpu.dma_semaphore, #tpu.memory_space<semaphore_mem>> -> memref<1x!tpu.dma_semaphore, #tpu.memory_space<semaphore_mem>>
          %dma_start3A_406 = tpu.memref_squeeze %dma_start3A_405 : memref<1x!tpu.dma_semaphore, #tpu.memory_space<semaphore_mem>> -> memref<!tpu.dma_semaphore, #tpu.memory_space<semaphore_mem>>
          %dma_start3A_407 = arith.constant 0 : i32
          %dma_start3A_408 = tpu.memref_slice %arg9[%dma_start3A_399, %dma_start3A_407] : memref<2x128xi32, #tpu.memory_space<vmem>> -> memref<1x128xi32, #tpu.memory_space<vmem>>
          %dma_start3A_409 = tpu.memref_squeeze %dma_start3A_408 : memref<1x128xi32, #tpu.memory_space<vmem>> -> memref<128xi32, #tpu.memory_space<vmem>>
          %dma_start3A_410 = tpu.memref_slice %arg3[%select_n3A_398] : memref<100000xi32, #tpu.memory_space<hbm>> -> memref<128xi32, #tpu.memory_space<hbm>>
          tpu.enqueue_dma source(%dma_start3A_410 : memref<128xi32, #tpu.memory_space<hbm>>) target(%dma_start3A_409 : memref<128xi32, #tpu.memory_space<vmem>>) target_semaphore(%dma_start3A_406 : memref<!tpu.dma_semaphore, #tpu.memory_space<semaphore_mem>>)
          %dma_start3A_411 = arith.constant 1 : i32
          %dma_start3A_412 = arith.constant 1 : i32
          %dma_start3A_413 = arith.constant 0 : i32
          %dma_start3A_414 = arith.constant 0 : i32
          %dma_start3A_415 = tpu.memref_slice %arg10[%dma_start3A_411, %dma_start3A_413, %dma_start3A_414] : memref<2x128x128xf32, #tpu.memory_space<vmem>> -> memref<1x128x128xf32, #tpu.memory_space<vmem>>
          %dma_start3A_416 = tpu.memref_squeeze %dma_start3A_415 : memref<1x128x128xf32, #tpu.memory_space<vmem>> -> memref<128x128xf32, #tpu.memory_space<vmem>>
          %dma_start3A_417 = arith.constant 0 : i32
          %dma_start3A_418 = tpu.memref_slice %arg2[%select_n3A_398, %dma_start3A_417] : memref<100000x128xf32, #tpu.memory_space<hbm>> -> memref<128x128xf32, #tpu.memory_space<hbm>>
          %dma_start3A_419 = tpu.memref_slice %arg16[%dma_start3A_412] : memref<2x!tpu.dma_semaphore, #tpu.memory_space<semaphore_mem>> -> memref<1x!tpu.dma_semaphore, #tpu.memory_space<semaphore_mem>>
          %dma_start3A_420 = tpu.memref_squeeze %dma_start3A_419 : memref<1x!tpu.dma_semaphore, #tpu.memory_space<semaphore_mem>> -> memref<!tpu.dma_semaphore, #tpu.memory_space<semaphore_mem>>
          %dma_start3A_421 = arith.constant 0 : i32
          %dma_start3A_422 = arith.constant 0 : i32
          %dma_start3A_423 = tpu.memref_slice %arg10[%dma_start3A_411, %dma_start3A_421, %dma_start3A_422] : memref<2x128x128xf32, #tpu.memory_space<vmem>> -> memref<1x128x128xf32, #tpu.memory_space<vmem>>
          %dma_start3A_424 = tpu.memref_squeeze %dma_start3A_423 : memref<1x128x128xf32, #tpu.memory_space<vmem>> -> memref<128x128xf32, #tpu.memory_space<vmem>>
          %dma_start3A_425 = arith.constant 0 : i32
          %dma_start3A_426 = tpu.memref_slice %arg2[%select_n3A_398, %dma_start3A_425] : memref<100000x128xf32, #tpu.memory_space<hbm>> -> memref<128x128xf32, #tpu.memory_space<hbm>>
          tpu.enqueue_dma source(%dma_start3A_426 : memref<128x128xf32, #tpu.memory_space<hbm>>) target(%dma_start3A_424 : memref<128x128xf32, #tpu.memory_space<vmem>>) target_semaphore(%dma_start3A_420 : memref<!tpu.dma_semaphore, #tpu.memory_space<semaphore_mem>>)
        } else {
        }
      } else {
      }
      %while3A_335 = arith.constant 0 : i32
      scf.yield %while3A_335 : i32
    }
    %sub3A_166 = arith.constant 391 : i32
    %sub3A_167 = arith.subi %sub3A_166, %add3A : i32
    %add3A_168 = arith.constant 32 : i32
    %add3A_169 = arith.addi %sub3A_167, %add3A_168 : i32
    %sub3A_170 = arith.constant 1 : i32
    %sub3A_171 = arith.subi %add3A_169, %sub3A_170 : i32
    %jit3A_172 = arith.constant 32 : i32
    %div3A_173 = arith.divsi %sub3A_171, %jit3A_172 : i32
    %sign3A_174 = arith.constant 0 : i32
    %sign3A_175 = arith.cmpi sgt, %sub3A_171, %sign3A_174 : i32
    %sign3A_176 = arith.extui %sign3A_175 : i1 to i32
    %sign3A_177 = arith.constant 0 : i32
    %sign3A_178 = arith.cmpi slt, %sub3A_171, %sign3A_177 : i32
    %sign3A_179 = arith.extui %sign3A_178 : i1 to i32
    %sign3A_180 = arith.subi %sign3A_176, %sign3A_179 : i32
    %sign3A_181 = arith.constant 0 : i32
    %sign3A_182 = arith.cmpi sgt, %jit3A_172, %sign3A_181 : i32
    %sign3A_183 = arith.extui %sign3A_182 : i1 to i32
    %sign3A_184 = arith.constant 0 : i32
    %sign3A_185 = arith.cmpi slt, %jit3A_172, %sign3A_184 : i32
    %sign3A_186 = arith.extui %sign3A_185 : i1 to i32
    %sign3A_187 = arith.subi %sign3A_183, %sign3A_186 : i32
    %ne3A_188 = arith.cmpi ne, %sign3A_180, %sign3A_187 : i32
    %rem3A_189 = arith.remsi %sub3A_171, %jit3A_172 : i32
    %ne3A_190 = arith.constant 0 : i32
    %ne3A_191 = arith.cmpi ne, %rem3A_189, %ne3A_190 : i32
    %and3A_192 = arith.andi %ne3A_188, %ne3A_191 : i1
    %sub3A_193 = arith.constant 1 : i32
    %sub3A_194 = arith.subi %div3A_173, %sub3A_193 : i32
    %select_n3A_195 = arith.select %and3A_192, %sub3A_194, %div3A_173 : i32
    %add3A_196 = arith.constant 0 : i32
    %add3A_197 = arith.addi %add3A, %add3A_196 : i32
    %eq3A_198 = arith.constant 390 : i32
    %eq3A_199 = arith.cmpi eq, %add3A_197, %eq3A_198 : i32
    %mul3A_200 = arith.constant 128 : i32
    %mul3A_201 = arith.muli %add3A_197, %mul3A_200 : i32
    %jit3A_202 = arith.constant 49872 : i32
    %select_n3A_203 = arith.select %eq3A_199, %jit3A_202, %mul3A_201 : i32
    %dma_start3A_204 = arith.constant 0 : i32
    %dma_start3A_205 = arith.constant 0 : i32
    %dma_start3A_206 = arith.constant 0 : i32
    %dma_start3A_207 = tpu.memref_slice %arg9[%dma_start3A_204, %dma_start3A_206] : memref<2x128xi32, #tpu.memory_space<vmem>> -> memref<1x128xi32, #tpu.memory_space<vmem>>
    %dma_start3A_208 = tpu.memref_squeeze %dma_start3A_207 : memref<1x128xi32, #tpu.memory_space<vmem>> -> memref<128xi32, #tpu.memory_space<vmem>>
    %dma_start3A_209 = tpu.memref_slice %arg5[%select_n3A_203] : memref<50000xi32, #tpu.memory_space<hbm>> -> memref<128xi32, #tpu.memory_space<hbm>>
    %dma_start3A_210 = tpu.memref_slice %arg16[%dma_start3A_205] : memref<2x!tpu.dma_semaphore, #tpu.memory_space<semaphore_mem>> -> memref<1x!tpu.dma_semaphore, #tpu.memory_space<semaphore_mem>>
    %dma_start3A_211 = tpu.memref_squeeze %dma_start3A_210 : memref<1x!tpu.dma_semaphore, #tpu.memory_space<semaphore_mem>> -> memref<!tpu.dma_semaphore, #tpu.memory_space<semaphore_mem>>
    %dma_start3A_212 = arith.constant 0 : i32
    %dma_start3A_213 = tpu.memref_slice %arg9[%dma_start3A_204, %dma_start3A_212] : memref<2x128xi32, #tpu.memory_space<vmem>> -> memref<1x128xi32, #tpu.memory_space<vmem>>
    %dma_start3A_214 = tpu.memref_squeeze %dma_start3A_213 : memref<1x128xi32, #tpu.memory_space<vmem>> -> memref<128xi32, #tpu.memory_space<vmem>>
    %dma_start3A_215 = tpu.memref_slice %arg5[%select_n3A_203] : memref<50000xi32, #tpu.memory_space<hbm>> -> memref<128xi32, #tpu.memory_space<hbm>>
    tpu.enqueue_dma source(%dma_start3A_215 : memref<128xi32, #tpu.memory_space<hbm>>) target(%dma_start3A_214 : memref<128xi32, #tpu.memory_space<vmem>>) target_semaphore(%dma_start3A_211 : memref<!tpu.dma_semaphore, #tpu.memory_space<semaphore_mem>>)
    %dma_start3A_216 = arith.constant 0 : i32
    %dma_start3A_217 = arith.constant 0 : i32
    %dma_start3A_218 = arith.constant 0 : i32
    %dma_start3A_219 = arith.constant 0 : i32
    %dma_start3A_220 = tpu.memref_slice %arg10[%dma_start3A_216, %dma_start3A_218, %dma_start3A_219] : memref<2x128x128xf32, #tpu.memory_space<vmem>> -> memref<1x128x128xf32, #tpu.memory_space<vmem>>
    %dma_start3A_221 = tpu.memref_squeeze %dma_start3A_220 : memref<1x128x128xf32, #tpu.memory_space<vmem>> -> memref<128x128xf32, #tpu.memory_space<vmem>>
    %dma_start3A_222 = arith.constant 0 : i32
    %dma_start3A_223 = tpu.memref_slice %arg4[%select_n3A_203, %dma_start3A_222] : memref<50000x128xf32, #tpu.memory_space<hbm>> -> memref<128x128xf32, #tpu.memory_space<hbm>>
    %dma_start3A_224 = tpu.memref_slice %arg16[%dma_start3A_217] : memref<2x!tpu.dma_semaphore, #tpu.memory_space<semaphore_mem>> -> memref<1x!tpu.dma_semaphore, #tpu.memory_space<semaphore_mem>>
    %dma_start3A_225 = tpu.memref_squeeze %dma_start3A_224 : memref<1x!tpu.dma_semaphore, #tpu.memory_space<semaphore_mem>> -> memref<!tpu.dma_semaphore, #tpu.memory_space<semaphore_mem>>
    %dma_start3A_226 = arith.constant 0 : i32
    %dma_start3A_227 = arith.constant 0 : i32
    %dma_start3A_228 = tpu.memref_slice %arg10[%dma_start3A_216, %dma_start3A_226, %dma_start3A_227] : memref<2x128x128xf32, #tpu.memory_space<vmem>> -> memref<1x128x128xf32, #tpu.memory_space<vmem>>
    %dma_start3A_229 = tpu.memref_squeeze %dma_start3A_228 : memref<1x128x128xf32, #tpu.memory_space<vmem>> -> memref<128x128xf32, #tpu.memory_space<vmem>>
    %dma_start3A_230 = arith.constant 0 : i32
    %dma_start3A_231 = tpu.memref_slice %arg4[%select_n3A_203, %dma_start3A_230] : memref<50000x128xf32, #tpu.memory_space<hbm>> -> memref<128x128xf32, #tpu.memory_space<hbm>>
    tpu.enqueue_dma source(%dma_start3A_231 : memref<128x128xf32, #tpu.memory_space<hbm>>) target(%dma_start3A_229 : memref<128x128xf32, #tpu.memory_space<vmem>>) target_semaphore(%dma_start3A_225 : memref<!tpu.dma_semaphore, #tpu.memory_space<semaphore_mem>>)
    %add3A_232 = arith.constant 32 : i32
    %add3A_233 = arith.addi %add3A, %add3A_232 : i32
    %eq3A_234 = arith.constant 390 : i32
    %eq3A_235 = arith.cmpi eq, %add3A_233, %eq3A_234 : i32
    %mul3A_236 = arith.constant 128 : i32
    %mul3A_237 = arith.muli %add3A_233, %mul3A_236 : i32
    %jit3A_238 = arith.constant 49872 : i32
    %select_n3A_239 = arith.select %eq3A_235, %jit3A_238, %mul3A_237 : i32
    %dma_start3A_240 = arith.constant 1 : i32
    %dma_start3A_241 = arith.constant 1 : i32
    %dma_start3A_242 = arith.constant 0 : i32
    %dma_start3A_243 = tpu.memref_slice %arg9[%dma_start3A_240, %dma_start3A_242] : memref<2x128xi32, #tpu.memory_space<vmem>> -> memref<1x128xi32, #tpu.memory_space<vmem>>
    %dma_start3A_244 = tpu.memref_squeeze %dma_start3A_243 : memref<1x128xi32, #tpu.memory_space<vmem>> -> memref<128xi32, #tpu.memory_space<vmem>>
    %dma_start3A_245 = tpu.memref_slice %arg5[%select_n3A_239] : memref<50000xi32, #tpu.memory_space<hbm>> -> memref<128xi32, #tpu.memory_space<hbm>>
    %dma_start3A_246 = tpu.memref_slice %arg16[%dma_start3A_241] : memref<2x!tpu.dma_semaphore, #tpu.memory_space<semaphore_mem>> -> memref<1x!tpu.dma_semaphore, #tpu.memory_space<semaphore_mem>>
    %dma_start3A_247 = tpu.memref_squeeze %dma_start3A_246 : memref<1x!tpu.dma_semaphore, #tpu.memory_space<semaphore_mem>> -> memref<!tpu.dma_semaphore, #tpu.memory_space<semaphore_mem>>
    %dma_start3A_248 = arith.constant 0 : i32
    %dma_start3A_249 = tpu.memref_slice %arg9[%dma_start3A_240, %dma_start3A_248] : memref<2x128xi32, #tpu.memory_space<vmem>> -> memref<1x128xi32, #tpu.memory_space<vmem>>
    %dma_start3A_250 = tpu.memref_squeeze %dma_start3A_249 : memref<1x128xi32, #tpu.memory_space<vmem>> -> memref<128xi32, #tpu.memory_space<vmem>>
    %dma_start3A_251 = tpu.memref_slice %arg5[%select_n3A_239] : memref<50000xi32, #tpu.memory_space<hbm>> -> memref<128xi32, #tpu.memory_space<hbm>>
    tpu.enqueue_dma source(%dma_start3A_251 : memref<128xi32, #tpu.memory_space<hbm>>) target(%dma_start3A_250 : memref<128xi32, #tpu.memory_space<vmem>>) target_semaphore(%dma_start3A_247 : memref<!tpu.dma_semaphore, #tpu.memory_space<semaphore_mem>>)
    %dma_start3A_252 = arith.constant 1 : i32
    %dma_start3A_253 = arith.constant 1 : i32
    %dma_start3A_254 = arith.constant 0 : i32
    %dma_start3A_255 = arith.constant 0 : i32
    %dma_start3A_256 = tpu.memref_slice %arg10[%dma_start3A_252, %dma_start3A_254, %dma_start3A_255] : memref<2x128x128xf32, #tpu.memory_space<vmem>> -> memref<1x128x128xf32, #tpu.memory_space<vmem>>
    %dma_start3A_257 = tpu.memref_squeeze %dma_start3A_256 : memref<1x128x128xf32, #tpu.memory_space<vmem>> -> memref<128x128xf32, #tpu.memory_space<vmem>>
    %dma_start3A_258 = arith.constant 0 : i32
    %dma_start3A_259 = tpu.memref_slice %arg4[%select_n3A_239, %dma_start3A_258] : memref<50000x128xf32, #tpu.memory_space<hbm>> -> memref<128x128xf32, #tpu.memory_space<hbm>>
    %dma_start3A_260 = tpu.memref_slice %arg16[%dma_start3A_253] : memref<2x!tpu.dma_semaphore, #tpu.memory_space<semaphore_mem>> -> memref<1x!tpu.dma_semaphore, #tpu.memory_space<semaphore_mem>>
    %dma_start3A_261 = tpu.memref_squeeze %dma_start3A_260 : memref<1x!tpu.dma_semaphore, #tpu.memory_space<semaphore_mem>> -> memref<!tpu.dma_semaphore, #tpu.memory_space<semaphore_mem>>
    %dma_start3A_262 = arith.constant 0 : i32
    %dma_start3A_263 = arith.constant 0 : i32
    %dma_start3A_264 = tpu.memref_slice %arg10[%dma_start3A_252, %dma_start3A_262, %dma_start3A_263] : memref<2x128x128xf32, #tpu.memory_space<vmem>> -> memref<1x128x128xf32, #tpu.memory_space<vmem>>
    %dma_start3A_265 = tpu.memref_squeeze %dma_start3A_264 : memref<1x128x128xf32, #tpu.memory_space<vmem>> -> memref<128x128xf32, #tpu.memory_space<vmem>>
    %dma_start3A_266 = arith.constant 0 : i32
    %dma_start3A_267 = tpu.memref_slice %arg4[%select_n3A_239, %dma_start3A_266] : memref<50000x128xf32, #tpu.memory_space<hbm>> -> memref<128x128xf32, #tpu.memory_space<hbm>>
    tpu.enqueue_dma source(%dma_start3A_267 : memref<128x128xf32, #tpu.memory_space<hbm>>) target(%dma_start3A_265 : memref<128x128xf32, #tpu.memory_space<vmem>>) target_semaphore(%dma_start3A_261 : memref<!tpu.dma_semaphore, #tpu.memory_space<semaphore_mem>>)
    %add3A_268 = arith.constant 1 : i32
    %add3A_269 = arith.addi %select_n3A_195, %add3A_268 : i32
    %jit3A_270 = arith.constant 2 : i32
    %div3A_271 = arith.divsi %add3A_269, %jit3A_270 : i32
    %sign3A_272 = arith.constant 0 : i32
    %sign3A_273 = arith.cmpi sgt, %add3A_269, %sign3A_272 : i32
    %sign3A_274 = arith.extui %sign3A_273 : i1 to i32
    %sign3A_275 = arith.constant 0 : i32
    %sign3A_276 = arith.cmpi slt, %add3A_269, %sign3A_275 : i32
    %sign3A_277 = arith.extui %sign3A_276 : i1 to i32
    %sign3A_278 = arith.subi %sign3A_274, %sign3A_277 : i32
    %sign3A_279 = arith.constant 0 : i32
    %sign3A_280 = arith.cmpi sgt, %jit3A_270, %sign3A_279 : i32
    %sign3A_281 = arith.extui %sign3A_280 : i1 to i32
    %sign3A_282 = arith.constant 0 : i32
    %sign3A_283 = arith.cmpi slt, %jit3A_270, %sign3A_282 : i32
    %sign3A_284 = arith.extui %sign3A_283 : i1 to i32
    %sign3A_285 = arith.subi %sign3A_281, %sign3A_284 : i32
    %ne3A_286 = arith.cmpi ne, %sign3A_278, %sign3A_285 : i32
    %rem3A_287 = arith.remsi %add3A_269, %jit3A_270 : i32
    %ne3A_288 = arith.constant 0 : i32
    %ne3A_289 = arith.cmpi ne, %rem3A_287, %ne3A_288 : i32
    %and3A_290 = arith.andi %ne3A_286, %ne3A_289 : i1
    %sub3A_291 = arith.constant 1 : i32
    %sub3A_292 = arith.subi %div3A_271, %sub3A_291 : i32
    %select_n3A_293 = arith.select %and3A_290, %sub3A_292, %div3A_271 : i32
    %while3A_294 = arith.constant 1 : i32
    %while3A_295 = arith.constant 0 : i32
    %while3A_296 = arith.constant 0 : i32
    %while3A_297 = arith.subi %select_n3A_293, %while3A_295 : i32
    %while3A_298 = arith.addi %while3A_295, %while3A_297 : i32
    %while3A_299 = arith.constant 1 : i32
    %while3A_300 = arith.divsi %while3A_297, %while3A_299 : i32
    %while3A_301 = arith.muli %while3A_300, %while3A_299 : i32
    %while3A_302 = arith.addi %while3A_295, %while3A_301 : i32
    %while3A_303 = arith.constant 1 : i32
    %while3A_304 = scf.for %while3A_318 = %while3A_295 to %while3A_302 step %while3A_303 iter_args(%while3A_319 = %while3A_296) -> (i32)  : i32 {
      %mul3A_320 = arith.constant 2 : i32
      %mul3A_321 = arith.muli %mul3A_320, %while3A_318 : i32
      %add3A_322 = arith.constant 0 : i32
      %add3A_323 = arith.addi %mul3A_321, %add3A_322 : i32
      %lt3A = arith.cmpi slt, %add3A_323, %select_n3A_195 : i32
      %convert_element_type3A_324 = arith.extui %lt3A : i1 to i32
      %cond3A_325 = arith.constant 0 : i32
      %cond3A_326 = arith.cmpi ne, %convert_element_type3A_324, %cond3A_325 : i32
      scf.if %cond3A_326 {
        %dma_wait3A = arith.constant 0 : i32
        %dma_wait3A_336 = arith.constant 0 : i32
        %dma_wait3A_337 = arith.constant 0 : i32
        %dma_wait3A_338 = tpu.memref_slice %arg9[%dma_wait3A, %dma_wait3A_337] : memref<2x128xi32, #tpu.memory_space<vmem>> -> memref<1x128xi32, #tpu.memory_space<vmem>>
        %dma_wait3A_339 = tpu.memref_squeeze %dma_wait3A_338 : memref<1x128xi32, #tpu.memory_space<vmem>> -> memref<128xi32, #tpu.memory_space<vmem>>
        %dma_wait3A_340 = arith.constant 0 : i32
        %dma_wait3A_341 = tpu.memref_slice %arg5[%dma_wait3A_340] : memref<50000xi32, #tpu.memory_space<hbm>> -> memref<128xi32, #tpu.memory_space<hbm>>
        %dma_wait3A_342 = tpu.memref_slice %arg16[%dma_wait3A_336] : memref<2x!tpu.dma_semaphore, #tpu.memory_space<semaphore_mem>> -> memref<1x!tpu.dma_semaphore, #tpu.memory_space<semaphore_mem>>
        %dma_wait3A_343 = tpu.memref_squeeze %dma_wait3A_342 : memref<1x!tpu.dma_semaphore, #tpu.memory_space<semaphore_mem>> -> memref<!tpu.dma_semaphore, #tpu.memory_space<semaphore_mem>>
        %dma_wait3A_344 = arith.constant 0 : i32
        %dma_wait3A_345 = tpu.memref_slice %arg9[%dma_wait3A, %dma_wait3A_344] : memref<2x128xi32, #tpu.memory_space<vmem>> -> memref<1x128xi32, #tpu.memory_space<vmem>>
        %dma_wait3A_346 = tpu.memref_squeeze %dma_wait3A_345 : memref<1x128xi32, #tpu.memory_space<vmem>> -> memref<128xi32, #tpu.memory_space<vmem>>
        %dma_wait3A_347 = arith.constant 0 : i32
        %dma_wait3A_348 = tpu.memref_slice %arg5[%dma_wait3A_347] : memref<50000xi32, #tpu.memory_space<hbm>> -> memref<128xi32, #tpu.memory_space<hbm>>
        tpu.wait_dma2 semaphore(%dma_wait3A_343 : memref<!tpu.dma_semaphore, #tpu.memory_space<semaphore_mem>>) src(%dma_wait3A_348 : memref<128xi32, #tpu.memory_space<hbm>>) dst(%dma_wait3A_346 : memref<128xi32, #tpu.memory_space<vmem>>)
        %dma_wait3A_349 = arith.constant 0 : i32
        %dma_wait3A_350 = arith.constant 0 : i32
        %dma_wait3A_351 = arith.constant 0 : i32
        %dma_wait3A_352 = arith.constant 0 : i32
        %dma_wait3A_353 = tpu.memref_slice %arg10[%dma_wait3A_349, %dma_wait3A_351, %dma_wait3A_352] : memref<2x128x128xf32, #tpu.memory_space<vmem>> -> memref<1x128x128xf32, #tpu.memory_space<vmem>>
        %dma_wait3A_354 = tpu.memref_squeeze %dma_wait3A_353 : memref<1x128x128xf32, #tpu.memory_space<vmem>> -> memref<128x128xf32, #tpu.memory_space<vmem>>
        %dma_wait3A_355 = arith.constant 0 : i32
        %dma_wait3A_356 = arith.constant 0 : i32
        %dma_wait3A_357 = tpu.memref_slice %arg4[%dma_wait3A_355, %dma_wait3A_356] : memref<50000x128xf32, #tpu.memory_space<hbm>> -> memref<128x128xf32, #tpu.memory_space<hbm>>
        %dma_wait3A_358 = tpu.memref_slice %arg16[%dma_wait3A_350] : memref<2x!tpu.dma_semaphore, #tpu.memory_space<semaphore_mem>> -> memref<1x!tpu.dma_semaphore, #tpu.memory_space<semaphore_mem>>
        %dma_wait3A_359 = tpu.memref_squeeze %dma_wait3A_358 : memref<1x!tpu.dma_semaphore, #tpu.memory_space<semaphore_mem>> -> memref<!tpu.dma_semaphore, #tpu.memory_space<semaphore_mem>>
        %dma_wait3A_360 = arith.constant 0 : i32
        %dma_wait3A_361 = arith.constant 0 : i32
        %dma_wait3A_362 = tpu.memref_slice %arg10[%dma_wait3A_349, %dma_wait3A_360, %dma_wait3A_361] : memref<2x128x128xf32, #tpu.memory_space<vmem>> -> memref<1x128x128xf32, #tpu.memory_space<vmem>>
        %dma_wait3A_363 = tpu.memref_squeeze %dma_wait3A_362 : memref<1x128x128xf32, #tpu.memory_space<vmem>> -> memref<128x128xf32, #tpu.memory_space<vmem>>
        %dma_wait3A_364 = arith.constant 0 : i32
        %dma_wait3A_365 = arith.constant 0 : i32
        %dma_wait3A_366 = tpu.memref_slice %arg4[%dma_wait3A_364, %dma_wait3A_365] : memref<50000x128xf32, #tpu.memory_space<hbm>> -> memref<128x128xf32, #tpu.memory_space<hbm>>
        tpu.wait_dma2 semaphore(%dma_wait3A_359 : memref<!tpu.dma_semaphore, #tpu.memory_space<semaphore_mem>>) src(%dma_wait3A_366 : memref<128x128xf32, #tpu.memory_space<hbm>>) dst(%dma_wait3A_363 : memref<128x128xf32, #tpu.memory_space<vmem>>)
        %mul3A_367 = arith.constant 32 : i32
        %mul3A_368 = arith.muli %add3A_323, %mul3A_367 : i32
        %add3A_369 = arith.addi %add3A, %mul3A_368 : i32
        %eq3A_370 = arith.constant 390 : i32
        %eq3A_371 = arith.cmpi eq, %add3A_369, %eq3A_370 : i32
        %mul3A_372 = arith.constant 128 : i32
        %mul3A_373 = arith.muli %add3A_369, %mul3A_372 : i32
        %jit3A_374 = arith.constant 49872 : i32
        %select_n3A_375 = arith.select %eq3A_371, %jit3A_374, %mul3A_373 : i32
        %convert_element_type3A_376 = arith.extui %eq3A_371 : i1 to i32
        %cond3A_377 = arith.constant 0 : i32
        %cond3A_378 = arith.cmpi ne, %convert_element_type3A_376, %cond3A_377 : i32
        scf.if %cond3A_378 {
          %get3A = arith.constant 0 : i32
          %get3A_388 = arith.constant 0 : i32
          %get3A_389 = tpu.memref_slice %arg9[%get3A, %get3A_388] : memref<2x128xi32, #tpu.memory_space<vmem>> -> memref<1x128xi32, #tpu.memory_space<vmem>>
          %get3A_390 = tpu.memref_squeeze %get3A_389 : memref<1x128xi32, #tpu.memory_space<vmem>> -> memref<128xi32, #tpu.memory_space<vmem>>
          %get3A_391 = arith.constant 0 : index
          %get3A_392 = tpu.vector_load %get3A_390[%get3A_391] {strides = array<i32>} : memref<128xi32, #tpu.memory_space<vmem>>, vector<16xi32>,
          %get3A_393 = vector.shape_cast %get3A_392 : vector<16xi32> to vector<16xi32>
          %iota3A = tpu.iota {dimensions = array<i32: 0>} : vector<16xi32>
          %add3A_394 = arith.constant 0 : i32
          %add3A_395 = vector.broadcast %add3A_394 : i32 to vector<16xi32>
          %add3A_396 = arith.addi %iota3A, %add3A_395 : vector<16xi32>
          %lt3A_397 = arith.constant 48 : i32
          %lt3A_398 = vector.broadcast %lt3A_397 : i32 to vector<16xi32>
          %lt3A_399 = arith.cmpi slt, %add3A_396, %lt3A_398 : vector<16xi32>
          %jit3A_400 = arith.constant 256 : i32
          %broadcast_in_dim3A_401 = vector.broadcast %jit3A_400 : i32 to vector<16xi32>
          %select_n3A_402 = arith.select %lt3A_399, %broadcast_in_dim3A_401, %get3A_393 : vector<16xi1>, vector<16xi32>
          %swap3A_403 = arith.constant 0 : i32
          %swap3A_404 = arith.constant 0 : i32
          %swap3A_405 = tpu.memref_slice %arg9[%swap3A_403, %swap3A_404] : memref<2x128xi32, #tpu.memory_space<vmem>> -> memref<1x128xi32, #tpu.memory_space<vmem>>
          %swap3A_406 = tpu.memref_squeeze %swap3A_405 : memref<1x128xi32, #tpu.memory_space<vmem>> -> memref<128xi32, #tpu.memory_space<vmem>>
          %swap3A_407 = arith.constant 0 : index
          %swap3A_408 = tpu.vector_load %swap3A_406[%swap3A_407] {strides = array<i32>} : memref<128xi32, #tpu.memory_space<vmem>>, vector<16xi32>,
          %swap3A_409 = vector.shape_cast %swap3A_408 : vector<16xi32> to vector<16xi32>
          %swap3A_410 = vector.shape_cast %select_n3A_402 : vector<16xi32> to vector<16xi32>
          tpu.vector_store %swap3A_406[%swap3A_407], %swap3A_410 {strides = array<i32>} : memref<128xi32, #tpu.memory_space<vmem>>, vector<16xi32>,
          %get3A_411 = arith.constant 0 : i32
          %get3A_412 = arith.constant 0 : i32
          %get3A_413 = tpu.memref_slice %arg9[%get3A_411, %get3A_412] : memref<2x128xi32, #tpu.memory_space<vmem>> -> memref<1x128xi32, #tpu.memory_space<vmem>>
          %get3A_414 = tpu.memref_squeeze %get3A_413 : memref<1x128xi32, #tpu.memory_space<vmem>> -> memref<128xi32, #tpu.memory_space<vmem>>
          %get3A_415 = arith.constant 16 : index
          %get3A_416 = tpu.vector_load %get3A_414[%get3A_415] {strides = array<i32>} : memref<128xi32, #tpu.memory_space<vmem>>, vector<16xi32>,
          %get3A_417 = vector.shape_cast %get3A_416 : vector<16xi32> to vector<16xi32>
          %iota3A_418 = tpu.iota {dimensions = array<i32: 0>} : vector<16xi32>
          %add3A_419 = arith.constant 16 : i32
          %add3A_420 = vector.broadcast %add3A_419 : i32 to vector<16xi32>
          %add3A_421 = arith.addi %iota3A_418, %add3A_420 : vector<16xi32>
          %lt3A_422 = arith.constant 48 : i32
          %lt3A_423 = vector.broadcast %lt3A_422 : i32 to vector<16xi32>
          %lt3A_424 = arith.cmpi slt, %add3A_421, %lt3A_423 : vector<16xi32>
          %jit3A_425 = arith.constant 256 : i32
          %broadcast_in_dim3A_426 = vector.broadcast %jit3A_425 : i32 to vector<16xi32>
          %select_n3A_427 = arith.select %lt3A_424, %broadcast_in_dim3A_426, %get3A_417 : vector<16xi1>, vector<16xi32>
          %swap3A_428 = arith.constant 0 : i32
          %swap3A_429 = arith.constant 0 : i32
          %swap3A_430 = tpu.memref_slice %arg9[%swap3A_428, %swap3A_429] : memref<2x128xi32, #tpu.memory_space<vmem>> -> memref<1x128xi32, #tpu.memory_space<vmem>>
          %swap3A_431 = tpu.memref_squeeze %swap3A_430 : memref<1x128xi32, #tpu.memory_space<vmem>> -> memref<128xi32, #tpu.memory_space<vmem>>
          %swap3A_432 = arith.constant 16 : index
          %swap3A_433 = tpu.vector_load %swap3A_431[%swap3A_432] {strides = array<i32>} : memref<128xi32, #tpu.memory_space<vmem>>, vector<16xi32>,
          %swap3A_434 = vector.shape_cast %swap3A_433 : vector<16xi32> to vector<16xi32>
          %swap3A_435 = vector.shape_cast %select_n3A_427 : vector<16xi32> to vector<16xi32>
          tpu.vector_store %swap3A_431[%swap3A_432], %swap3A_435 {strides = array<i32>} : memref<128xi32, #tpu.memory_space<vmem>>, vector<16xi32>,
          %get3A_436 = arith.constant 0 : i32
          %get3A_437 = arith.constant 0 : i32
          %get3A_438 = tpu.memref_slice %arg9[%get3A_436, %get3A_437] : memref<2x128xi32, #tpu.memory_space<vmem>> -> memref<1x128xi32, #tpu.memory_space<vmem>>
          %get3A_439 = tpu.memref_squeeze %get3A_438 : memref<1x128xi32, #tpu.memory_space<vmem>> -> memref<128xi32, #tpu.memory_space<vmem>>
          %get3A_440 = arith.constant 32 : index
          %get3A_441 = tpu.vector_load %get3A_439[%get3A_440] {strides = array<i32>} : memref<128xi32, #tpu.memory_space<vmem>>, vector<16xi32>,
          %get3A_442 = vector.shape_cast %get3A_441 : vector<16xi32> to vector<16xi32>
          %iota3A_443 = tpu.iota {dimensions = array<i32: 0>} : vector<16xi32>
          %add3A_444 = arith.constant 32 : i32
          %add3A_445 = vector.broadcast %add3A_444 : i32 to vector<16xi32>
          %add3A_446 = arith.addi %iota3A_443, %add3A_445 : vector<16xi32>
          %lt3A_447 = arith.constant 48 : i32
          %lt3A_448 = vector.broadcast %lt3A_447 : i32 to vector<16xi32>
          %lt3A_449 = arith.cmpi slt, %add3A_446, %lt3A_448 : vector<16xi32>
          %jit3A_450 = arith.constant 256 : i32
          %broadcast_in_dim3A_451 = vector.broadcast %jit3A_450 : i32 to vector<16xi32>
          %select_n3A_452 = arith.select %lt3A_449, %broadcast_in_dim3A_451, %get3A_442 : vector<16xi1>, vector<16xi32>
          %swap3A_453 = arith.constant 0 : i32
          %swap3A_454 = arith.constant 0 : i32
          %swap3A_455 = tpu.memref_slice %arg9[%swap3A_453, %swap3A_454] : memref<2x128xi32, #tpu.memory_space<vmem>> -> memref<1x128xi32, #tpu.memory_space<vmem>>
          %swap3A_456 = tpu.memref_squeeze %swap3A_455 : memref<1x128xi32, #tpu.memory_space<vmem>> -> memref<128xi32, #tpu.memory_space<vmem>>
          %swap3A_457 = arith.constant 32 : index
          %swap3A_458 = tpu.vector_load %swap3A_456[%swap3A_457] {strides = array<i32>} : memref<128xi32, #tpu.memory_space<vmem>>, vector<16xi32>,
          %swap3A_459 = vector.shape_cast %swap3A_458 : vector<16xi32> to vector<16xi32>
          %swap3A_460 = vector.shape_cast %select_n3A_452 : vector<16xi32> to vector<16xi32>
          tpu.vector_store %swap3A_456[%swap3A_457], %swap3A_460 {strides = array<i32>} : memref<128xi32, #tpu.memory_space<vmem>>, vector<16xi32>,
          %get3A_461 = arith.constant 0 : i32
          %get3A_462 = arith.constant 0 : i32
          %get3A_463 = tpu.memref_slice %arg9[%get3A_461, %get3A_462] : memref<2x128xi32, #tpu.memory_space<vmem>> -> memref<1x128xi32, #tpu.memory_space<vmem>>
          %get3A_464 = tpu.memref_squeeze %get3A_463 : memref<1x128xi32, #tpu.memory_space<vmem>> -> memref<128xi32, #tpu.memory_space<vmem>>
          %get3A_465 = arith.constant 48 : index
          %get3A_466 = tpu.vector_load %get3A_464[%get3A_465] {strides = array<i32>} : memref<128xi32, #tpu.memory_space<vmem>>, vector<16xi32>,
          %get3A_467 = vector.shape_cast %get3A_466 : vector<16xi32> to vector<16xi32>
          %iota3A_468 = tpu.iota {dimensions = array<i32: 0>} : vector<16xi32>
          %add3A_469 = arith.constant 48 : i32
          %add3A_470 = vector.broadcast %add3A_469 : i32 to vector<16xi32>
          %add3A_471 = arith.addi %iota3A_468, %add3A_470 : vector<16xi32>
          %lt3A_472 = arith.constant 48 : i32
          %lt3A_473 = vector.broadcast %lt3A_472 : i32 to vector<16xi32>
          %lt3A_474 = arith.cmpi slt, %add3A_471, %lt3A_473 : vector<16xi32>
          %jit3A_475 = arith.constant 256 : i32
          %broadcast_in_dim3A_476 = vector.broadcast %jit3A_475 : i32 to vector<16xi32>
          %select_n3A_477 = arith.select %lt3A_474, %broadcast_in_dim3A_476, %get3A_467 : vector<16xi1>, vector<16xi32>
          %swap3A_478 = arith.constant 0 : i32
          %swap3A_479 = arith.constant 0 : i32
          %swap3A_480 = tpu.memref_slice %arg9[%swap3A_478, %swap3A_479] : memref<2x128xi32, #tpu.memory_space<vmem>> -> memref<1x128xi32, #tpu.memory_space<vmem>>
          %swap3A_481 = tpu.memref_squeeze %swap3A_480 : memref<1x128xi32, #tpu.memory_space<vmem>> -> memref<128xi32, #tpu.memory_space<vmem>>
          %swap3A_482 = arith.constant 48 : index
          %swap3A_483 = tpu.vector_load %swap3A_481[%swap3A_482] {strides = array<i32>} : memref<128xi32, #tpu.memory_space<vmem>>, vector<16xi32>,
          %swap3A_484 = vector.shape_cast %swap3A_483 : vector<16xi32> to vector<16xi32>
          %swap3A_485 = vector.shape_cast %select_n3A_477 : vector<16xi32> to vector<16xi32>
          tpu.vector_store %swap3A_481[%swap3A_482], %swap3A_485 {strides = array<i32>} : memref<128xi32, #tpu.memory_space<vmem>>, vector<16xi32>,
          %get3A_486 = arith.constant 0 : i32
          %get3A_487 = arith.constant 0 : i32
          %get3A_488 = tpu.memref_slice %arg9[%get3A_486, %get3A_487] : memref<2x128xi32, #tpu.memory_space<vmem>> -> memref<1x128xi32, #tpu.memory_space<vmem>>
          %get3A_489 = tpu.memref_squeeze %get3A_488 : memref<1x128xi32, #tpu.memory_space<vmem>> -> memref<128xi32, #tpu.memory_space<vmem>>
          %get3A_490 = arith.constant 64 : index
          %get3A_491 = tpu.vector_load %get3A_489[%get3A_490] {strides = array<i32>} : memref<128xi32, #tpu.memory_space<vmem>>, vector<16xi32>,
          %get3A_492 = vector.shape_cast %get3A_491 : vector<16xi32> to vector<16xi32>
          %iota3A_493 = tpu.iota {dimensions = array<i32: 0>} : vector<16xi32>
          %add3A_494 = arith.constant 64 : i32
          %add3A_495 = vector.broadcast %add3A_494 : i32 to vector<16xi32>
          %add3A_496 = arith.addi %iota3A_493, %add3A_495 : vector<16xi32>
          %lt3A_497 = arith.constant 48 : i32
          %lt3A_498 = vector.broadcast %lt3A_497 : i32 to vector<16xi32>
          %lt3A_499 = arith.cmpi slt, %add3A_496, %lt3A_498 : vector<16xi32>
          %jit3A_500 = arith.constant 256 : i32
          %broadcast_in_dim3A_501 = vector.broadcast %jit3A_500 : i32 to vector<16xi32>
          %select_n3A_502 = arith.select %lt3A_499, %broadcast_in_dim3A_501, %get3A_492 : vector<16xi1>, vector<16xi32>
          %swap3A_503 = arith.constant 0 : i32
          %swap3A_504 = arith.constant 0 : i32
          %swap3A_505 = tpu.memref_slice %arg9[%swap3A_503, %swap3A_504] : memref<2x128xi32, #tpu.memory_space<vmem>> -> memref<1x128xi32, #tpu.memory_space<vmem>>
          %swap3A_506 = tpu.memref_squeeze %swap3A_505 : memref<1x128xi32, #tpu.memory_space<vmem>> -> memref<128xi32, #tpu.memory_space<vmem>>
          %swap3A_507 = arith.constant 64 : index
          %swap3A_508 = tpu.vector_load %swap3A_506[%swap3A_507] {strides = array<i32>} : memref<128xi32, #tpu.memory_space<vmem>>, vector<16xi32>,
          %swap3A_509 = vector.shape_cast %swap3A_508 : vector<16xi32> to vector<16xi32>
          %swap3A_510 = vector.shape_cast %select_n3A_502 : vector<16xi32> to vector<16xi32>
          tpu.vector_store %swap3A_506[%swap3A_507], %swap3A_510 {strides = array<i32>} : memref<128xi32, #tpu.memory_space<vmem>>, vector<16xi32>,
          %get3A_511 = arith.constant 0 : i32
          %get3A_512 = arith.constant 0 : i32
          %get3A_513 = tpu.memref_slice %arg9[%get3A_511, %get3A_512] : memref<2x128xi32, #tpu.memory_space<vmem>> -> memref<1x128xi32, #tpu.memory_space<vmem>>
          %get3A_514 = tpu.memref_squeeze %get3A_513 : memref<1x128xi32, #tpu.memory_space<vmem>> -> memref<128xi32, #tpu.memory_space<vmem>>
          %get3A_515 = arith.constant 80 : index
          %get3A_516 = tpu.vector_load %get3A_514[%get3A_515] {strides = array<i32>} : memref<128xi32, #tpu.memory_space<vmem>>, vector<16xi32>,
          %get3A_517 = vector.shape_cast %get3A_516 : vector<16xi32> to vector<16xi32>
          %iota3A_518 = tpu.iota {dimensions = array<i32: 0>} : vector<16xi32>
          %add3A_519 = arith.constant 80 : i32
          %add3A_520 = vector.broadcast %add3A_519 : i32 to vector<16xi32>
          %add3A_521 = arith.addi %iota3A_518, %add3A_520 : vector<16xi32>
          %lt3A_522 = arith.constant 48 : i32
          %lt3A_523 = vector.broadcast %lt3A_522 : i32 to vector<16xi32>
          %lt3A_524 = arith.cmpi slt, %add3A_521, %lt3A_523 : vector<16xi32>
          %jit3A_525 = arith.constant 256 : i32
          %broadcast_in_dim3A_526 = vector.broadcast %jit3A_525 : i32 to vector<16xi32>
          %select_n3A_527 = arith.select %lt3A_524, %broadcast_in_dim3A_526, %get3A_517 : vector<16xi1>, vector<16xi32>
          %swap3A_528 = arith.constant 0 : i32
          %swap3A_529 = arith.constant 0 : i32
          %swap3A_530 = tpu.memref_slice %arg9[%swap3A_528, %swap3A_529] : memref<2x128xi32, #tpu.memory_space<vmem>> -> memref<1x128xi32, #tpu.memory_space<vmem>>
          %swap3A_531 = tpu.memref_squeeze %swap3A_530 : memref<1x128xi32, #tpu.memory_space<vmem>> -> memref<128xi32, #tpu.memory_space<vmem>>
          %swap3A_532 = arith.constant 80 : index
          %swap3A_533 = tpu.vector_load %swap3A_531[%swap3A_532] {strides = array<i32>} : memref<128xi32, #tpu.memory_space<vmem>>, vector<16xi32>,
          %swap3A_534 = vector.shape_cast %swap3A_533 : vector<16xi32> to vector<16xi32>
          %swap3A_535 = vector.shape_cast %select_n3A_527 : vector<16xi32> to vector<16xi32>
          tpu.vector_store %swap3A_531[%swap3A_532], %swap3A_535 {strides = array<i32>} : memref<128xi32, #tpu.memory_space<vmem>>, vector<16xi32>,
          %get3A_536 = arith.constant 0 : i32
          %get3A_537 = arith.constant 0 : i32
          %get3A_538 = tpu.memref_slice %arg9[%get3A_536, %get3A_537] : memref<2x128xi32, #tpu.memory_space<vmem>> -> memref<1x128xi32, #tpu.memory_space<vmem>>
          %get3A_539 = tpu.memref_squeeze %get3A_538 : memref<1x128xi32, #tpu.memory_space<vmem>> -> memref<128xi32, #tpu.memory_space<vmem>>
          %get3A_540 = arith.constant 96 : index
          %get3A_541 = tpu.vector_load %get3A_539[%get3A_540] {strides = array<i32>} : memref<128xi32, #tpu.memory_space<vmem>>, vector<16xi32>,
          %get3A_542 = vector.shape_cast %get3A_541 : vector<16xi32> to vector<16xi32>
          %iota3A_543 = tpu.iota {dimensions = array<i32: 0>} : vector<16xi32>
          %add3A_544 = arith.constant 96 : i32
          %add3A_545 = vector.broadcast %add3A_544 : i32 to vector<16xi32>
          %add3A_546 = arith.addi %iota3A_543, %add3A_545 : vector<16xi32>
          %lt3A_547 = arith.constant 48 : i32
          %lt3A_548 = vector.broadcast %lt3A_547 : i32 to vector<16xi32>
          %lt3A_549 = arith.cmpi slt, %add3A_546, %lt3A_548 : vector<16xi32>
          %jit3A_550 = arith.constant 256 : i32
          %broadcast_in_dim3A_551 = vector.broadcast %jit3A_550 : i32 to vector<16xi32>
          %select_n3A_552 = arith.select %lt3A_549, %broadcast_in_dim3A_551, %get3A_542 : vector<16xi1>, vector<16xi32>
          %swap3A_553 = arith.constant 0 : i32
          %swap3A_554 = arith.constant 0 : i32
          %swap3A_555 = tpu.memref_slice %arg9[%swap3A_553, %swap3A_554] : memref<2x128xi32, #tpu.memory_space<vmem>> -> memref<1x128xi32, #tpu.memory_space<vmem>>
          %swap3A_556 = tpu.memref_squeeze %swap3A_555 : memref<1x128xi32, #tpu.memory_space<vmem>> -> memref<128xi32, #tpu.memory_space<vmem>>
          %swap3A_557 = arith.constant 96 : index
          %swap3A_558 = tpu.vector_load %swap3A_556[%swap3A_557] {strides = array<i32>} : memref<128xi32, #tpu.memory_space<vmem>>, vector<16xi32>,
          %swap3A_559 = vector.shape_cast %swap3A_558 : vector<16xi32> to vector<16xi32>
          %swap3A_560 = vector.shape_cast %select_n3A_552 : vector<16xi32> to vector<16xi32>
          tpu.vector_store %swap3A_556[%swap3A_557], %swap3A_560 {strides = array<i32>} : memref<128xi32, #tpu.memory_space<vmem>>, vector<16xi32>,
          %get3A_561 = arith.constant 0 : i32
          %get3A_562 = arith.constant 0 : i32
          %get3A_563 = tpu.memref_slice %arg9[%get3A_561, %get3A_562] : memref<2x128xi32, #tpu.memory_space<vmem>> -> memref<1x128xi32, #tpu.memory_space<vmem>>
          %get3A_564 = tpu.memref_squeeze %get3A_563 : memref<1x128xi32, #tpu.memory_space<vmem>> -> memref<128xi32, #tpu.memory_space<vmem>>
          %get3A_565 = arith.constant 112 : index
          %get3A_566 = tpu.vector_load %get3A_564[%get3A_565] {strides = array<i32>} : memref<128xi32, #tpu.memory_space<vmem>>, vector<16xi32>,
          %get3A_567 = vector.shape_cast %get3A_566 : vector<16xi32> to vector<16xi32>
          %iota3A_568 = tpu.iota {dimensions = array<i32: 0>} : vector<16xi32>
          %add3A_569 = arith.constant 112 : i32
          %add3A_570 = vector.broadcast %add3A_569 : i32 to vector<16xi32>
          %add3A_571 = arith.addi %iota3A_568, %add3A_570 : vector<16xi32>
          %lt3A_572 = arith.constant 48 : i32
          %lt3A_573 = vector.broadcast %lt3A_572 : i32 to vector<16xi32>
          %lt3A_574 = arith.cmpi slt, %add3A_571, %lt3A_573 : vector<16xi32>
          %jit3A_575 = arith.constant 256 : i32
          %broadcast_in_dim3A_576 = vector.broadcast %jit3A_575 : i32 to vector<16xi32>
          %select_n3A_577 = arith.select %lt3A_574, %broadcast_in_dim3A_576, %get3A_567 : vector<16xi1>, vector<16xi32>
          %swap3A_578 = arith.constant 0 : i32
          %swap3A_579 = arith.constant 0 : i32
          %swap3A_580 = tpu.memref_slice %arg9[%swap3A_578, %swap3A_579] : memref<2x128xi32, #tpu.memory_space<vmem>> -> memref<1x128xi32, #tpu.memory_space<vmem>>
          %swap3A_581 = tpu.memref_squeeze %swap3A_580 : memref<1x128xi32, #tpu.memory_space<vmem>> -> memref<128xi32, #tpu.memory_space<vmem>>
          %swap3A_582 = arith.constant 112 : index
          %swap3A_583 = tpu.vector_load %swap3A_581[%swap3A_582] {strides = array<i32>} : memref<128xi32, #tpu.memory_space<vmem>>, vector<16xi32>,
          %swap3A_584 = vector.shape_cast %swap3A_583 : vector<16xi32> to vector<16xi32>
          %swap3A_585 = vector.shape_cast %select_n3A_577 : vector<16xi32> to vector<16xi32>
          tpu.vector_store %swap3A_581[%swap3A_582], %swap3A_585 {strides = array<i32>} : memref<128xi32, #tpu.memory_space<vmem>>, vector<16xi32>,
        } else {
        }
        %run_scoped3A_379 = arith.constant 0 : i32
        %run_scoped3A_380 = arith.constant 0 : i32
        "tpu.region"() ({
          %run_scoped3A_388 = tpu.sem_alloc : memref<!tpu.dma_semaphore, #tpu.memory_space<semaphore_mem>>
          %dma_start3A_389 = arith.constant 0 : i32
          %dma_start3A_390 = arith.constant 0 : i32
          %dma_start3A_391 = tpu.memref_slice %arg10[%run_scoped3A_379, %dma_start3A_389, %dma_start3A_390] : memref<2x128x128xf32, #tpu.memory_space<vmem>> -> memref<1x128x128xf32, #tpu.memory_space<vmem>>
          %dma_start3A_392 = tpu.memref_squeeze %dma_start3A_391 : memref<1x128x128xf32, #tpu.memory_space<vmem>> -> memref<128x128xf32, #tpu.memory_space<vmem>>
          %dma_start3A_393 = arith.constant 0 : i32
          %dma_start3A_394 = tpu.memref_slice %arg9[%run_scoped3A_380, %dma_start3A_393] : memref<2x128xi32, #tpu.memory_space<vmem>> -> memref<1x128xi32, #tpu.memory_space<vmem>>
          %dma_start3A_395 = tpu.memref_squeeze %dma_start3A_394 : memref<1x128xi32, #tpu.memory_space<vmem>> -> memref<128xi32, #tpu.memory_space<vmem>>
          %dma_start3A_396 = arith.constant 0 : i32
          %dma_start3A_397 = arith.constant 0 : i32
          %dma_start3A_398 = tpu.memref_slice %arg13[%while3A_294, %dma_start3A_396, %dma_start3A_397] : memref<2x264x128xf32, #tpu.memory_space<vmem_shared>> -> memref<1x264x128xf32, #tpu.memory_space<vmem_shared>>
          %dma_start3A_399 = tpu.memref_squeeze %dma_start3A_398 : memref<1x264x128xf32, #tpu.memory_space<vmem_shared>> -> memref<264x128xf32, #tpu.memory_space<vmem_shared>>
          %dma_start3A_400 = arith.constant 0 : i32
          %dma_start3A_401 = arith.constant 0 : i32
          %dma_start3A_402 = tpu.memref_slice %dma_start3A_399[%dma_start3A_400, %dma_start3A_401] : memref<264x128xf32, #tpu.memory_space<vmem_shared>> -> memref<264x128xf32, #tpu.memory_space<vmem_shared>>
          tpu.enqueue_indirect_dma source(%dma_start3A_392 : memref<128x128xf32, #tpu.memory_space<vmem>>) target(%dma_start3A_402 : memref<264x128xf32, #tpu.memory_space<vmem_shared>>) offsets(%dma_start3A_395 : memref<128xi32, #tpu.memory_space<vmem>>) semaphore(%run_scoped3A_388 : memref<!tpu.dma_semaphore, #tpu.memory_space<semaphore_mem>>) {add = true}
          %dma_wait3A_403 = arith.constant 0 : i32
          %dma_wait3A_404 = arith.constant 0 : i32
          %dma_wait3A_405 = tpu.memref_slice %arg10[%run_scoped3A_379, %dma_wait3A_403, %dma_wait3A_404] : memref<2x128x128xf32, #tpu.memory_space<vmem>> -> memref<1x128x128xf32, #tpu.memory_space<vmem>>
          %dma_wait3A_406 = tpu.memref_squeeze %dma_wait3A_405 : memref<1x128x128xf32, #tpu.memory_space<vmem>> -> memref<128x128xf32, #tpu.memory_space<vmem>>
          %dma_wait3A_407 = arith.constant 0 : i32
          %dma_wait3A_408 = tpu.memref_slice %arg9[%run_scoped3A_380, %dma_wait3A_407] : memref<2x128xi32, #tpu.memory_space<vmem>> -> memref<1x128xi32, #tpu.memory_space<vmem>>
          %dma_wait3A_409 = tpu.memref_squeeze %dma_wait3A_408 : memref<1x128xi32, #tpu.memory_space<vmem>> -> memref<128xi32, #tpu.memory_space<vmem>>
          %dma_wait3A_410 = arith.constant 0 : i32
          %dma_wait3A_411 = arith.constant 0 : i32
          %dma_wait3A_412 = tpu.memref_slice %arg13[%while3A_294, %dma_wait3A_410, %dma_wait3A_411] : memref<2x264x128xf32, #tpu.memory_space<vmem_shared>> -> memref<1x264x128xf32, #tpu.memory_space<vmem_shared>>
          %dma_wait3A_413 = tpu.memref_squeeze %dma_wait3A_412 : memref<1x264x128xf32, #tpu.memory_space<vmem_shared>> -> memref<264x128xf32, #tpu.memory_space<vmem_shared>>
          %dma_wait3A_414 = arith.constant 0 : i32
          %dma_wait3A_415 = arith.constant 0 : i32
          %dma_wait3A_416 = tpu.memref_slice %dma_wait3A_413[%dma_wait3A_414, %dma_wait3A_415] : memref<264x128xf32, #tpu.memory_space<vmem_shared>> -> memref<264x128xf32, #tpu.memory_space<vmem_shared>>
          tpu.wait_indirect_dma semaphore(%run_scoped3A_388 : memref<!tpu.dma_semaphore, #tpu.memory_space<semaphore_mem>>) src(%dma_wait3A_406 : memref<128x128xf32, #tpu.memory_space<vmem>>) dst(%dma_wait3A_416 : memref<264x128xf32, #tpu.memory_space<vmem_shared>>)
          tpu.yield
        }) : () -> ()
        %run_scoped3A_381 = arith.constant 0 : i32
        "tpu.region"() ({
          %run_scoped3A_388 = tpu.sem_alloc : memref<!tpu.dma_semaphore, #tpu.memory_space<semaphore_mem>>
          %dma_start3A_389 = arith.constant 0 : i32
          %dma_start3A_390 = tpu.memref_slice %arg9[%run_scoped3A_381, %dma_start3A_389] : memref<2x128xi32, #tpu.memory_space<vmem>> -> memref<1x128xi32, #tpu.memory_space<vmem>>
          %dma_start3A_391 = tpu.memref_squeeze %dma_start3A_390 : memref<1x128xi32, #tpu.memory_space<vmem>> -> memref<128xi32, #tpu.memory_space<vmem>>
          %dma_start3A_392 = arith.constant 0 : i32
          %dma_start3A_393 = tpu.memref_slice %arg15[%dma_start3A_392] : memref<384xf32, #tpu.memory_space<vmem_shared>> -> memref<384xf32, #tpu.memory_space<vmem_shared>>
          tpu.enqueue_indirect_dma source(%arg11 : memref<128xf32, #tpu.memory_space<vmem>>) target(%dma_start3A_393 : memref<384xf32, #tpu.memory_space<vmem_shared>>) offsets(%dma_start3A_391 : memref<128xi32, #tpu.memory_space<vmem>>) semaphore(%run_scoped3A_388 : memref<!tpu.dma_semaphore, #tpu.memory_space<semaphore_mem>>) {add = true}
          %dma_wait3A_394 = arith.constant 0 : i32
          %dma_wait3A_395 = tpu.memref_slice %arg9[%run_scoped3A_381, %dma_wait3A_394] : memref<2x128xi32, #tpu.memory_space<vmem>> -> memref<1x128xi32, #tpu.memory_space<vmem>>
          %dma_wait3A_396 = tpu.memref_squeeze %dma_wait3A_395 : memref<1x128xi32, #tpu.memory_space<vmem>> -> memref<128xi32, #tpu.memory_space<vmem>>
          %dma_wait3A_397 = arith.constant 0 : i32
          %dma_wait3A_398 = tpu.memref_slice %arg15[%dma_wait3A_397] : memref<384xf32, #tpu.memory_space<vmem_shared>> -> memref<384xf32, #tpu.memory_space<vmem_shared>>
          tpu.wait_indirect_dma semaphore(%run_scoped3A_388 : memref<!tpu.dma_semaphore, #tpu.memory_space<semaphore_mem>>) src(%arg11 : memref<128xf32, #tpu.memory_space<vmem>>) dst(%dma_wait3A_398 : memref<384xf32, #tpu.memory_space<vmem_shared>>)
          tpu.yield
        }) : () -> ()
        %add3A_382 = arith.constant 2 : i32
        %add3A_383 = arith.addi %add3A_323, %add3A_382 : i32
        %lt3A_384 = arith.cmpi slt, %add3A_383, %select_n3A_195 : i32
        %convert_element_type3A_385 = arith.extui %lt3A_384 : i1 to i32
        %cond3A_386 = arith.constant 0 : i32
        %cond3A_387 = arith.cmpi ne, %convert_element_type3A_385, %cond3A_386 : i32
        scf.if %cond3A_387 {
          %add3A_388 = arith.constant 2 : i32
          %add3A_389 = arith.addi %add3A_323, %add3A_388 : i32
          %mul3A_390 = arith.constant 32 : i32
          %mul3A_391 = arith.muli %add3A_389, %mul3A_390 : i32
          %add3A_392 = arith.addi %add3A, %mul3A_391 : i32
          %eq3A_393 = arith.constant 390 : i32
          %eq3A_394 = arith.cmpi eq, %add3A_392, %eq3A_393 : i32
          %mul3A_395 = arith.constant 128 : i32
          %mul3A_396 = arith.muli %add3A_392, %mul3A_395 : i32
          %jit3A_397 = arith.constant 49872 : i32
          %select_n3A_398 = arith.select %eq3A_394, %jit3A_397, %mul3A_396 : i32
          %dma_start3A_399 = arith.constant 0 : i32
          %dma_start3A_400 = arith.constant 0 : i32
          %dma_start3A_401 = arith.constant 0 : i32
          %dma_start3A_402 = tpu.memref_slice %arg9[%dma_start3A_399, %dma_start3A_401] : memref<2x128xi32, #tpu.memory_space<vmem>> -> memref<1x128xi32, #tpu.memory_space<vmem>>
          %dma_start3A_403 = tpu.memref_squeeze %dma_start3A_402 : memref<1x128xi32, #tpu.memory_space<vmem>> -> memref<128xi32, #tpu.memory_space<vmem>>
          %dma_start3A_404 = tpu.memref_slice %arg5[%select_n3A_398] : memref<50000xi32, #tpu.memory_space<hbm>> -> memref<128xi32, #tpu.memory_space<hbm>>
          %dma_start3A_405 = tpu.memref_slice %arg16[%dma_start3A_400] : memref<2x!tpu.dma_semaphore, #tpu.memory_space<semaphore_mem>> -> memref<1x!tpu.dma_semaphore, #tpu.memory_space<semaphore_mem>>
          %dma_start3A_406 = tpu.memref_squeeze %dma_start3A_405 : memref<1x!tpu.dma_semaphore, #tpu.memory_space<semaphore_mem>> -> memref<!tpu.dma_semaphore, #tpu.memory_space<semaphore_mem>>
          %dma_start3A_407 = arith.constant 0 : i32
          %dma_start3A_408 = tpu.memref_slice %arg9[%dma_start3A_399, %dma_start3A_407] : memref<2x128xi32, #tpu.memory_space<vmem>> -> memref<1x128xi32, #tpu.memory_space<vmem>>
          %dma_start3A_409 = tpu.memref_squeeze %dma_start3A_408 : memref<1x128xi32, #tpu.memory_space<vmem>> -> memref<128xi32, #tpu.memory_space<vmem>>
          %dma_start3A_410 = tpu.memref_slice %arg5[%select_n3A_398] : memref<50000xi32, #tpu.memory_space<hbm>> -> memref<128xi32, #tpu.memory_space<hbm>>
          tpu.enqueue_dma source(%dma_start3A_410 : memref<128xi32, #tpu.memory_space<hbm>>) target(%dma_start3A_409 : memref<128xi32, #tpu.memory_space<vmem>>) target_semaphore(%dma_start3A_406 : memref<!tpu.dma_semaphore, #tpu.memory_space<semaphore_mem>>)
          %dma_start3A_411 = arith.constant 0 : i32
          %dma_start3A_412 = arith.constant 0 : i32
          %dma_start3A_413 = arith.constant 0 : i32
          %dma_start3A_414 = arith.constant 0 : i32
          %dma_start3A_415 = tpu.memref_slice %arg10[%dma_start3A_411, %dma_start3A_413, %dma_start3A_414] : memref<2x128x128xf32, #tpu.memory_space<vmem>> -> memref<1x128x128xf32, #tpu.memory_space<vmem>>
          %dma_start3A_416 = tpu.memref_squeeze %dma_start3A_415 : memref<1x128x128xf32, #tpu.memory_space<vmem>> -> memref<128x128xf32, #tpu.memory_space<vmem>>
          %dma_start3A_417 = arith.constant 0 : i32
          %dma_start3A_418 = tpu.memref_slice %arg4[%select_n3A_398, %dma_start3A_417] : memref<50000x128xf32, #tpu.memory_space<hbm>> -> memref<128x128xf32, #tpu.memory_space<hbm>>
          %dma_start3A_419 = tpu.memref_slice %arg16[%dma_start3A_412] : memref<2x!tpu.dma_semaphore, #tpu.memory_space<semaphore_mem>> -> memref<1x!tpu.dma_semaphore, #tpu.memory_space<semaphore_mem>>
          %dma_start3A_420 = tpu.memref_squeeze %dma_start3A_419 : memref<1x!tpu.dma_semaphore, #tpu.memory_space<semaphore_mem>> -> memref<!tpu.dma_semaphore, #tpu.memory_space<semaphore_mem>>
          %dma_start3A_421 = arith.constant 0 : i32
          %dma_start3A_422 = arith.constant 0 : i32
          %dma_start3A_423 = tpu.memref_slice %arg10[%dma_start3A_411, %dma_start3A_421, %dma_start3A_422] : memref<2x128x128xf32, #tpu.memory_space<vmem>> -> memref<1x128x128xf32, #tpu.memory_space<vmem>>
          %dma_start3A_424 = tpu.memref_squeeze %dma_start3A_423 : memref<1x128x128xf32, #tpu.memory_space<vmem>> -> memref<128x128xf32, #tpu.memory_space<vmem>>
          %dma_start3A_425 = arith.constant 0 : i32
          %dma_start3A_426 = tpu.memref_slice %arg4[%select_n3A_398, %dma_start3A_425] : memref<50000x128xf32, #tpu.memory_space<hbm>> -> memref<128x128xf32, #tpu.memory_space<hbm>>
          tpu.enqueue_dma source(%dma_start3A_426 : memref<128x128xf32, #tpu.memory_space<hbm>>) target(%dma_start3A_424 : memref<128x128xf32, #tpu.memory_space<vmem>>) target_semaphore(%dma_start3A_420 : memref<!tpu.dma_semaphore, #tpu.memory_space<semaphore_mem>>)
        } else {
        }
      } else {
      }
      %mul3A_327 = arith.constant 2 : i32
      %mul3A_328 = arith.muli %mul3A_327, %while3A_318 : i32
      %add3A_329 = arith.constant 1 : i32
      %add3A_330 = arith.addi %mul3A_328, %add3A_329 : i32
      %lt3A_331 = arith.cmpi slt, %add3A_330, %select_n3A_195 : i32
      %convert_element_type3A_332 = arith.extui %lt3A_331 : i1 to i32
      %cond3A_333 = arith.constant 0 : i32
      %cond3A_334 = arith.cmpi ne, %convert_element_type3A_332, %cond3A_333 : i32
      scf.if %cond3A_334 {
        %dma_wait3A = arith.constant 1 : i32
        %dma_wait3A_336 = arith.constant 1 : i32
        %dma_wait3A_337 = arith.constant 0 : i32
        %dma_wait3A_338 = tpu.memref_slice %arg9[%dma_wait3A, %dma_wait3A_337] : memref<2x128xi32, #tpu.memory_space<vmem>> -> memref<1x128xi32, #tpu.memory_space<vmem>>
        %dma_wait3A_339 = tpu.memref_squeeze %dma_wait3A_338 : memref<1x128xi32, #tpu.memory_space<vmem>> -> memref<128xi32, #tpu.memory_space<vmem>>
        %dma_wait3A_340 = arith.constant 0 : i32
        %dma_wait3A_341 = tpu.memref_slice %arg5[%dma_wait3A_340] : memref<50000xi32, #tpu.memory_space<hbm>> -> memref<128xi32, #tpu.memory_space<hbm>>
        %dma_wait3A_342 = tpu.memref_slice %arg16[%dma_wait3A_336] : memref<2x!tpu.dma_semaphore, #tpu.memory_space<semaphore_mem>> -> memref<1x!tpu.dma_semaphore, #tpu.memory_space<semaphore_mem>>
        %dma_wait3A_343 = tpu.memref_squeeze %dma_wait3A_342 : memref<1x!tpu.dma_semaphore, #tpu.memory_space<semaphore_mem>> -> memref<!tpu.dma_semaphore, #tpu.memory_space<semaphore_mem>>
        %dma_wait3A_344 = arith.constant 0 : i32
        %dma_wait3A_345 = tpu.memref_slice %arg9[%dma_wait3A, %dma_wait3A_344] : memref<2x128xi32, #tpu.memory_space<vmem>> -> memref<1x128xi32, #tpu.memory_space<vmem>>
        %dma_wait3A_346 = tpu.memref_squeeze %dma_wait3A_345 : memref<1x128xi32, #tpu.memory_space<vmem>> -> memref<128xi32, #tpu.memory_space<vmem>>
        %dma_wait3A_347 = arith.constant 0 : i32
        %dma_wait3A_348 = tpu.memref_slice %arg5[%dma_wait3A_347] : memref<50000xi32, #tpu.memory_space<hbm>> -> memref<128xi32, #tpu.memory_space<hbm>>
        tpu.wait_dma2 semaphore(%dma_wait3A_343 : memref<!tpu.dma_semaphore, #tpu.memory_space<semaphore_mem>>) src(%dma_wait3A_348 : memref<128xi32, #tpu.memory_space<hbm>>) dst(%dma_wait3A_346 : memref<128xi32, #tpu.memory_space<vmem>>)
        %dma_wait3A_349 = arith.constant 1 : i32
        %dma_wait3A_350 = arith.constant 1 : i32
        %dma_wait3A_351 = arith.constant 0 : i32
        %dma_wait3A_352 = arith.constant 0 : i32
        %dma_wait3A_353 = tpu.memref_slice %arg10[%dma_wait3A_349, %dma_wait3A_351, %dma_wait3A_352] : memref<2x128x128xf32, #tpu.memory_space<vmem>> -> memref<1x128x128xf32, #tpu.memory_space<vmem>>
        %dma_wait3A_354 = tpu.memref_squeeze %dma_wait3A_353 : memref<1x128x128xf32, #tpu.memory_space<vmem>> -> memref<128x128xf32, #tpu.memory_space<vmem>>
        %dma_wait3A_355 = arith.constant 0 : i32
        %dma_wait3A_356 = arith.constant 0 : i32
        %dma_wait3A_357 = tpu.memref_slice %arg4[%dma_wait3A_355, %dma_wait3A_356] : memref<50000x128xf32, #tpu.memory_space<hbm>> -> memref<128x128xf32, #tpu.memory_space<hbm>>
        %dma_wait3A_358 = tpu.memref_slice %arg16[%dma_wait3A_350] : memref<2x!tpu.dma_semaphore, #tpu.memory_space<semaphore_mem>> -> memref<1x!tpu.dma_semaphore, #tpu.memory_space<semaphore_mem>>
        %dma_wait3A_359 = tpu.memref_squeeze %dma_wait3A_358 : memref<1x!tpu.dma_semaphore, #tpu.memory_space<semaphore_mem>> -> memref<!tpu.dma_semaphore, #tpu.memory_space<semaphore_mem>>
        %dma_wait3A_360 = arith.constant 0 : i32
        %dma_wait3A_361 = arith.constant 0 : i32
        %dma_wait3A_362 = tpu.memref_slice %arg10[%dma_wait3A_349, %dma_wait3A_360, %dma_wait3A_361] : memref<2x128x128xf32, #tpu.memory_space<vmem>> -> memref<1x128x128xf32, #tpu.memory_space<vmem>>
        %dma_wait3A_363 = tpu.memref_squeeze %dma_wait3A_362 : memref<1x128x128xf32, #tpu.memory_space<vmem>> -> memref<128x128xf32, #tpu.memory_space<vmem>>
        %dma_wait3A_364 = arith.constant 0 : i32
        %dma_wait3A_365 = arith.constant 0 : i32
        %dma_wait3A_366 = tpu.memref_slice %arg4[%dma_wait3A_364, %dma_wait3A_365] : memref<50000x128xf32, #tpu.memory_space<hbm>> -> memref<128x128xf32, #tpu.memory_space<hbm>>
        tpu.wait_dma2 semaphore(%dma_wait3A_359 : memref<!tpu.dma_semaphore, #tpu.memory_space<semaphore_mem>>) src(%dma_wait3A_366 : memref<128x128xf32, #tpu.memory_space<hbm>>) dst(%dma_wait3A_363 : memref<128x128xf32, #tpu.memory_space<vmem>>)
        %mul3A_367 = arith.constant 32 : i32
        %mul3A_368 = arith.muli %add3A_330, %mul3A_367 : i32
        %add3A_369 = arith.addi %add3A, %mul3A_368 : i32
        %eq3A_370 = arith.constant 390 : i32
        %eq3A_371 = arith.cmpi eq, %add3A_369, %eq3A_370 : i32
        %mul3A_372 = arith.constant 128 : i32
        %mul3A_373 = arith.muli %add3A_369, %mul3A_372 : i32
        %jit3A_374 = arith.constant 49872 : i32
        %select_n3A_375 = arith.select %eq3A_371, %jit3A_374, %mul3A_373 : i32
        %convert_element_type3A_376 = arith.extui %eq3A_371 : i1 to i32
        %cond3A_377 = arith.constant 0 : i32
        %cond3A_378 = arith.cmpi ne, %convert_element_type3A_376, %cond3A_377 : i32
        scf.if %cond3A_378 {
          %get3A = arith.constant 1 : i32
          %get3A_388 = arith.constant 0 : i32
          %get3A_389 = tpu.memref_slice %arg9[%get3A, %get3A_388] : memref<2x128xi32, #tpu.memory_space<vmem>> -> memref<1x128xi32, #tpu.memory_space<vmem>>
          %get3A_390 = tpu.memref_squeeze %get3A_389 : memref<1x128xi32, #tpu.memory_space<vmem>> -> memref<128xi32, #tpu.memory_space<vmem>>
          %get3A_391 = arith.constant 0 : index
          %get3A_392 = tpu.vector_load %get3A_390[%get3A_391] {strides = array<i32>} : memref<128xi32, #tpu.memory_space<vmem>>, vector<16xi32>,
          %get3A_393 = vector.shape_cast %get3A_392 : vector<16xi32> to vector<16xi32>
          %iota3A = tpu.iota {dimensions = array<i32: 0>} : vector<16xi32>
          %add3A_394 = arith.constant 0 : i32
          %add3A_395 = vector.broadcast %add3A_394 : i32 to vector<16xi32>
          %add3A_396 = arith.addi %iota3A, %add3A_395 : vector<16xi32>
          %lt3A_397 = arith.constant 48 : i32
          %lt3A_398 = vector.broadcast %lt3A_397 : i32 to vector<16xi32>
          %lt3A_399 = arith.cmpi slt, %add3A_396, %lt3A_398 : vector<16xi32>
          %jit3A_400 = arith.constant 256 : i32
          %broadcast_in_dim3A_401 = vector.broadcast %jit3A_400 : i32 to vector<16xi32>
          %select_n3A_402 = arith.select %lt3A_399, %broadcast_in_dim3A_401, %get3A_393 : vector<16xi1>, vector<16xi32>
          %swap3A_403 = arith.constant 1 : i32
          %swap3A_404 = arith.constant 0 : i32
          %swap3A_405 = tpu.memref_slice %arg9[%swap3A_403, %swap3A_404] : memref<2x128xi32, #tpu.memory_space<vmem>> -> memref<1x128xi32, #tpu.memory_space<vmem>>
          %swap3A_406 = tpu.memref_squeeze %swap3A_405 : memref<1x128xi32, #tpu.memory_space<vmem>> -> memref<128xi32, #tpu.memory_space<vmem>>
          %swap3A_407 = arith.constant 0 : index
          %swap3A_408 = tpu.vector_load %swap3A_406[%swap3A_407] {strides = array<i32>} : memref<128xi32, #tpu.memory_space<vmem>>, vector<16xi32>,
          %swap3A_409 = vector.shape_cast %swap3A_408 : vector<16xi32> to vector<16xi32>
          %swap3A_410 = vector.shape_cast %select_n3A_402 : vector<16xi32> to vector<16xi32>
          tpu.vector_store %swap3A_406[%swap3A_407], %swap3A_410 {strides = array<i32>} : memref<128xi32, #tpu.memory_space<vmem>>, vector<16xi32>,
          %get3A_411 = arith.constant 1 : i32
          %get3A_412 = arith.constant 0 : i32
          %get3A_413 = tpu.memref_slice %arg9[%get3A_411, %get3A_412] : memref<2x128xi32, #tpu.memory_space<vmem>> -> memref<1x128xi32, #tpu.memory_space<vmem>>
          %get3A_414 = tpu.memref_squeeze %get3A_413 : memref<1x128xi32, #tpu.memory_space<vmem>> -> memref<128xi32, #tpu.memory_space<vmem>>
          %get3A_415 = arith.constant 16 : index
          %get3A_416 = tpu.vector_load %get3A_414[%get3A_415] {strides = array<i32>} : memref<128xi32, #tpu.memory_space<vmem>>, vector<16xi32>,
          %get3A_417 = vector.shape_cast %get3A_416 : vector<16xi32> to vector<16xi32>
          %iota3A_418 = tpu.iota {dimensions = array<i32: 0>} : vector<16xi32>
          %add3A_419 = arith.constant 16 : i32
          %add3A_420 = vector.broadcast %add3A_419 : i32 to vector<16xi32>
          %add3A_421 = arith.addi %iota3A_418, %add3A_420 : vector<16xi32>
          %lt3A_422 = arith.constant 48 : i32
          %lt3A_423 = vector.broadcast %lt3A_422 : i32 to vector<16xi32>
          %lt3A_424 = arith.cmpi slt, %add3A_421, %lt3A_423 : vector<16xi32>
          %jit3A_425 = arith.constant 256 : i32
          %broadcast_in_dim3A_426 = vector.broadcast %jit3A_425 : i32 to vector<16xi32>
          %select_n3A_427 = arith.select %lt3A_424, %broadcast_in_dim3A_426, %get3A_417 : vector<16xi1>, vector<16xi32>
          %swap3A_428 = arith.constant 1 : i32
          %swap3A_429 = arith.constant 0 : i32
          %swap3A_430 = tpu.memref_slice %arg9[%swap3A_428, %swap3A_429] : memref<2x128xi32, #tpu.memory_space<vmem>> -> memref<1x128xi32, #tpu.memory_space<vmem>>
          %swap3A_431 = tpu.memref_squeeze %swap3A_430 : memref<1x128xi32, #tpu.memory_space<vmem>> -> memref<128xi32, #tpu.memory_space<vmem>>
          %swap3A_432 = arith.constant 16 : index
          %swap3A_433 = tpu.vector_load %swap3A_431[%swap3A_432] {strides = array<i32>} : memref<128xi32, #tpu.memory_space<vmem>>, vector<16xi32>,
          %swap3A_434 = vector.shape_cast %swap3A_433 : vector<16xi32> to vector<16xi32>
          %swap3A_435 = vector.shape_cast %select_n3A_427 : vector<16xi32> to vector<16xi32>
          tpu.vector_store %swap3A_431[%swap3A_432], %swap3A_435 {strides = array<i32>} : memref<128xi32, #tpu.memory_space<vmem>>, vector<16xi32>,
          %get3A_436 = arith.constant 1 : i32
          %get3A_437 = arith.constant 0 : i32
          %get3A_438 = tpu.memref_slice %arg9[%get3A_436, %get3A_437] : memref<2x128xi32, #tpu.memory_space<vmem>> -> memref<1x128xi32, #tpu.memory_space<vmem>>
          %get3A_439 = tpu.memref_squeeze %get3A_438 : memref<1x128xi32, #tpu.memory_space<vmem>> -> memref<128xi32, #tpu.memory_space<vmem>>
          %get3A_440 = arith.constant 32 : index
          %get3A_441 = tpu.vector_load %get3A_439[%get3A_440] {strides = array<i32>} : memref<128xi32, #tpu.memory_space<vmem>>, vector<16xi32>,
          %get3A_442 = vector.shape_cast %get3A_441 : vector<16xi32> to vector<16xi32>
          %iota3A_443 = tpu.iota {dimensions = array<i32: 0>} : vector<16xi32>
          %add3A_444 = arith.constant 32 : i32
          %add3A_445 = vector.broadcast %add3A_444 : i32 to vector<16xi32>
          %add3A_446 = arith.addi %iota3A_443, %add3A_445 : vector<16xi32>
          %lt3A_447 = arith.constant 48 : i32
          %lt3A_448 = vector.broadcast %lt3A_447 : i32 to vector<16xi32>
          %lt3A_449 = arith.cmpi slt, %add3A_446, %lt3A_448 : vector<16xi32>
          %jit3A_450 = arith.constant 256 : i32
          %broadcast_in_dim3A_451 = vector.broadcast %jit3A_450 : i32 to vector<16xi32>
          %select_n3A_452 = arith.select %lt3A_449, %broadcast_in_dim3A_451, %get3A_442 : vector<16xi1>, vector<16xi32>
          %swap3A_453 = arith.constant 1 : i32
          %swap3A_454 = arith.constant 0 : i32
          %swap3A_455 = tpu.memref_slice %arg9[%swap3A_453, %swap3A_454] : memref<2x128xi32, #tpu.memory_space<vmem>> -> memref<1x128xi32, #tpu.memory_space<vmem>>
          %swap3A_456 = tpu.memref_squeeze %swap3A_455 : memref<1x128xi32, #tpu.memory_space<vmem>> -> memref<128xi32, #tpu.memory_space<vmem>>
          %swap3A_457 = arith.constant 32 : index
          %swap3A_458 = tpu.vector_load %swap3A_456[%swap3A_457] {strides = array<i32>} : memref<128xi32, #tpu.memory_space<vmem>>, vector<16xi32>,
          %swap3A_459 = vector.shape_cast %swap3A_458 : vector<16xi32> to vector<16xi32>
          %swap3A_460 = vector.shape_cast %select_n3A_452 : vector<16xi32> to vector<16xi32>
          tpu.vector_store %swap3A_456[%swap3A_457], %swap3A_460 {strides = array<i32>} : memref<128xi32, #tpu.memory_space<vmem>>, vector<16xi32>,
          %get3A_461 = arith.constant 1 : i32
          %get3A_462 = arith.constant 0 : i32
          %get3A_463 = tpu.memref_slice %arg9[%get3A_461, %get3A_462] : memref<2x128xi32, #tpu.memory_space<vmem>> -> memref<1x128xi32, #tpu.memory_space<vmem>>
          %get3A_464 = tpu.memref_squeeze %get3A_463 : memref<1x128xi32, #tpu.memory_space<vmem>> -> memref<128xi32, #tpu.memory_space<vmem>>
          %get3A_465 = arith.constant 48 : index
          %get3A_466 = tpu.vector_load %get3A_464[%get3A_465] {strides = array<i32>} : memref<128xi32, #tpu.memory_space<vmem>>, vector<16xi32>,
          %get3A_467 = vector.shape_cast %get3A_466 : vector<16xi32> to vector<16xi32>
          %iota3A_468 = tpu.iota {dimensions = array<i32: 0>} : vector<16xi32>
          %add3A_469 = arith.constant 48 : i32
          %add3A_470 = vector.broadcast %add3A_469 : i32 to vector<16xi32>
          %add3A_471 = arith.addi %iota3A_468, %add3A_470 : vector<16xi32>
          %lt3A_472 = arith.constant 48 : i32
          %lt3A_473 = vector.broadcast %lt3A_472 : i32 to vector<16xi32>
          %lt3A_474 = arith.cmpi slt, %add3A_471, %lt3A_473 : vector<16xi32>
          %jit3A_475 = arith.constant 256 : i32
          %broadcast_in_dim3A_476 = vector.broadcast %jit3A_475 : i32 to vector<16xi32>
          %select_n3A_477 = arith.select %lt3A_474, %broadcast_in_dim3A_476, %get3A_467 : vector<16xi1>, vector<16xi32>
          %swap3A_478 = arith.constant 1 : i32
          %swap3A_479 = arith.constant 0 : i32
          %swap3A_480 = tpu.memref_slice %arg9[%swap3A_478, %swap3A_479] : memref<2x128xi32, #tpu.memory_space<vmem>> -> memref<1x128xi32, #tpu.memory_space<vmem>>
          %swap3A_481 = tpu.memref_squeeze %swap3A_480 : memref<1x128xi32, #tpu.memory_space<vmem>> -> memref<128xi32, #tpu.memory_space<vmem>>
          %swap3A_482 = arith.constant 48 : index
          %swap3A_483 = tpu.vector_load %swap3A_481[%swap3A_482] {strides = array<i32>} : memref<128xi32, #tpu.memory_space<vmem>>, vector<16xi32>,
          %swap3A_484 = vector.shape_cast %swap3A_483 : vector<16xi32> to vector<16xi32>
          %swap3A_485 = vector.shape_cast %select_n3A_477 : vector<16xi32> to vector<16xi32>
          tpu.vector_store %swap3A_481[%swap3A_482], %swap3A_485 {strides = array<i32>} : memref<128xi32, #tpu.memory_space<vmem>>, vector<16xi32>,
          %get3A_486 = arith.constant 1 : i32
          %get3A_487 = arith.constant 0 : i32
          %get3A_488 = tpu.memref_slice %arg9[%get3A_486, %get3A_487] : memref<2x128xi32, #tpu.memory_space<vmem>> -> memref<1x128xi32, #tpu.memory_space<vmem>>
          %get3A_489 = tpu.memref_squeeze %get3A_488 : memref<1x128xi32, #tpu.memory_space<vmem>> -> memref<128xi32, #tpu.memory_space<vmem>>
          %get3A_490 = arith.constant 64 : index
          %get3A_491 = tpu.vector_load %get3A_489[%get3A_490] {strides = array<i32>} : memref<128xi32, #tpu.memory_space<vmem>>, vector<16xi32>,
          %get3A_492 = vector.shape_cast %get3A_491 : vector<16xi32> to vector<16xi32>
          %iota3A_493 = tpu.iota {dimensions = array<i32: 0>} : vector<16xi32>
          %add3A_494 = arith.constant 64 : i32
          %add3A_495 = vector.broadcast %add3A_494 : i32 to vector<16xi32>
          %add3A_496 = arith.addi %iota3A_493, %add3A_495 : vector<16xi32>
          %lt3A_497 = arith.constant 48 : i32
          %lt3A_498 = vector.broadcast %lt3A_497 : i32 to vector<16xi32>
          %lt3A_499 = arith.cmpi slt, %add3A_496, %lt3A_498 : vector<16xi32>
          %jit3A_500 = arith.constant 256 : i32
          %broadcast_in_dim3A_501 = vector.broadcast %jit3A_500 : i32 to vector<16xi32>
          %select_n3A_502 = arith.select %lt3A_499, %broadcast_in_dim3A_501, %get3A_492 : vector<16xi1>, vector<16xi32>
          %swap3A_503 = arith.constant 1 : i32
          %swap3A_504 = arith.constant 0 : i32
          %swap3A_505 = tpu.memref_slice %arg9[%swap3A_503, %swap3A_504] : memref<2x128xi32, #tpu.memory_space<vmem>> -> memref<1x128xi32, #tpu.memory_space<vmem>>
          %swap3A_506 = tpu.memref_squeeze %swap3A_505 : memref<1x128xi32, #tpu.memory_space<vmem>> -> memref<128xi32, #tpu.memory_space<vmem>>
          %swap3A_507 = arith.constant 64 : index
          %swap3A_508 = tpu.vector_load %swap3A_506[%swap3A_507] {strides = array<i32>} : memref<128xi32, #tpu.memory_space<vmem>>, vector<16xi32>,
          %swap3A_509 = vector.shape_cast %swap3A_508 : vector<16xi32> to vector<16xi32>
          %swap3A_510 = vector.shape_cast %select_n3A_502 : vector<16xi32> to vector<16xi32>
          tpu.vector_store %swap3A_506[%swap3A_507], %swap3A_510 {strides = array<i32>} : memref<128xi32, #tpu.memory_space<vmem>>, vector<16xi32>,
          %get3A_511 = arith.constant 1 : i32
          %get3A_512 = arith.constant 0 : i32
          %get3A_513 = tpu.memref_slice %arg9[%get3A_511, %get3A_512] : memref<2x128xi32, #tpu.memory_space<vmem>> -> memref<1x128xi32, #tpu.memory_space<vmem>>
          %get3A_514 = tpu.memref_squeeze %get3A_513 : memref<1x128xi32, #tpu.memory_space<vmem>> -> memref<128xi32, #tpu.memory_space<vmem>>
          %get3A_515 = arith.constant 80 : index
          %get3A_516 = tpu.vector_load %get3A_514[%get3A_515] {strides = array<i32>} : memref<128xi32, #tpu.memory_space<vmem>>, vector<16xi32>,
          %get3A_517 = vector.shape_cast %get3A_516 : vector<16xi32> to vector<16xi32>
          %iota3A_518 = tpu.iota {dimensions = array<i32: 0>} : vector<16xi32>
          %add3A_519 = arith.constant 80 : i32
          %add3A_520 = vector.broadcast %add3A_519 : i32 to vector<16xi32>
          %add3A_521 = arith.addi %iota3A_518, %add3A_520 : vector<16xi32>
          %lt3A_522 = arith.constant 48 : i32
          %lt3A_523 = vector.broadcast %lt3A_522 : i32 to vector<16xi32>
          %lt3A_524 = arith.cmpi slt, %add3A_521, %lt3A_523 : vector<16xi32>
          %jit3A_525 = arith.constant 256 : i32
          %broadcast_in_dim3A_526 = vector.broadcast %jit3A_525 : i32 to vector<16xi32>
          %select_n3A_527 = arith.select %lt3A_524, %broadcast_in_dim3A_526, %get3A_517 : vector<16xi1>, vector<16xi32>
          %swap3A_528 = arith.constant 1 : i32
          %swap3A_529 = arith.constant 0 : i32
          %swap3A_530 = tpu.memref_slice %arg9[%swap3A_528, %swap3A_529] : memref<2x128xi32, #tpu.memory_space<vmem>> -> memref<1x128xi32, #tpu.memory_space<vmem>>
          %swap3A_531 = tpu.memref_squeeze %swap3A_530 : memref<1x128xi32, #tpu.memory_space<vmem>> -> memref<128xi32, #tpu.memory_space<vmem>>
          %swap3A_532 = arith.constant 80 : index
          %swap3A_533 = tpu.vector_load %swap3A_531[%swap3A_532] {strides = array<i32>} : memref<128xi32, #tpu.memory_space<vmem>>, vector<16xi32>,
          %swap3A_534 = vector.shape_cast %swap3A_533 : vector<16xi32> to vector<16xi32>
          %swap3A_535 = vector.shape_cast %select_n3A_527 : vector<16xi32> to vector<16xi32>
          tpu.vector_store %swap3A_531[%swap3A_532], %swap3A_535 {strides = array<i32>} : memref<128xi32, #tpu.memory_space<vmem>>, vector<16xi32>,
          %get3A_536 = arith.constant 1 : i32
          %get3A_537 = arith.constant 0 : i32
          %get3A_538 = tpu.memref_slice %arg9[%get3A_536, %get3A_537] : memref<2x128xi32, #tpu.memory_space<vmem>> -> memref<1x128xi32, #tpu.memory_space<vmem>>
          %get3A_539 = tpu.memref_squeeze %get3A_538 : memref<1x128xi32, #tpu.memory_space<vmem>> -> memref<128xi32, #tpu.memory_space<vmem>>
          %get3A_540 = arith.constant 96 : index
          %get3A_541 = tpu.vector_load %get3A_539[%get3A_540] {strides = array<i32>} : memref<128xi32, #tpu.memory_space<vmem>>, vector<16xi32>,
          %get3A_542 = vector.shape_cast %get3A_541 : vector<16xi32> to vector<16xi32>
          %iota3A_543 = tpu.iota {dimensions = array<i32: 0>} : vector<16xi32>
          %add3A_544 = arith.constant 96 : i32
          %add3A_545 = vector.broadcast %add3A_544 : i32 to vector<16xi32>
          %add3A_546 = arith.addi %iota3A_543, %add3A_545 : vector<16xi32>
          %lt3A_547 = arith.constant 48 : i32
          %lt3A_548 = vector.broadcast %lt3A_547 : i32 to vector<16xi32>
          %lt3A_549 = arith.cmpi slt, %add3A_546, %lt3A_548 : vector<16xi32>
          %jit3A_550 = arith.constant 256 : i32
          %broadcast_in_dim3A_551 = vector.broadcast %jit3A_550 : i32 to vector<16xi32>
          %select_n3A_552 = arith.select %lt3A_549, %broadcast_in_dim3A_551, %get3A_542 : vector<16xi1>, vector<16xi32>
          %swap3A_553 = arith.constant 1 : i32
          %swap3A_554 = arith.constant 0 : i32
          %swap3A_555 = tpu.memref_slice %arg9[%swap3A_553, %swap3A_554] : memref<2x128xi32, #tpu.memory_space<vmem>> -> memref<1x128xi32, #tpu.memory_space<vmem>>
          %swap3A_556 = tpu.memref_squeeze %swap3A_555 : memref<1x128xi32, #tpu.memory_space<vmem>> -> memref<128xi32, #tpu.memory_space<vmem>>
          %swap3A_557 = arith.constant 96 : index
          %swap3A_558 = tpu.vector_load %swap3A_556[%swap3A_557] {strides = array<i32>} : memref<128xi32, #tpu.memory_space<vmem>>, vector<16xi32>,
          %swap3A_559 = vector.shape_cast %swap3A_558 : vector<16xi32> to vector<16xi32>
          %swap3A_560 = vector.shape_cast %select_n3A_552 : vector<16xi32> to vector<16xi32>
          tpu.vector_store %swap3A_556[%swap3A_557], %swap3A_560 {strides = array<i32>} : memref<128xi32, #tpu.memory_space<vmem>>, vector<16xi32>,
          %get3A_561 = arith.constant 1 : i32
          %get3A_562 = arith.constant 0 : i32
          %get3A_563 = tpu.memref_slice %arg9[%get3A_561, %get3A_562] : memref<2x128xi32, #tpu.memory_space<vmem>> -> memref<1x128xi32, #tpu.memory_space<vmem>>
          %get3A_564 = tpu.memref_squeeze %get3A_563 : memref<1x128xi32, #tpu.memory_space<vmem>> -> memref<128xi32, #tpu.memory_space<vmem>>
          %get3A_565 = arith.constant 112 : index
          %get3A_566 = tpu.vector_load %get3A_564[%get3A_565] {strides = array<i32>} : memref<128xi32, #tpu.memory_space<vmem>>, vector<16xi32>,
          %get3A_567 = vector.shape_cast %get3A_566 : vector<16xi32> to vector<16xi32>
          %iota3A_568 = tpu.iota {dimensions = array<i32: 0>} : vector<16xi32>
          %add3A_569 = arith.constant 112 : i32
          %add3A_570 = vector.broadcast %add3A_569 : i32 to vector<16xi32>
          %add3A_571 = arith.addi %iota3A_568, %add3A_570 : vector<16xi32>
          %lt3A_572 = arith.constant 48 : i32
          %lt3A_573 = vector.broadcast %lt3A_572 : i32 to vector<16xi32>
          %lt3A_574 = arith.cmpi slt, %add3A_571, %lt3A_573 : vector<16xi32>
          %jit3A_575 = arith.constant 256 : i32
          %broadcast_in_dim3A_576 = vector.broadcast %jit3A_575 : i32 to vector<16xi32>
          %select_n3A_577 = arith.select %lt3A_574, %broadcast_in_dim3A_576, %get3A_567 : vector<16xi1>, vector<16xi32>
          %swap3A_578 = arith.constant 1 : i32
          %swap3A_579 = arith.constant 0 : i32
          %swap3A_580 = tpu.memref_slice %arg9[%swap3A_578, %swap3A_579] : memref<2x128xi32, #tpu.memory_space<vmem>> -> memref<1x128xi32, #tpu.memory_space<vmem>>
          %swap3A_581 = tpu.memref_squeeze %swap3A_580 : memref<1x128xi32, #tpu.memory_space<vmem>> -> memref<128xi32, #tpu.memory_space<vmem>>
          %swap3A_582 = arith.constant 112 : index
          %swap3A_583 = tpu.vector_load %swap3A_581[%swap3A_582] {strides = array<i32>} : memref<128xi32, #tpu.memory_space<vmem>>, vector<16xi32>,
          %swap3A_584 = vector.shape_cast %swap3A_583 : vector<16xi32> to vector<16xi32>
          %swap3A_585 = vector.shape_cast %select_n3A_577 : vector<16xi32> to vector<16xi32>
          tpu.vector_store %swap3A_581[%swap3A_582], %swap3A_585 {strides = array<i32>} : memref<128xi32, #tpu.memory_space<vmem>>, vector<16xi32>,
        } else {
        }
        %run_scoped3A_379 = arith.constant 1 : i32
        %run_scoped3A_380 = arith.constant 1 : i32
        "tpu.region"() ({
          %run_scoped3A_388 = tpu.sem_alloc : memref<!tpu.dma_semaphore, #tpu.memory_space<semaphore_mem>>
          %dma_start3A_389 = arith.constant 0 : i32
          %dma_start3A_390 = arith.constant 0 : i32
          %dma_start3A_391 = tpu.memref_slice %arg10[%run_scoped3A_379, %dma_start3A_389, %dma_start3A_390] : memref<2x128x128xf32, #tpu.memory_space<vmem>> -> memref<1x128x128xf32, #tpu.memory_space<vmem>>
          %dma_start3A_392 = tpu.memref_squeeze %dma_start3A_391 : memref<1x128x128xf32, #tpu.memory_space<vmem>> -> memref<128x128xf32, #tpu.memory_space<vmem>>
          %dma_start3A_393 = arith.constant 0 : i32
          %dma_start3A_394 = tpu.memref_slice %arg9[%run_scoped3A_380, %dma_start3A_393] : memref<2x128xi32, #tpu.memory_space<vmem>> -> memref<1x128xi32, #tpu.memory_space<vmem>>
          %dma_start3A_395 = tpu.memref_squeeze %dma_start3A_394 : memref<1x128xi32, #tpu.memory_space<vmem>> -> memref<128xi32, #tpu.memory_space<vmem>>
          %dma_start3A_396 = arith.constant 0 : i32
          %dma_start3A_397 = arith.constant 0 : i32
          %dma_start3A_398 = tpu.memref_slice %arg13[%while3A_294, %dma_start3A_396, %dma_start3A_397] : memref<2x264x128xf32, #tpu.memory_space<vmem_shared>> -> memref<1x264x128xf32, #tpu.memory_space<vmem_shared>>
          %dma_start3A_399 = tpu.memref_squeeze %dma_start3A_398 : memref<1x264x128xf32, #tpu.memory_space<vmem_shared>> -> memref<264x128xf32, #tpu.memory_space<vmem_shared>>
          %dma_start3A_400 = arith.constant 0 : i32
          %dma_start3A_401 = arith.constant 0 : i32
          %dma_start3A_402 = tpu.memref_slice %dma_start3A_399[%dma_start3A_400, %dma_start3A_401] : memref<264x128xf32, #tpu.memory_space<vmem_shared>> -> memref<264x128xf32, #tpu.memory_space<vmem_shared>>
          tpu.enqueue_indirect_dma source(%dma_start3A_392 : memref<128x128xf32, #tpu.memory_space<vmem>>) target(%dma_start3A_402 : memref<264x128xf32, #tpu.memory_space<vmem_shared>>) offsets(%dma_start3A_395 : memref<128xi32, #tpu.memory_space<vmem>>) semaphore(%run_scoped3A_388 : memref<!tpu.dma_semaphore, #tpu.memory_space<semaphore_mem>>) {add = true}
          %dma_wait3A_403 = arith.constant 0 : i32
          %dma_wait3A_404 = arith.constant 0 : i32
          %dma_wait3A_405 = tpu.memref_slice %arg10[%run_scoped3A_379, %dma_wait3A_403, %dma_wait3A_404] : memref<2x128x128xf32, #tpu.memory_space<vmem>> -> memref<1x128x128xf32, #tpu.memory_space<vmem>>
          %dma_wait3A_406 = tpu.memref_squeeze %dma_wait3A_405 : memref<1x128x128xf32, #tpu.memory_space<vmem>> -> memref<128x128xf32, #tpu.memory_space<vmem>>
          %dma_wait3A_407 = arith.constant 0 : i32
          %dma_wait3A_408 = tpu.memref_slice %arg9[%run_scoped3A_380, %dma_wait3A_407] : memref<2x128xi32, #tpu.memory_space<vmem>> -> memref<1x128xi32, #tpu.memory_space<vmem>>
          %dma_wait3A_409 = tpu.memref_squeeze %dma_wait3A_408 : memref<1x128xi32, #tpu.memory_space<vmem>> -> memref<128xi32, #tpu.memory_space<vmem>>
          %dma_wait3A_410 = arith.constant 0 : i32
          %dma_wait3A_411 = arith.constant 0 : i32
          %dma_wait3A_412 = tpu.memref_slice %arg13[%while3A_294, %dma_wait3A_410, %dma_wait3A_411] : memref<2x264x128xf32, #tpu.memory_space<vmem_shared>> -> memref<1x264x128xf32, #tpu.memory_space<vmem_shared>>
          %dma_wait3A_413 = tpu.memref_squeeze %dma_wait3A_412 : memref<1x264x128xf32, #tpu.memory_space<vmem_shared>> -> memref<264x128xf32, #tpu.memory_space<vmem_shared>>
          %dma_wait3A_414 = arith.constant 0 : i32
          %dma_wait3A_415 = arith.constant 0 : i32
          %dma_wait3A_416 = tpu.memref_slice %dma_wait3A_413[%dma_wait3A_414, %dma_wait3A_415] : memref<264x128xf32, #tpu.memory_space<vmem_shared>> -> memref<264x128xf32, #tpu.memory_space<vmem_shared>>
          tpu.wait_indirect_dma semaphore(%run_scoped3A_388 : memref<!tpu.dma_semaphore, #tpu.memory_space<semaphore_mem>>) src(%dma_wait3A_406 : memref<128x128xf32, #tpu.memory_space<vmem>>) dst(%dma_wait3A_416 : memref<264x128xf32, #tpu.memory_space<vmem_shared>>)
          tpu.yield
        }) : () -> ()
        %run_scoped3A_381 = arith.constant 1 : i32
        "tpu.region"() ({
          %run_scoped3A_388 = tpu.sem_alloc : memref<!tpu.dma_semaphore, #tpu.memory_space<semaphore_mem>>
          %dma_start3A_389 = arith.constant 0 : i32
          %dma_start3A_390 = tpu.memref_slice %arg9[%run_scoped3A_381, %dma_start3A_389] : memref<2x128xi32, #tpu.memory_space<vmem>> -> memref<1x128xi32, #tpu.memory_space<vmem>>
          %dma_start3A_391 = tpu.memref_squeeze %dma_start3A_390 : memref<1x128xi32, #tpu.memory_space<vmem>> -> memref<128xi32, #tpu.memory_space<vmem>>
          %dma_start3A_392 = arith.constant 0 : i32
          %dma_start3A_393 = tpu.memref_slice %arg15[%dma_start3A_392] : memref<384xf32, #tpu.memory_space<vmem_shared>> -> memref<384xf32, #tpu.memory_space<vmem_shared>>
          tpu.enqueue_indirect_dma source(%arg11 : memref<128xf32, #tpu.memory_space<vmem>>) target(%dma_start3A_393 : memref<384xf32, #tpu.memory_space<vmem_shared>>) offsets(%dma_start3A_391 : memref<128xi32, #tpu.memory_space<vmem>>) semaphore(%run_scoped3A_388 : memref<!tpu.dma_semaphore, #tpu.memory_space<semaphore_mem>>) {add = true}
          %dma_wait3A_394 = arith.constant 0 : i32
          %dma_wait3A_395 = tpu.memref_slice %arg9[%run_scoped3A_381, %dma_wait3A_394] : memref<2x128xi32, #tpu.memory_space<vmem>> -> memref<1x128xi32, #tpu.memory_space<vmem>>
          %dma_wait3A_396 = tpu.memref_squeeze %dma_wait3A_395 : memref<1x128xi32, #tpu.memory_space<vmem>> -> memref<128xi32, #tpu.memory_space<vmem>>
          %dma_wait3A_397 = arith.constant 0 : i32
          %dma_wait3A_398 = tpu.memref_slice %arg15[%dma_wait3A_397] : memref<384xf32, #tpu.memory_space<vmem_shared>> -> memref<384xf32, #tpu.memory_space<vmem_shared>>
          tpu.wait_indirect_dma semaphore(%run_scoped3A_388 : memref<!tpu.dma_semaphore, #tpu.memory_space<semaphore_mem>>) src(%arg11 : memref<128xf32, #tpu.memory_space<vmem>>) dst(%dma_wait3A_398 : memref<384xf32, #tpu.memory_space<vmem_shared>>)
          tpu.yield
        }) : () -> ()
        %add3A_382 = arith.constant 2 : i32
        %add3A_383 = arith.addi %add3A_330, %add3A_382 : i32
        %lt3A_384 = arith.cmpi slt, %add3A_383, %select_n3A_195 : i32
        %convert_element_type3A_385 = arith.extui %lt3A_384 : i1 to i32
        %cond3A_386 = arith.constant 0 : i32
        %cond3A_387 = arith.cmpi ne, %convert_element_type3A_385, %cond3A_386 : i32
        scf.if %cond3A_387 {
          %add3A_388 = arith.constant 2 : i32
          %add3A_389 = arith.addi %add3A_330, %add3A_388 : i32
          %mul3A_390 = arith.constant 32 : i32
          %mul3A_391 = arith.muli %add3A_389, %mul3A_390 : i32
          %add3A_392 = arith.addi %add3A, %mul3A_391 : i32
          %eq3A_393 = arith.constant 390 : i32
          %eq3A_394 = arith.cmpi eq, %add3A_392, %eq3A_393 : i32
          %mul3A_395 = arith.constant 128 : i32
          %mul3A_396 = arith.muli %add3A_392, %mul3A_395 : i32
          %jit3A_397 = arith.constant 49872 : i32
          %select_n3A_398 = arith.select %eq3A_394, %jit3A_397, %mul3A_396 : i32
          %dma_start3A_399 = arith.constant 1 : i32
          %dma_start3A_400 = arith.constant 1 : i32
          %dma_start3A_401 = arith.constant 0 : i32
          %dma_start3A_402 = tpu.memref_slice %arg9[%dma_start3A_399, %dma_start3A_401] : memref<2x128xi32, #tpu.memory_space<vmem>> -> memref<1x128xi32, #tpu.memory_space<vmem>>
          %dma_start3A_403 = tpu.memref_squeeze %dma_start3A_402 : memref<1x128xi32, #tpu.memory_space<vmem>> -> memref<128xi32, #tpu.memory_space<vmem>>
          %dma_start3A_404 = tpu.memref_slice %arg5[%select_n3A_398] : memref<50000xi32, #tpu.memory_space<hbm>> -> memref<128xi32, #tpu.memory_space<hbm>>
          %dma_start3A_405 = tpu.memref_slice %arg16[%dma_start3A_400] : memref<2x!tpu.dma_semaphore, #tpu.memory_space<semaphore_mem>> -> memref<1x!tpu.dma_semaphore, #tpu.memory_space<semaphore_mem>>
          %dma_start3A_406 = tpu.memref_squeeze %dma_start3A_405 : memref<1x!tpu.dma_semaphore, #tpu.memory_space<semaphore_mem>> -> memref<!tpu.dma_semaphore, #tpu.memory_space<semaphore_mem>>
          %dma_start3A_407 = arith.constant 0 : i32
          %dma_start3A_408 = tpu.memref_slice %arg9[%dma_start3A_399, %dma_start3A_407] : memref<2x128xi32, #tpu.memory_space<vmem>> -> memref<1x128xi32, #tpu.memory_space<vmem>>
          %dma_start3A_409 = tpu.memref_squeeze %dma_start3A_408 : memref<1x128xi32, #tpu.memory_space<vmem>> -> memref<128xi32, #tpu.memory_space<vmem>>
          %dma_start3A_410 = tpu.memref_slice %arg5[%select_n3A_398] : memref<50000xi32, #tpu.memory_space<hbm>> -> memref<128xi32, #tpu.memory_space<hbm>>
          tpu.enqueue_dma source(%dma_start3A_410 : memref<128xi32, #tpu.memory_space<hbm>>) target(%dma_start3A_409 : memref<128xi32, #tpu.memory_space<vmem>>) target_semaphore(%dma_start3A_406 : memref<!tpu.dma_semaphore, #tpu.memory_space<semaphore_mem>>)
          %dma_start3A_411 = arith.constant 1 : i32
          %dma_start3A_412 = arith.constant 1 : i32
          %dma_start3A_413 = arith.constant 0 : i32
          %dma_start3A_414 = arith.constant 0 : i32
          %dma_start3A_415 = tpu.memref_slice %arg10[%dma_start3A_411, %dma_start3A_413, %dma_start3A_414] : memref<2x128x128xf32, #tpu.memory_space<vmem>> -> memref<1x128x128xf32, #tpu.memory_space<vmem>>
          %dma_start3A_416 = tpu.memref_squeeze %dma_start3A_415 : memref<1x128x128xf32, #tpu.memory_space<vmem>> -> memref<128x128xf32, #tpu.memory_space<vmem>>
          %dma_start3A_417 = arith.constant 0 : i32
          %dma_start3A_418 = tpu.memref_slice %arg4[%select_n3A_398, %dma_start3A_417] : memref<50000x128xf32, #tpu.memory_space<hbm>> -> memref<128x128xf32, #tpu.memory_space<hbm>>
          %dma_start3A_419 = tpu.memref_slice %arg16[%dma_start3A_412] : memref<2x!tpu.dma_semaphore, #tpu.memory_space<semaphore_mem>> -> memref<1x!tpu.dma_semaphore, #tpu.memory_space<semaphore_mem>>
          %dma_start3A_420 = tpu.memref_squeeze %dma_start3A_419 : memref<1x!tpu.dma_semaphore, #tpu.memory_space<semaphore_mem>> -> memref<!tpu.dma_semaphore, #tpu.memory_space<semaphore_mem>>
          %dma_start3A_421 = arith.constant 0 : i32
          %dma_start3A_422 = arith.constant 0 : i32
          %dma_start3A_423 = tpu.memref_slice %arg10[%dma_start3A_411, %dma_start3A_421, %dma_start3A_422] : memref<2x128x128xf32, #tpu.memory_space<vmem>> -> memref<1x128x128xf32, #tpu.memory_space<vmem>>
          %dma_start3A_424 = tpu.memref_squeeze %dma_start3A_423 : memref<1x128x128xf32, #tpu.memory_space<vmem>> -> memref<128x128xf32, #tpu.memory_space<vmem>>
          %dma_start3A_425 = arith.constant 0 : i32
          %dma_start3A_426 = tpu.memref_slice %arg4[%select_n3A_398, %dma_start3A_425] : memref<50000x128xf32, #tpu.memory_space<hbm>> -> memref<128x128xf32, #tpu.memory_space<hbm>>
          tpu.enqueue_dma source(%dma_start3A_426 : memref<128x128xf32, #tpu.memory_space<hbm>>) target(%dma_start3A_424 : memref<128x128xf32, #tpu.memory_space<vmem>>) target_semaphore(%dma_start3A_420 : memref<!tpu.dma_semaphore, #tpu.memory_space<semaphore_mem>>)
        } else {
        }
      } else {
      }
      %while3A_335 = arith.constant 0 : i32
      scf.yield %while3A_335 : i32
    }
    %while3A_305 = arith.constant 1 : i32
    %while3A_306 = scf.for %while3A_318 = %while3A_302 to %while3A_298 step %while3A_305 iter_args(%while3A_319 = %while3A_304) -> (i32)  : i32 {
      %mul3A_320 = arith.constant 2 : i32
      %mul3A_321 = arith.muli %mul3A_320, %while3A_318 : i32
      %add3A_322 = arith.constant 0 : i32
      %add3A_323 = arith.addi %mul3A_321, %add3A_322 : i32
      %lt3A = arith.cmpi slt, %add3A_323, %select_n3A_195 : i32
      %convert_element_type3A_324 = arith.extui %lt3A : i1 to i32
      %cond3A_325 = arith.constant 0 : i32
      %cond3A_326 = arith.cmpi ne, %convert_element_type3A_324, %cond3A_325 : i32
      scf.if %cond3A_326 {
        %dma_wait3A = arith.constant 0 : i32
        %dma_wait3A_336 = arith.constant 0 : i32
        %dma_wait3A_337 = arith.constant 0 : i32
        %dma_wait3A_338 = tpu.memref_slice %arg9[%dma_wait3A, %dma_wait3A_337] : memref<2x128xi32, #tpu.memory_space<vmem>> -> memref<1x128xi32, #tpu.memory_space<vmem>>
        %dma_wait3A_339 = tpu.memref_squeeze %dma_wait3A_338 : memref<1x128xi32, #tpu.memory_space<vmem>> -> memref<128xi32, #tpu.memory_space<vmem>>
        %dma_wait3A_340 = arith.constant 0 : i32
        %dma_wait3A_341 = tpu.memref_slice %arg5[%dma_wait3A_340] : memref<50000xi32, #tpu.memory_space<hbm>> -> memref<128xi32, #tpu.memory_space<hbm>>
        %dma_wait3A_342 = tpu.memref_slice %arg16[%dma_wait3A_336] : memref<2x!tpu.dma_semaphore, #tpu.memory_space<semaphore_mem>> -> memref<1x!tpu.dma_semaphore, #tpu.memory_space<semaphore_mem>>
        %dma_wait3A_343 = tpu.memref_squeeze %dma_wait3A_342 : memref<1x!tpu.dma_semaphore, #tpu.memory_space<semaphore_mem>> -> memref<!tpu.dma_semaphore, #tpu.memory_space<semaphore_mem>>
        %dma_wait3A_344 = arith.constant 0 : i32
        %dma_wait3A_345 = tpu.memref_slice %arg9[%dma_wait3A, %dma_wait3A_344] : memref<2x128xi32, #tpu.memory_space<vmem>> -> memref<1x128xi32, #tpu.memory_space<vmem>>
        %dma_wait3A_346 = tpu.memref_squeeze %dma_wait3A_345 : memref<1x128xi32, #tpu.memory_space<vmem>> -> memref<128xi32, #tpu.memory_space<vmem>>
        %dma_wait3A_347 = arith.constant 0 : i32
        %dma_wait3A_348 = tpu.memref_slice %arg5[%dma_wait3A_347] : memref<50000xi32, #tpu.memory_space<hbm>> -> memref<128xi32, #tpu.memory_space<hbm>>
        tpu.wait_dma2 semaphore(%dma_wait3A_343 : memref<!tpu.dma_semaphore, #tpu.memory_space<semaphore_mem>>) src(%dma_wait3A_348 : memref<128xi32, #tpu.memory_space<hbm>>) dst(%dma_wait3A_346 : memref<128xi32, #tpu.memory_space<vmem>>)
        %dma_wait3A_349 = arith.constant 0 : i32
        %dma_wait3A_350 = arith.constant 0 : i32
        %dma_wait3A_351 = arith.constant 0 : i32
        %dma_wait3A_352 = arith.constant 0 : i32
        %dma_wait3A_353 = tpu.memref_slice %arg10[%dma_wait3A_349, %dma_wait3A_351, %dma_wait3A_352] : memref<2x128x128xf32, #tpu.memory_space<vmem>> -> memref<1x128x128xf32, #tpu.memory_space<vmem>>
        %dma_wait3A_354 = tpu.memref_squeeze %dma_wait3A_353 : memref<1x128x128xf32, #tpu.memory_space<vmem>> -> memref<128x128xf32, #tpu.memory_space<vmem>>
        %dma_wait3A_355 = arith.constant 0 : i32
        %dma_wait3A_356 = arith.constant 0 : i32
        %dma_wait3A_357 = tpu.memref_slice %arg4[%dma_wait3A_355, %dma_wait3A_356] : memref<50000x128xf32, #tpu.memory_space<hbm>> -> memref<128x128xf32, #tpu.memory_space<hbm>>
        %dma_wait3A_358 = tpu.memref_slice %arg16[%dma_wait3A_350] : memref<2x!tpu.dma_semaphore, #tpu.memory_space<semaphore_mem>> -> memref<1x!tpu.dma_semaphore, #tpu.memory_space<semaphore_mem>>
        %dma_wait3A_359 = tpu.memref_squeeze %dma_wait3A_358 : memref<1x!tpu.dma_semaphore, #tpu.memory_space<semaphore_mem>> -> memref<!tpu.dma_semaphore, #tpu.memory_space<semaphore_mem>>
        %dma_wait3A_360 = arith.constant 0 : i32
        %dma_wait3A_361 = arith.constant 0 : i32
        %dma_wait3A_362 = tpu.memref_slice %arg10[%dma_wait3A_349, %dma_wait3A_360, %dma_wait3A_361] : memref<2x128x128xf32, #tpu.memory_space<vmem>> -> memref<1x128x128xf32, #tpu.memory_space<vmem>>
        %dma_wait3A_363 = tpu.memref_squeeze %dma_wait3A_362 : memref<1x128x128xf32, #tpu.memory_space<vmem>> -> memref<128x128xf32, #tpu.memory_space<vmem>>
        %dma_wait3A_364 = arith.constant 0 : i32
        %dma_wait3A_365 = arith.constant 0 : i32
        %dma_wait3A_366 = tpu.memref_slice %arg4[%dma_wait3A_364, %dma_wait3A_365] : memref<50000x128xf32, #tpu.memory_space<hbm>> -> memref<128x128xf32, #tpu.memory_space<hbm>>
        tpu.wait_dma2 semaphore(%dma_wait3A_359 : memref<!tpu.dma_semaphore, #tpu.memory_space<semaphore_mem>>) src(%dma_wait3A_366 : memref<128x128xf32, #tpu.memory_space<hbm>>) dst(%dma_wait3A_363 : memref<128x128xf32, #tpu.memory_space<vmem>>)
        %mul3A_367 = arith.constant 32 : i32
        %mul3A_368 = arith.muli %add3A_323, %mul3A_367 : i32
        %add3A_369 = arith.addi %add3A, %mul3A_368 : i32
        %eq3A_370 = arith.constant 390 : i32
        %eq3A_371 = arith.cmpi eq, %add3A_369, %eq3A_370 : i32
        %mul3A_372 = arith.constant 128 : i32
        %mul3A_373 = arith.muli %add3A_369, %mul3A_372 : i32
        %jit3A_374 = arith.constant 49872 : i32
        %select_n3A_375 = arith.select %eq3A_371, %jit3A_374, %mul3A_373 : i32
        %convert_element_type3A_376 = arith.extui %eq3A_371 : i1 to i32
        %cond3A_377 = arith.constant 0 : i32
        %cond3A_378 = arith.cmpi ne, %convert_element_type3A_376, %cond3A_377 : i32
        scf.if %cond3A_378 {
          %get3A = arith.constant 0 : i32
          %get3A_388 = arith.constant 0 : i32
          %get3A_389 = tpu.memref_slice %arg9[%get3A, %get3A_388] : memref<2x128xi32, #tpu.memory_space<vmem>> -> memref<1x128xi32, #tpu.memory_space<vmem>>
          %get3A_390 = tpu.memref_squeeze %get3A_389 : memref<1x128xi32, #tpu.memory_space<vmem>> -> memref<128xi32, #tpu.memory_space<vmem>>
          %get3A_391 = arith.constant 0 : index
          %get3A_392 = tpu.vector_load %get3A_390[%get3A_391] {strides = array<i32>} : memref<128xi32, #tpu.memory_space<vmem>>, vector<16xi32>,
          %get3A_393 = vector.shape_cast %get3A_392 : vector<16xi32> to vector<16xi32>
          %iota3A = tpu.iota {dimensions = array<i32: 0>} : vector<16xi32>
          %add3A_394 = arith.constant 0 : i32
          %add3A_395 = vector.broadcast %add3A_394 : i32 to vector<16xi32>
          %add3A_396 = arith.addi %iota3A, %add3A_395 : vector<16xi32>
          %lt3A_397 = arith.constant 48 : i32
          %lt3A_398 = vector.broadcast %lt3A_397 : i32 to vector<16xi32>
          %lt3A_399 = arith.cmpi slt, %add3A_396, %lt3A_398 : vector<16xi32>
          %jit3A_400 = arith.constant 256 : i32
          %broadcast_in_dim3A_401 = vector.broadcast %jit3A_400 : i32 to vector<16xi32>
          %select_n3A_402 = arith.select %lt3A_399, %broadcast_in_dim3A_401, %get3A_393 : vector<16xi1>, vector<16xi32>
          %swap3A_403 = arith.constant 0 : i32
          %swap3A_404 = arith.constant 0 : i32
          %swap3A_405 = tpu.memref_slice %arg9[%swap3A_403, %swap3A_404] : memref<2x128xi32, #tpu.memory_space<vmem>> -> memref<1x128xi32, #tpu.memory_space<vmem>>
          %swap3A_406 = tpu.memref_squeeze %swap3A_405 : memref<1x128xi32, #tpu.memory_space<vmem>> -> memref<128xi32, #tpu.memory_space<vmem>>
          %swap3A_407 = arith.constant 0 : index
          %swap3A_408 = tpu.vector_load %swap3A_406[%swap3A_407] {strides = array<i32>} : memref<128xi32, #tpu.memory_space<vmem>>, vector<16xi32>,
          %swap3A_409 = vector.shape_cast %swap3A_408 : vector<16xi32> to vector<16xi32>
          %swap3A_410 = vector.shape_cast %select_n3A_402 : vector<16xi32> to vector<16xi32>
          tpu.vector_store %swap3A_406[%swap3A_407], %swap3A_410 {strides = array<i32>} : memref<128xi32, #tpu.memory_space<vmem>>, vector<16xi32>,
          %get3A_411 = arith.constant 0 : i32
          %get3A_412 = arith.constant 0 : i32
          %get3A_413 = tpu.memref_slice %arg9[%get3A_411, %get3A_412] : memref<2x128xi32, #tpu.memory_space<vmem>> -> memref<1x128xi32, #tpu.memory_space<vmem>>
          %get3A_414 = tpu.memref_squeeze %get3A_413 : memref<1x128xi32, #tpu.memory_space<vmem>> -> memref<128xi32, #tpu.memory_space<vmem>>
          %get3A_415 = arith.constant 16 : index
          %get3A_416 = tpu.vector_load %get3A_414[%get3A_415] {strides = array<i32>} : memref<128xi32, #tpu.memory_space<vmem>>, vector<16xi32>,
          %get3A_417 = vector.shape_cast %get3A_416 : vector<16xi32> to vector<16xi32>
          %iota3A_418 = tpu.iota {dimensions = array<i32: 0>} : vector<16xi32>
          %add3A_419 = arith.constant 16 : i32
          %add3A_420 = vector.broadcast %add3A_419 : i32 to vector<16xi32>
          %add3A_421 = arith.addi %iota3A_418, %add3A_420 : vector<16xi32>
          %lt3A_422 = arith.constant 48 : i32
          %lt3A_423 = vector.broadcast %lt3A_422 : i32 to vector<16xi32>
          %lt3A_424 = arith.cmpi slt, %add3A_421, %lt3A_423 : vector<16xi32>
          %jit3A_425 = arith.constant 256 : i32
          %broadcast_in_dim3A_426 = vector.broadcast %jit3A_425 : i32 to vector<16xi32>
          %select_n3A_427 = arith.select %lt3A_424, %broadcast_in_dim3A_426, %get3A_417 : vector<16xi1>, vector<16xi32>
          %swap3A_428 = arith.constant 0 : i32
          %swap3A_429 = arith.constant 0 : i32
          %swap3A_430 = tpu.memref_slice %arg9[%swap3A_428, %swap3A_429] : memref<2x128xi32, #tpu.memory_space<vmem>> -> memref<1x128xi32, #tpu.memory_space<vmem>>
          %swap3A_431 = tpu.memref_squeeze %swap3A_430 : memref<1x128xi32, #tpu.memory_space<vmem>> -> memref<128xi32, #tpu.memory_space<vmem>>
          %swap3A_432 = arith.constant 16 : index
          %swap3A_433 = tpu.vector_load %swap3A_431[%swap3A_432] {strides = array<i32>} : memref<128xi32, #tpu.memory_space<vmem>>, vector<16xi32>,
          %swap3A_434 = vector.shape_cast %swap3A_433 : vector<16xi32> to vector<16xi32>
          %swap3A_435 = vector.shape_cast %select_n3A_427 : vector<16xi32> to vector<16xi32>
          tpu.vector_store %swap3A_431[%swap3A_432], %swap3A_435 {strides = array<i32>} : memref<128xi32, #tpu.memory_space<vmem>>, vector<16xi32>,
          %get3A_436 = arith.constant 0 : i32
          %get3A_437 = arith.constant 0 : i32
          %get3A_438 = tpu.memref_slice %arg9[%get3A_436, %get3A_437] : memref<2x128xi32, #tpu.memory_space<vmem>> -> memref<1x128xi32, #tpu.memory_space<vmem>>
          %get3A_439 = tpu.memref_squeeze %get3A_438 : memref<1x128xi32, #tpu.memory_space<vmem>> -> memref<128xi32, #tpu.memory_space<vmem>>
          %get3A_440 = arith.constant 32 : index
          %get3A_441 = tpu.vector_load %get3A_439[%get3A_440] {strides = array<i32>} : memref<128xi32, #tpu.memory_space<vmem>>, vector<16xi32>,
          %get3A_442 = vector.shape_cast %get3A_441 : vector<16xi32> to vector<16xi32>
          %iota3A_443 = tpu.iota {dimensions = array<i32: 0>} : vector<16xi32>
          %add3A_444 = arith.constant 32 : i32
          %add3A_445 = vector.broadcast %add3A_444 : i32 to vector<16xi32>
          %add3A_446 = arith.addi %iota3A_443, %add3A_445 : vector<16xi32>
          %lt3A_447 = arith.constant 48 : i32
          %lt3A_448 = vector.broadcast %lt3A_447 : i32 to vector<16xi32>
          %lt3A_449 = arith.cmpi slt, %add3A_446, %lt3A_448 : vector<16xi32>
          %jit3A_450 = arith.constant 256 : i32
          %broadcast_in_dim3A_451 = vector.broadcast %jit3A_450 : i32 to vector<16xi32>
          %select_n3A_452 = arith.select %lt3A_449, %broadcast_in_dim3A_451, %get3A_442 : vector<16xi1>, vector<16xi32>
          %swap3A_453 = arith.constant 0 : i32
          %swap3A_454 = arith.constant 0 : i32
          %swap3A_455 = tpu.memref_slice %arg9[%swap3A_453, %swap3A_454] : memref<2x128xi32, #tpu.memory_space<vmem>> -> memref<1x128xi32, #tpu.memory_space<vmem>>
          %swap3A_456 = tpu.memref_squeeze %swap3A_455 : memref<1x128xi32, #tpu.memory_space<vmem>> -> memref<128xi32, #tpu.memory_space<vmem>>
          %swap3A_457 = arith.constant 32 : index
          %swap3A_458 = tpu.vector_load %swap3A_456[%swap3A_457] {strides = array<i32>} : memref<128xi32, #tpu.memory_space<vmem>>, vector<16xi32>,
          %swap3A_459 = vector.shape_cast %swap3A_458 : vector<16xi32> to vector<16xi32>
          %swap3A_460 = vector.shape_cast %select_n3A_452 : vector<16xi32> to vector<16xi32>
          tpu.vector_store %swap3A_456[%swap3A_457], %swap3A_460 {strides = array<i32>} : memref<128xi32, #tpu.memory_space<vmem>>, vector<16xi32>,
          %get3A_461 = arith.constant 0 : i32
          %get3A_462 = arith.constant 0 : i32
          %get3A_463 = tpu.memref_slice %arg9[%get3A_461, %get3A_462] : memref<2x128xi32, #tpu.memory_space<vmem>> -> memref<1x128xi32, #tpu.memory_space<vmem>>
          %get3A_464 = tpu.memref_squeeze %get3A_463 : memref<1x128xi32, #tpu.memory_space<vmem>> -> memref<128xi32, #tpu.memory_space<vmem>>
          %get3A_465 = arith.constant 48 : index
          %get3A_466 = tpu.vector_load %get3A_464[%get3A_465] {strides = array<i32>} : memref<128xi32, #tpu.memory_space<vmem>>, vector<16xi32>,
          %get3A_467 = vector.shape_cast %get3A_466 : vector<16xi32> to vector<16xi32>
          %iota3A_468 = tpu.iota {dimensions = array<i32: 0>} : vector<16xi32>
          %add3A_469 = arith.constant 48 : i32
          %add3A_470 = vector.broadcast %add3A_469 : i32 to vector<16xi32>
          %add3A_471 = arith.addi %iota3A_468, %add3A_470 : vector<16xi32>
          %lt3A_472 = arith.constant 48 : i32
          %lt3A_473 = vector.broadcast %lt3A_472 : i32 to vector<16xi32>
          %lt3A_474 = arith.cmpi slt, %add3A_471, %lt3A_473 : vector<16xi32>
          %jit3A_475 = arith.constant 256 : i32
          %broadcast_in_dim3A_476 = vector.broadcast %jit3A_475 : i32 to vector<16xi32>
          %select_n3A_477 = arith.select %lt3A_474, %broadcast_in_dim3A_476, %get3A_467 : vector<16xi1>, vector<16xi32>
          %swap3A_478 = arith.constant 0 : i32
          %swap3A_479 = arith.constant 0 : i32
          %swap3A_480 = tpu.memref_slice %arg9[%swap3A_478, %swap3A_479] : memref<2x128xi32, #tpu.memory_space<vmem>> -> memref<1x128xi32, #tpu.memory_space<vmem>>
          %swap3A_481 = tpu.memref_squeeze %swap3A_480 : memref<1x128xi32, #tpu.memory_space<vmem>> -> memref<128xi32, #tpu.memory_space<vmem>>
          %swap3A_482 = arith.constant 48 : index
          %swap3A_483 = tpu.vector_load %swap3A_481[%swap3A_482] {strides = array<i32>} : memref<128xi32, #tpu.memory_space<vmem>>, vector<16xi32>,
          %swap3A_484 = vector.shape_cast %swap3A_483 : vector<16xi32> to vector<16xi32>
          %swap3A_485 = vector.shape_cast %select_n3A_477 : vector<16xi32> to vector<16xi32>
          tpu.vector_store %swap3A_481[%swap3A_482], %swap3A_485 {strides = array<i32>} : memref<128xi32, #tpu.memory_space<vmem>>, vector<16xi32>,
          %get3A_486 = arith.constant 0 : i32
          %get3A_487 = arith.constant 0 : i32
          %get3A_488 = tpu.memref_slice %arg9[%get3A_486, %get3A_487] : memref<2x128xi32, #tpu.memory_space<vmem>> -> memref<1x128xi32, #tpu.memory_space<vmem>>
          %get3A_489 = tpu.memref_squeeze %get3A_488 : memref<1x128xi32, #tpu.memory_space<vmem>> -> memref<128xi32, #tpu.memory_space<vmem>>
          %get3A_490 = arith.constant 64 : index
          %get3A_491 = tpu.vector_load %get3A_489[%get3A_490] {strides = array<i32>} : memref<128xi32, #tpu.memory_space<vmem>>, vector<16xi32>,
          %get3A_492 = vector.shape_cast %get3A_491 : vector<16xi32> to vector<16xi32>
          %iota3A_493 = tpu.iota {dimensions = array<i32: 0>} : vector<16xi32>
          %add3A_494 = arith.constant 64 : i32
          %add3A_495 = vector.broadcast %add3A_494 : i32 to vector<16xi32>
          %add3A_496 = arith.addi %iota3A_493, %add3A_495 : vector<16xi32>
          %lt3A_497 = arith.constant 48 : i32
          %lt3A_498 = vector.broadcast %lt3A_497 : i32 to vector<16xi32>
          %lt3A_499 = arith.cmpi slt, %add3A_496, %lt3A_498 : vector<16xi32>
          %jit3A_500 = arith.constant 256 : i32
          %broadcast_in_dim3A_501 = vector.broadcast %jit3A_500 : i32 to vector<16xi32>
          %select_n3A_502 = arith.select %lt3A_499, %broadcast_in_dim3A_501, %get3A_492 : vector<16xi1>, vector<16xi32>
          %swap3A_503 = arith.constant 0 : i32
          %swap3A_504 = arith.constant 0 : i32
          %swap3A_505 = tpu.memref_slice %arg9[%swap3A_503, %swap3A_504] : memref<2x128xi32, #tpu.memory_space<vmem>> -> memref<1x128xi32, #tpu.memory_space<vmem>>
          %swap3A_506 = tpu.memref_squeeze %swap3A_505 : memref<1x128xi32, #tpu.memory_space<vmem>> -> memref<128xi32, #tpu.memory_space<vmem>>
          %swap3A_507 = arith.constant 64 : index
          %swap3A_508 = tpu.vector_load %swap3A_506[%swap3A_507] {strides = array<i32>} : memref<128xi32, #tpu.memory_space<vmem>>, vector<16xi32>,
          %swap3A_509 = vector.shape_cast %swap3A_508 : vector<16xi32> to vector<16xi32>
          %swap3A_510 = vector.shape_cast %select_n3A_502 : vector<16xi32> to vector<16xi32>
          tpu.vector_store %swap3A_506[%swap3A_507], %swap3A_510 {strides = array<i32>} : memref<128xi32, #tpu.memory_space<vmem>>, vector<16xi32>,
          %get3A_511 = arith.constant 0 : i32
          %get3A_512 = arith.constant 0 : i32
          %get3A_513 = tpu.memref_slice %arg9[%get3A_511, %get3A_512] : memref<2x128xi32, #tpu.memory_space<vmem>> -> memref<1x128xi32, #tpu.memory_space<vmem>>
          %get3A_514 = tpu.memref_squeeze %get3A_513 : memref<1x128xi32, #tpu.memory_space<vmem>> -> memref<128xi32, #tpu.memory_space<vmem>>
          %get3A_515 = arith.constant 80 : index
          %get3A_516 = tpu.vector_load %get3A_514[%get3A_515] {strides = array<i32>} : memref<128xi32, #tpu.memory_space<vmem>>, vector<16xi32>,
          %get3A_517 = vector.shape_cast %get3A_516 : vector<16xi32> to vector<16xi32>
          %iota3A_518 = tpu.iota {dimensions = array<i32: 0>} : vector<16xi32>
          %add3A_519 = arith.constant 80 : i32
          %add3A_520 = vector.broadcast %add3A_519 : i32 to vector<16xi32>
          %add3A_521 = arith.addi %iota3A_518, %add3A_520 : vector<16xi32>
          %lt3A_522 = arith.constant 48 : i32
          %lt3A_523 = vector.broadcast %lt3A_522 : i32 to vector<16xi32>
          %lt3A_524 = arith.cmpi slt, %add3A_521, %lt3A_523 : vector<16xi32>
          %jit3A_525 = arith.constant 256 : i32
          %broadcast_in_dim3A_526 = vector.broadcast %jit3A_525 : i32 to vector<16xi32>
          %select_n3A_527 = arith.select %lt3A_524, %broadcast_in_dim3A_526, %get3A_517 : vector<16xi1>, vector<16xi32>
          %swap3A_528 = arith.constant 0 : i32
          %swap3A_529 = arith.constant 0 : i32
          %swap3A_530 = tpu.memref_slice %arg9[%swap3A_528, %swap3A_529] : memref<2x128xi32, #tpu.memory_space<vmem>> -> memref<1x128xi32, #tpu.memory_space<vmem>>
          %swap3A_531 = tpu.memref_squeeze %swap3A_530 : memref<1x128xi32, #tpu.memory_space<vmem>> -> memref<128xi32, #tpu.memory_space<vmem>>
          %swap3A_532 = arith.constant 80 : index
          %swap3A_533 = tpu.vector_load %swap3A_531[%swap3A_532] {strides = array<i32>} : memref<128xi32, #tpu.memory_space<vmem>>, vector<16xi32>,
          %swap3A_534 = vector.shape_cast %swap3A_533 : vector<16xi32> to vector<16xi32>
          %swap3A_535 = vector.shape_cast %select_n3A_527 : vector<16xi32> to vector<16xi32>
          tpu.vector_store %swap3A_531[%swap3A_532], %swap3A_535 {strides = array<i32>} : memref<128xi32, #tpu.memory_space<vmem>>, vector<16xi32>,
          %get3A_536 = arith.constant 0 : i32
          %get3A_537 = arith.constant 0 : i32
          %get3A_538 = tpu.memref_slice %arg9[%get3A_536, %get3A_537] : memref<2x128xi32, #tpu.memory_space<vmem>> -> memref<1x128xi32, #tpu.memory_space<vmem>>
          %get3A_539 = tpu.memref_squeeze %get3A_538 : memref<1x128xi32, #tpu.memory_space<vmem>> -> memref<128xi32, #tpu.memory_space<vmem>>
          %get3A_540 = arith.constant 96 : index
          %get3A_541 = tpu.vector_load %get3A_539[%get3A_540] {strides = array<i32>} : memref<128xi32, #tpu.memory_space<vmem>>, vector<16xi32>,
          %get3A_542 = vector.shape_cast %get3A_541 : vector<16xi32> to vector<16xi32>
          %iota3A_543 = tpu.iota {dimensions = array<i32: 0>} : vector<16xi32>
          %add3A_544 = arith.constant 96 : i32
          %add3A_545 = vector.broadcast %add3A_544 : i32 to vector<16xi32>
          %add3A_546 = arith.addi %iota3A_543, %add3A_545 : vector<16xi32>
          %lt3A_547 = arith.constant 48 : i32
          %lt3A_548 = vector.broadcast %lt3A_547 : i32 to vector<16xi32>
          %lt3A_549 = arith.cmpi slt, %add3A_546, %lt3A_548 : vector<16xi32>
          %jit3A_550 = arith.constant 256 : i32
          %broadcast_in_dim3A_551 = vector.broadcast %jit3A_550 : i32 to vector<16xi32>
          %select_n3A_552 = arith.select %lt3A_549, %broadcast_in_dim3A_551, %get3A_542 : vector<16xi1>, vector<16xi32>
          %swap3A_553 = arith.constant 0 : i32
          %swap3A_554 = arith.constant 0 : i32
          %swap3A_555 = tpu.memref_slice %arg9[%swap3A_553, %swap3A_554] : memref<2x128xi32, #tpu.memory_space<vmem>> -> memref<1x128xi32, #tpu.memory_space<vmem>>
          %swap3A_556 = tpu.memref_squeeze %swap3A_555 : memref<1x128xi32, #tpu.memory_space<vmem>> -> memref<128xi32, #tpu.memory_space<vmem>>
          %swap3A_557 = arith.constant 96 : index
          %swap3A_558 = tpu.vector_load %swap3A_556[%swap3A_557] {strides = array<i32>} : memref<128xi32, #tpu.memory_space<vmem>>, vector<16xi32>,
          %swap3A_559 = vector.shape_cast %swap3A_558 : vector<16xi32> to vector<16xi32>
          %swap3A_560 = vector.shape_cast %select_n3A_552 : vector<16xi32> to vector<16xi32>
          tpu.vector_store %swap3A_556[%swap3A_557], %swap3A_560 {strides = array<i32>} : memref<128xi32, #tpu.memory_space<vmem>>, vector<16xi32>,
          %get3A_561 = arith.constant 0 : i32
          %get3A_562 = arith.constant 0 : i32
          %get3A_563 = tpu.memref_slice %arg9[%get3A_561, %get3A_562] : memref<2x128xi32, #tpu.memory_space<vmem>> -> memref<1x128xi32, #tpu.memory_space<vmem>>
          %get3A_564 = tpu.memref_squeeze %get3A_563 : memref<1x128xi32, #tpu.memory_space<vmem>> -> memref<128xi32, #tpu.memory_space<vmem>>
          %get3A_565 = arith.constant 112 : index
          %get3A_566 = tpu.vector_load %get3A_564[%get3A_565] {strides = array<i32>} : memref<128xi32, #tpu.memory_space<vmem>>, vector<16xi32>,
          %get3A_567 = vector.shape_cast %get3A_566 : vector<16xi32> to vector<16xi32>
          %iota3A_568 = tpu.iota {dimensions = array<i32: 0>} : vector<16xi32>
          %add3A_569 = arith.constant 112 : i32
          %add3A_570 = vector.broadcast %add3A_569 : i32 to vector<16xi32>
          %add3A_571 = arith.addi %iota3A_568, %add3A_570 : vector<16xi32>
          %lt3A_572 = arith.constant 48 : i32
          %lt3A_573 = vector.broadcast %lt3A_572 : i32 to vector<16xi32>
          %lt3A_574 = arith.cmpi slt, %add3A_571, %lt3A_573 : vector<16xi32>
          %jit3A_575 = arith.constant 256 : i32
          %broadcast_in_dim3A_576 = vector.broadcast %jit3A_575 : i32 to vector<16xi32>
          %select_n3A_577 = arith.select %lt3A_574, %broadcast_in_dim3A_576, %get3A_567 : vector<16xi1>, vector<16xi32>
          %swap3A_578 = arith.constant 0 : i32
          %swap3A_579 = arith.constant 0 : i32
          %swap3A_580 = tpu.memref_slice %arg9[%swap3A_578, %swap3A_579] : memref<2x128xi32, #tpu.memory_space<vmem>> -> memref<1x128xi32, #tpu.memory_space<vmem>>
          %swap3A_581 = tpu.memref_squeeze %swap3A_580 : memref<1x128xi32, #tpu.memory_space<vmem>> -> memref<128xi32, #tpu.memory_space<vmem>>
          %swap3A_582 = arith.constant 112 : index
          %swap3A_583 = tpu.vector_load %swap3A_581[%swap3A_582] {strides = array<i32>} : memref<128xi32, #tpu.memory_space<vmem>>, vector<16xi32>,
          %swap3A_584 = vector.shape_cast %swap3A_583 : vector<16xi32> to vector<16xi32>
          %swap3A_585 = vector.shape_cast %select_n3A_577 : vector<16xi32> to vector<16xi32>
          tpu.vector_store %swap3A_581[%swap3A_582], %swap3A_585 {strides = array<i32>} : memref<128xi32, #tpu.memory_space<vmem>>, vector<16xi32>,
        } else {
        }
        %run_scoped3A_379 = arith.constant 0 : i32
        %run_scoped3A_380 = arith.constant 0 : i32
        "tpu.region"() ({
          %run_scoped3A_388 = tpu.sem_alloc : memref<!tpu.dma_semaphore, #tpu.memory_space<semaphore_mem>>
          %dma_start3A_389 = arith.constant 0 : i32
          %dma_start3A_390 = arith.constant 0 : i32
          %dma_start3A_391 = tpu.memref_slice %arg10[%run_scoped3A_379, %dma_start3A_389, %dma_start3A_390] : memref<2x128x128xf32, #tpu.memory_space<vmem>> -> memref<1x128x128xf32, #tpu.memory_space<vmem>>
          %dma_start3A_392 = tpu.memref_squeeze %dma_start3A_391 : memref<1x128x128xf32, #tpu.memory_space<vmem>> -> memref<128x128xf32, #tpu.memory_space<vmem>>
          %dma_start3A_393 = arith.constant 0 : i32
          %dma_start3A_394 = tpu.memref_slice %arg9[%run_scoped3A_380, %dma_start3A_393] : memref<2x128xi32, #tpu.memory_space<vmem>> -> memref<1x128xi32, #tpu.memory_space<vmem>>
          %dma_start3A_395 = tpu.memref_squeeze %dma_start3A_394 : memref<1x128xi32, #tpu.memory_space<vmem>> -> memref<128xi32, #tpu.memory_space<vmem>>
          %dma_start3A_396 = arith.constant 0 : i32
          %dma_start3A_397 = arith.constant 0 : i32
          %dma_start3A_398 = tpu.memref_slice %arg13[%while3A_294, %dma_start3A_396, %dma_start3A_397] : memref<2x264x128xf32, #tpu.memory_space<vmem_shared>> -> memref<1x264x128xf32, #tpu.memory_space<vmem_shared>>
          %dma_start3A_399 = tpu.memref_squeeze %dma_start3A_398 : memref<1x264x128xf32, #tpu.memory_space<vmem_shared>> -> memref<264x128xf32, #tpu.memory_space<vmem_shared>>
          %dma_start3A_400 = arith.constant 0 : i32
          %dma_start3A_401 = arith.constant 0 : i32
          %dma_start3A_402 = tpu.memref_slice %dma_start3A_399[%dma_start3A_400, %dma_start3A_401] : memref<264x128xf32, #tpu.memory_space<vmem_shared>> -> memref<264x128xf32, #tpu.memory_space<vmem_shared>>
          tpu.enqueue_indirect_dma source(%dma_start3A_392 : memref<128x128xf32, #tpu.memory_space<vmem>>) target(%dma_start3A_402 : memref<264x128xf32, #tpu.memory_space<vmem_shared>>) offsets(%dma_start3A_395 : memref<128xi32, #tpu.memory_space<vmem>>) semaphore(%run_scoped3A_388 : memref<!tpu.dma_semaphore, #tpu.memory_space<semaphore_mem>>) {add = true}
          %dma_wait3A_403 = arith.constant 0 : i32
          %dma_wait3A_404 = arith.constant 0 : i32
          %dma_wait3A_405 = tpu.memref_slice %arg10[%run_scoped3A_379, %dma_wait3A_403, %dma_wait3A_404] : memref<2x128x128xf32, #tpu.memory_space<vmem>> -> memref<1x128x128xf32, #tpu.memory_space<vmem>>
          %dma_wait3A_406 = tpu.memref_squeeze %dma_wait3A_405 : memref<1x128x128xf32, #tpu.memory_space<vmem>> -> memref<128x128xf32, #tpu.memory_space<vmem>>
          %dma_wait3A_407 = arith.constant 0 : i32
          %dma_wait3A_408 = tpu.memref_slice %arg9[%run_scoped3A_380, %dma_wait3A_407] : memref<2x128xi32, #tpu.memory_space<vmem>> -> memref<1x128xi32, #tpu.memory_space<vmem>>
          %dma_wait3A_409 = tpu.memref_squeeze %dma_wait3A_408 : memref<1x128xi32, #tpu.memory_space<vmem>> -> memref<128xi32, #tpu.memory_space<vmem>>
          %dma_wait3A_410 = arith.constant 0 : i32
          %dma_wait3A_411 = arith.constant 0 : i32
          %dma_wait3A_412 = tpu.memref_slice %arg13[%while3A_294, %dma_wait3A_410, %dma_wait3A_411] : memref<2x264x128xf32, #tpu.memory_space<vmem_shared>> -> memref<1x264x128xf32, #tpu.memory_space<vmem_shared>>
          %dma_wait3A_413 = tpu.memref_squeeze %dma_wait3A_412 : memref<1x264x128xf32, #tpu.memory_space<vmem_shared>> -> memref<264x128xf32, #tpu.memory_space<vmem_shared>>
          %dma_wait3A_414 = arith.constant 0 : i32
          %dma_wait3A_415 = arith.constant 0 : i32
          %dma_wait3A_416 = tpu.memref_slice %dma_wait3A_413[%dma_wait3A_414, %dma_wait3A_415] : memref<264x128xf32, #tpu.memory_space<vmem_shared>> -> memref<264x128xf32, #tpu.memory_space<vmem_shared>>
          tpu.wait_indirect_dma semaphore(%run_scoped3A_388 : memref<!tpu.dma_semaphore, #tpu.memory_space<semaphore_mem>>) src(%dma_wait3A_406 : memref<128x128xf32, #tpu.memory_space<vmem>>) dst(%dma_wait3A_416 : memref<264x128xf32, #tpu.memory_space<vmem_shared>>)
          tpu.yield
        }) : () -> ()
        %run_scoped3A_381 = arith.constant 0 : i32
        "tpu.region"() ({
          %run_scoped3A_388 = tpu.sem_alloc : memref<!tpu.dma_semaphore, #tpu.memory_space<semaphore_mem>>
          %dma_start3A_389 = arith.constant 0 : i32
          %dma_start3A_390 = tpu.memref_slice %arg9[%run_scoped3A_381, %dma_start3A_389] : memref<2x128xi32, #tpu.memory_space<vmem>> -> memref<1x128xi32, #tpu.memory_space<vmem>>
          %dma_start3A_391 = tpu.memref_squeeze %dma_start3A_390 : memref<1x128xi32, #tpu.memory_space<vmem>> -> memref<128xi32, #tpu.memory_space<vmem>>
          %dma_start3A_392 = arith.constant 0 : i32
          %dma_start3A_393 = tpu.memref_slice %arg15[%dma_start3A_392] : memref<384xf32, #tpu.memory_space<vmem_shared>> -> memref<384xf32, #tpu.memory_space<vmem_shared>>
          tpu.enqueue_indirect_dma source(%arg11 : memref<128xf32, #tpu.memory_space<vmem>>) target(%dma_start3A_393 : memref<384xf32, #tpu.memory_space<vmem_shared>>) offsets(%dma_start3A_391 : memref<128xi32, #tpu.memory_space<vmem>>) semaphore(%run_scoped3A_388 : memref<!tpu.dma_semaphore, #tpu.memory_space<semaphore_mem>>) {add = true}
          %dma_wait3A_394 = arith.constant 0 : i32
          %dma_wait3A_395 = tpu.memref_slice %arg9[%run_scoped3A_381, %dma_wait3A_394] : memref<2x128xi32, #tpu.memory_space<vmem>> -> memref<1x128xi32, #tpu.memory_space<vmem>>
          %dma_wait3A_396 = tpu.memref_squeeze %dma_wait3A_395 : memref<1x128xi32, #tpu.memory_space<vmem>> -> memref<128xi32, #tpu.memory_space<vmem>>
          %dma_wait3A_397 = arith.constant 0 : i32
          %dma_wait3A_398 = tpu.memref_slice %arg15[%dma_wait3A_397] : memref<384xf32, #tpu.memory_space<vmem_shared>> -> memref<384xf32, #tpu.memory_space<vmem_shared>>
          tpu.wait_indirect_dma semaphore(%run_scoped3A_388 : memref<!tpu.dma_semaphore, #tpu.memory_space<semaphore_mem>>) src(%arg11 : memref<128xf32, #tpu.memory_space<vmem>>) dst(%dma_wait3A_398 : memref<384xf32, #tpu.memory_space<vmem_shared>>)
          tpu.yield
        }) : () -> ()
        %add3A_382 = arith.constant 2 : i32
        %add3A_383 = arith.addi %add3A_323, %add3A_382 : i32
        %lt3A_384 = arith.cmpi slt, %add3A_383, %select_n3A_195 : i32
        %convert_element_type3A_385 = arith.extui %lt3A_384 : i1 to i32
        %cond3A_386 = arith.constant 0 : i32
        %cond3A_387 = arith.cmpi ne, %convert_element_type3A_385, %cond3A_386 : i32
        scf.if %cond3A_387 {
          %add3A_388 = arith.constant 2 : i32
          %add3A_389 = arith.addi %add3A_323, %add3A_388 : i32
          %mul3A_390 = arith.constant 32 : i32
          %mul3A_391 = arith.muli %add3A_389, %mul3A_390 : i32
          %add3A_392 = arith.addi %add3A, %mul3A_391 : i32
          %eq3A_393 = arith.constant 390 : i32
          %eq3A_394 = arith.cmpi eq, %add3A_392, %eq3A_393 : i32
          %mul3A_395 = arith.constant 128 : i32
          %mul3A_396 = arith.muli %add3A_392, %mul3A_395 : i32
          %jit3A_397 = arith.constant 49872 : i32
          %select_n3A_398 = arith.select %eq3A_394, %jit3A_397, %mul3A_396 : i32
          %dma_start3A_399 = arith.constant 0 : i32
          %dma_start3A_400 = arith.constant 0 : i32
          %dma_start3A_401 = arith.constant 0 : i32
          %dma_start3A_402 = tpu.memref_slice %arg9[%dma_start3A_399, %dma_start3A_401] : memref<2x128xi32, #tpu.memory_space<vmem>> -> memref<1x128xi32, #tpu.memory_space<vmem>>
          %dma_start3A_403 = tpu.memref_squeeze %dma_start3A_402 : memref<1x128xi32, #tpu.memory_space<vmem>> -> memref<128xi32, #tpu.memory_space<vmem>>
          %dma_start3A_404 = tpu.memref_slice %arg5[%select_n3A_398] : memref<50000xi32, #tpu.memory_space<hbm>> -> memref<128xi32, #tpu.memory_space<hbm>>
          %dma_start3A_405 = tpu.memref_slice %arg16[%dma_start3A_400] : memref<2x!tpu.dma_semaphore, #tpu.memory_space<semaphore_mem>> -> memref<1x!tpu.dma_semaphore, #tpu.memory_space<semaphore_mem>>
          %dma_start3A_406 = tpu.memref_squeeze %dma_start3A_405 : memref<1x!tpu.dma_semaphore, #tpu.memory_space<semaphore_mem>> -> memref<!tpu.dma_semaphore, #tpu.memory_space<semaphore_mem>>
          %dma_start3A_407 = arith.constant 0 : i32
          %dma_start3A_408 = tpu.memref_slice %arg9[%dma_start3A_399, %dma_start3A_407] : memref<2x128xi32, #tpu.memory_space<vmem>> -> memref<1x128xi32, #tpu.memory_space<vmem>>
          %dma_start3A_409 = tpu.memref_squeeze %dma_start3A_408 : memref<1x128xi32, #tpu.memory_space<vmem>> -> memref<128xi32, #tpu.memory_space<vmem>>
          %dma_start3A_410 = tpu.memref_slice %arg5[%select_n3A_398] : memref<50000xi32, #tpu.memory_space<hbm>> -> memref<128xi32, #tpu.memory_space<hbm>>
          tpu.enqueue_dma source(%dma_start3A_410 : memref<128xi32, #tpu.memory_space<hbm>>) target(%dma_start3A_409 : memref<128xi32, #tpu.memory_space<vmem>>) target_semaphore(%dma_start3A_406 : memref<!tpu.dma_semaphore, #tpu.memory_space<semaphore_mem>>)
          %dma_start3A_411 = arith.constant 0 : i32
          %dma_start3A_412 = arith.constant 0 : i32
          %dma_start3A_413 = arith.constant 0 : i32
          %dma_start3A_414 = arith.constant 0 : i32
          %dma_start3A_415 = tpu.memref_slice %arg10[%dma_start3A_411, %dma_start3A_413, %dma_start3A_414] : memref<2x128x128xf32, #tpu.memory_space<vmem>> -> memref<1x128x128xf32, #tpu.memory_space<vmem>>
          %dma_start3A_416 = tpu.memref_squeeze %dma_start3A_415 : memref<1x128x128xf32, #tpu.memory_space<vmem>> -> memref<128x128xf32, #tpu.memory_space<vmem>>
          %dma_start3A_417 = arith.constant 0 : i32
          %dma_start3A_418 = tpu.memref_slice %arg4[%select_n3A_398, %dma_start3A_417] : memref<50000x128xf32, #tpu.memory_space<hbm>> -> memref<128x128xf32, #tpu.memory_space<hbm>>
          %dma_start3A_419 = tpu.memref_slice %arg16[%dma_start3A_412] : memref<2x!tpu.dma_semaphore, #tpu.memory_space<semaphore_mem>> -> memref<1x!tpu.dma_semaphore, #tpu.memory_space<semaphore_mem>>
          %dma_start3A_420 = tpu.memref_squeeze %dma_start3A_419 : memref<1x!tpu.dma_semaphore, #tpu.memory_space<semaphore_mem>> -> memref<!tpu.dma_semaphore, #tpu.memory_space<semaphore_mem>>
          %dma_start3A_421 = arith.constant 0 : i32
          %dma_start3A_422 = arith.constant 0 : i32
          %dma_start3A_423 = tpu.memref_slice %arg10[%dma_start3A_411, %dma_start3A_421, %dma_start3A_422] : memref<2x128x128xf32, #tpu.memory_space<vmem>> -> memref<1x128x128xf32, #tpu.memory_space<vmem>>
          %dma_start3A_424 = tpu.memref_squeeze %dma_start3A_423 : memref<1x128x128xf32, #tpu.memory_space<vmem>> -> memref<128x128xf32, #tpu.memory_space<vmem>>
          %dma_start3A_425 = arith.constant 0 : i32
          %dma_start3A_426 = tpu.memref_slice %arg4[%select_n3A_398, %dma_start3A_425] : memref<50000x128xf32, #tpu.memory_space<hbm>> -> memref<128x128xf32, #tpu.memory_space<hbm>>
          tpu.enqueue_dma source(%dma_start3A_426 : memref<128x128xf32, #tpu.memory_space<hbm>>) target(%dma_start3A_424 : memref<128x128xf32, #tpu.memory_space<vmem>>) target_semaphore(%dma_start3A_420 : memref<!tpu.dma_semaphore, #tpu.memory_space<semaphore_mem>>)
        } else {
        }
      } else {
      }
      %mul3A_327 = arith.constant 2 : i32
      %mul3A_328 = arith.muli %mul3A_327, %while3A_318 : i32
      %add3A_329 = arith.constant 1 : i32
      %add3A_330 = arith.addi %mul3A_328, %add3A_329 : i32
      %lt3A_331 = arith.cmpi slt, %add3A_330, %select_n3A_195 : i32
      %convert_element_type3A_332 = arith.extui %lt3A_331 : i1 to i32
      %cond3A_333 = arith.constant 0 : i32
      %cond3A_334 = arith.cmpi ne, %convert_element_type3A_332, %cond3A_333 : i32
      scf.if %cond3A_334 {
        %dma_wait3A = arith.constant 1 : i32
        %dma_wait3A_336 = arith.constant 1 : i32
        %dma_wait3A_337 = arith.constant 0 : i32
        %dma_wait3A_338 = tpu.memref_slice %arg9[%dma_wait3A, %dma_wait3A_337] : memref<2x128xi32, #tpu.memory_space<vmem>> -> memref<1x128xi32, #tpu.memory_space<vmem>>
        %dma_wait3A_339 = tpu.memref_squeeze %dma_wait3A_338 : memref<1x128xi32, #tpu.memory_space<vmem>> -> memref<128xi32, #tpu.memory_space<vmem>>
        %dma_wait3A_340 = arith.constant 0 : i32
        %dma_wait3A_341 = tpu.memref_slice %arg5[%dma_wait3A_340] : memref<50000xi32, #tpu.memory_space<hbm>> -> memref<128xi32, #tpu.memory_space<hbm>>
        %dma_wait3A_342 = tpu.memref_slice %arg16[%dma_wait3A_336] : memref<2x!tpu.dma_semaphore, #tpu.memory_space<semaphore_mem>> -> memref<1x!tpu.dma_semaphore, #tpu.memory_space<semaphore_mem>>
        %dma_wait3A_343 = tpu.memref_squeeze %dma_wait3A_342 : memref<1x!tpu.dma_semaphore, #tpu.memory_space<semaphore_mem>> -> memref<!tpu.dma_semaphore, #tpu.memory_space<semaphore_mem>>
        %dma_wait3A_344 = arith.constant 0 : i32
        %dma_wait3A_345 = tpu.memref_slice %arg9[%dma_wait3A, %dma_wait3A_344] : memref<2x128xi32, #tpu.memory_space<vmem>> -> memref<1x128xi32, #tpu.memory_space<vmem>>
        %dma_wait3A_346 = tpu.memref_squeeze %dma_wait3A_345 : memref<1x128xi32, #tpu.memory_space<vmem>> -> memref<128xi32, #tpu.memory_space<vmem>>
        %dma_wait3A_347 = arith.constant 0 : i32
        %dma_wait3A_348 = tpu.memref_slice %arg5[%dma_wait3A_347] : memref<50000xi32, #tpu.memory_space<hbm>> -> memref<128xi32, #tpu.memory_space<hbm>>
        tpu.wait_dma2 semaphore(%dma_wait3A_343 : memref<!tpu.dma_semaphore, #tpu.memory_space<semaphore_mem>>) src(%dma_wait3A_348 : memref<128xi32, #tpu.memory_space<hbm>>) dst(%dma_wait3A_346 : memref<128xi32, #tpu.memory_space<vmem>>)
        %dma_wait3A_349 = arith.constant 1 : i32
        %dma_wait3A_350 = arith.constant 1 : i32
        %dma_wait3A_351 = arith.constant 0 : i32
        %dma_wait3A_352 = arith.constant 0 : i32
        %dma_wait3A_353 = tpu.memref_slice %arg10[%dma_wait3A_349, %dma_wait3A_351, %dma_wait3A_352] : memref<2x128x128xf32, #tpu.memory_space<vmem>> -> memref<1x128x128xf32, #tpu.memory_space<vmem>>
        %dma_wait3A_354 = tpu.memref_squeeze %dma_wait3A_353 : memref<1x128x128xf32, #tpu.memory_space<vmem>> -> memref<128x128xf32, #tpu.memory_space<vmem>>
        %dma_wait3A_355 = arith.constant 0 : i32
        %dma_wait3A_356 = arith.constant 0 : i32
        %dma_wait3A_357 = tpu.memref_slice %arg4[%dma_wait3A_355, %dma_wait3A_356] : memref<50000x128xf32, #tpu.memory_space<hbm>> -> memref<128x128xf32, #tpu.memory_space<hbm>>
        %dma_wait3A_358 = tpu.memref_slice %arg16[%dma_wait3A_350] : memref<2x!tpu.dma_semaphore, #tpu.memory_space<semaphore_mem>> -> memref<1x!tpu.dma_semaphore, #tpu.memory_space<semaphore_mem>>
        %dma_wait3A_359 = tpu.memref_squeeze %dma_wait3A_358 : memref<1x!tpu.dma_semaphore, #tpu.memory_space<semaphore_mem>> -> memref<!tpu.dma_semaphore, #tpu.memory_space<semaphore_mem>>
        %dma_wait3A_360 = arith.constant 0 : i32
        %dma_wait3A_361 = arith.constant 0 : i32
        %dma_wait3A_362 = tpu.memref_slice %arg10[%dma_wait3A_349, %dma_wait3A_360, %dma_wait3A_361] : memref<2x128x128xf32, #tpu.memory_space<vmem>> -> memref<1x128x128xf32, #tpu.memory_space<vmem>>
        %dma_wait3A_363 = tpu.memref_squeeze %dma_wait3A_362 : memref<1x128x128xf32, #tpu.memory_space<vmem>> -> memref<128x128xf32, #tpu.memory_space<vmem>>
        %dma_wait3A_364 = arith.constant 0 : i32
        %dma_wait3A_365 = arith.constant 0 : i32
        %dma_wait3A_366 = tpu.memref_slice %arg4[%dma_wait3A_364, %dma_wait3A_365] : memref<50000x128xf32, #tpu.memory_space<hbm>> -> memref<128x128xf32, #tpu.memory_space<hbm>>
        tpu.wait_dma2 semaphore(%dma_wait3A_359 : memref<!tpu.dma_semaphore, #tpu.memory_space<semaphore_mem>>) src(%dma_wait3A_366 : memref<128x128xf32, #tpu.memory_space<hbm>>) dst(%dma_wait3A_363 : memref<128x128xf32, #tpu.memory_space<vmem>>)
        %mul3A_367 = arith.constant 32 : i32
        %mul3A_368 = arith.muli %add3A_330, %mul3A_367 : i32
        %add3A_369 = arith.addi %add3A, %mul3A_368 : i32
        %eq3A_370 = arith.constant 390 : i32
        %eq3A_371 = arith.cmpi eq, %add3A_369, %eq3A_370 : i32
        %mul3A_372 = arith.constant 128 : i32
        %mul3A_373 = arith.muli %add3A_369, %mul3A_372 : i32
        %jit3A_374 = arith.constant 49872 : i32
        %select_n3A_375 = arith.select %eq3A_371, %jit3A_374, %mul3A_373 : i32
        %convert_element_type3A_376 = arith.extui %eq3A_371 : i1 to i32
        %cond3A_377 = arith.constant 0 : i32
        %cond3A_378 = arith.cmpi ne, %convert_element_type3A_376, %cond3A_377 : i32
        scf.if %cond3A_378 {
          %get3A = arith.constant 1 : i32
          %get3A_388 = arith.constant 0 : i32
          %get3A_389 = tpu.memref_slice %arg9[%get3A, %get3A_388] : memref<2x128xi32, #tpu.memory_space<vmem>> -> memref<1x128xi32, #tpu.memory_space<vmem>>
          %get3A_390 = tpu.memref_squeeze %get3A_389 : memref<1x128xi32, #tpu.memory_space<vmem>> -> memref<128xi32, #tpu.memory_space<vmem>>
          %get3A_391 = arith.constant 0 : index
          %get3A_392 = tpu.vector_load %get3A_390[%get3A_391] {strides = array<i32>} : memref<128xi32, #tpu.memory_space<vmem>>, vector<16xi32>,
          %get3A_393 = vector.shape_cast %get3A_392 : vector<16xi32> to vector<16xi32>
          %iota3A = tpu.iota {dimensions = array<i32: 0>} : vector<16xi32>
          %add3A_394 = arith.constant 0 : i32
          %add3A_395 = vector.broadcast %add3A_394 : i32 to vector<16xi32>
          %add3A_396 = arith.addi %iota3A, %add3A_395 : vector<16xi32>
          %lt3A_397 = arith.constant 48 : i32
          %lt3A_398 = vector.broadcast %lt3A_397 : i32 to vector<16xi32>
          %lt3A_399 = arith.cmpi slt, %add3A_396, %lt3A_398 : vector<16xi32>
          %jit3A_400 = arith.constant 256 : i32
          %broadcast_in_dim3A_401 = vector.broadcast %jit3A_400 : i32 to vector<16xi32>
          %select_n3A_402 = arith.select %lt3A_399, %broadcast_in_dim3A_401, %get3A_393 : vector<16xi1>, vector<16xi32>
          %swap3A_403 = arith.constant 1 : i32
          %swap3A_404 = arith.constant 0 : i32
          %swap3A_405 = tpu.memref_slice %arg9[%swap3A_403, %swap3A_404] : memref<2x128xi32, #tpu.memory_space<vmem>> -> memref<1x128xi32, #tpu.memory_space<vmem>>
          %swap3A_406 = tpu.memref_squeeze %swap3A_405 : memref<1x128xi32, #tpu.memory_space<vmem>> -> memref<128xi32, #tpu.memory_space<vmem>>
          %swap3A_407 = arith.constant 0 : index
          %swap3A_408 = tpu.vector_load %swap3A_406[%swap3A_407] {strides = array<i32>} : memref<128xi32, #tpu.memory_space<vmem>>, vector<16xi32>,
          %swap3A_409 = vector.shape_cast %swap3A_408 : vector<16xi32> to vector<16xi32>
          %swap3A_410 = vector.shape_cast %select_n3A_402 : vector<16xi32> to vector<16xi32>
          tpu.vector_store %swap3A_406[%swap3A_407], %swap3A_410 {strides = array<i32>} : memref<128xi32, #tpu.memory_space<vmem>>, vector<16xi32>,
          %get3A_411 = arith.constant 1 : i32
          %get3A_412 = arith.constant 0 : i32
          %get3A_413 = tpu.memref_slice %arg9[%get3A_411, %get3A_412] : memref<2x128xi32, #tpu.memory_space<vmem>> -> memref<1x128xi32, #tpu.memory_space<vmem>>
          %get3A_414 = tpu.memref_squeeze %get3A_413 : memref<1x128xi32, #tpu.memory_space<vmem>> -> memref<128xi32, #tpu.memory_space<vmem>>
          %get3A_415 = arith.constant 16 : index
          %get3A_416 = tpu.vector_load %get3A_414[%get3A_415] {strides = array<i32>} : memref<128xi32, #tpu.memory_space<vmem>>, vector<16xi32>,
          %get3A_417 = vector.shape_cast %get3A_416 : vector<16xi32> to vector<16xi32>
          %iota3A_418 = tpu.iota {dimensions = array<i32: 0>} : vector<16xi32>
          %add3A_419 = arith.constant 16 : i32
          %add3A_420 = vector.broadcast %add3A_419 : i32 to vector<16xi32>
          %add3A_421 = arith.addi %iota3A_418, %add3A_420 : vector<16xi32>
          %lt3A_422 = arith.constant 48 : i32
          %lt3A_423 = vector.broadcast %lt3A_422 : i32 to vector<16xi32>
          %lt3A_424 = arith.cmpi slt, %add3A_421, %lt3A_423 : vector<16xi32>
          %jit3A_425 = arith.constant 256 : i32
          %broadcast_in_dim3A_426 = vector.broadcast %jit3A_425 : i32 to vector<16xi32>
          %select_n3A_427 = arith.select %lt3A_424, %broadcast_in_dim3A_426, %get3A_417 : vector<16xi1>, vector<16xi32>
          %swap3A_428 = arith.constant 1 : i32
          %swap3A_429 = arith.constant 0 : i32
          %swap3A_430 = tpu.memref_slice %arg9[%swap3A_428, %swap3A_429] : memref<2x128xi32, #tpu.memory_space<vmem>> -> memref<1x128xi32, #tpu.memory_space<vmem>>
          %swap3A_431 = tpu.memref_squeeze %swap3A_430 : memref<1x128xi32, #tpu.memory_space<vmem>> -> memref<128xi32, #tpu.memory_space<vmem>>
          %swap3A_432 = arith.constant 16 : index
          %swap3A_433 = tpu.vector_load %swap3A_431[%swap3A_432] {strides = array<i32>} : memref<128xi32, #tpu.memory_space<vmem>>, vector<16xi32>,
          %swap3A_434 = vector.shape_cast %swap3A_433 : vector<16xi32> to vector<16xi32>
          %swap3A_435 = vector.shape_cast %select_n3A_427 : vector<16xi32> to vector<16xi32>
          tpu.vector_store %swap3A_431[%swap3A_432], %swap3A_435 {strides = array<i32>} : memref<128xi32, #tpu.memory_space<vmem>>, vector<16xi32>,
          %get3A_436 = arith.constant 1 : i32
          %get3A_437 = arith.constant 0 : i32
          %get3A_438 = tpu.memref_slice %arg9[%get3A_436, %get3A_437] : memref<2x128xi32, #tpu.memory_space<vmem>> -> memref<1x128xi32, #tpu.memory_space<vmem>>
          %get3A_439 = tpu.memref_squeeze %get3A_438 : memref<1x128xi32, #tpu.memory_space<vmem>> -> memref<128xi32, #tpu.memory_space<vmem>>
          %get3A_440 = arith.constant 32 : index
          %get3A_441 = tpu.vector_load %get3A_439[%get3A_440] {strides = array<i32>} : memref<128xi32, #tpu.memory_space<vmem>>, vector<16xi32>,
          %get3A_442 = vector.shape_cast %get3A_441 : vector<16xi32> to vector<16xi32>
          %iota3A_443 = tpu.iota {dimensions = array<i32: 0>} : vector<16xi32>
          %add3A_444 = arith.constant 32 : i32
          %add3A_445 = vector.broadcast %add3A_444 : i32 to vector<16xi32>
          %add3A_446 = arith.addi %iota3A_443, %add3A_445 : vector<16xi32>
          %lt3A_447 = arith.constant 48 : i32
          %lt3A_448 = vector.broadcast %lt3A_447 : i32 to vector<16xi32>
          %lt3A_449 = arith.cmpi slt, %add3A_446, %lt3A_448 : vector<16xi32>
          %jit3A_450 = arith.constant 256 : i32
          %broadcast_in_dim3A_451 = vector.broadcast %jit3A_450 : i32 to vector<16xi32>
          %select_n3A_452 = arith.select %lt3A_449, %broadcast_in_dim3A_451, %get3A_442 : vector<16xi1>, vector<16xi32>
          %swap3A_453 = arith.constant 1 : i32
          %swap3A_454 = arith.constant 0 : i32
          %swap3A_455 = tpu.memref_slice %arg9[%swap3A_453, %swap3A_454] : memref<2x128xi32, #tpu.memory_space<vmem>> -> memref<1x128xi32, #tpu.memory_space<vmem>>
          %swap3A_456 = tpu.memref_squeeze %swap3A_455 : memref<1x128xi32, #tpu.memory_space<vmem>> -> memref<128xi32, #tpu.memory_space<vmem>>
          %swap3A_457 = arith.constant 32 : index
          %swap3A_458 = tpu.vector_load %swap3A_456[%swap3A_457] {strides = array<i32>} : memref<128xi32, #tpu.memory_space<vmem>>, vector<16xi32>,
          %swap3A_459 = vector.shape_cast %swap3A_458 : vector<16xi32> to vector<16xi32>
          %swap3A_460 = vector.shape_cast %select_n3A_452 : vector<16xi32> to vector<16xi32>
          tpu.vector_store %swap3A_456[%swap3A_457], %swap3A_460 {strides = array<i32>} : memref<128xi32, #tpu.memory_space<vmem>>, vector<16xi32>,
          %get3A_461 = arith.constant 1 : i32
          %get3A_462 = arith.constant 0 : i32
          %get3A_463 = tpu.memref_slice %arg9[%get3A_461, %get3A_462] : memref<2x128xi32, #tpu.memory_space<vmem>> -> memref<1x128xi32, #tpu.memory_space<vmem>>
          %get3A_464 = tpu.memref_squeeze %get3A_463 : memref<1x128xi32, #tpu.memory_space<vmem>> -> memref<128xi32, #tpu.memory_space<vmem>>
          %get3A_465 = arith.constant 48 : index
          %get3A_466 = tpu.vector_load %get3A_464[%get3A_465] {strides = array<i32>} : memref<128xi32, #tpu.memory_space<vmem>>, vector<16xi32>,
          %get3A_467 = vector.shape_cast %get3A_466 : vector<16xi32> to vector<16xi32>
          %iota3A_468 = tpu.iota {dimensions = array<i32: 0>} : vector<16xi32>
          %add3A_469 = arith.constant 48 : i32
          %add3A_470 = vector.broadcast %add3A_469 : i32 to vector<16xi32>
          %add3A_471 = arith.addi %iota3A_468, %add3A_470 : vector<16xi32>
          %lt3A_472 = arith.constant 48 : i32
          %lt3A_473 = vector.broadcast %lt3A_472 : i32 to vector<16xi32>
          %lt3A_474 = arith.cmpi slt, %add3A_471, %lt3A_473 : vector<16xi32>
          %jit3A_475 = arith.constant 256 : i32
          %broadcast_in_dim3A_476 = vector.broadcast %jit3A_475 : i32 to vector<16xi32>
          %select_n3A_477 = arith.select %lt3A_474, %broadcast_in_dim3A_476, %get3A_467 : vector<16xi1>, vector<16xi32>
          %swap3A_478 = arith.constant 1 : i32
          %swap3A_479 = arith.constant 0 : i32
          %swap3A_480 = tpu.memref_slice %arg9[%swap3A_478, %swap3A_479] : memref<2x128xi32, #tpu.memory_space<vmem>> -> memref<1x128xi32, #tpu.memory_space<vmem>>
          %swap3A_481 = tpu.memref_squeeze %swap3A_480 : memref<1x128xi32, #tpu.memory_space<vmem>> -> memref<128xi32, #tpu.memory_space<vmem>>
          %swap3A_482 = arith.constant 48 : index
          %swap3A_483 = tpu.vector_load %swap3A_481[%swap3A_482] {strides = array<i32>} : memref<128xi32, #tpu.memory_space<vmem>>, vector<16xi32>,
          %swap3A_484 = vector.shape_cast %swap3A_483 : vector<16xi32> to vector<16xi32>
          %swap3A_485 = vector.shape_cast %select_n3A_477 : vector<16xi32> to vector<16xi32>
          tpu.vector_store %swap3A_481[%swap3A_482], %swap3A_485 {strides = array<i32>} : memref<128xi32, #tpu.memory_space<vmem>>, vector<16xi32>,
          %get3A_486 = arith.constant 1 : i32
          %get3A_487 = arith.constant 0 : i32
          %get3A_488 = tpu.memref_slice %arg9[%get3A_486, %get3A_487] : memref<2x128xi32, #tpu.memory_space<vmem>> -> memref<1x128xi32, #tpu.memory_space<vmem>>
          %get3A_489 = tpu.memref_squeeze %get3A_488 : memref<1x128xi32, #tpu.memory_space<vmem>> -> memref<128xi32, #tpu.memory_space<vmem>>
          %get3A_490 = arith.constant 64 : index
          %get3A_491 = tpu.vector_load %get3A_489[%get3A_490] {strides = array<i32>} : memref<128xi32, #tpu.memory_space<vmem>>, vector<16xi32>,
          %get3A_492 = vector.shape_cast %get3A_491 : vector<16xi32> to vector<16xi32>
          %iota3A_493 = tpu.iota {dimensions = array<i32: 0>} : vector<16xi32>
          %add3A_494 = arith.constant 64 : i32
          %add3A_495 = vector.broadcast %add3A_494 : i32 to vector<16xi32>
          %add3A_496 = arith.addi %iota3A_493, %add3A_495 : vector<16xi32>
          %lt3A_497 = arith.constant 48 : i32
          %lt3A_498 = vector.broadcast %lt3A_497 : i32 to vector<16xi32>
          %lt3A_499 = arith.cmpi slt, %add3A_496, %lt3A_498 : vector<16xi32>
          %jit3A_500 = arith.constant 256 : i32
          %broadcast_in_dim3A_501 = vector.broadcast %jit3A_500 : i32 to vector<16xi32>
          %select_n3A_502 = arith.select %lt3A_499, %broadcast_in_dim3A_501, %get3A_492 : vector<16xi1>, vector<16xi32>
          %swap3A_503 = arith.constant 1 : i32
          %swap3A_504 = arith.constant 0 : i32
          %swap3A_505 = tpu.memref_slice %arg9[%swap3A_503, %swap3A_504] : memref<2x128xi32, #tpu.memory_space<vmem>> -> memref<1x128xi32, #tpu.memory_space<vmem>>
          %swap3A_506 = tpu.memref_squeeze %swap3A_505 : memref<1x128xi32, #tpu.memory_space<vmem>> -> memref<128xi32, #tpu.memory_space<vmem>>
          %swap3A_507 = arith.constant 64 : index
          %swap3A_508 = tpu.vector_load %swap3A_506[%swap3A_507] {strides = array<i32>} : memref<128xi32, #tpu.memory_space<vmem>>, vector<16xi32>,
          %swap3A_509 = vector.shape_cast %swap3A_508 : vector<16xi32> to vector<16xi32>
          %swap3A_510 = vector.shape_cast %select_n3A_502 : vector<16xi32> to vector<16xi32>
          tpu.vector_store %swap3A_506[%swap3A_507], %swap3A_510 {strides = array<i32>} : memref<128xi32, #tpu.memory_space<vmem>>, vector<16xi32>,
          %get3A_511 = arith.constant 1 : i32
          %get3A_512 = arith.constant 0 : i32
          %get3A_513 = tpu.memref_slice %arg9[%get3A_511, %get3A_512] : memref<2x128xi32, #tpu.memory_space<vmem>> -> memref<1x128xi32, #tpu.memory_space<vmem>>
          %get3A_514 = tpu.memref_squeeze %get3A_513 : memref<1x128xi32, #tpu.memory_space<vmem>> -> memref<128xi32, #tpu.memory_space<vmem>>
          %get3A_515 = arith.constant 80 : index
          %get3A_516 = tpu.vector_load %get3A_514[%get3A_515] {strides = array<i32>} : memref<128xi32, #tpu.memory_space<vmem>>, vector<16xi32>,
          %get3A_517 = vector.shape_cast %get3A_516 : vector<16xi32> to vector<16xi32>
          %iota3A_518 = tpu.iota {dimensions = array<i32: 0>} : vector<16xi32>
          %add3A_519 = arith.constant 80 : i32
          %add3A_520 = vector.broadcast %add3A_519 : i32 to vector<16xi32>
          %add3A_521 = arith.addi %iota3A_518, %add3A_520 : vector<16xi32>
          %lt3A_522 = arith.constant 48 : i32
          %lt3A_523 = vector.broadcast %lt3A_522 : i32 to vector<16xi32>
          %lt3A_524 = arith.cmpi slt, %add3A_521, %lt3A_523 : vector<16xi32>
          %jit3A_525 = arith.constant 256 : i32
          %broadcast_in_dim3A_526 = vector.broadcast %jit3A_525 : i32 to vector<16xi32>
          %select_n3A_527 = arith.select %lt3A_524, %broadcast_in_dim3A_526, %get3A_517 : vector<16xi1>, vector<16xi32>
          %swap3A_528 = arith.constant 1 : i32
          %swap3A_529 = arith.constant 0 : i32
          %swap3A_530 = tpu.memref_slice %arg9[%swap3A_528, %swap3A_529] : memref<2x128xi32, #tpu.memory_space<vmem>> -> memref<1x128xi32, #tpu.memory_space<vmem>>
          %swap3A_531 = tpu.memref_squeeze %swap3A_530 : memref<1x128xi32, #tpu.memory_space<vmem>> -> memref<128xi32, #tpu.memory_space<vmem>>
          %swap3A_532 = arith.constant 80 : index
          %swap3A_533 = tpu.vector_load %swap3A_531[%swap3A_532] {strides = array<i32>} : memref<128xi32, #tpu.memory_space<vmem>>, vector<16xi32>,
          %swap3A_534 = vector.shape_cast %swap3A_533 : vector<16xi32> to vector<16xi32>
          %swap3A_535 = vector.shape_cast %select_n3A_527 : vector<16xi32> to vector<16xi32>
          tpu.vector_store %swap3A_531[%swap3A_532], %swap3A_535 {strides = array<i32>} : memref<128xi32, #tpu.memory_space<vmem>>, vector<16xi32>,
          %get3A_536 = arith.constant 1 : i32
          %get3A_537 = arith.constant 0 : i32
          %get3A_538 = tpu.memref_slice %arg9[%get3A_536, %get3A_537] : memref<2x128xi32, #tpu.memory_space<vmem>> -> memref<1x128xi32, #tpu.memory_space<vmem>>
          %get3A_539 = tpu.memref_squeeze %get3A_538 : memref<1x128xi32, #tpu.memory_space<vmem>> -> memref<128xi32, #tpu.memory_space<vmem>>
          %get3A_540 = arith.constant 96 : index
          %get3A_541 = tpu.vector_load %get3A_539[%get3A_540] {strides = array<i32>} : memref<128xi32, #tpu.memory_space<vmem>>, vector<16xi32>,
          %get3A_542 = vector.shape_cast %get3A_541 : vector<16xi32> to vector<16xi32>
          %iota3A_543 = tpu.iota {dimensions = array<i32: 0>} : vector<16xi32>
          %add3A_544 = arith.constant 96 : i32
          %add3A_545 = vector.broadcast %add3A_544 : i32 to vector<16xi32>
          %add3A_546 = arith.addi %iota3A_543, %add3A_545 : vector<16xi32>
          %lt3A_547 = arith.constant 48 : i32
          %lt3A_548 = vector.broadcast %lt3A_547 : i32 to vector<16xi32>
          %lt3A_549 = arith.cmpi slt, %add3A_546, %lt3A_548 : vector<16xi32>
          %jit3A_550 = arith.constant 256 : i32
          %broadcast_in_dim3A_551 = vector.broadcast %jit3A_550 : i32 to vector<16xi32>
          %select_n3A_552 = arith.select %lt3A_549, %broadcast_in_dim3A_551, %get3A_542 : vector<16xi1>, vector<16xi32>
          %swap3A_553 = arith.constant 1 : i32
          %swap3A_554 = arith.constant 0 : i32
          %swap3A_555 = tpu.memref_slice %arg9[%swap3A_553, %swap3A_554] : memref<2x128xi32, #tpu.memory_space<vmem>> -> memref<1x128xi32, #tpu.memory_space<vmem>>
          %swap3A_556 = tpu.memref_squeeze %swap3A_555 : memref<1x128xi32, #tpu.memory_space<vmem>> -> memref<128xi32, #tpu.memory_space<vmem>>
          %swap3A_557 = arith.constant 96 : index
          %swap3A_558 = tpu.vector_load %swap3A_556[%swap3A_557] {strides = array<i32>} : memref<128xi32, #tpu.memory_space<vmem>>, vector<16xi32>,
          %swap3A_559 = vector.shape_cast %swap3A_558 : vector<16xi32> to vector<16xi32>
          %swap3A_560 = vector.shape_cast %select_n3A_552 : vector<16xi32> to vector<16xi32>
          tpu.vector_store %swap3A_556[%swap3A_557], %swap3A_560 {strides = array<i32>} : memref<128xi32, #tpu.memory_space<vmem>>, vector<16xi32>,
          %get3A_561 = arith.constant 1 : i32
          %get3A_562 = arith.constant 0 : i32
          %get3A_563 = tpu.memref_slice %arg9[%get3A_561, %get3A_562] : memref<2x128xi32, #tpu.memory_space<vmem>> -> memref<1x128xi32, #tpu.memory_space<vmem>>
          %get3A_564 = tpu.memref_squeeze %get3A_563 : memref<1x128xi32, #tpu.memory_space<vmem>> -> memref<128xi32, #tpu.memory_space<vmem>>
          %get3A_565 = arith.constant 112 : index
          %get3A_566 = tpu.vector_load %get3A_564[%get3A_565] {strides = array<i32>} : memref<128xi32, #tpu.memory_space<vmem>>, vector<16xi32>,
          %get3A_567 = vector.shape_cast %get3A_566 : vector<16xi32> to vector<16xi32>
          %iota3A_568 = tpu.iota {dimensions = array<i32: 0>} : vector<16xi32>
          %add3A_569 = arith.constant 112 : i32
          %add3A_570 = vector.broadcast %add3A_569 : i32 to vector<16xi32>
          %add3A_571 = arith.addi %iota3A_568, %add3A_570 : vector<16xi32>
          %lt3A_572 = arith.constant 48 : i32
          %lt3A_573 = vector.broadcast %lt3A_572 : i32 to vector<16xi32>
          %lt3A_574 = arith.cmpi slt, %add3A_571, %lt3A_573 : vector<16xi32>
          %jit3A_575 = arith.constant 256 : i32
          %broadcast_in_dim3A_576 = vector.broadcast %jit3A_575 : i32 to vector<16xi32>
          %select_n3A_577 = arith.select %lt3A_574, %broadcast_in_dim3A_576, %get3A_567 : vector<16xi1>, vector<16xi32>
          %swap3A_578 = arith.constant 1 : i32
          %swap3A_579 = arith.constant 0 : i32
          %swap3A_580 = tpu.memref_slice %arg9[%swap3A_578, %swap3A_579] : memref<2x128xi32, #tpu.memory_space<vmem>> -> memref<1x128xi32, #tpu.memory_space<vmem>>
          %swap3A_581 = tpu.memref_squeeze %swap3A_580 : memref<1x128xi32, #tpu.memory_space<vmem>> -> memref<128xi32, #tpu.memory_space<vmem>>
          %swap3A_582 = arith.constant 112 : index
          %swap3A_583 = tpu.vector_load %swap3A_581[%swap3A_582] {strides = array<i32>} : memref<128xi32, #tpu.memory_space<vmem>>, vector<16xi32>,
          %swap3A_584 = vector.shape_cast %swap3A_583 : vector<16xi32> to vector<16xi32>
          %swap3A_585 = vector.shape_cast %select_n3A_577 : vector<16xi32> to vector<16xi32>
          tpu.vector_store %swap3A_581[%swap3A_582], %swap3A_585 {strides = array<i32>} : memref<128xi32, #tpu.memory_space<vmem>>, vector<16xi32>,
        } else {
        }
        %run_scoped3A_379 = arith.constant 1 : i32
        %run_scoped3A_380 = arith.constant 1 : i32
        "tpu.region"() ({
          %run_scoped3A_388 = tpu.sem_alloc : memref<!tpu.dma_semaphore, #tpu.memory_space<semaphore_mem>>
          %dma_start3A_389 = arith.constant 0 : i32
          %dma_start3A_390 = arith.constant 0 : i32
          %dma_start3A_391 = tpu.memref_slice %arg10[%run_scoped3A_379, %dma_start3A_389, %dma_start3A_390] : memref<2x128x128xf32, #tpu.memory_space<vmem>> -> memref<1x128x128xf32, #tpu.memory_space<vmem>>
          %dma_start3A_392 = tpu.memref_squeeze %dma_start3A_391 : memref<1x128x128xf32, #tpu.memory_space<vmem>> -> memref<128x128xf32, #tpu.memory_space<vmem>>
          %dma_start3A_393 = arith.constant 0 : i32
          %dma_start3A_394 = tpu.memref_slice %arg9[%run_scoped3A_380, %dma_start3A_393] : memref<2x128xi32, #tpu.memory_space<vmem>> -> memref<1x128xi32, #tpu.memory_space<vmem>>
          %dma_start3A_395 = tpu.memref_squeeze %dma_start3A_394 : memref<1x128xi32, #tpu.memory_space<vmem>> -> memref<128xi32, #tpu.memory_space<vmem>>
          %dma_start3A_396 = arith.constant 0 : i32
          %dma_start3A_397 = arith.constant 0 : i32
          %dma_start3A_398 = tpu.memref_slice %arg13[%while3A_294, %dma_start3A_396, %dma_start3A_397] : memref<2x264x128xf32, #tpu.memory_space<vmem_shared>> -> memref<1x264x128xf32, #tpu.memory_space<vmem_shared>>
          %dma_start3A_399 = tpu.memref_squeeze %dma_start3A_398 : memref<1x264x128xf32, #tpu.memory_space<vmem_shared>> -> memref<264x128xf32, #tpu.memory_space<vmem_shared>>
          %dma_start3A_400 = arith.constant 0 : i32
          %dma_start3A_401 = arith.constant 0 : i32
          %dma_start3A_402 = tpu.memref_slice %dma_start3A_399[%dma_start3A_400, %dma_start3A_401] : memref<264x128xf32, #tpu.memory_space<vmem_shared>> -> memref<264x128xf32, #tpu.memory_space<vmem_shared>>
          tpu.enqueue_indirect_dma source(%dma_start3A_392 : memref<128x128xf32, #tpu.memory_space<vmem>>) target(%dma_start3A_402 : memref<264x128xf32, #tpu.memory_space<vmem_shared>>) offsets(%dma_start3A_395 : memref<128xi32, #tpu.memory_space<vmem>>) semaphore(%run_scoped3A_388 : memref<!tpu.dma_semaphore, #tpu.memory_space<semaphore_mem>>) {add = true}
          %dma_wait3A_403 = arith.constant 0 : i32
          %dma_wait3A_404 = arith.constant 0 : i32
          %dma_wait3A_405 = tpu.memref_slice %arg10[%run_scoped3A_379, %dma_wait3A_403, %dma_wait3A_404] : memref<2x128x128xf32, #tpu.memory_space<vmem>> -> memref<1x128x128xf32, #tpu.memory_space<vmem>>
          %dma_wait3A_406 = tpu.memref_squeeze %dma_wait3A_405 : memref<1x128x128xf32, #tpu.memory_space<vmem>> -> memref<128x128xf32, #tpu.memory_space<vmem>>
          %dma_wait3A_407 = arith.constant 0 : i32
          %dma_wait3A_408 = tpu.memref_slice %arg9[%run_scoped3A_380, %dma_wait3A_407] : memref<2x128xi32, #tpu.memory_space<vmem>> -> memref<1x128xi32, #tpu.memory_space<vmem>>
          %dma_wait3A_409 = tpu.memref_squeeze %dma_wait3A_408 : memref<1x128xi32, #tpu.memory_space<vmem>> -> memref<128xi32, #tpu.memory_space<vmem>>
          %dma_wait3A_410 = arith.constant 0 : i32
          %dma_wait3A_411 = arith.constant 0 : i32
          %dma_wait3A_412 = tpu.memref_slice %arg13[%while3A_294, %dma_wait3A_410, %dma_wait3A_411] : memref<2x264x128xf32, #tpu.memory_space<vmem_shared>> -> memref<1x264x128xf32, #tpu.memory_space<vmem_shared>>
          %dma_wait3A_413 = tpu.memref_squeeze %dma_wait3A_412 : memref<1x264x128xf32, #tpu.memory_space<vmem_shared>> -> memref<264x128xf32, #tpu.memory_space<vmem_shared>>
          %dma_wait3A_414 = arith.constant 0 : i32
          %dma_wait3A_415 = arith.constant 0 : i32
          %dma_wait3A_416 = tpu.memref_slice %dma_wait3A_413[%dma_wait3A_414, %dma_wait3A_415] : memref<264x128xf32, #tpu.memory_space<vmem_shared>> -> memref<264x128xf32, #tpu.memory_space<vmem_shared>>
          tpu.wait_indirect_dma semaphore(%run_scoped3A_388 : memref<!tpu.dma_semaphore, #tpu.memory_space<semaphore_mem>>) src(%dma_wait3A_406 : memref<128x128xf32, #tpu.memory_space<vmem>>) dst(%dma_wait3A_416 : memref<264x128xf32, #tpu.memory_space<vmem_shared>>)
          tpu.yield
        }) : () -> ()
        %run_scoped3A_381 = arith.constant 1 : i32
        "tpu.region"() ({
          %run_scoped3A_388 = tpu.sem_alloc : memref<!tpu.dma_semaphore, #tpu.memory_space<semaphore_mem>>
          %dma_start3A_389 = arith.constant 0 : i32
          %dma_start3A_390 = tpu.memref_slice %arg9[%run_scoped3A_381, %dma_start3A_389] : memref<2x128xi32, #tpu.memory_space<vmem>> -> memref<1x128xi32, #tpu.memory_space<vmem>>
          %dma_start3A_391 = tpu.memref_squeeze %dma_start3A_390 : memref<1x128xi32, #tpu.memory_space<vmem>> -> memref<128xi32, #tpu.memory_space<vmem>>
          %dma_start3A_392 = arith.constant 0 : i32
          %dma_start3A_393 = tpu.memref_slice %arg15[%dma_start3A_392] : memref<384xf32, #tpu.memory_space<vmem_shared>> -> memref<384xf32, #tpu.memory_space<vmem_shared>>
          tpu.enqueue_indirect_dma source(%arg11 : memref<128xf32, #tpu.memory_space<vmem>>) target(%dma_start3A_393 : memref<384xf32, #tpu.memory_space<vmem_shared>>) offsets(%dma_start3A_391 : memref<128xi32, #tpu.memory_space<vmem>>) semaphore(%run_scoped3A_388 : memref<!tpu.dma_semaphore, #tpu.memory_space<semaphore_mem>>) {add = true}
          %dma_wait3A_394 = arith.constant 0 : i32
          %dma_wait3A_395 = tpu.memref_slice %arg9[%run_scoped3A_381, %dma_wait3A_394] : memref<2x128xi32, #tpu.memory_space<vmem>> -> memref<1x128xi32, #tpu.memory_space<vmem>>
          %dma_wait3A_396 = tpu.memref_squeeze %dma_wait3A_395 : memref<1x128xi32, #tpu.memory_space<vmem>> -> memref<128xi32, #tpu.memory_space<vmem>>
          %dma_wait3A_397 = arith.constant 0 : i32
          %dma_wait3A_398 = tpu.memref_slice %arg15[%dma_wait3A_397] : memref<384xf32, #tpu.memory_space<vmem_shared>> -> memref<384xf32, #tpu.memory_space<vmem_shared>>
          tpu.wait_indirect_dma semaphore(%run_scoped3A_388 : memref<!tpu.dma_semaphore, #tpu.memory_space<semaphore_mem>>) src(%arg11 : memref<128xf32, #tpu.memory_space<vmem>>) dst(%dma_wait3A_398 : memref<384xf32, #tpu.memory_space<vmem_shared>>)
          tpu.yield
        }) : () -> ()
        %add3A_382 = arith.constant 2 : i32
        %add3A_383 = arith.addi %add3A_330, %add3A_382 : i32
        %lt3A_384 = arith.cmpi slt, %add3A_383, %select_n3A_195 : i32
        %convert_element_type3A_385 = arith.extui %lt3A_384 : i1 to i32
        %cond3A_386 = arith.constant 0 : i32
        %cond3A_387 = arith.cmpi ne, %convert_element_type3A_385, %cond3A_386 : i32
        scf.if %cond3A_387 {
          %add3A_388 = arith.constant 2 : i32
          %add3A_389 = arith.addi %add3A_330, %add3A_388 : i32
          %mul3A_390 = arith.constant 32 : i32
          %mul3A_391 = arith.muli %add3A_389, %mul3A_390 : i32
          %add3A_392 = arith.addi %add3A, %mul3A_391 : i32
          %eq3A_393 = arith.constant 390 : i32
          %eq3A_394 = arith.cmpi eq, %add3A_392, %eq3A_393 : i32
          %mul3A_395 = arith.constant 128 : i32
          %mul3A_396 = arith.muli %add3A_392, %mul3A_395 : i32
          %jit3A_397 = arith.constant 49872 : i32
          %select_n3A_398 = arith.select %eq3A_394, %jit3A_397, %mul3A_396 : i32
          %dma_start3A_399 = arith.constant 1 : i32
          %dma_start3A_400 = arith.constant 1 : i32
          %dma_start3A_401 = arith.constant 0 : i32
          %dma_start3A_402 = tpu.memref_slice %arg9[%dma_start3A_399, %dma_start3A_401] : memref<2x128xi32, #tpu.memory_space<vmem>> -> memref<1x128xi32, #tpu.memory_space<vmem>>
          %dma_start3A_403 = tpu.memref_squeeze %dma_start3A_402 : memref<1x128xi32, #tpu.memory_space<vmem>> -> memref<128xi32, #tpu.memory_space<vmem>>
          %dma_start3A_404 = tpu.memref_slice %arg5[%select_n3A_398] : memref<50000xi32, #tpu.memory_space<hbm>> -> memref<128xi32, #tpu.memory_space<hbm>>
          %dma_start3A_405 = tpu.memref_slice %arg16[%dma_start3A_400] : memref<2x!tpu.dma_semaphore, #tpu.memory_space<semaphore_mem>> -> memref<1x!tpu.dma_semaphore, #tpu.memory_space<semaphore_mem>>
          %dma_start3A_406 = tpu.memref_squeeze %dma_start3A_405 : memref<1x!tpu.dma_semaphore, #tpu.memory_space<semaphore_mem>> -> memref<!tpu.dma_semaphore, #tpu.memory_space<semaphore_mem>>
          %dma_start3A_407 = arith.constant 0 : i32
          %dma_start3A_408 = tpu.memref_slice %arg9[%dma_start3A_399, %dma_start3A_407] : memref<2x128xi32, #tpu.memory_space<vmem>> -> memref<1x128xi32, #tpu.memory_space<vmem>>
          %dma_start3A_409 = tpu.memref_squeeze %dma_start3A_408 : memref<1x128xi32, #tpu.memory_space<vmem>> -> memref<128xi32, #tpu.memory_space<vmem>>
          %dma_start3A_410 = tpu.memref_slice %arg5[%select_n3A_398] : memref<50000xi32, #tpu.memory_space<hbm>> -> memref<128xi32, #tpu.memory_space<hbm>>
          tpu.enqueue_dma source(%dma_start3A_410 : memref<128xi32, #tpu.memory_space<hbm>>) target(%dma_start3A_409 : memref<128xi32, #tpu.memory_space<vmem>>) target_semaphore(%dma_start3A_406 : memref<!tpu.dma_semaphore, #tpu.memory_space<semaphore_mem>>)
          %dma_start3A_411 = arith.constant 1 : i32
          %dma_start3A_412 = arith.constant 1 : i32
          %dma_start3A_413 = arith.constant 0 : i32
          %dma_start3A_414 = arith.constant 0 : i32
          %dma_start3A_415 = tpu.memref_slice %arg10[%dma_start3A_411, %dma_start3A_413, %dma_start3A_414] : memref<2x128x128xf32, #tpu.memory_space<vmem>> -> memref<1x128x128xf32, #tpu.memory_space<vmem>>
          %dma_start3A_416 = tpu.memref_squeeze %dma_start3A_415 : memref<1x128x128xf32, #tpu.memory_space<vmem>> -> memref<128x128xf32, #tpu.memory_space<vmem>>
          %dma_start3A_417 = arith.constant 0 : i32
          %dma_start3A_418 = tpu.memref_slice %arg4[%select_n3A_398, %dma_start3A_417] : memref<50000x128xf32, #tpu.memory_space<hbm>> -> memref<128x128xf32, #tpu.memory_space<hbm>>
          %dma_start3A_419 = tpu.memref_slice %arg16[%dma_start3A_412] : memref<2x!tpu.dma_semaphore, #tpu.memory_space<semaphore_mem>> -> memref<1x!tpu.dma_semaphore, #tpu.memory_space<semaphore_mem>>
          %dma_start3A_420 = tpu.memref_squeeze %dma_start3A_419 : memref<1x!tpu.dma_semaphore, #tpu.memory_space<semaphore_mem>> -> memref<!tpu.dma_semaphore, #tpu.memory_space<semaphore_mem>>
          %dma_start3A_421 = arith.constant 0 : i32
          %dma_start3A_422 = arith.constant 0 : i32
          %dma_start3A_423 = tpu.memref_slice %arg10[%dma_start3A_411, %dma_start3A_421, %dma_start3A_422] : memref<2x128x128xf32, #tpu.memory_space<vmem>> -> memref<1x128x128xf32, #tpu.memory_space<vmem>>
          %dma_start3A_424 = tpu.memref_squeeze %dma_start3A_423 : memref<1x128x128xf32, #tpu.memory_space<vmem>> -> memref<128x128xf32, #tpu.memory_space<vmem>>
          %dma_start3A_425 = arith.constant 0 : i32
          %dma_start3A_426 = tpu.memref_slice %arg4[%select_n3A_398, %dma_start3A_425] : memref<50000x128xf32, #tpu.memory_space<hbm>> -> memref<128x128xf32, #tpu.memory_space<hbm>>
          tpu.enqueue_dma source(%dma_start3A_426 : memref<128x128xf32, #tpu.memory_space<hbm>>) target(%dma_start3A_424 : memref<128x128xf32, #tpu.memory_space<vmem>>) target_semaphore(%dma_start3A_420 : memref<!tpu.dma_semaphore, #tpu.memory_space<semaphore_mem>>)
        } else {
        }
      } else {
      }
      %while3A_335 = arith.constant 0 : i32
      scf.yield %while3A_335 : i32
    }
    %barrier3A_307 = arith.constant 0 : index
    tpu.barrier barrier_id(%barrier3A_307)
    %mul3A_308 = arith.constant 16 : i32
    %mul3A_309 = arith.muli %arg1, %mul3A_308 : i32
    %run_scoped3A = arith.constant 0 : i32
    %run_scoped3A_310 = arith.constant 0 : i32
    "tpu.region"() ({
      %run_scoped3A_318 = tpu.sem_alloc : memref<!tpu.dma_semaphore, #tpu.memory_space<semaphore_mem>>
      %dma_start3A_319 = arith.constant 0 : i32
      %dma_start3A_320 = tpu.memref_slice %arg7[%arg0, %run_scoped3A_310, %mul3A_309, %dma_start3A_319] : memref<2x2x264x128xf32, #tpu.memory_space<hbm>> -> memref<1x1x16x128xf32, #tpu.memory_space<hbm>>
      %dma_start3A_321 = tpu.memref_squeeze %dma_start3A_320 : memref<1x1x16x128xf32, #tpu.memory_space<hbm>> -> memref<16x128xf32, #tpu.memory_space<hbm>>
      %dma_start3A_322 = arith.constant 0 : i32
      %dma_start3A_323 = tpu.memref_slice %arg13[%run_scoped3A, %mul3A_309, %dma_start3A_322] : memref<2x264x128xf32, #tpu.memory_space<vmem_shared>> -> memref<1x16x128xf32, #tpu.memory_space<vmem_shared>>
      %dma_start3A_324 = tpu.memref_squeeze %dma_start3A_323 : memref<1x16x128xf32, #tpu.memory_space<vmem_shared>> -> memref<16x128xf32, #tpu.memory_space<vmem_shared>>
      tpu.enqueue_dma source(%dma_start3A_324 : memref<16x128xf32, #tpu.memory_space<vmem_shared>>) target(%dma_start3A_321 : memref<16x128xf32, #tpu.memory_space<hbm>>) target_semaphore(%run_scoped3A_318 : memref<!tpu.dma_semaphore, #tpu.memory_space<semaphore_mem>>)
      %dma_wait3A = arith.constant 0 : i32
      %dma_wait3A_325 = tpu.memref_slice %arg7[%arg0, %run_scoped3A_310, %mul3A_309, %dma_wait3A] : memref<2x2x264x128xf32, #tpu.memory_space<hbm>> -> memref<1x1x16x128xf32, #tpu.memory_space<hbm>>
      %dma_wait3A_326 = tpu.memref_squeeze %dma_wait3A_325 : memref<1x1x16x128xf32, #tpu.memory_space<hbm>> -> memref<16x128xf32, #tpu.memory_space<hbm>>
      %dma_wait3A_327 = arith.constant 0 : i32
      %dma_wait3A_328 = tpu.memref_slice %arg13[%run_scoped3A, %mul3A_309, %dma_wait3A_327] : memref<2x264x128xf32, #tpu.memory_space<vmem_shared>> -> memref<1x16x128xf32, #tpu.memory_space<vmem_shared>>
      %dma_wait3A_329 = tpu.memref_squeeze %dma_wait3A_328 : memref<1x16x128xf32, #tpu.memory_space<vmem_shared>> -> memref<16x128xf32, #tpu.memory_space<vmem_shared>>
      tpu.wait_dma2 semaphore(%run_scoped3A_318 : memref<!tpu.dma_semaphore, #tpu.memory_space<semaphore_mem>>) src(%dma_wait3A_329 : memref<16x128xf32, #tpu.memory_space<vmem_shared>>) dst(%dma_wait3A_326 : memref<16x128xf32, #tpu.memory_space<hbm>>)
      tpu.yield
    }) : () -> ()
    %run_scoped3A_311 = arith.constant 1 : i32
    %run_scoped3A_312 = arith.constant 1 : i32
    "tpu.region"() ({
      %run_scoped3A_318 = tpu.sem_alloc : memref<!tpu.dma_semaphore, #tpu.memory_space<semaphore_mem>>
      %dma_start3A_319 = arith.constant 0 : i32
      %dma_start3A_320 = tpu.memref_slice %arg7[%arg0, %run_scoped3A_312, %mul3A_309, %dma_start3A_319] : memref<2x2x264x128xf32, #tpu.memory_space<hbm>> -> memref<1x1x16x128xf32, #tpu.memory_space<hbm>>
      %dma_start3A_321 = tpu.memref_squeeze %dma_start3A_320 : memref<1x1x16x128xf32, #tpu.memory_space<hbm>> -> memref<16x128xf32, #tpu.memory_space<hbm>>
      %dma_start3A_322 = arith.constant 0 : i32
      %dma_start3A_323 = tpu.memref_slice %arg13[%run_scoped3A_311, %mul3A_309, %dma_start3A_322] : memref<2x264x128xf32, #tpu.memory_space<vmem_shared>> -> memref<1x16x128xf32, #tpu.memory_space<vmem_shared>>
      %dma_start3A_324 = tpu.memref_squeeze %dma_start3A_323 : memref<1x16x128xf32, #tpu.memory_space<vmem_shared>> -> memref<16x128xf32, #tpu.memory_space<vmem_shared>>
      tpu.enqueue_dma source(%dma_start3A_324 : memref<16x128xf32, #tpu.memory_space<vmem_shared>>) target(%dma_start3A_321 : memref<16x128xf32, #tpu.memory_space<hbm>>) target_semaphore(%run_scoped3A_318 : memref<!tpu.dma_semaphore, #tpu.memory_space<semaphore_mem>>)
      %dma_wait3A = arith.constant 0 : i32
      %dma_wait3A_325 = tpu.memref_slice %arg7[%arg0, %run_scoped3A_312, %mul3A_309, %dma_wait3A] : memref<2x2x264x128xf32, #tpu.memory_space<hbm>> -> memref<1x1x16x128xf32, #tpu.memory_space<hbm>>
      %dma_wait3A_326 = tpu.memref_squeeze %dma_wait3A_325 : memref<1x1x16x128xf32, #tpu.memory_space<hbm>> -> memref<16x128xf32, #tpu.memory_space<hbm>>
      %dma_wait3A_327 = arith.constant 0 : i32
      %dma_wait3A_328 = tpu.memref_slice %arg13[%run_scoped3A_311, %mul3A_309, %dma_wait3A_327] : memref<2x264x128xf32, #tpu.memory_space<vmem_shared>> -> memref<1x16x128xf32, #tpu.memory_space<vmem_shared>>
      %dma_wait3A_329 = tpu.memref_squeeze %dma_wait3A_328 : memref<1x16x128xf32, #tpu.memory_space<vmem_shared>> -> memref<16x128xf32, #tpu.memory_space<vmem_shared>>
      tpu.wait_dma2 semaphore(%run_scoped3A_318 : memref<!tpu.dma_semaphore, #tpu.memory_space<semaphore_mem>>) src(%dma_wait3A_329 : memref<16x128xf32, #tpu.memory_space<vmem_shared>>) dst(%dma_wait3A_326 : memref<16x128xf32, #tpu.memory_space<hbm>>)
      tpu.yield
    }) : () -> ()
    %eq3A_313 = arith.constant 0 : i32
    %eq3A_314 = arith.cmpi eq, %arg1, %eq3A_313 : i32
    %convert_element_type3A_315 = arith.extui %eq3A_314 : i1 to i32
    %cond3A_316 = arith.constant 0 : i32
    %cond3A_317 = arith.cmpi ne, %convert_element_type3A_315, %cond3A_316 : i32
    scf.if %cond3A_317 {
      %mul3A_318 = arith.constant 2 : i32
      %mul3A_319 = arith.muli %arg0, %mul3A_318 : i32
      %add3A_320 = arith.constant 0 : i32
      %add3A_321 = arith.addi %mul3A_319, %add3A_320 : i32
      %mul3A_322 = arith.constant 384 : i32
      %mul3A_323 = arith.muli %add3A_321, %mul3A_322 : i32
      "tpu.region"() ({
        %run_scoped3A_330 = tpu.sem_alloc : memref<!tpu.dma_semaphore, #tpu.memory_space<semaphore_mem>>
        %dma_start3A_331 = tpu.memref_slice %arg8[%mul3A_323] : memref<1536xf32, #tpu.memory_space<hbm>> -> memref<384xf32, #tpu.memory_space<hbm>>
        tpu.enqueue_dma source(%arg14 : memref<384xf32, #tpu.memory_space<vmem_shared>>) target(%dma_start3A_331 : memref<384xf32, #tpu.memory_space<hbm>>) target_semaphore(%run_scoped3A_330 : memref<!tpu.dma_semaphore, #tpu.memory_space<semaphore_mem>>)
        %dma_wait3A = tpu.memref_slice %arg8[%mul3A_323] : memref<1536xf32, #tpu.memory_space<hbm>> -> memref<384xf32, #tpu.memory_space<hbm>>
        tpu.wait_dma2 semaphore(%run_scoped3A_330 : memref<!tpu.dma_semaphore, #tpu.memory_space<semaphore_mem>>) src(%arg14 : memref<384xf32, #tpu.memory_space<vmem_shared>>) dst(%dma_wait3A : memref<384xf32, #tpu.memory_space<hbm>>)
        tpu.yield
      }) : () -> ()
      %mul3A_324 = arith.constant 2 : i32
      %mul3A_325 = arith.muli %arg0, %mul3A_324 : i32
      %add3A_326 = arith.constant 1 : i32
      %add3A_327 = arith.addi %mul3A_325, %add3A_326 : i32
      %mul3A_328 = arith.constant 384 : i32
      %mul3A_329 = arith.muli %add3A_327, %mul3A_328 : i32
      "tpu.region"() ({
        %run_scoped3A_330 = tpu.sem_alloc : memref<!tpu.dma_semaphore, #tpu.memory_space<semaphore_mem>>
        %dma_start3A_331 = tpu.memref_slice %arg8[%mul3A_329] : memref<1536xf32, #tpu.memory_space<hbm>> -> memref<384xf32, #tpu.memory_space<hbm>>
        tpu.enqueue_dma source(%arg15 : memref<384xf32, #tpu.memory_space<vmem_shared>>) target(%dma_start3A_331 : memref<384xf32, #tpu.memory_space<hbm>>) target_semaphore(%run_scoped3A_330 : memref<!tpu.dma_semaphore, #tpu.memory_space<semaphore_mem>>)
        %dma_wait3A = tpu.memref_slice %arg8[%mul3A_329] : memref<1536xf32, #tpu.memory_space<hbm>> -> memref<384xf32, #tpu.memory_space<hbm>>
        tpu.wait_dma2 semaphore(%run_scoped3A_330 : memref<!tpu.dma_semaphore, #tpu.memory_space<semaphore_mem>>) src(%arg15 : memref<384xf32, #tpu.memory_space<vmem_shared>>) dst(%dma_wait3A : memref<384xf32, #tpu.memory_space<hbm>>)
        tpu.yield
      }) : () -> ()
    } else {
    }
    return
  }
}

module attributes {stable_mosaic.version = 14 : i64} {
  func.func @_dense_body(%arg0: memref<2x2x264x128xf32, #tpu.memory_space<vmem>>, %arg1: memref<1536xf32, #tpu.memory_space<vmem>>, %arg2: memref<256x128xf32, #tpu.memory_space<vmem>>, %arg3: memref<128xf32, #tpu.memory_space<vmem>>, %arg4: memref<128x2xf32, #tpu.memory_space<vmem>>, %arg5: memref<2xf32, #tpu.memory_space<vmem>>, %arg6: memref<128x128xf32, #tpu.memory_space<vmem>>, %arg7: memref<128xf32, #tpu.memory_space<vmem>>, %arg8: memref<128xf32, #tpu.memory_space<vmem>>, %arg9: memref<128xf32, #tpu.memory_space<vmem>>, %arg10: memref<256x128xf32, #tpu.memory_space<vmem>>) attributes {dimension_semantics = [], scalar_prefetch = 0 : i64, scratch_operands = 0 : i64, tpu.core_type = #tpu.core_type<tc>} {
    %get3A = arith.constant 0 : index
    %get3A_0 = arith.constant 0 : index
    %get3A_1 = arith.constant 0 : index
    %get3A_2 = arith.constant 0 : index
    %get3A_3 = vector.load %arg0[%get3A, %get3A_0, %get3A_1, %get3A_2] : memref<2x2x264x128xf32, #tpu.memory_space<vmem>>, vector<1x1x256x128xf32>
    %get3A_4 = vector.shape_cast %get3A_3 : vector<1x1x256x128xf32> to vector<256x128xf32>
    %get3A_5 = arith.constant 1 : index
    %get3A_6 = arith.constant 0 : index
    %get3A_7 = arith.constant 0 : index
    %get3A_8 = arith.constant 0 : index
    %get3A_9 = vector.load %arg0[%get3A_5, %get3A_6, %get3A_7, %get3A_8] : memref<2x2x264x128xf32, #tpu.memory_space<vmem>>, vector<1x1x256x128xf32>
    %get3A_10 = vector.shape_cast %get3A_9 : vector<1x1x256x128xf32> to vector<256x128xf32>
    %add3A = arith.addf %get3A_4, %get3A_10 : vector<256x128xf32>
    %get3A_11 = arith.constant 0 : index
    %get3A_12 = arith.constant 1 : index
    %get3A_13 = arith.constant 0 : index
    %get3A_14 = arith.constant 0 : index
    %get3A_15 = vector.load %arg0[%get3A_11, %get3A_12, %get3A_13, %get3A_14] : memref<2x2x264x128xf32, #tpu.memory_space<vmem>>, vector<1x1x256x128xf32>
    %get3A_16 = vector.shape_cast %get3A_15 : vector<1x1x256x128xf32> to vector<256x128xf32>
    %get3A_17 = arith.constant 1 : index
    %get3A_18 = arith.constant 1 : index
    %get3A_19 = arith.constant 0 : index
    %get3A_20 = arith.constant 0 : index
    %get3A_21 = vector.load %arg0[%get3A_17, %get3A_18, %get3A_19, %get3A_20] : memref<2x2x264x128xf32, #tpu.memory_space<vmem>>, vector<1x1x256x128xf32>
    %get3A_22 = vector.shape_cast %get3A_21 : vector<1x1x256x128xf32> to vector<256x128xf32>
    %add3A_23 = arith.addf %get3A_16, %get3A_22 : vector<256x128xf32>
    %get3A_24 = arith.constant 0 : index
    %get3A_25 = vector.load %arg1[%get3A_24] : memref<1536xf32, #tpu.memory_space<vmem>>, vector<256xf32>
    %get3A_26 = arith.constant 768 : index
    %get3A_27 = vector.load %arg1[%get3A_26] : memref<1536xf32, #tpu.memory_space<vmem>>, vector<256xf32>
    %add3A_28 = arith.addf %get3A_25, %get3A_27 : vector<256xf32>
    %reshape3A = vector.shape_cast %add3A_28 : vector<256xf32> to vector<256x1xf32>
    %get3A_29 = arith.constant 384 : index
    %get3A_30 = vector.load %arg1[%get3A_29] : memref<1536xf32, #tpu.memory_space<vmem>>, vector<256xf32>
    %get3A_31 = arith.constant 1152 : index
    %get3A_32 = vector.load %arg1[%get3A_31] : memref<1536xf32, #tpu.memory_space<vmem>>, vector<256xf32>
    %add3A_33 = arith.addf %get3A_30, %get3A_32 : vector<256xf32>
    %reshape3A_34 = vector.shape_cast %add3A_33 : vector<256xf32> to vector<256x1xf32>
    %max3A = arith.constant 1.000000e+00 : f32
    %max3A_35 = vector.broadcast %max3A : f32 to vector<256x1xf32>
    %max3A_36 = arith.maximumf %reshape3A, %max3A_35 : vector<256x1xf32>
    %div3A = vector.broadcast %max3A_36 : vector<256x1xf32> to vector<256x128xf32>
    %div3A_37 = arith.divf %add3A, %div3A : vector<256x128xf32>
    %max3A_38 = arith.constant 1.000000e+00 : f32
    %max3A_39 = vector.broadcast %max3A_38 : f32 to vector<256x1xf32>
    %max3A_40 = arith.maximumf %reshape3A_34, %max3A_39 : vector<256x1xf32>
    %div3A_41 = vector.broadcast %max3A_40 : vector<256x1xf32> to vector<256x128xf32>
    %div3A_42 = arith.divf %add3A_23, %div3A_41 : vector<256x128xf32>
    %get3A_43 = arith.constant 0 : index
    %get3A_44 = arith.constant 0 : index
    %get3A_45 = vector.load %arg2[%get3A_43, %get3A_44] : memref<256x128xf32, #tpu.memory_space<vmem>>, vector<128x128xf32>
    %dot_general3A = arith.constant dense<0.000000e+00> : vector<256x128xf32>
    %dot_general3A_46 = tpu.matmul %div3A_37, %get3A_45, %dot_general3A {dimension_numbers = #tpu.dot_dimension_numbers<[1], [0], [0], [1], [0, 0, 1, 1], [], []>, transpose_lhs_hint = false} : vector<256x128xf32>, vector<128x128xf32>, vector<256x128xf32> -> vector<256x128xf32>
    %get3A_47 = arith.constant 128 : index
    %get3A_48 = arith.constant 0 : index
    %get3A_49 = vector.load %arg2[%get3A_47, %get3A_48] : memref<256x128xf32, #tpu.memory_space<vmem>>, vector<128x128xf32>
    %dot_general3A_50 = arith.constant dense<0.000000e+00> : vector<256x128xf32>
    %dot_general3A_51 = tpu.matmul %div3A_42, %get3A_49, %dot_general3A_50 {dimension_numbers = #tpu.dot_dimension_numbers<[1], [0], [0], [1], [0, 0, 1, 1], [], []>, transpose_lhs_hint = false} : vector<256x128xf32>, vector<128x128xf32>, vector<256x128xf32> -> vector<256x128xf32>
    %add3A_52 = arith.addf %dot_general3A_46, %dot_general3A_51 : vector<256x128xf32>
    %get3A_53 = arith.constant 0 : index
    %get3A_54 = vector.load %arg3[%get3A_53] : memref<128xf32, #tpu.memory_space<vmem>>, vector<128xf32>
    %broadcast_in_dim3A = vector.shape_cast %get3A_54 : vector<128xf32> to vector<1x128xf32>
    %add3A_55 = vector.broadcast %broadcast_in_dim3A : vector<1x128xf32> to vector<256x128xf32>
    %add3A_56 = arith.addf %add3A_52, %add3A_55 : vector<256x128xf32>
    %max3A_57 = arith.constant 0.000000e+00 : f32
    %max3A_58 = vector.broadcast %max3A_57 : f32 to vector<256x128xf32>
    %max3A_59 = arith.maximumf %add3A_56, %max3A_58 : vector<256x128xf32>
    %get3A_60 = arith.constant 0 : index
    %get3A_61 = arith.constant 1 : index
    %get3A_62 = vector.load %arg4[%get3A_60, %get3A_61] : memref<128x2xf32, #tpu.memory_space<vmem>>, vector<128x1xf32>
    %get3A_63 = arith.constant 0 : index
    %get3A_64 = arith.constant 0 : index
    %get3A_65 = vector.load %arg4[%get3A_63, %get3A_64] : memref<128x2xf32, #tpu.memory_space<vmem>>, vector<128x1xf32>
    %sub3A = arith.subf %get3A_62, %get3A_65 : vector<128x1xf32>
    %dot_general3A_66 = arith.constant dense<0.000000e+00> : vector<256x1xf32>
    %dot_general3A_67 = tpu.matmul %max3A_59, %sub3A, %dot_general3A_66 {dimension_numbers = #tpu.dot_dimension_numbers<[1], [0], [0], [1], [0, 0, 1, 1], [], []>, transpose_lhs_hint = false} : vector<256x128xf32>, vector<128x1xf32>, vector<256x1xf32> -> vector<256x1xf32>
    %get3A_68 = arith.constant 1 : index
    %get3A_69 = vector.load %arg5[%get3A_68] : memref<2xf32, #tpu.memory_space<vmem>>, vector<1xf32>
    %get3A_70 = arith.constant 0 : index
    %get3A_71 = vector.load %arg5[%get3A_70] : memref<2xf32, #tpu.memory_space<vmem>>, vector<1xf32>
    %sub3A_72 = arith.subf %get3A_69, %get3A_71 : vector<1xf32>
    %broadcast_in_dim3A_73 = vector.shape_cast %sub3A_72 : vector<1xf32> to vector<1x1xf32>
    %add3A_74 = vector.broadcast %broadcast_in_dim3A_73 : vector<1x1xf32> to vector<256x1xf32>
    %add3A_75 = arith.addf %dot_general3A_67, %add3A_74 : vector<256x1xf32>
    %neg3A = arith.constant 0.000000e+00 : f32
    %neg3A_76 = vector.broadcast %neg3A : f32 to vector<256x1xf32>
    %neg3A_77 = arith.subf %neg3A_76, %add3A_75 : vector<256x1xf32>
    %exp3A = math.exp %neg3A_77 : vector<256x1xf32>
    %add3A_78 = arith.constant 1.000000e+00 : f32
    %add3A_79 = vector.broadcast %add3A_78 : f32 to vector<256x1xf32>
    %add3A_80 = arith.addf %add3A_79, %exp3A : vector<256x1xf32>
    %div3A_81 = arith.constant 1.000000e+00 : f32
    %div3A_82 = vector.broadcast %div3A_81 : f32 to vector<256x1xf32>
    %div3A_83 = arith.divf %div3A_82, %add3A_80 : vector<256x1xf32>
    %sub3A_84 = arith.constant 1.000000e+00 : f32
    %sub3A_85 = vector.broadcast %sub3A_84 : f32 to vector<256x1xf32>
    %sub3A_86 = arith.subf %sub3A_85, %div3A_83 : vector<256x1xf32>
    %mul3A = vector.broadcast %sub3A_86 : vector<256x1xf32> to vector<256x128xf32>
    %mul3A_87 = arith.mulf %mul3A, %div3A_37 : vector<256x128xf32>
    %mul3A_88 = vector.broadcast %div3A_83 : vector<256x1xf32> to vector<256x128xf32>
    %mul3A_89 = arith.mulf %mul3A_88, %div3A_42 : vector<256x128xf32>
    %add3A_90 = arith.addf %mul3A_87, %mul3A_89 : vector<256x128xf32>
    %get3A_91 = arith.constant 0 : index
    %get3A_92 = arith.constant 0 : index
    %get3A_93 = vector.load %arg6[%get3A_91, %get3A_92] : memref<128x128xf32, #tpu.memory_space<vmem>>, vector<128x128xf32>
    %dot_general3A_94 = arith.constant dense<0.000000e+00> : vector<256x128xf32>
    %dot_general3A_95 = tpu.matmul %add3A_90, %get3A_93, %dot_general3A_94 {dimension_numbers = #tpu.dot_dimension_numbers<[1], [0], [0], [1], [0, 0, 1, 1], [], []>, transpose_lhs_hint = false} : vector<256x128xf32>, vector<128x128xf32>, vector<256x128xf32> -> vector<256x128xf32>
    %get3A_96 = arith.constant 0 : index
    %get3A_97 = vector.load %arg7[%get3A_96] : memref<128xf32, #tpu.memory_space<vmem>>, vector<128xf32>
    %broadcast_in_dim3A_98 = vector.shape_cast %get3A_97 : vector<128xf32> to vector<1x128xf32>
    %add3A_99 = vector.broadcast %broadcast_in_dim3A_98 : vector<1x128xf32> to vector<256x128xf32>
    %add3A_100 = arith.addf %dot_general3A_95, %add3A_99 : vector<256x128xf32>
    %max3A_101 = arith.constant 0.000000e+00 : f32
    %max3A_102 = vector.broadcast %max3A_101 : f32 to vector<256x128xf32>
    %max3A_103 = arith.maximumf %add3A_100, %max3A_102 : vector<256x128xf32>
    %reduce_sum3A = arith.constant dense<0.000000e+00> : vector<256xf32>
    %reduce_sum3A_104 = vector.multi_reduction <add>, %max3A_103, %reduce_sum3A [1] : vector<256x128xf32> to vector<256xf32>
    %broadcast_in_dim3A_105 = vector.shape_cast %reduce_sum3A_104 : vector<256xf32> to vector<256x1xf32>
    %div3A_106 = arith.constant 1.280000e+02 : f32
    %div3A_107 = vector.broadcast %div3A_106 : f32 to vector<256x1xf32>
    %div3A_108 = arith.divf %broadcast_in_dim3A_105, %div3A_107 : vector<256x1xf32>
    %sub3A_109 = vector.broadcast %div3A_108 : vector<256x1xf32> to vector<256x128xf32>
    %sub3A_110 = arith.subf %max3A_103, %sub3A_109 : vector<256x128xf32>
    %integer_pow3A = arith.mulf %sub3A_110, %sub3A_110 : vector<256x128xf32>
    %reduce_sum3A_111 = arith.constant dense<0.000000e+00> : vector<256xf32>
    %reduce_sum3A_112 = vector.multi_reduction <add>, %integer_pow3A, %reduce_sum3A_111 [1] : vector<256x128xf32> to vector<256xf32>
    %broadcast_in_dim3A_113 = vector.shape_cast %reduce_sum3A_112 : vector<256xf32> to vector<256x1xf32>
    %div3A_114 = arith.constant 1.280000e+02 : f32
    %div3A_115 = vector.broadcast %div3A_114 : f32 to vector<256x1xf32>
    %div3A_116 = arith.divf %broadcast_in_dim3A_113, %div3A_115 : vector<256x1xf32>
    %sub3A_117 = vector.broadcast %div3A_108 : vector<256x1xf32> to vector<256x128xf32>
    %sub3A_118 = arith.subf %max3A_103, %sub3A_117 : vector<256x128xf32>
    %add3A_119 = arith.constant 9.99999974E-6 : f32
    %add3A_120 = vector.broadcast %add3A_119 : f32 to vector<256x1xf32>
    %add3A_121 = arith.addf %div3A_116, %add3A_120 : vector<256x1xf32>
    %rsqrt3A = math.rsqrt %add3A_121 : vector<256x1xf32>
    %mul3A_122 = vector.broadcast %rsqrt3A : vector<256x1xf32> to vector<256x128xf32>
    %mul3A_123 = arith.mulf %sub3A_118, %mul3A_122 : vector<256x128xf32>
    %get3A_124 = arith.constant 0 : index
    %get3A_125 = vector.load %arg8[%get3A_124] : memref<128xf32, #tpu.memory_space<vmem>>, vector<128xf32>
    %broadcast_in_dim3A_126 = vector.shape_cast %get3A_125 : vector<128xf32> to vector<1x128xf32>
    %mul3A_127 = vector.broadcast %broadcast_in_dim3A_126 : vector<1x128xf32> to vector<256x128xf32>
    %mul3A_128 = arith.mulf %mul3A_123, %mul3A_127 : vector<256x128xf32>
    %get3A_129 = arith.constant 0 : index
    %get3A_130 = vector.load %arg9[%get3A_129] : memref<128xf32, #tpu.memory_space<vmem>>, vector<128xf32>
    %broadcast_in_dim3A_131 = vector.shape_cast %get3A_130 : vector<128xf32> to vector<1x128xf32>
    %add3A_132 = vector.broadcast %broadcast_in_dim3A_131 : vector<1x128xf32> to vector<256x128xf32>
    %add3A_133 = arith.addf %mul3A_128, %add3A_132 : vector<256x128xf32>
    %swap3A = arith.constant 0 : index
    %swap3A_134 = arith.constant 0 : index
    %swap3A_135 = vector.load %arg10[%swap3A, %swap3A_134] : memref<256x128xf32, #tpu.memory_space<vmem>>, vector<256x128xf32>
    tpu.vector_store %arg10[%swap3A, %swap3A_134], %add3A_133 {strides = array<i32>} : memref<256x128xf32, #tpu.memory_space<vmem>>, vector<256x128xf32>,
    return
  }
}

</mosaic_0001>

<sc_bundles>
// kernel: kernel.4.cloned.1.call-start
scs
__scs_entry_jumppad:
0x0: {  	(pc) =	sbr.rel $0x88, $3  }
0x1: {  	(tag) =	ssettag $0x0;
	lr =	simm.s32 $0x1  }
0x2: {  	[smem:$0x3F95] =	sst lr;
	_ =	strace $0xD0000000  }
0x3: {  	_ = 	snop  }
0x4: {  	_ = 	snop  }
0x5: {  	_ = 	snop  }
0x6: {  	_ = 	snop  }
0x7: {  	_ = 	snop  }
__scs_overlays_trampoline_lowered:
0x8: {  	[smem:$0x3FA4] =	sst s0  }
0x9: {  	[smem:$0x3FA5] =	sst s1  }
0xa: {  	[smem:$0x3FA6] =	sst s2  }
0xb: {  	[smem:$0x3FA7] =	sst s3  }
0xc: {  	[smem:$0x3FA8] =	sst s4  }
0xd: {  	[smem:$0x3FA9] =	sst s5  }
0xe: {  	[smem:$0x3FAA] =	sst s6  }
0xf: {  	[smem:$0x3FAB] =	sst s7  }
0x10: {  	[smem:$0x3FAC] =	sst s8  }
0x11: {  	[smem:$0x3FAD] =	sst s9;
	s0 =	simm.s32 @!p0 $0x0  }
0x12: {  	s1 =	sld [smem:$0x3F93];
	s0 =	simm.s32 @p0 $0x1  }
0x13: {  	[smem:$0x3FAE] =	sst s0;
	s0 =	simm.s32 @!p1 $0x0  }
0x14: {  	s2 =	sld [smem:$0x3F92];
	s0 =	simm.s32 @p1 $0x1  }
0x15: {  	[smem:$0x3FAF] =	sst s0;
	s0 =	simm.s32 @!p2 $0x0  }
0x16: {  	s3 =	sld [smem:$0x3FDB];
	s0 =	simm.s32 @p2 $0x1  }
0x17: {  	s4 =	simm.s32 $0x1BF5;
	[smem:$0x3FB1] =	sst s0  }
0x18: {  	s0 =	sld [smem:$0x3F94];
	_ =	swait.ge [sflag:s4], $0x0  }
0x19: {  	s7 =	sld [smem:$0x3F95]  }
0x1a: {  	s8 =	sadd.s32 $0xFFFFE003, lr  }
0x1b: {  	s9 =	sadd.s32 $0xFFFFFEF7, lr;
	s5 =	simm.s32 $0xFFFFFFFF;
	p2 =	slt.u32 s8, $0xFFFFF086  }
0x1c: {  	p1 =	slt.u32 s9, $0xF7A;
	s5 =	simm.s32 @!p2 $0x0  }
0x1d: {  	s5 =	simm.s32 @p1 $0x1;
	p0 =	seq.s32 s7, s2  }
0x1e: {  	s7 =	smul.u32 @!p0 $0xF7A, s2;
	p2 =	seq.s32 @!p0 s5, $0x0  }
0x1f: {  	s9 =	smul.u32 $0xF7A, s1;
	s8 =	simm.s32 @!p0 $0x1BF5;
	p2 =	por !p2, p0  }
0x20: {  	[sflag:s8] =	ssyncset.s32 @!p0 $0xFFFFF086;
	s6 =	sadd.s32 @!p0 s3, s7;
	s7 =	simm.s32 @!p0 $0x108  }
0x21: {  	s3 =	sadd.s32 s3, s9;
	s6 =	sadd.s32 @!p0 $0x88, s6;
	s7 =	simm.s32 @p2 $0x1082  }
0x22: {  	[simem:s7], [sflag:s8] =	dma.local @!p0 [hbm:s6], $0xF7A  }
0x23: {  	s9 =	sor.u32 $0xD0000000, s2;
	s6 =	simm.s32 $0x108;
	_ =	swait.ge @!p0 [sflag:s8], $0x0  }
0x24: {  	s3 =	sadd.s32 $0x88, s3;
	s6 =	simm.s32 @!p1 $0x1082;
	[sflag:s4] =	ssyncset.s32 $0xFFFFF086  }
0x25: {  	[simem:s6], [sflag:s4] =	dma.local [hbm:s3], $0xF7A  }
0x26: {  	[smem:$0x3F95] =	sst s1;
	(tag) =	ssettag s2;
	_ =	strace s9  }
0x27: {  	s1 =	sld [smem:$0x3FA5]  }
0x28: {  	s2 =	sld [smem:$0x3FA6]  }
0x29: {  	s4 =	sld [smem:$0x3FA8]  }
0x2a: {  	p0 =	seq.s32 s5, $0x0;
	s5 =	sld [smem:$0x3FA9]  }
0x2b: {  	s6 =	sld [smem:$0x3FAA]  }
0x2c: {  	s7 =	sld [smem:$0x3FAB]  }
0x2d: {  	s3 =	simm.s32 $0x108;
	s8 =	sld [smem:$0x3FAC]  }
0x2e: {  	s3 =	simm.s32 @!p0 $0x1082;
	s9 =	sld [smem:$0x3FAD]  }
0x2f: {  	lr =	sadd.s32 s0, s3;
	s0 =	sld [smem:$0x3FA4]  }
0x30: {  	s3 =	sld [smem:$0x3FA7]  }
0x31: {  	[smem:$0x3FB0] =	sst s10  }
0x32: {  	s10 =	sld [smem:$0x3FAE];
	_ =	sdelay $0x3  }
0x33: {  	p0 =	seq.s32 s10, $0x1;
	s10 =	sld [smem:$0x3FB0];
	_ =	sdelay $0x3  }
0x34: {  	[smem:$0x3FB0] =	sst s10  }
0x35: {  	s10 =	sld [smem:$0x3FAF];
	_ =	sdelay $0x3  }
0x36: {  	p1 =	seq.s32 s10, $0x1;
	s10 =	sld [smem:$0x3FB0];
	_ =	sdelay $0x3  }
0x37: {  	[smem:$0x3FB0] =	sst s10  }
0x38: {  	s10 =	sld [smem:$0x3FB1]  }
0x39: {  	_ = 	snop;
	(pc) =	sbr.ind lr, $3  }
0x3a: {  	_ = 	snop  }
0x3b: {  	_ = 	snop  }
0x3c: {  	p2 =	seq.s32 s10, $0x1;
	s10 =	sld [smem:$0x3FB0]  }
0x3d: {  	_ =	shalt  }
0x3e: {  	_ =	shalt  }
0x3f: {  	_ =	shalt  }
0x40: {  	_ =	shalt  }
0x41: {  	_ =	shalt  }
0x42: {  	_ =	shalt  }
0x43: {  	_ =	shalt  }
0x44: {  	_ =	shalt  }
0x45: {  	_ =	shalt  }
0x46: {  	_ =	shalt  }
0x47: {  	_ =	shalt  }
0x48: {  	_ =	shalt  }
0x49: {  	_ =	shalt  }
0x4a: {  	_ =	shalt  }
0x4b: {  	_ =	shalt  }
0x4c: {  	_ =	shalt  }
0x4d: {  	_ =	shalt  }
0x4e: {  	_ =	shalt  }
0x4f: {  	_ =	shalt  }
0x50: {  	_ =	shalt  }
0x51: {  	_ =	shalt  }
0x52: {  	_ =	shalt  }
0x53: {  	_ =	shalt  }
0x54: {  	_ =	shalt  }
0x55: {  	_ =	shalt  }
0x56: {  	_ =	shalt  }
0x57: {  	_ =	shalt  }
0x58: {  	_ =	shalt  }
0x59: {  	_ =	shalt  }
0x5a: {  	_ =	shalt  }
0x5b: {  	_ =	shalt  }
0x5c: {  	_ =	shalt  }
0x5d: {  	_ =	shalt  }
0x5e: {  	_ =	shalt  }
0x5f: {  	_ =	shalt  }
0x60: {  	_ =	shalt  }
0x61: {  	_ =	shalt  }
0x62: {  	_ =	shalt  }
0x63: {  	_ =	shalt  }
0x64: {  	_ =	shalt  }
0x65: {  	_ =	shalt  }
0x66: {  	_ =	shalt  }
0x67: {  	_ =	shalt  }
0x68: {  	_ =	shalt  }
0x69: {  	_ =	shalt  }
0x6a: {  	_ =	shalt  }
0x6b: {  	_ =	shalt  }
0x6c: {  	_ =	shalt  }
0x6d: {  	_ =	shalt  }
0x6e: {  	_ =	shalt  }
0x6f: {  	_ =	shalt  }
0x70: {  	_ =	shalt  }
0x71: {  	_ =	shalt  }
0x72: {  	_ =	shalt  }
0x73: {  	_ =	shalt  }
0x74: {  	_ =	shalt  }
0x75: {  	_ =	shalt  }
0x76: {  	_ =	shalt  }
0x77: {  	_ =	shalt  }
0x78: {  	_ =	shalt  }
0x79: {  	_ =	shalt  }
0x7a: {  	_ =	shalt  }
0x7b: {  	_ =	shalt  }
0x7c: {  	_ =	shalt  }
0x7d: {  	_ =	shalt  }
0x7e: {  	_ =	shalt  }
0x7f: {  	_ =	shalt  }
0x80: {  	_ =	shalt  }
0x81: {  	_ =	shalt  }
0x82: {  	_ =	shalt  }
0x83: {  	_ =	shalt  }
0x84: {  	_ =	shalt  }
0x85: {  	_ =	shalt  }
0x86: {  	_ =	shalt  }
0x87: {  	_ =	shalt  }
.Lfunc_end0:
.L_simem_size_0:
called_computation_lowered:
.L_overlay_start_0:
0x88: {  	s2 =	sld [smem:$0x3FD9]  }
0x89: {  	s3 =	sld [smem:$0x3FFE];
	_ =	sdelay $0x1  }
0x8a: {  	s1 =	srdreg.scid  }
0x8b: {  	s0 =	sand.u32 $0x1, s1  }
0x8c: {  	s17 =	sshll.u32 s0, $0xA;
	s2 =	sadd.s32 s3, s2  }
0x8d: {  	s2 =	sadd.s32 s2, s17  }
0x8e: {  	[smem:$0x3FBC] =	sst s2  }
0x8f: {  	_ = 	snop  }
0x90: {  	s2 =	sld [smem:$0x3FC9]  }
0x91: {  	s18 =	sld [smem:$0x3FC8]  }
0x92: {  	s4 =	sld [smem:$0x3FC7]  }
0x93: {  	s5 =	sld [smem:$0x3FC6]  }
0x94: {  	s6 =	sld [smem:$0x3FD0];
	(tm) =	ssettm $0x1  }
0x95: {  	s7 =	sld [smem:$0x3FFB];
	_ =	sdelay $0x3  }
0x96: {  	_ =	strace s7  }
0x97: {  	s7 =	sld [smem:$0x3FFC];
	_ =	sdelay $0x3  }
0x98: {  	_ =	strace s7  }
0x99: {  	s7 =	sld [smem:$0x3FFD];
	_ =	sdelay $0x3  }
0x9a: {  	_ =	strace s7  }
0x9b: {  	_ =	strace $0x8FFFFFFF  }
0x9c: {  	s19 =	sld [smem:$0x3FDB];
	_ =	sdelay $0x1  }
0x9d: {  	s8 =	simm.s32 $_scs_section_size  }
0x9e: {  	s9 =	simm.s32 $_size__tile_overlayer_lowered;
	s10 =	simm.s32 $_tile_overlayer_lowered  }
0x9f: {  	s22 =	simm.s32 $0x1BFF;
	s21 =	sshll.u32 s10, $0x1;
	s7 =	sadd.s32 s8, s19  }
0xa0: {  	s11 =	simm.s32 $0x0;
	s20 =	sshll.u32 s9, $0x1;
	s9 =	sadd.s32 s21, s7  }
0xa1: {  	[timem:s11], [sflag:s22] =	dma.local [hbm:s9], s20  }
0xa2: {  	_ =	swait.ge [sflag:s22], s20  }
0xa3: {  	s8 =	ssub.s32 $0x0, s20;
	[sflag:s22] =	ssyncset.done $0x0  }
0xa4: {  	[sflag:s22] =	ssyncadd.s32 s8;
	_ =	sdelay $0x1  }
0xa5: {  	s23 =	simm.s32 $0x1B8B  }
0xa6: {  	_ =	swait.ge [sflag:s23], $0x1  }
0xa7: {  	[sflag:s23] =	ssyncset.done $0x0  }
0xa8: {  	s25 =	simm.s32 $0x1B8E;
	s24 =	sld [smem:$0x3FFE];
	[sflag:s23] =	ssyncadd.s32 $0xFFFFFFFF  }
0xa9: {  	s26 =	simm.s32 $execute0_lowered;
	[smem:$0x3FD2] =	sst s25  }
0xaa: {  	s9 =	sshll.u32 s26, $0x1;
	_ =	strace $0x80000046;
	[dreg:$0x1] =	wrdreg $0xFFFFFFFF  }
0xab: {  	s28 =	simm.s32 $_size_execute0_lowered;
	s7 =	sadd.s32 s7, s9;
	[dreg:$0x0] =	wrdreg $0x0  }
0xac: {  	s9 =	sshll.u32 s28, $0x1;
	[dreg:$0x2] =	wrdreg s7  }
0xad: {  	[dreg:$0x3] =	wrdreg s9  }
0xae: {  	[dreg:$0x4] =	wrdreg $0xC0  }
0xaf: {  	_ =	task [dreg:s11], $0x5FFFF  }
0xb0: {  	[dreg:$0x1] =	wrdreg $0xFFFFFFFF  }
0xb1: {  	[dreg:$0x0] =	wrdreg $0x60  }
0xb2: {  	[dreg:$0x2] =	wrdreg s2  }
0xb3: {  	[dreg:$0x3] =	wrdreg s18  }
0xb4: {  	[dreg:$0x4] =	wrdreg s4  }
0xb5: {  	[dreg:$0x5] =	wrdreg s5  }
0xb6: {  	[dreg:$0x6] =	wrdreg s24  }
0xb7: {  	[dreg:$0x7] =	wrdreg s6  }
0xb8: {  	[dreg:$0x8] =	wrdreg $0x83000  }
0xb9: {  	[dreg:$0x9] =	wrdreg $0x93800  }
0xba: {  	[dreg:$0xa] =	wrdreg $0x93980  }
0xbb: {  	[dreg:$0xb] =	wrdreg $0x9  }
0xbc: {  	_ =	task.clear_ibuf [dreg:s11], $0xCFFFF;
	_ =	strace $0x90000046  }
0xbd: {  	s29 =	simm.s32 $0x9;
	_ =	strace $0x80000048  }
0xbe: {  	_ =	swait.ge [sflag:s29], $0x1  }
0xbf: {  	[sflag:s29] =	ssyncadd.s32 $0xFFFFFFFF  }
0xc0: {  	_ =	strace $0x90000048  }
0xc1: {  	_ =	sfence  }
0xc2: {  	s30 =	sld [smem:$0x0];
	_ =	sdelay $0x2  }
0xc3: {  	s31 =	sshll.u32 s1, $0xD;
	s1 =	sshrl.u32 s1, $0x2  }
0xc4: {  	s3 =	sand.u32 $0x4000, s31;
	s1 =	sadd.s32 s1, s30  }
0xc5: {  	s0 =	sor.u32 s3, s0;
	s1 =	sshll.u32 s1, $0x11  }
0xc6: {  	s0 =	sor.u32 s1, s0  }
0xc7: {  	s0 =	sadd.s32 $0x8F2B, s0  }
0xc8: {  	[sflag:s0] =	ssyncadd.remote.s32 $0x1  }
0xc9: {  	_ =	sfence.sel $0xFFFF  }
0xca: {  	[dreg:$0x0] =	wrdreg $0xFFFFFFFF;
	(pc) =	sbr.abs _section_cstart, $3  }
0xcb: {  	[dreg:$0x1] =	wrdreg $0xFFFFFFFF  }
0xcc: {  	_ =	task.clear_ibuf [dreg:s11], $0x2FFFF;
	_ =	strace $0x9FFFFFFF  }
0xcd: {  	(tm) =	ssettm $0x7FFFFFFF  }
tec
execute0_lowered:
.L_overlay_start_1:
0x0: {  	(tag) =	ssettag $0x1  }
0x1: {  	s0 =	rddreg [dreg:$0x0]  }
0x2: {  	s1 =	rddreg [dreg:$0x1]  }
0x3: {  	s2 =	rddreg [dreg:$0x2]  }
0x4: {  	s3 =	rddreg [dreg:$0x3]  }
0x5: {  	s4 =	rddreg [dreg:$0x4]  }
0x6: {  	s9 =	rddreg [dreg:$0x5]  }
0x7: {  	s5 =	rddreg [dreg:$0x6]  }
0x8: {  	s6 =	rddreg [dreg:$0x7]  }
0x9: {  	s7 =	rddreg [dreg:$0x8];
	s8 =	simm.s32 $0x0;
	s10 =	srdreg.scid  }
0xa: {  	s24 =	stileid.u32;
	[smem:$0x7FF] =	sst s8;
	s13 =	sand.u32 $0x1, s10  }
0xb: {  	s10 =	sadd.s32 $0x1C00, s4;
	s14 =	sshll.u32 s24, $0xB;
	s15 =	sshll.u32 s24, $0x1  }
0xc: {  	p0 =	sne.s32 s24, $0x0;
	s11 =	smul.u32 $0x10800, s13;
	_ =	strace $0x80000047  }
0xd: {  	s12 =	ssub.s32 $0x2, s13;
	s15 =	sor.u32 s13, s15;
	s28 =	smul.u32 $0x300, s13  }
0xe: {  	s22 =	smul.u32 $0x60, s13;
	s16 =	sshrl.u32 s12, $0x1;
	s25 =	ssub.s32 $0x32D, s15  }
0xf: {  	s17 =	sshll.u32 s15, $0xB;
	s18 =	sshll.u32 s15, $0x4;
	s19 =	sshll.u32 s15, $0x7  }
0x10: {  	s20 =	ssub.s32 $0x1A6, s15;
	s31 =	ssub.s32 $0x186, s15;
	s11 =	sadd.s32 s14, s11  }
0x11: {  	s16 =	ssub.s32 s12, s16;
	s12 =	sshrl.u32 s20, $0x5;
	s20 =	sshrl.u32 s28, $0x3  }
0x12: {  	s22 =	sadd.s32 s9, s22;
	s19 =	sor.u32 $0x1000, s19;
	s11 =	sshrl.u32 s11, $0x3  }
0x13: {  	s21 =	sadd.s32 $0xFFFFFFFF, s12;
	[dreg:$0xe] =	wrdreg s22;
	s9 =	sadd.s32 s9, s20  }
0x14: {  	s22 =	sshll.u32 s24, $0x8;
	s4 =	sadd.s32 s11, s4;
	s11 =	sshrl.u32 s25, $0x5  }
0x15: {  	[dreg:$0xc] =	wrdreg s21;
	s26 =	sadd.s32 $0xFFFFFFFF, s11;
	s23 =	sadd.s32 $0x1, s11  }
0x16: {  	s25 =	sadd.s32 $0x1, s12;
	[dreg:$0xa] =	wrdreg s26;
	s30 =	sand.u32 $0x1A, s23  }
0x17: {  	s23 =	sshll.u32 s13, $0x7;
	s26 =	sshll.u32 s24, $0xC;
	s13 =	sshll.u32 s13, $0xB  }
0x18: {  	[dreg:$0xb] =	wrdreg s30;
	s21 =	sor.u32 s23, s22;
	s22 =	sand.u32 $0xE, s25  }
0x19: {  	s28 =	sadd.s32 s26, s0;
	s25 =	sadd.s32 s1, s18;
	[dreg:$0xd] =	wrdreg s22  }
0x1a: {  	s20 =	sadd.s32 s26, s2;
	s18 =	sadd.s32 s3, s18;
	[dreg:$0xf] =	wrdreg s25  }
0x1b: {  	s30 =	sshrl.u32 s19, $0x3;
	s26 =	sadd.s32 s0, s17;
	[dreg:$0x10] =	wrdreg s18  }
0x1c: {  	s19 =	sshll.u32 s19, $0x4;
	s17 =	sadd.s32 s2, s17;
	[dreg:$0x11] =	wrdreg s26  }
0x1d: {  	s23 =	sadd.s32 s13, s28;
	[dreg:$0x12] =	wrdreg s17;
	s28 =	sadd.s32 s1, s30  }
0x1e: {  	s13 =	sadd.s32 s13, s20;
	s30 =	sadd.s32 s3, s30;
	[dreg:$0x13] =	wrdreg s28  }
0x1f: {  	s18 =	sadd.s32 s0, s19;
	s19 =	sadd.s32 s2, s19;
	[dreg:$0x14] =	wrdreg s30  }
0x20: {  	s22 =	sadd.s32 s14, s5;
	s20 =	sadd.s32 $0x2E00, s4;
	[dreg:$0x15] =	wrdreg s18  }
0x21: {  	s4 =	sadd.s32 $0x3E80, s4;
	s25 =	sadd.s32 $0x30, s9;
	[dreg:$0x16] =	wrdreg s19  }
0x22: {  	s26 =	smax.u32 s16, $0x1;
	s29 =	sor.u32 $0x3000, s21;
	[dreg:$0x17] =	wrdreg s20  }
0x23: {  	s21 =	ssub.s32 $0x30D, s15;
	s14 =	simm.s32 $0x100;
	[dreg:$0x18] =	wrdreg s4  }
0x24: {  	s15 =	simm.s32 $0x80;
	s16 =	simm.s32 $0x4100;
	[dreg:$0x19] =	wrdreg s25  }
0x25: {  	s17 =	simm.s32 $0x3;
	[dreg:$0x1a] =	wrdreg s26;
	s28 =	sadd.s32 $0x30000, s23  }
0x26: {  	s30 =	sadd.s32 $0x8400, s22;
	s4 =	sadd.s32 $0x30000, s13;
	s13 =	sadd.s32 $0x8400, s5  }
0x27: {  	v0 =	vimm.f32 $1.000000000e+00;
	s18 =	simm.s32 $0x0;
	[dreg:$0x1b] =	wrdreg s28;
	s9 =	sshrl.u32 s30, $0x3  }
.LBB2_1:
0x28: {  	[tilespmem:$0x8100] =	vst v0  }
0x29: {  	[tilespmem:$0x8110] =	vst v0  }
0x2a: {  	[tilespmem:$0x8120] =	vst v0  }
0x2b: {  	[tilespmem:$0x8130] =	vst v0  }
0x2c: {  	[tilespmem:$0x8140] =	vst v0  }
0x2d: {  	[tilespmem:$0x8150] =	vst v0  }
0x2e: {  	[tilespmem:$0x8160] =	vst v0  }
0x2f: {  	[tilespmem:$0x8170] =	vst v0;
	s19 =	sshrl.u32 @!p0 s5, $0x3;
	s23 =	simm.s32 @!p0 $0x1C03  }
0x30: {  	[spmem:s19], [sflag:s23] =	dma.local @!p0 [hbm:s10], $0x1080  }
0x31: {  	s19 =	simm.s32 @!p0 $0x3  }
0x32: {  	_ =	swait.ge @!p0 [sflag:s19], $0x1080  }
0x33: {  	[sflag:s19] =	ssyncset.done @!p0 $0x0  }
0x34: {  	s28 =	sshrl.u32 @!p0 s13, $0x3;
	[sflag:s19] =	ssyncadd.s32 @!p0 $0xFFFFEF80  }
0x35: {  	[spmem:s28], [sflag:s23] =	dma.local @!p0 [hbm:s10], $0x1080  }
0x36: {  	_ =	swait.ge @!p0 [sflag:s19], $0x1080  }
0x37: {  	[sflag:s19] =	ssyncset.done @!p0 $0x0  }
0x38: {  	v1 =	vimm.f32 @!p0 $0.0e+00;
	[sflag:s19] =	ssyncadd.s32 @!p0 $0xFFFFEF80  }
0x39: {  	[tilespmem:$0x8180] =	vst @!p0 v1  }
0x3a: {  	[tilespmem:$0x8190] =	vst @!p0 v1  }
0x3b: {  	[tilespmem:$0x81A0] =	vst @!p0 v1  }
0x3c: {  	[tilespmem:$0x81B0] =	vst @!p0 v1  }
0x3d: {  	[tilespmem:$0x81C0] =	vst @!p0 v1  }
0x3e: {  	[tilespmem:$0x81D0] =	vst @!p0 v1  }
0x3f: {  	[tilespmem:$0x81E0] =	vst @!p0 v1  }
0x40: {  	[tilespmem:$0x81F0] =	vst @!p0 v1  }
0x41: {  	[tilespmem:$0x8200] =	vst @!p0 v1  }
0x42: {  	[tilespmem:$0x8210] =	vst @!p0 v1  }
0x43: {  	[tilespmem:$0x8220] =	vst @!p0 v1  }
0x44: {  	[tilespmem:$0x8230] =	vst @!p0 v1  }
0x45: {  	[tilespmem:$0x8240] =	vst @!p0 v1  }
0x46: {  	[tilespmem:$0x8250] =	vst @!p0 v1  }
0x47: {  	[tilespmem:$0x8260] =	vst @!p0 v1  }
0x48: {  	[tilespmem:$0x8270] =	vst @!p0 v1  }
0x49: {  	[tilespmem:$0x8280] =	vst @!p0 v1  }
0x4a: {  	[tilespmem:$0x8290] =	vst @!p0 v1  }
0x4b: {  	[tilespmem:$0x82A0] =	vst @!p0 v1  }
0x4c: {  	[tilespmem:$0x82B0] =	vst @!p0 v1  }
0x4d: {  	[tilespmem:$0x82C0] =	vst @!p0 v1  }
0x4e: {  	[tilespmem:$0x82D0] =	vst @!p0 v1  }
0x4f: {  	[tilespmem:$0x82E0] =	vst @!p0 v1  }
0x50: {  	s23 =	simm.s32 @!p0 $0x8180;
	[tilespmem:$0x82F0] =	vst @!p0 v1  }
0x51: {  	[spmem:s6] =	stream.linear.scatter @!p0 [tilespmem:s23], [sflag:$0x3], $0x180, $0x38;
	[tilespmem:$0x93B0] =	vst v63  }
0x52: {  	_ =	swait.ge @!p0 [sflag:s19], $0x180  }
0x53: {  	[sflag:s19] =	ssyncset.done @!p0 $0x0  }
0x54: {  	[sflag:s19] =	ssyncadd.s32 @!p0 $0xFFFFFE80  }
0x55: {  	[spmem:s7] =	stream.linear.scatter @!p0 [tilespmem:s23], [sflag:$0x3], $0x180, $0x38;
	[tilespmem:$0x93B0] =	vst v63  }
0x56: {  	_ =	swait.ge @!p0 [sflag:s19], $0x180  }
0x57: {  	[sflag:s19] =	ssyncset.done @!p0 $0x0  }
0x58: {  	[sflag:s19] =	ssyncadd.s32 @!p0 $0xFFFFFE80  }
0x59: {  	[bflag:$0x0] =	sbarrier.arrive $0xFFFF  }
0x5a: {  	s23 =	rddreg [dreg:$0xf]  }
0x5b: {  	s24 =	rddreg [dreg:$0x11]  }
0x5c: {  	[tilespmem:s8], [sflag:$0x1] =	stream.linear.gather [hbm4b:s23+s8], $0x80, $0x38;
	[tilespmem:$0x93B0] =	vst v63  }
0x5d: {  	s25 =	rddreg [dreg:$0x13]  }
0x5e: {  	[tilespmem:s14], [sflag:$0x1] =	stream.linear.gather [hbm4b:s24+s8], $0x4000, $0x38;
	[tilespmem:$0x93B0] =	vst v63  }
0x5f: {  	s30 =	smov.u32 s21;
	s26 =	rddreg [dreg:$0x15]  }
0x60: {  	[tilespmem:s15], [sflag:$0x2] =	stream.linear.gather [hbm4b:s25+s8], $0x80, $0x38;
	[tilespmem:$0x93B0] =	vst v63  }
0x61: {  	s19 =	smov.u32 s29;
	s28 =	rddreg [dreg:$0x1b];
	s23 =	simm.s32 $0x0  }
0x62: {  	[tilespmem:s16], [sflag:$0x2] =	stream.linear.gather [hbm4b:s26+s8], $0x4000, $0x38;
	[tilespmem:$0x93B0] =	vst v63  }
.LBB2_2:
0x63: {  	p1 =	sge.u32 s23, s11  }
0x64: {  	s24 =	simm.s32 @!p1 $0x1  }
0x65: {  	_ =	swait.ge @!p1 [sflag:s24], $0x80  }
0x66: {  	[sflag:s24] =	ssyncset.done @!p1 $0x0  }
0x67: {  	[sflag:s24] =	ssyncadd.s32 @!p1 $0xFFFFFF80  }
0x68: {  	p2 =	sne.s32 @!p1 s30, $0x0;
	_ =	swait.ge @!p1 [sflag:s24], $0x4000  }
0x69: {  	p2 =	por p2, p1;
	[sflag:s24] =	ssyncset.done @!p1 $0x0  }
0x6a: {  	v1 =	vimm.s32 @!p2 $0x100;
	[sflag:s24] =	ssyncadd.s32 @!p1 $0xFFFFC000  }
0x6b: {  	[tilespmem:$0x0] =	vst @!p2 v1  }
0x6c: {  	[tilespmem:$0x10] =	vst @!p2 v1  }
0x6d: {  	[tilespmem:$0x20] =	vst @!p2 v1  }
0x6e: {  	[tilespmem:$0x30] =	vst @!p2 v1  }
0x6f: {  	[tilespmem:$0x40] =	vst @!p2 v1  }
0x70: {  	s25 =	simm.s32 @!p1 $0x0;
	s26 =	simm.s32 @!p1 $0x100;
	s24 =	simm.s32 @!p1 $0x80;
	[tilespmem:$0x50] =	vst @!p2 v1  }
0x71: {  	[spmem:s5] =	stream.indirect.scatter.add.f32 @!p1 [tilespmem:s26], [sflag:$0x3], $0x80, s25, s24, $0xb8;
	[tilespmem:$0x93B0] =	vst v63  }
0x72: {  	s26 =	simm.s32 @!p1 $0x3  }
0x73: {  	_ =	swait.ge @!p1 [sflag:s26], $0x4000  }
0x74: {  	[sflag:s26] =	ssyncset.done @!p1 $0x0  }
0x75: {  	s20 =	simm.s32 @!p1 $0x8100;
	[sflag:s26] =	ssyncadd.s32 @!p1 $0xFFFFC000  }
0x76: {  	[spmem:s6] =	stream.indirect.scatter.add.f32 @!p1 [tilespmem:s20], [sflag:$0x3], $0x1, s25, s24, $0xb8;
	[tilespmem:$0x93B0] =	vst v63  }
0x77: {  	s20 =	sadd.s32 @!p1 $0x2, s23  }
0x78: {  	p3 =	sge.u32 @!p1 s20, s11  }
0x79: {  	p2 =	por p3, p1  }
0x7a: {  	p4 =	seq.s32 @!p2 s30, $0x40  }
0x7b: {  	p3 =	por @!p1 !p4, p3  }
0x7c: {  	s20 =	sadd.s32 @!p2 $0xFFFFF000, s19;
	p3 =	por !p3, p1  }
0x7d: {  	_ =	swait.ge @!p1 [sflag:s26], $0x80;
	s20 =	simm.s32 @p3 $0x18620  }
0x7e: {  	[sflag:s26] =	ssyncset.done @!p1 $0x0;
	s24 =	sshrl.u32 @!p2 s20, $0x3  }
0x7f: {  	[sflag:s26] =	ssyncadd.s32 @!p1 $0xFFFFFF80;
	s25 =	simm.s32 @!p2 $0x0;
	s24 =	sadd.s32 @!p2 s1, s24  }
0x80: {  	[tilespmem:s25], [sflag:$0x1] =	stream.linear.gather @!p2 [hbm4b:s24+s25], $0x80, $0x38;
	[tilespmem:$0x93B0] =	vst v63  }
0x81: {  	s20 =	sshll.u32 @!p2 s20, $0x4;
	s24 =	rddreg [dreg:$0xa]  }
0x82: {  	s26 =	simm.s32 @!p2 $0x100;
	s20 =	sadd.s32 @!p2 s0, s20;
	p1 =	sge.u32 s23, s24  }
0x83: {  	[tilespmem:s26], [sflag:$0x1] =	stream.linear.gather @!p2 [hbm4b:s20+s25], $0x4000, $0x38;
	[tilespmem:$0x93B0] =	vst v63  }
0x84: {  	s20 =	simm.s32 @!p1 $0x2  }
0x85: {  	_ =	swait.ge @!p1 [sflag:s20], $0x80  }
0x86: {  	[sflag:s20] =	ssyncset.done @!p1 $0x0  }
0x87: {  	[sflag:s20] =	ssyncadd.s32 @!p1 $0xFFFFFF80  }
0x88: {  	_ =	swait.ge @!p1 [sflag:s20], $0x4000  }
0x89: {  	[sflag:s20] =	ssyncset.done @!p1 $0x0  }
0x8a: {  	s24 =	simm.s32 @!p1 $0x4100;
	[sflag:s20] =	ssyncadd.s32 @!p1 $0xFFFFC000;
	s20 =	simm.s32 @!p1 $0x80  }
0x8b: {  	[spmem:s5] =	stream.indirect.scatter.add.f32 @!p1 [tilespmem:s24], [sflag:$0x3], $0x80, s20, s20, $0xb8;
	[tilespmem:$0x93B0] =	vst v63  }
0x8c: {  	s24 =	simm.s32 @!p1 $0x3  }
0x8d: {  	_ =	swait.ge @!p1 [sflag:s24], $0x4000  }
0x8e: {  	[sflag:s24] =	ssyncset.done @!p1 $0x0  }
0x8f: {  	s25 =	simm.s32 @!p1 $0x8100;
	[sflag:s24] =	ssyncadd.s32 @!p1 $0xFFFFC000  }
0x90: {  	[spmem:s6] =	stream.indirect.scatter.add.f32 @!p1 [tilespmem:s25], [sflag:$0x3], $0x1, s20, s20, $0xb8;
	[tilespmem:$0x93B0] =	vst v63  }
0x91: {  	s20 =	sadd.s32 @!p1 $0x3, s23;
	_ =	swait.ge @!p1 [sflag:s24], $0x80  }
0x92: {  	s23 =	sadd.s32 $0x2, s23;
	p2 =	sge.u32 @!p1 s20, s11;
	[sflag:s24] =	ssyncset.done @!p1 $0x0  }
0x93: {  	p2 =	por p2, p1;
	s26 =	rddreg [dreg:$0xb];
	[sflag:s24] =	ssyncadd.s32 @!p1 $0xFFFFFF80  }
0x94: {  	s20 =	sshrl.u32 @!p2 s19, $0x3;
	s24 =	simm.s32 @!p2 $0x0;
	p1 =	sne.s32 s26, s23  }
.Ltmp0:
0x95: {  	s25 =	simm.s32 @!p2 $0x80;
	s20 =	sadd.s32 @!p2 s1, s20;
	(pc) =	sbr.rel @p1 .LBB2_2-.Ltmp0, $4  }
0x96: {  	[tilespmem:s25], [sflag:$0x2] =	stream.linear.gather @!p2 [hbm4b:s20+s24], $0x80, $0x38;
	[tilespmem:$0x93B0] =	vst v63  }
0x97: {  	s20 =	simm.s32 @!p2 $0x4100  }
0x98: {  	[tilespmem:s20], [sflag:$0x2] =	stream.linear.gather @!p2 [hbm4b:s28+s24], $0x4000, $0x38;
	[tilespmem:$0x93B0] =	vst v63  }
0x99: {  	s30 =	sadd.s32 $0xFFFFFFC0, s30;
	s19 =	sadd.s32 $0x2000, s19;
	s28 =	sadd.s32 $0x20000, s28  }
0x9a: {  	s20 =	rddreg [dreg:$0x10]  }
0x9b: {  	s19 =	simm.s32 $0x0;
	s24 =	rddreg [dreg:$0x12]  }
0x9c: {  	[tilespmem:s19], [sflag:$0x1] =	stream.linear.gather [hbm4b:s20+s19], $0x80, $0x38;
	[tilespmem:$0x93B0] =	vst v63  }
0x9d: {  	s25 =	rddreg [dreg:$0x14]  }
0x9e: {  	[tilespmem:s14], [sflag:$0x1] =	stream.linear.gather [hbm4b:s24+s19], $0x4000, $0x38;
	[tilespmem:$0x93B0] =	vst v63  }
0x9f: {  	s26 =	rddreg [dreg:$0x16]  }
0xa0: {  	[tilespmem:s15], [sflag:$0x2] =	stream.linear.gather [hbm4b:s25+s19], $0x80, $0x38;
	[tilespmem:$0x93B0] =	vst v63  }
0xa1: {  	s23 =	smov.u32 s29;
	s28 =	smov.u32 s4;
	s30 =	smov.u32 s31  }
0xa2: {  	[tilespmem:s16], [sflag:$0x2] =	stream.linear.gather [hbm4b:s26+s19], $0x4000, $0x38;
	[tilespmem:$0x93B0] =	vst v63  }
.LBB2_4:
0xa3: {  	p1 =	sge.u32 s19, s12  }
0xa4: {  	s20 =	simm.s32 @!p1 $0x1  }
0xa5: {  	_ =	swait.ge @!p1 [sflag:s20], $0x80  }
0xa6: {  	[sflag:s20] =	ssyncset.done @!p1 $0x0  }
0xa7: {  	[sflag:s20] =	ssyncadd.s32 @!p1 $0xFFFFFF80  }
0xa8: {  	p2 =	sne.s32 @!p1 s30, $0x0;
	_ =	swait.ge @!p1 [sflag:s20], $0x4000  }
0xa9: {  	p2 =	por p2, p1;
	[sflag:s20] =	ssyncset.done @!p1 $0x0  }
0xaa: {  	v1 =	vimm.s32 @!p2 $0x100;
	[sflag:s20] =	ssyncadd.s32 @!p1 $0xFFFFC000  }
0xab: {  	[tilespmem:$0x0] =	vst @!p2 v1  }
0xac: {  	[tilespmem:$0x10] =	vst @!p2 v1  }
0xad: {  	s24 =	simm.s32 @!p1 $0x0;
	s25 =	simm.s32 @!p1 $0x100;
	s20 =	simm.s32 @!p1 $0x80;
	[tilespmem:$0x20] =	vst @!p2 v1  }
0xae: {  	[spmem:s13] =	stream.indirect.scatter.add.f32 @!p1 [tilespmem:s25], [sflag:$0x3], $0x80, s24, s20, $0xb8;
	[tilespmem:$0x93B0] =	vst v63  }
0xaf: {  	s25 =	simm.s32 @!p1 $0x3  }
0xb0: {  	_ =	swait.ge @!p1 [sflag:s25], $0x4000  }
0xb1: {  	[sflag:s25] =	ssyncset.done @!p1 $0x0  }
0xb2: {  	s26 =	simm.s32 @!p1 $0x8100;
	[sflag:s25] =	ssyncadd.s32 @!p1 $0xFFFFC000  }
0xb3: {  	[spmem:s7] =	stream.indirect.scatter.add.f32 @!p1 [tilespmem:s26], [sflag:$0x3], $0x1, s24, s20, $0xb8;
	[tilespmem:$0x93B0] =	vst v63  }
0xb4: {  	s20 =	sadd.s32 @!p1 $0x2, s19  }
0xb5: {  	p3 =	sge.u32 @!p1 s20, s12  }
0xb6: {  	p2 =	por p3, p1  }
0xb7: {  	p4 =	seq.s32 @!p2 s30, $0x40  }
0xb8: {  	p3 =	por @!p1 !p4, p3  }
0xb9: {  	s20 =	sadd.s32 @!p2 $0xFFFFF000, s23;
	p3 =	por !p3, p1  }
0xba: {  	_ =	swait.ge @!p1 [sflag:s25], $0x80;
	s20 =	simm.s32 @p3 $0xC2D0  }
0xbb: {  	[sflag:s25] =	ssyncset.done @!p1 $0x0;
	s24 =	sshrl.u32 @!p2 s20, $0x3  }
0xbc: {  	[sflag:s25] =	ssyncadd.s32 @!p1 $0xFFFFFF80;
	s25 =	simm.s32 @!p2 $0x0;
	s24 =	sadd.s32 @!p2 s3, s24  }
0xbd: {  	[tilespmem:s25], [sflag:$0x1] =	stream.linear.gather @!p2 [hbm4b:s24+s25], $0x80, $0x38;
	[tilespmem:$0x93B0] =	vst v63  }
0xbe: {  	s20 =	sshll.u32 @!p2 s20, $0x4;
	s24 =	rddreg [dreg:$0xc]  }
0xbf: {  	s26 =	simm.s32 @!p2 $0x100;
	s20 =	sadd.s32 @!p2 s2, s20;
	p1 =	sge.u32 s19, s24  }
0xc0: {  	[tilespmem:s26], [sflag:$0x1] =	stream.linear.gather @!p2 [hbm4b:s20+s25], $0x4000, $0x38;
	[tilespmem:$0x93B0] =	vst v63  }
0xc1: {  	s20 =	simm.s32 @!p1 $0x2  }
0xc2: {  	_ =	swait.ge @!p1 [sflag:s20], $0x80  }
0xc3: {  	[sflag:s20] =	ssyncset.done @!p1 $0x0  }
0xc4: {  	[sflag:s20] =	ssyncadd.s32 @!p1 $0xFFFFFF80  }
0xc5: {  	_ =	swait.ge @!p1 [sflag:s20], $0x4000  }
0xc6: {  	[sflag:s20] =	ssyncset.done @!p1 $0x0  }
0xc7: {  	s24 =	simm.s32 @!p1 $0x4100;
	[sflag:s20] =	ssyncadd.s32 @!p1 $0xFFFFC000;
	s20 =	simm.s32 @!p1 $0x80  }
0xc8: {  	[spmem:s13] =	stream.indirect.scatter.add.f32 @!p1 [tilespmem:s24], [sflag:$0x3], $0x80, s20, s20, $0xb8;
	[tilespmem:$0x93B0] =	vst v63  }
0xc9: {  	s24 =	simm.s32 @!p1 $0x3  }
0xca: {  	_ =	swait.ge @!p1 [sflag:s24], $0x4000  }
0xcb: {  	[sflag:s24] =	ssyncset.done @!p1 $0x0  }
0xcc: {  	s25 =	simm.s32 @!p1 $0x8100;
	[sflag:s24] =	ssyncadd.s32 @!p1 $0xFFFFC000  }
0xcd: {  	[spmem:s7] =	stream.indirect.scatter.add.f32 @!p1 [tilespmem:s25], [sflag:$0x3], $0x1, s20, s20, $0xb8;
	[tilespmem:$0x93B0] =	vst v63  }
0xce: {  	s20 =	sadd.s32 @!p1 $0x3, s19;
	_ =	swait.ge @!p1 [sflag:s24], $0x80  }
0xcf: {  	s19 =	sadd.s32 $0x2, s19;
	p2 =	sge.u32 @!p1 s20, s12;
	[sflag:s24] =	ssyncset.done @!p1 $0x0  }
0xd0: {  	p2 =	por p2, p1;
	s26 =	rddreg [dreg:$0xd];
	[sflag:s24] =	ssyncadd.s32 @!p1 $0xFFFFFF80  }
0xd1: {  	s20 =	sshrl.u32 @!p2 s23, $0x3;
	s24 =	simm.s32 @!p2 $0x0;
	p1 =	sne.s32 s26, s19  }
.Ltmp1:
0xd2: {  	s25 =	simm.s32 @!p2 $0x80;
	s20 =	sadd.s32 @!p2 s3, s20;
	(pc) =	sbr.rel @p1 .LBB2_4-.Ltmp1, $4  }
0xd3: {  	[tilespmem:s25], [sflag:$0x2] =	stream.linear.gather @!p2 [hbm4b:s20+s24], $0x80, $0x38;
	[tilespmem:$0x93B0] =	vst v63  }
0xd4: {  	s20 =	simm.s32 @!p2 $0x4100  }
0xd5: {  	[tilespmem:s20], [sflag:$0x2] =	stream.linear.gather @!p2 [hbm4b:s28+s24], $0x4000, $0x38;
	[tilespmem:$0x93B0] =	vst v63  }
0xd6: {  	s30 =	sadd.s32 $0xFFFFFFC0, s30;
	s23 =	sadd.s32 $0x2000, s23;
	s28 =	sadd.s32 $0x20000, s28  }
0xd7: {  	s19 =	stileid.u32  }
0xd8: {  	[bflag:$0x0] =	sbarrier.arrive $0xFFFF;
	s19 =	sshll.u32 s19, $0x6  }
0xd9: {  	s20 =	sshrl.u32 s22, $0x3;
	s23 =	rddreg [dreg:$0x17];
	s19 =	sor.u32 $0x1C03, s19  }
0xda: {  	[hbm:s23], [sflag:s19] =	dma.local [spmem:s20], $0x100  }
0xdb: {  	_ =	swait.ge [sflag:s17], $0x100  }
0xdc: {  	[sflag:s17] =	ssyncset.done $0x0  }
0xdd: {  	s28 =	rddreg [dreg:$0x18];
	[sflag:s17] =	ssyncadd.s32 $0xFFFFFF00  }
0xde: {  	[hbm:s28], [sflag:s19] =	dma.local [spmem:s9], $0x100  }
0xdf: {  	_ =	swait.ge [sflag:s17], $0x100  }
0xe0: {  	[sflag:s17] =	ssyncset.done $0x0  }
0xe1: {  	s20 =	sshrl.u32 @!p0 s6, $0x3;
	s23 =	rddreg [dreg:$0xe];
	[sflag:s17] =	ssyncadd.s32 $0xFFFFFF00  }
0xe2: {  	[hbm:s23], [sflag:s19] =	dma.local @!p0 [spmem:s20], $0x30  }
0xe3: {  	s20 =	simm.s32 @!p0 $0x3  }
0xe4: {  	_ =	swait.ge @!p0 [sflag:s20], $0x30  }
0xe5: {  	[sflag:s20] =	ssyncset.done @!p0 $0x0  }
0xe6: {  	s23 =	sshrl.u32 @!p0 s7, $0x3;
	s24 =	rddreg [dreg:$0x19];
	[sflag:s20] =	ssyncadd.s32 @!p0 $0xFFFFFFD0  }
0xe7: {  	[hbm:s24], [sflag:s19] =	dma.local @!p0 [spmem:s23], $0x30  }
0xe8: {  	_ =	swait.ge @!p0 [sflag:s20], $0x30  }
0xe9: {  	s18 =	sadd.s32 $0x1, s18;
	s30 =	rddreg [dreg:$0x1a]  }
0xea: {  	p1 =	sne.s32 s18, s30  }
.Ltmp2:
0xeb: {  	_ = 	snop;
	(pc) =	sbr.rel @p1 .LBB2_1-.Ltmp2, $3  }
0xec: {  	_ =	sdelay $0x1  }
0xed: {  	[sflag:s20] =	ssyncset.done @!p0 $0x0  }
0xee: {  	[sflag:s20] =	ssyncadd.s32 @!p0 $0xFFFFFFD0  }
0xef: {  	_ =	sfence.sel $0x180000  }
0xf0: {  	[bflag:$0x0] =	sbarrier.arrive $0xFFFF  }
0xf1: {  	_ =	strace $0x90000047  }
0xf2: {  	[bflag:$0x2] =	sbarrier.arrive $0xFFFF  }
0xf3: {  	s0 =	rddreg [dreg:$0x9]  }
0xf4: {  	s0 =	sadd.s32 @!p0 $0x100000, s0  }
0xf5: {  	[sflag:s0] =	ssyncadd.tile.s32 @!p0 $0x1;
	_ =	shalt  }
.Lfunc_end2:
_tile_overlayer_lowered:
.L_overlay_start_2:
0xf6: {  	(tag) =	ssettag $0x2  }
0xf7: {  	s0 =	rddreg [dreg:$0x0];
	s2 =	stileid.u32  }
0xf8: {  	s1 =	rddreg [dreg:$0x1];
	p0 =	sne.s32 s2, $0x0  }
0xf9: {  	s3 =	rddreg [dreg:$0x2];
	[bflag:$0x3] =	sbarrier.arrive $0xFFFF;
	s2 =	simm.s32 @!p0 $0x1C03  }
0xfa: {  	[timem:s3], [sflag:s2] =	dma.local @!p0 [hbm:s0], s1  }
0xfb: {  	s0 =	simm.s32 @!p0 $0x3  }
0xfc: {  	_ =	swait.ge @!p0 [sflag:s0], s1  }
0xfd: {  	s1 =	ssub.s32 @!p0 $0x0, s1;
	[sflag:s0] =	ssyncset.done @!p0 $0x0  }
0xfe: {  	[sflag:s0] =	ssyncadd.s32 @!p0 s1  }
0xff: {  	[bflag:$0x3] =	sbarrier.arrive $0xFFFF  }
0x100: {  	_ =	shalt  }

</sc_bundles>
